<compile_context>
chip_gen: v7x
topology: tpu7x:2x2x1
jax: 0.10.2.dev20260603
libtpu: 0.0.44.dev20260713+nightly
codegen_flags: <defaults>
</compile_context>

<pallas_src>
import functools

import jax
import jax.numpy as jnp
from jax import lax
from jax.experimental import pallas as pl
from jax.experimental.pallas import tpu as pltpu
from jax.experimental.pallas import tpu_sc as plsc

_NC = 2
_NS = 16
_NW = _NC * _NS
_L = 16
_B = 16
_R = 3
_NH = 2
_NCHUNK = 8


def _combine(inp, out, offs16, spl16, *, in_len, out_len, d):
    rows_per_w = in_len // _NW
    nbatch = rows_per_w // _B
    h_w = d // _NH
    assert nbatch % _R == 2 and nbatch >= 8 and d % (_NH * 128) == 0

    mesh = plsc.VectorSubcoreMesh(core_axis_name="c", subcore_axis_name="s")

    @functools.partial(
        pl.kernel,
        mesh=mesh,
        out_type=jax.ShapeDtypeStruct((out_len, d), jnp.float32),
        scratch_types=[
            pltpu.VMEM((_L,), jnp.int32),
            pltpu.VMEM((_L,), jnp.int32),
        ]
        + [pltpu.VMEM((_B, h_w), jnp.float32) for _ in range(_NH * _R)]
        + [pltpu.SemaphoreType.DMA for _ in range(2 * _NH * _R)],
    )
    def k(inp_hbm, out_hbm, offs_hbm, spl_hbm, o2_hbm, offs_v, spl_v, *ring):
        wid = lax.axis_index("s") * _NC + lax.axis_index("c")
        iota = lax.iota(jnp.int32, _L)
        nslot = _NH * _R
        rows = [ring[h * _R:(h + 1) * _R] for h in range(_NH)]
        gsem = [ring[nslot + h * _R:nslot + (h + 1) * _R] for h in range(_NH)]
        ssem = [ring[2 * nslot + h * _R:2 * nslot + (h + 1) * _R]
                for h in range(_NH)]

        base = wid * rows_per_w

        def g_slice(i, h):
            r0 = pl.multiple_of(base + i * _B, _B)
            return inp_hbm.at[pl.ds(r0, _B), pl.ds(h * h_w, h_w)]

        for h in range(_NH):
            pltpu.make_async_copy(g_slice(0, h), rows[h][0], gsem[h][0]).start()
        pltpu.make_async_copy(offs_hbm, offs_v, ssem[0][_R - 1]).start()
        pltpu.make_async_copy(spl_hbm, spl_v, ssem[1 % _NH][_R - 1]).start()
        pltpu.make_async_copy(offs_hbm, offs_v, ssem[0][_R - 1]).wait()
        pltpu.make_async_copy(spl_hbm, spl_v, ssem[1 % _NH][_R - 1]).wait()
        offs = offs_v[...]
        spl = spl_v[...]
        in_off = [offs[c] for c in range(_NCHUNK)]
        out_off = [offs[c + 8] for c in range(_NCHUNK)]
        splits = [spl[c] for c in range(_NCHUNK)]
        shift = [out_off[c] - in_off[c] for c in range(_NCHUNK)]
        end = [out_off[c] + splits[c] for c in range(_NCHUNK)]
        gpre, acc = [], jnp.int32(0)
        for c in range(_NCHUNK):
            gpre.append(acc)
            nxt = out_off[c + 1] if c + 1 < _NCHUNK else jnp.int32(out_len)
            acc = acc + (nxt - end[c])

        def dst_rows(i):
            r = pl.multiple_of(base + i * _B, _B) + iota
            cnt = jnp.zeros((_L,), jnp.int32)
            for c in range(1, _NCHUNK):
                cnt = cnt + jnp.where(r >= in_off[c], 1, 0)
            sh = jnp.zeros((_L,), jnp.int32)
            for c in range(1, _NCHUNK):
                sh = jnp.where(cnt == c, shift[c], sh)
            return r + sh

        def g_copy(i, h, s):
            return pltpu.make_async_copy(g_slice(i, h), rows[h][s], gsem[h][s])

        def s_copy(i, h, s):
            dst = o2_hbm.at[dst_rows(i), pl.ds(h * h_w, h_w)]
            return pltpu.make_async_copy(rows[h][s], dst, ssem[h][s])

        def step(i, *, head, tail):
            s_cur = i % _R
            s_old = (i + 1) % _R
            for h in range(_NH):
                if not head:
                    s_copy(i - 2, h, s_old).wait()
                if not tail:
                    g_copy(i + 1, h, s_old).start()
            for h in range(_NH):
                g_copy(i, h, s_cur).wait()
                s_copy(i, h, s_cur).start()

        step(0, head=True, tail=False)
        step(1, head=True, tail=False)
        step(2, head=False, tail=False)

        def group(sg, carry):
            for kk in range(_R):
                i = _R * sg + kk
                s_cur = kk
                s_old = (kk + 1) % _R
                for h in range(_NH):
                    s_copy(i - 2, h, s_old).wait()
                    g_copy(i + 1, h, s_old).start()
                for h in range(_NH):
                    g_copy(i, h, s_cur).wait()
                    s_copy(i, h, s_cur).start()
            return carry

        lax.fori_loop(1, nbatch // _R, group, 0)

        step(nbatch - 2, head=False, tail=False)
        step(nbatch - 1, head=False, tail=True)

        has_pad = wid < (out_len - in_len) // _L
        p = wid * _L + iota
        cnt = jnp.zeros((_L,), jnp.int32)
        for c in range(1, _NCHUNK):
            cnt = cnt + jnp.where(p >= gpre[c], 1, 0)
        rb = jnp.full((_L,), end[0] - gpre[0], jnp.int32)
        for c in range(1, _NCHUNK):
            rb = jnp.where(cnt == c, end[c] - gpre[c], rb)
        prow = rb + p
        ps = (nbatch - 3) % _R

        @pl.when(has_pad)
        def _():
            for h in range(_NH):
                src = out_hbm.at[prow, pl.ds(h * h_w, h_w)]
                pltpu.make_async_copy(src, rows[h][ps], gsem[h][ps]).start()

        for i in (nbatch - 2, nbatch - 1):
            for h in range(_NH):
                s_copy(i, h, i % _R).wait()

        @pl.when(has_pad)
        def _():
            for h in range(_NH):
                pltpu.make_async_copy(
                    out_hbm.at[prow, pl.ds(h * h_w, h_w)],
                    rows[h][ps], gsem[h][ps]).wait()
                dst = o2_hbm.at[prow, pl.ds(h * h_w, h_w)]
                pltpu.make_async_copy(rows[h][ps], dst, ssem[h][ps]).start()
            for h in range(_NH):
                dst = o2_hbm.at[prow, pl.ds(h * h_w, h_w)]
                pltpu.make_async_copy(rows[h][ps], dst, ssem[h][ps]).wait()

    return k(inp, out, offs16, spl16)


def kernel(inp, out, in_splits_offsets, out_splits_offsets):
    iso = in_splits_offsets.astype(jnp.int32)
    oso = out_splits_offsets.astype(jnp.int32)
    offs16 = jnp.concatenate([iso[1], oso[1]])
    spl16 = jnp.concatenate([iso[0], jnp.zeros((8,), jnp.int32)])
    return _combine(inp, out, offs16, spl16,
                    in_len=inp.shape[0], out_len=out.shape[0],
                    d=inp.shape[1])

# --- scband reference (transcript-rebuilt; emitter-appended) ---
"""Pipeline reference for scband-token-combiner-70523363000736 (READ-ONLY COPY).

The authoritative reference and input builder live on the scoring server;
editing this copy changes nothing except your own understanding.
"""

import jax, jax.numpy as jnp
import numpy as np

NSPLITS = 8
IN_LEN = 16384
OUT_LEN = 16640
D = 2048
ALIGN = 16


def _splits_offsets():
    # Deterministic, slightly uneven splits summing to IN_LEN, mimicking a
    # router's per-expert token counts. Output offsets are aligned to ALIGN
    # (major_align), as all_to_all_vdev_2d_offset produces for grouped-GEMM.
    deltas = np.array([7, -7, 13, -13, 29, -29, 41, -41], dtype=np.int64)
    splits = (IN_LEN // NSPLITS + deltas).astype(np.int64)
    in_off = np.concatenate([[0], np.cumsum(splits)[:-1]]).astype(np.int64)
    out_off = np.zeros(NSPLITS, dtype=np.int64)
    cur = 0
    for i in range(NSPLITS):
        out_off[i] = cur
        cur = ((cur + int(splits[i]) + ALIGN - 1) // ALIGN) * ALIGN
    return splits, in_off, out_off


def setup_inputs(seed: int = 0) -> dict:
    key = jax.random.key(seed)
    k1, _ = jax.random.split(key)
    splits, in_off, out_off = _splits_offsets()
    inp = jax.random.normal(k1, (IN_LEN, D), dtype=jnp.float32)
    out = jnp.zeros((OUT_LEN, D), dtype=jnp.float32)
    in_splits_offsets = jnp.asarray(np.stack([splits, in_off]), dtype=jnp.int64)
    out_splits_offsets = jnp.asarray(np.stack([splits, out_off]), dtype=jnp.int64)
    return {
        "inp": inp,
        "out": out,
        "in_splits_offsets": in_splits_offsets,
        "out_splits_offsets": out_splits_offsets,
    }


def reference(inp, out, in_splits_offsets, out_splits_offsets):
    # Single-device simulation of symm_mem.all_to_all_vdev_2d_offset:
    # for each of the nsplits chunks, copy input rows
    # [in_off[i] : in_off[i]+split[i]] into output rows
    # [out_off[i] : out_off[i]+split[i]] (aligned offsets), leaving padding
    # rows of `out` untouched. This is a pure gather + scatter-overwrite.
    n_rows = inp.shape[0]
    in_off = in_splits_offsets[1]
    out_off = out_splits_offsets[1]
    r = jnp.arange(n_rows, dtype=in_off.dtype)
    chunk = jnp.searchsorted(in_off, r, side="right") - 1
    local = r - in_off[chunk]
    src = in_off[chunk] + local
    dst = out_off[chunk] + local
    gathered = jnp.take(inp, src, axis=0)
    result = out.at[dst].set(gathered)
    return result

if __name__ == "__main__":
    import jax
    _d = setup_inputs()
    print(jax.jit(kernel)(*tuple(_d.values())))

</pallas_src>

<mosaic_0001>
#map = affine_map<(d0, d1) -> (0, 0)>
#map1 = affine_map<(d0, d1) -> (0)>
module attributes {stable_mosaic.version = 14 : i64} {
  func.func @k(%arg0: i32, %arg1: i32, %arg2: memref<16384x2048xf32, #tpu.memory_space<hbm>>, %arg3: memref<16640x2048xf32, #tpu.memory_space<hbm>>, %arg4: memref<16xi32, #tpu.memory_space<hbm>>, %arg5: memref<16xi32, #tpu.memory_space<hbm>>, %arg6: memref<16640x2048xf32, #tpu.memory_space<hbm>>, %arg7: memref<16xi32, #tpu.memory_space<vmem>>, %arg8: memref<16xi32, #tpu.memory_space<vmem>>, %arg9: memref<16x1024xf32, #tpu.memory_space<vmem>>, %arg10: memref<16x1024xf32, #tpu.memory_space<vmem>>, %arg11: memref<16x1024xf32, #tpu.memory_space<vmem>>, %arg12: memref<16x1024xf32, #tpu.memory_space<vmem>>, %arg13: memref<16x1024xf32, #tpu.memory_space<vmem>>, %arg14: memref<16x1024xf32, #tpu.memory_space<vmem>>, %arg15: memref<!tpu.dma_semaphore, #tpu.memory_space<semaphore_mem>>, %arg16: memref<!tpu.dma_semaphore, #tpu.memory_space<semaphore_mem>>, %arg17: memref<!tpu.dma_semaphore, #tpu.memory_space<semaphore_mem>>, %arg18: memref<!tpu.dma_semaphore, #tpu.memory_space<semaphore_mem>>, %arg19: memref<!tpu.dma_semaphore, #tpu.memory_space<semaphore_mem>>, %arg20: memref<!tpu.dma_semaphore, #tpu.memory_space<semaphore_mem>>, %arg21: memref<!tpu.dma_semaphore, #tpu.memory_space<semaphore_mem>>, %arg22: memref<!tpu.dma_semaphore, #tpu.memory_space<semaphore_mem>>, %arg23: memref<!tpu.dma_semaphore, #tpu.memory_space<semaphore_mem>>, %arg24: memref<!tpu.dma_semaphore, #tpu.memory_space<semaphore_mem>>, %arg25: memref<!tpu.dma_semaphore, #tpu.memory_space<semaphore_mem>>, %arg26: memref<!tpu.dma_semaphore, #tpu.memory_space<semaphore_mem>>) attributes {dimension_semantics = [#tpu.dimension_semantics<core_parallel>, #tpu.dimension_semantics<subcore_parallel>], iteration_bounds = array<i64: 2, 16>, scalar_prefetch = 0 : i64, scratch_operands = 20 : i64, tpu.core_type = #tpu.core_type<sc_vector_subcore>, window_params = [{transform_indices = #map}, {transform_indices = #map}, {transform_indices = #map1}, {transform_indices = #map1}, {transform_indices = #map}]} {
    %mul3A = arith.constant 2 : i32
    %mul3A_0 = arith.muli %arg1, %mul3A : i32
    %add3A = arith.addi %mul3A_0, %arg0 : i32
    %iota3A = tpu.iota {dimensions = array<i32: 0>} : vector<16xi32>
    %mul3A_1 = arith.constant 512 : i32
    %mul3A_2 = arith.muli %add3A, %mul3A_1 : i32
    %add3A_3 = arith.constant 0 : i32
    %add3A_4 = arith.addi %mul3A_2, %add3A_3 : i32
    %multiple_of3A = tpu.assume_multiple %add3A_4, 16 : i32
    %dma_start3A = arith.constant 0 : i32
    %dma_start3A_5 = tpu.memref_slice %arg2[%multiple_of3A, %dma_start3A] : memref<16384x2048xf32, #tpu.memory_space<hbm>> -> memref<16x1024xf32, #tpu.memory_space<hbm>>
    %dma_start3A_6 = arith.constant 0 : i32
    %dma_start3A_7 = tpu.memref_slice %arg2[%multiple_of3A, %dma_start3A_6] : memref<16384x2048xf32, #tpu.memory_space<hbm>> -> memref<16x1024xf32, #tpu.memory_space<hbm>>
    tpu.enqueue_dma source(%dma_start3A_7 : memref<16x1024xf32, #tpu.memory_space<hbm>>) target(%arg9 : memref<16x1024xf32, #tpu.memory_space<vmem>>) target_semaphore(%arg15 : memref<!tpu.dma_semaphore, #tpu.memory_space<semaphore_mem>>)
    %add3A_8 = arith.constant 0 : i32
    %add3A_9 = arith.addi %mul3A_2, %add3A_8 : i32
    %multiple_of3A_10 = tpu.assume_multiple %add3A_9, 16 : i32
    %dma_start3A_11 = arith.constant 1024 : i32
    %dma_start3A_12 = tpu.memref_slice %arg2[%multiple_of3A_10, %dma_start3A_11] : memref<16384x2048xf32, #tpu.memory_space<hbm>> -> memref<16x1024xf32, #tpu.memory_space<hbm>>
    %dma_start3A_13 = arith.constant 1024 : i32
    %dma_start3A_14 = tpu.memref_slice %arg2[%multiple_of3A_10, %dma_start3A_13] : memref<16384x2048xf32, #tpu.memory_space<hbm>> -> memref<16x1024xf32, #tpu.memory_space<hbm>>
    tpu.enqueue_dma source(%dma_start3A_14 : memref<16x1024xf32, #tpu.memory_space<hbm>>) target(%arg12 : memref<16x1024xf32, #tpu.memory_space<vmem>>) target_semaphore(%arg18 : memref<!tpu.dma_semaphore, #tpu.memory_space<semaphore_mem>>)
    tpu.enqueue_dma source(%arg4 : memref<16xi32, #tpu.memory_space<hbm>>) target(%arg7 : memref<16xi32, #tpu.memory_space<vmem>>) target_semaphore(%arg23 : memref<!tpu.dma_semaphore, #tpu.memory_space<semaphore_mem>>)
    tpu.enqueue_dma source(%arg5 : memref<16xi32, #tpu.memory_space<hbm>>) target(%arg8 : memref<16xi32, #tpu.memory_space<vmem>>) target_semaphore(%arg26 : memref<!tpu.dma_semaphore, #tpu.memory_space<semaphore_mem>>)
    tpu.wait_dma2 semaphore(%arg23 : memref<!tpu.dma_semaphore, #tpu.memory_space<semaphore_mem>>) src(%arg4 : memref<16xi32, #tpu.memory_space<hbm>>) dst(%arg7 : memref<16xi32, #tpu.memory_space<vmem>>)
    tpu.wait_dma2 semaphore(%arg26 : memref<!tpu.dma_semaphore, #tpu.memory_space<semaphore_mem>>) src(%arg5 : memref<16xi32, #tpu.memory_space<hbm>>) dst(%arg8 : memref<16xi32, #tpu.memory_space<vmem>>)
    %get3A = arith.constant 0 : index
    %get3A_15 = tpu.vector_load %arg7[%get3A] {strides = array<i32>} : memref<16xi32, #tpu.memory_space<vmem>>, vector<16xi32>,
    %get3A_16 = vector.shape_cast %get3A_15 : vector<16xi32> to vector<16xi32>
    %get3A_17 = arith.constant 0 : index
    %get3A_18 = tpu.vector_load %arg8[%get3A_17] {strides = array<i32>} : memref<16xi32, #tpu.memory_space<vmem>>, vector<16xi32>,
    %get3A_19 = vector.shape_cast %get3A_18 : vector<16xi32> to vector<16xi32>
    %slice3A = vector.extract_strided_slice %get3A_16 {offsets = [0], sizes = [1], strides = [1]} : vector<16xi32> to vector<1xi32>
    %squeeze3A = vector.extract %slice3A[0] : i32 from vector<1xi32>
    %slice3A_20 = vector.extract_strided_slice %get3A_16 {offsets = [1], sizes = [1], strides = [1]} : vector<16xi32> to vector<1xi32>
    %squeeze3A_21 = vector.extract %slice3A_20[0] : i32 from vector<1xi32>
    %slice3A_22 = vector.extract_strided_slice %get3A_16 {offsets = [2], sizes = [1], strides = [1]} : vector<16xi32> to vector<1xi32>
    %squeeze3A_23 = vector.extract %slice3A_22[0] : i32 from vector<1xi32>
    %slice3A_24 = vector.extract_strided_slice %get3A_16 {offsets = [3], sizes = [1], strides = [1]} : vector<16xi32> to vector<1xi32>
    %squeeze3A_25 = vector.extract %slice3A_24[0] : i32 from vector<1xi32>
    %slice3A_26 = vector.extract_strided_slice %get3A_16 {offsets = [4], sizes = [1], strides = [1]} : vector<16xi32> to vector<1xi32>
    %squeeze3A_27 = vector.extract %slice3A_26[0] : i32 from vector<1xi32>
    %slice3A_28 = vector.extract_strided_slice %get3A_16 {offsets = [5], sizes = [1], strides = [1]} : vector<16xi32> to vector<1xi32>
    %squeeze3A_29 = vector.extract %slice3A_28[0] : i32 from vector<1xi32>
    %slice3A_30 = vector.extract_strided_slice %get3A_16 {offsets = [6], sizes = [1], strides = [1]} : vector<16xi32> to vector<1xi32>
    %squeeze3A_31 = vector.extract %slice3A_30[0] : i32 from vector<1xi32>
    %slice3A_32 = vector.extract_strided_slice %get3A_16 {offsets = [7], sizes = [1], strides = [1]} : vector<16xi32> to vector<1xi32>
    %squeeze3A_33 = vector.extract %slice3A_32[0] : i32 from vector<1xi32>
    %slice3A_34 = vector.extract_strided_slice %get3A_16 {offsets = [8], sizes = [1], strides = [1]} : vector<16xi32> to vector<1xi32>
    %squeeze3A_35 = vector.extract %slice3A_34[0] : i32 from vector<1xi32>
    %slice3A_36 = vector.extract_strided_slice %get3A_16 {offsets = [9], sizes = [1], strides = [1]} : vector<16xi32> to vector<1xi32>
    %squeeze3A_37 = vector.extract %slice3A_36[0] : i32 from vector<1xi32>
    %slice3A_38 = vector.extract_strided_slice %get3A_16 {offsets = [10], sizes = [1], strides = [1]} : vector<16xi32> to vector<1xi32>
    %squeeze3A_39 = vector.extract %slice3A_38[0] : i32 from vector<1xi32>
    %slice3A_40 = vector.extract_strided_slice %get3A_16 {offsets = [11], sizes = [1], strides = [1]} : vector<16xi32> to vector<1xi32>
    %squeeze3A_41 = vector.extract %slice3A_40[0] : i32 from vector<1xi32>
    %slice3A_42 = vector.extract_strided_slice %get3A_16 {offsets = [12], sizes = [1], strides = [1]} : vector<16xi32> to vector<1xi32>
    %squeeze3A_43 = vector.extract %slice3A_42[0] : i32 from vector<1xi32>
    %slice3A_44 = vector.extract_strided_slice %get3A_16 {offsets = [13], sizes = [1], strides = [1]} : vector<16xi32> to vector<1xi32>
    %squeeze3A_45 = vector.extract %slice3A_44[0] : i32 from vector<1xi32>
    %slice3A_46 = vector.extract_strided_slice %get3A_16 {offsets = [14], sizes = [1], strides = [1]} : vector<16xi32> to vector<1xi32>
    %squeeze3A_47 = vector.extract %slice3A_46[0] : i32 from vector<1xi32>
    %slice3A_48 = vector.extract_strided_slice %get3A_16 {offsets = [15], sizes = [1], strides = [1]} : vector<16xi32> to vector<1xi32>
    %squeeze3A_49 = vector.extract %slice3A_48[0] : i32 from vector<1xi32>
    %slice3A_50 = vector.extract_strided_slice %get3A_19 {offsets = [0], sizes = [1], strides = [1]} : vector<16xi32> to vector<1xi32>
    %squeeze3A_51 = vector.extract %slice3A_50[0] : i32 from vector<1xi32>
    %slice3A_52 = vector.extract_strided_slice %get3A_19 {offsets = [1], sizes = [1], strides = [1]} : vector<16xi32> to vector<1xi32>
    %squeeze3A_53 = vector.extract %slice3A_52[0] : i32 from vector<1xi32>
    %slice3A_54 = vector.extract_strided_slice %get3A_19 {offsets = [2], sizes = [1], strides = [1]} : vector<16xi32> to vector<1xi32>
    %squeeze3A_55 = vector.extract %slice3A_54[0] : i32 from vector<1xi32>
    %slice3A_56 = vector.extract_strided_slice %get3A_19 {offsets = [3], sizes = [1], strides = [1]} : vector<16xi32> to vector<1xi32>
    %squeeze3A_57 = vector.extract %slice3A_56[0] : i32 from vector<1xi32>
    %slice3A_58 = vector.extract_strided_slice %get3A_19 {offsets = [4], sizes = [1], strides = [1]} : vector<16xi32> to vector<1xi32>
    %squeeze3A_59 = vector.extract %slice3A_58[0] : i32 from vector<1xi32>
    %slice3A_60 = vector.extract_strided_slice %get3A_19 {offsets = [5], sizes = [1], strides = [1]} : vector<16xi32> to vector<1xi32>
    %squeeze3A_61 = vector.extract %slice3A_60[0] : i32 from vector<1xi32>
    %slice3A_62 = vector.extract_strided_slice %get3A_19 {offsets = [6], sizes = [1], strides = [1]} : vector<16xi32> to vector<1xi32>
    %squeeze3A_63 = vector.extract %slice3A_62[0] : i32 from vector<1xi32>
    %slice3A_64 = vector.extract_strided_slice %get3A_19 {offsets = [7], sizes = [1], strides = [1]} : vector<16xi32> to vector<1xi32>
    %squeeze3A_65 = vector.extract %slice3A_64[0] : i32 from vector<1xi32>
    %sub3A = arith.subi %squeeze3A_35, %squeeze3A : i32
    %sub3A_66 = arith.subi %squeeze3A_37, %squeeze3A_21 : i32
    %sub3A_67 = arith.subi %squeeze3A_39, %squeeze3A_23 : i32
    %sub3A_68 = arith.subi %squeeze3A_41, %squeeze3A_25 : i32
    %sub3A_69 = arith.subi %squeeze3A_43, %squeeze3A_27 : i32
    %sub3A_70 = arith.subi %squeeze3A_45, %squeeze3A_29 : i32
    %sub3A_71 = arith.subi %squeeze3A_47, %squeeze3A_31 : i32
    %sub3A_72 = arith.subi %squeeze3A_49, %squeeze3A_33 : i32
    %add3A_73 = arith.addi %squeeze3A_35, %squeeze3A_51 : i32
    %add3A_74 = arith.addi %squeeze3A_37, %squeeze3A_53 : i32
    %add3A_75 = arith.addi %squeeze3A_39, %squeeze3A_55 : i32
    %add3A_76 = arith.addi %squeeze3A_41, %squeeze3A_57 : i32
    %add3A_77 = arith.addi %squeeze3A_43, %squeeze3A_59 : i32
    %add3A_78 = arith.addi %squeeze3A_45, %squeeze3A_61 : i32
    %add3A_79 = arith.addi %squeeze3A_47, %squeeze3A_63 : i32
    %add3A_80 = arith.addi %squeeze3A_49, %squeeze3A_65 : i32
    %sub3A_81 = arith.subi %squeeze3A_37, %add3A_73 : i32
    %add3A_82 = arith.constant 0 : i32
    %add3A_83 = arith.addi %add3A_82, %sub3A_81 : i32
    %sub3A_84 = arith.subi %squeeze3A_39, %add3A_74 : i32
    %add3A_85 = arith.addi %add3A_83, %sub3A_84 : i32
    %sub3A_86 = arith.subi %squeeze3A_41, %add3A_75 : i32
    %add3A_87 = arith.addi %add3A_85, %sub3A_86 : i32
    %sub3A_88 = arith.subi %squeeze3A_43, %add3A_76 : i32
    %add3A_89 = arith.addi %add3A_87, %sub3A_88 : i32
    %sub3A_90 = arith.subi %squeeze3A_45, %add3A_77 : i32
    %add3A_91 = arith.addi %add3A_89, %sub3A_90 : i32
    %sub3A_92 = arith.subi %squeeze3A_47, %add3A_78 : i32
    %add3A_93 = arith.addi %add3A_91, %sub3A_92 : i32
    %sub3A_94 = arith.subi %squeeze3A_49, %add3A_79 : i32
    %add3A_95 = arith.addi %add3A_93, %sub3A_94 : i32
    %sub3A_96 = arith.constant 16640 : i32
    %sub3A_97 = arith.subi %sub3A_96, %add3A_80 : i32
    %add3A_98 = arith.addi %add3A_95, %sub3A_97 : i32
    %add3A_99 = arith.constant 16 : i32
    %add3A_100 = arith.addi %mul3A_2, %add3A_99 : i32
    %multiple_of3A_101 = tpu.assume_multiple %add3A_100, 16 : i32
    %dma_start3A_102 = arith.constant 0 : i32
    %dma_start3A_103 = tpu.memref_slice %arg2[%multiple_of3A_101, %dma_start3A_102] : memref<16384x2048xf32, #tpu.memory_space<hbm>> -> memref<16x1024xf32, #tpu.memory_space<hbm>>
    %dma_start3A_104 = arith.constant 0 : i32
    %dma_start3A_105 = tpu.memref_slice %arg2[%multiple_of3A_101, %dma_start3A_104] : memref<16384x2048xf32, #tpu.memory_space<hbm>> -> memref<16x1024xf32, #tpu.memory_space<hbm>>
    tpu.enqueue_dma source(%dma_start3A_105 : memref<16x1024xf32, #tpu.memory_space<hbm>>) target(%arg10 : memref<16x1024xf32, #tpu.memory_space<vmem>>) target_semaphore(%arg16 : memref<!tpu.dma_semaphore, #tpu.memory_space<semaphore_mem>>)
    %add3A_106 = arith.constant 16 : i32
    %add3A_107 = arith.addi %mul3A_2, %add3A_106 : i32
    %multiple_of3A_108 = tpu.assume_multiple %add3A_107, 16 : i32
    %dma_start3A_109 = arith.constant 1024 : i32
    %dma_start3A_110 = tpu.memref_slice %arg2[%multiple_of3A_108, %dma_start3A_109] : memref<16384x2048xf32, #tpu.memory_space<hbm>> -> memref<16x1024xf32, #tpu.memory_space<hbm>>
    %dma_start3A_111 = arith.constant 1024 : i32
    %dma_start3A_112 = tpu.memref_slice %arg2[%multiple_of3A_108, %dma_start3A_111] : memref<16384x2048xf32, #tpu.memory_space<hbm>> -> memref<16x1024xf32, #tpu.memory_space<hbm>>
    tpu.enqueue_dma source(%dma_start3A_112 : memref<16x1024xf32, #tpu.memory_space<hbm>>) target(%arg13 : memref<16x1024xf32, #tpu.memory_space<vmem>>) target_semaphore(%arg19 : memref<!tpu.dma_semaphore, #tpu.memory_space<semaphore_mem>>)
    %add3A_113 = arith.constant 0 : i32
    %add3A_114 = arith.addi %mul3A_2, %add3A_113 : i32
    %multiple_of3A_115 = tpu.assume_multiple %add3A_114, 16 : i32
    %dma_wait3A = arith.constant 0 : i32
    %dma_wait3A_116 = tpu.memref_slice %arg2[%multiple_of3A_115, %dma_wait3A] : memref<16384x2048xf32, #tpu.memory_space<hbm>> -> memref<16x1024xf32, #tpu.memory_space<hbm>>
    %dma_wait3A_117 = arith.constant 0 : i32
    %dma_wait3A_118 = tpu.memref_slice %arg2[%multiple_of3A_115, %dma_wait3A_117] : memref<16384x2048xf32, #tpu.memory_space<hbm>> -> memref<16x1024xf32, #tpu.memory_space<hbm>>
    tpu.wait_dma2 semaphore(%arg15 : memref<!tpu.dma_semaphore, #tpu.memory_space<semaphore_mem>>) src(%dma_wait3A_118 : memref<16x1024xf32, #tpu.memory_space<hbm>>) dst(%arg9 : memref<16x1024xf32, #tpu.memory_space<vmem>>)
    %add3A_119 = arith.constant 0 : i32
    %add3A_120 = arith.addi %mul3A_2, %add3A_119 : i32
    %multiple_of3A_121 = tpu.assume_multiple %add3A_120, 16 : i32
    %add3A_122 = vector.broadcast %multiple_of3A_121 : i32 to vector<16xi32>
    %add3A_123 = arith.addi %add3A_122, %iota3A : vector<16xi32>
    %broadcast_in_dim3A = arith.constant 0 : i32
    %broadcast_in_dim3A_124 = vector.broadcast %broadcast_in_dim3A : i32 to vector<16xi32>
    %ge3A = vector.broadcast %squeeze3A_21 : i32 to vector<16xi32>
    %ge3A_125 = arith.cmpi sge, %add3A_123, %ge3A : vector<16xi32>
    %jit3A = arith.constant 1 : i32
    %jit3A_126 = arith.constant 0 : i32
    %broadcast_in_dim3A_127 = vector.broadcast %jit3A : i32 to vector<16xi32>
    %broadcast_in_dim3A_128 = vector.broadcast %jit3A_126 : i32 to vector<16xi32>
    %select_n3A = arith.select %ge3A_125, %broadcast_in_dim3A_127, %broadcast_in_dim3A_128 : vector<16xi1>, vector<16xi32>
    %add3A_129 = arith.addi %broadcast_in_dim3A_124, %select_n3A : vector<16xi32>
    %ge3A_130 = vector.broadcast %squeeze3A_23 : i32 to vector<16xi32>
    %ge3A_131 = arith.cmpi sge, %add3A_123, %ge3A_130 : vector<16xi32>
    %jit3A_132 = arith.constant 1 : i32
    %jit3A_133 = arith.constant 0 : i32
    %broadcast_in_dim3A_134 = vector.broadcast %jit3A_132 : i32 to vector<16xi32>
    %broadcast_in_dim3A_135 = vector.broadcast %jit3A_133 : i32 to vector<16xi32>
    %select_n3A_136 = arith.select %ge3A_131, %broadcast_in_dim3A_134, %broadcast_in_dim3A_135 : vector<16xi1>, vector<16xi32>
    %add3A_137 = arith.addi %add3A_129, %select_n3A_136 : vector<16xi32>
    %ge3A_138 = vector.broadcast %squeeze3A_25 : i32 to vector<16xi32>
    %ge3A_139 = arith.cmpi sge, %add3A_123, %ge3A_138 : vector<16xi32>
    %jit3A_140 = arith.constant 1 : i32
    %jit3A_141 = arith.constant 0 : i32
    %broadcast_in_dim3A_142 = vector.broadcast %jit3A_140 : i32 to vector<16xi32>
    %broadcast_in_dim3A_143 = vector.broadcast %jit3A_141 : i32 to vector<16xi32>
    %select_n3A_144 = arith.select %ge3A_139, %broadcast_in_dim3A_142, %broadcast_in_dim3A_143 : vector<16xi1>, vector<16xi32>
    %add3A_145 = arith.addi %add3A_137, %select_n3A_144 : vector<16xi32>
    %ge3A_146 = vector.broadcast %squeeze3A_27 : i32 to vector<16xi32>
    %ge3A_147 = arith.cmpi sge, %add3A_123, %ge3A_146 : vector<16xi32>
    %jit3A_148 = arith.constant 1 : i32
    %jit3A_149 = arith.constant 0 : i32
    %broadcast_in_dim3A_150 = vector.broadcast %jit3A_148 : i32 to vector<16xi32>
    %broadcast_in_dim3A_151 = vector.broadcast %jit3A_149 : i32 to vector<16xi32>
    %select_n3A_152 = arith.select %ge3A_147, %broadcast_in_dim3A_150, %broadcast_in_dim3A_151 : vector<16xi1>, vector<16xi32>
    %add3A_153 = arith.addi %add3A_145, %select_n3A_152 : vector<16xi32>
    %ge3A_154 = vector.broadcast %squeeze3A_29 : i32 to vector<16xi32>
    %ge3A_155 = arith.cmpi sge, %add3A_123, %ge3A_154 : vector<16xi32>
    %jit3A_156 = arith.constant 1 : i32
    %jit3A_157 = arith.constant 0 : i32
    %broadcast_in_dim3A_158 = vector.broadcast %jit3A_156 : i32 to vector<16xi32>
    %broadcast_in_dim3A_159 = vector.broadcast %jit3A_157 : i32 to vector<16xi32>
    %select_n3A_160 = arith.select %ge3A_155, %broadcast_in_dim3A_158, %broadcast_in_dim3A_159 : vector<16xi1>, vector<16xi32>
    %add3A_161 = arith.addi %add3A_153, %select_n3A_160 : vector<16xi32>
    %ge3A_162 = vector.broadcast %squeeze3A_31 : i32 to vector<16xi32>
    %ge3A_163 = arith.cmpi sge, %add3A_123, %ge3A_162 : vector<16xi32>
    %jit3A_164 = arith.constant 1 : i32
    %jit3A_165 = arith.constant 0 : i32
    %broadcast_in_dim3A_166 = vector.broadcast %jit3A_164 : i32 to vector<16xi32>
    %broadcast_in_dim3A_167 = vector.broadcast %jit3A_165 : i32 to vector<16xi32>
    %select_n3A_168 = arith.select %ge3A_163, %broadcast_in_dim3A_166, %broadcast_in_dim3A_167 : vector<16xi1>, vector<16xi32>
    %add3A_169 = arith.addi %add3A_161, %select_n3A_168 : vector<16xi32>
    %ge3A_170 = vector.broadcast %squeeze3A_33 : i32 to vector<16xi32>
    %ge3A_171 = arith.cmpi sge, %add3A_123, %ge3A_170 : vector<16xi32>
    %jit3A_172 = arith.constant 1 : i32
    %jit3A_173 = arith.constant 0 : i32
    %broadcast_in_dim3A_174 = vector.broadcast %jit3A_172 : i32 to vector<16xi32>
    %broadcast_in_dim3A_175 = vector.broadcast %jit3A_173 : i32 to vector<16xi32>
    %select_n3A_176 = arith.select %ge3A_171, %broadcast_in_dim3A_174, %broadcast_in_dim3A_175 : vector<16xi1>, vector<16xi32>
    %add3A_177 = arith.addi %add3A_169, %select_n3A_176 : vector<16xi32>
    %broadcast_in_dim3A_178 = arith.constant 0 : i32
    %broadcast_in_dim3A_179 = vector.broadcast %broadcast_in_dim3A_178 : i32 to vector<16xi32>
    %eq3A = arith.constant 1 : i32
    %eq3A_180 = vector.broadcast %eq3A : i32 to vector<16xi32>
    %eq3A_181 = arith.cmpi eq, %add3A_177, %eq3A_180 : vector<16xi32>
    %broadcast_in_dim3A_182 = vector.broadcast %sub3A_66 : i32 to vector<16xi32>
    %select_n3A_183 = arith.select %eq3A_181, %broadcast_in_dim3A_182, %broadcast_in_dim3A_179 : vector<16xi1>, vector<16xi32>
    %eq3A_184 = arith.constant 2 : i32
    %eq3A_185 = vector.broadcast %eq3A_184 : i32 to vector<16xi32>
    %eq3A_186 = arith.cmpi eq, %add3A_177, %eq3A_185 : vector<16xi32>
    %broadcast_in_dim3A_187 = vector.broadcast %sub3A_67 : i32 to vector<16xi32>
    %select_n3A_188 = arith.select %eq3A_186, %broadcast_in_dim3A_187, %select_n3A_183 : vector<16xi1>, vector<16xi32>
    %eq3A_189 = arith.constant 3 : i32
    %eq3A_190 = vector.broadcast %eq3A_189 : i32 to vector<16xi32>
    %eq3A_191 = arith.cmpi eq, %add3A_177, %eq3A_190 : vector<16xi32>
    %broadcast_in_dim3A_192 = vector.broadcast %sub3A_68 : i32 to vector<16xi32>
    %select_n3A_193 = arith.select %eq3A_191, %broadcast_in_dim3A_192, %select_n3A_188 : vector<16xi1>, vector<16xi32>
    %eq3A_194 = arith.constant 4 : i32
    %eq3A_195 = vector.broadcast %eq3A_194 : i32 to vector<16xi32>
    %eq3A_196 = arith.cmpi eq, %add3A_177, %eq3A_195 : vector<16xi32>
    %broadcast_in_dim3A_197 = vector.broadcast %sub3A_69 : i32 to vector<16xi32>
    %select_n3A_198 = arith.select %eq3A_196, %broadcast_in_dim3A_197, %select_n3A_193 : vector<16xi1>, vector<16xi32>
    %eq3A_199 = arith.constant 5 : i32
    %eq3A_200 = vector.broadcast %eq3A_199 : i32 to vector<16xi32>
    %eq3A_201 = arith.cmpi eq, %add3A_177, %eq3A_200 : vector<16xi32>
    %broadcast_in_dim3A_202 = vector.broadcast %sub3A_70 : i32 to vector<16xi32>
    %select_n3A_203 = arith.select %eq3A_201, %broadcast_in_dim3A_202, %select_n3A_198 : vector<16xi1>, vector<16xi32>
    %eq3A_204 = arith.constant 6 : i32
    %eq3A_205 = vector.broadcast %eq3A_204 : i32 to vector<16xi32>
    %eq3A_206 = arith.cmpi eq, %add3A_177, %eq3A_205 : vector<16xi32>
    %broadcast_in_dim3A_207 = vector.broadcast %sub3A_71 : i32 to vector<16xi32>
    %select_n3A_208 = arith.select %eq3A_206, %broadcast_in_dim3A_207, %select_n3A_203 : vector<16xi1>, vector<16xi32>
    %eq3A_209 = arith.constant 7 : i32
    %eq3A_210 = vector.broadcast %eq3A_209 : i32 to vector<16xi32>
    %eq3A_211 = arith.cmpi eq, %add3A_177, %eq3A_210 : vector<16xi32>
    %broadcast_in_dim3A_212 = vector.broadcast %sub3A_72 : i32 to vector<16xi32>
    %select_n3A_213 = arith.select %eq3A_211, %broadcast_in_dim3A_212, %select_n3A_208 : vector<16xi1>, vector<16xi32>
    %add3A_214 = arith.addi %add3A_123, %select_n3A_213 : vector<16xi32>
    %dma_start3A_215 = arith.constant 0 : i32
    %dma_start3A_216 = arith.constant 0 : i32
    %dma_start3A_217 = tpu.memref_slice %arg6[%dma_start3A_215, %dma_start3A_216] : memref<16640x2048xf32, #tpu.memory_space<hbm>> -> memref<16640x1024xf32, #tpu.memory_space<hbm>>
    tpu.enqueue_indirect_dma source(%arg9 : memref<16x1024xf32, #tpu.memory_space<vmem>>) target(%dma_start3A_217 : memref<16640x1024xf32, #tpu.memory_space<hbm>>) offsets(%add3A_214 : vector<16xi32>) semaphore(%arg21 : memref<!tpu.dma_semaphore, #tpu.memory_space<semaphore_mem>>)
    %add3A_218 = arith.constant 0 : i32
    %add3A_219 = arith.addi %mul3A_2, %add3A_218 : i32
    %multiple_of3A_220 = tpu.assume_multiple %add3A_219, 16 : i32
    %dma_wait3A_221 = arith.constant 1024 : i32
    %dma_wait3A_222 = tpu.memref_slice %arg2[%multiple_of3A_220, %dma_wait3A_221] : memref<16384x2048xf32, #tpu.memory_space<hbm>> -> memref<16x1024xf32, #tpu.memory_space<hbm>>
    %dma_wait3A_223 = arith.constant 1024 : i32
    %dma_wait3A_224 = tpu.memref_slice %arg2[%multiple_of3A_220, %dma_wait3A_223] : memref<16384x2048xf32, #tpu.memory_space<hbm>> -> memref<16x1024xf32, #tpu.memory_space<hbm>>
    tpu.wait_dma2 semaphore(%arg18 : memref<!tpu.dma_semaphore, #tpu.memory_space<semaphore_mem>>) src(%dma_wait3A_224 : memref<16x1024xf32, #tpu.memory_space<hbm>>) dst(%arg12 : memref<16x1024xf32, #tpu.memory_space<vmem>>)
    %add3A_225 = arith.constant 0 : i32
    %add3A_226 = arith.addi %mul3A_2, %add3A_225 : i32
    %multiple_of3A_227 = tpu.assume_multiple %add3A_226, 16 : i32
    %add3A_228 = vector.broadcast %multiple_of3A_227 : i32 to vector<16xi32>
    %add3A_229 = arith.addi %add3A_228, %iota3A : vector<16xi32>
    %broadcast_in_dim3A_230 = arith.constant 0 : i32
    %broadcast_in_dim3A_231 = vector.broadcast %broadcast_in_dim3A_230 : i32 to vector<16xi32>
    %ge3A_232 = vector.broadcast %squeeze3A_21 : i32 to vector<16xi32>
    %ge3A_233 = arith.cmpi sge, %add3A_229, %ge3A_232 : vector<16xi32>
    %jit3A_234 = arith.constant 1 : i32
    %jit3A_235 = arith.constant 0 : i32
    %broadcast_in_dim3A_236 = vector.broadcast %jit3A_234 : i32 to vector<16xi32>
    %broadcast_in_dim3A_237 = vector.broadcast %jit3A_235 : i32 to vector<16xi32>
    %select_n3A_238 = arith.select %ge3A_233, %broadcast_in_dim3A_236, %broadcast_in_dim3A_237 : vector<16xi1>, vector<16xi32>
    %add3A_239 = arith.addi %broadcast_in_dim3A_231, %select_n3A_238 : vector<16xi32>
    %ge3A_240 = vector.broadcast %squeeze3A_23 : i32 to vector<16xi32>
    %ge3A_241 = arith.cmpi sge, %add3A_229, %ge3A_240 : vector<16xi32>
    %jit3A_242 = arith.constant 1 : i32
    %jit3A_243 = arith.constant 0 : i32
    %broadcast_in_dim3A_244 = vector.broadcast %jit3A_242 : i32 to vector<16xi32>
    %broadcast_in_dim3A_245 = vector.broadcast %jit3A_243 : i32 to vector<16xi32>
    %select_n3A_246 = arith.select %ge3A_241, %broadcast_in_dim3A_244, %broadcast_in_dim3A_245 : vector<16xi1>, vector<16xi32>
    %add3A_247 = arith.addi %add3A_239, %select_n3A_246 : vector<16xi32>
    %ge3A_248 = vector.broadcast %squeeze3A_25 : i32 to vector<16xi32>
    %ge3A_249 = arith.cmpi sge, %add3A_229, %ge3A_248 : vector<16xi32>
    %jit3A_250 = arith.constant 1 : i32
    %jit3A_251 = arith.constant 0 : i32
    %broadcast_in_dim3A_252 = vector.broadcast %jit3A_250 : i32 to vector<16xi32>
    %broadcast_in_dim3A_253 = vector.broadcast %jit3A_251 : i32 to vector<16xi32>
    %select_n3A_254 = arith.select %ge3A_249, %broadcast_in_dim3A_252, %broadcast_in_dim3A_253 : vector<16xi1>, vector<16xi32>
    %add3A_255 = arith.addi %add3A_247, %select_n3A_254 : vector<16xi32>
    %ge3A_256 = vector.broadcast %squeeze3A_27 : i32 to vector<16xi32>
    %ge3A_257 = arith.cmpi sge, %add3A_229, %ge3A_256 : vector<16xi32>
    %jit3A_258 = arith.constant 1 : i32
    %jit3A_259 = arith.constant 0 : i32
    %broadcast_in_dim3A_260 = vector.broadcast %jit3A_258 : i32 to vector<16xi32>
    %broadcast_in_dim3A_261 = vector.broadcast %jit3A_259 : i32 to vector<16xi32>
    %select_n3A_262 = arith.select %ge3A_257, %broadcast_in_dim3A_260, %broadcast_in_dim3A_261 : vector<16xi1>, vector<16xi32>
    %add3A_263 = arith.addi %add3A_255, %select_n3A_262 : vector<16xi32>
    %ge3A_264 = vector.broadcast %squeeze3A_29 : i32 to vector<16xi32>
    %ge3A_265 = arith.cmpi sge, %add3A_229, %ge3A_264 : vector<16xi32>
    %jit3A_266 = arith.constant 1 : i32
    %jit3A_267 = arith.constant 0 : i32
    %broadcast_in_dim3A_268 = vector.broadcast %jit3A_266 : i32 to vector<16xi32>
    %broadcast_in_dim3A_269 = vector.broadcast %jit3A_267 : i32 to vector<16xi32>
    %select_n3A_270 = arith.select %ge3A_265, %broadcast_in_dim3A_268, %broadcast_in_dim3A_269 : vector<16xi1>, vector<16xi32>
    %add3A_271 = arith.addi %add3A_263, %select_n3A_270 : vector<16xi32>
    %ge3A_272 = vector.broadcast %squeeze3A_31 : i32 to vector<16xi32>
    %ge3A_273 = arith.cmpi sge, %add3A_229, %ge3A_272 : vector<16xi32>
    %jit3A_274 = arith.constant 1 : i32
    %jit3A_275 = arith.constant 0 : i32
    %broadcast_in_dim3A_276 = vector.broadcast %jit3A_274 : i32 to vector<16xi32>
    %broadcast_in_dim3A_277 = vector.broadcast %jit3A_275 : i32 to vector<16xi32>
    %select_n3A_278 = arith.select %ge3A_273, %broadcast_in_dim3A_276, %broadcast_in_dim3A_277 : vector<16xi1>, vector<16xi32>
    %add3A_279 = arith.addi %add3A_271, %select_n3A_278 : vector<16xi32>
    %ge3A_280 = vector.broadcast %squeeze3A_33 : i32 to vector<16xi32>
    %ge3A_281 = arith.cmpi sge, %add3A_229, %ge3A_280 : vector<16xi32>
    %jit3A_282 = arith.constant 1 : i32
    %jit3A_283 = arith.constant 0 : i32
    %broadcast_in_dim3A_284 = vector.broadcast %jit3A_282 : i32 to vector<16xi32>
    %broadcast_in_dim3A_285 = vector.broadcast %jit3A_283 : i32 to vector<16xi32>
    %select_n3A_286 = arith.select %ge3A_281, %broadcast_in_dim3A_284, %broadcast_in_dim3A_285 : vector<16xi1>, vector<16xi32>
    %add3A_287 = arith.addi %add3A_279, %select_n3A_286 : vector<16xi32>
    %broadcast_in_dim3A_288 = arith.constant 0 : i32
    %broadcast_in_dim3A_289 = vector.broadcast %broadcast_in_dim3A_288 : i32 to vector<16xi32>
    %eq3A_290 = arith.constant 1 : i32
    %eq3A_291 = vector.broadcast %eq3A_290 : i32 to vector<16xi32>
    %eq3A_292 = arith.cmpi eq, %add3A_287, %eq3A_291 : vector<16xi32>
    %broadcast_in_dim3A_293 = vector.broadcast %sub3A_66 : i32 to vector<16xi32>
    %select_n3A_294 = arith.select %eq3A_292, %broadcast_in_dim3A_293, %broadcast_in_dim3A_289 : vector<16xi1>, vector<16xi32>
    %eq3A_295 = arith.constant 2 : i32
    %eq3A_296 = vector.broadcast %eq3A_295 : i32 to vector<16xi32>
    %eq3A_297 = arith.cmpi eq, %add3A_287, %eq3A_296 : vector<16xi32>
    %broadcast_in_dim3A_298 = vector.broadcast %sub3A_67 : i32 to vector<16xi32>
    %select_n3A_299 = arith.select %eq3A_297, %broadcast_in_dim3A_298, %select_n3A_294 : vector<16xi1>, vector<16xi32>
    %eq3A_300 = arith.constant 3 : i32
    %eq3A_301 = vector.broadcast %eq3A_300 : i32 to vector<16xi32>
    %eq3A_302 = arith.cmpi eq, %add3A_287, %eq3A_301 : vector<16xi32>
    %broadcast_in_dim3A_303 = vector.broadcast %sub3A_68 : i32 to vector<16xi32>
    %select_n3A_304 = arith.select %eq3A_302, %broadcast_in_dim3A_303, %select_n3A_299 : vector<16xi1>, vector<16xi32>
    %eq3A_305 = arith.constant 4 : i32
    %eq3A_306 = vector.broadcast %eq3A_305 : i32 to vector<16xi32>
    %eq3A_307 = arith.cmpi eq, %add3A_287, %eq3A_306 : vector<16xi32>
    %broadcast_in_dim3A_308 = vector.broadcast %sub3A_69 : i32 to vector<16xi32>
    %select_n3A_309 = arith.select %eq3A_307, %broadcast_in_dim3A_308, %select_n3A_304 : vector<16xi1>, vector<16xi32>
    %eq3A_310 = arith.constant 5 : i32
    %eq3A_311 = vector.broadcast %eq3A_310 : i32 to vector<16xi32>
    %eq3A_312 = arith.cmpi eq, %add3A_287, %eq3A_311 : vector<16xi32>
    %broadcast_in_dim3A_313 = vector.broadcast %sub3A_70 : i32 to vector<16xi32>
    %select_n3A_314 = arith.select %eq3A_312, %broadcast_in_dim3A_313, %select_n3A_309 : vector<16xi1>, vector<16xi32>
    %eq3A_315 = arith.constant 6 : i32
    %eq3A_316 = vector.broadcast %eq3A_315 : i32 to vector<16xi32>
    %eq3A_317 = arith.cmpi eq, %add3A_287, %eq3A_316 : vector<16xi32>
    %broadcast_in_dim3A_318 = vector.broadcast %sub3A_71 : i32 to vector<16xi32>
    %select_n3A_319 = arith.select %eq3A_317, %broadcast_in_dim3A_318, %select_n3A_314 : vector<16xi1>, vector<16xi32>
    %eq3A_320 = arith.constant 7 : i32
    %eq3A_321 = vector.broadcast %eq3A_320 : i32 to vector<16xi32>
    %eq3A_322 = arith.cmpi eq, %add3A_287, %eq3A_321 : vector<16xi32>
    %broadcast_in_dim3A_323 = vector.broadcast %sub3A_72 : i32 to vector<16xi32>
    %select_n3A_324 = arith.select %eq3A_322, %broadcast_in_dim3A_323, %select_n3A_319 : vector<16xi1>, vector<16xi32>
    %add3A_325 = arith.addi %add3A_229, %select_n3A_324 : vector<16xi32>
    %dma_start3A_326 = arith.constant 0 : i32
    %dma_start3A_327 = arith.constant 1024 : i32
    %dma_start3A_328 = tpu.memref_slice %arg6[%dma_start3A_326, %dma_start3A_327] : memref<16640x2048xf32, #tpu.memory_space<hbm>> -> memref<16640x1024xf32, #tpu.memory_space<hbm>>
    tpu.enqueue_indirect_dma source(%arg12 : memref<16x1024xf32, #tpu.memory_space<vmem>>) target(%dma_start3A_328 : memref<16640x1024xf32, #tpu.memory_space<hbm>>) offsets(%add3A_325 : vector<16xi32>) semaphore(%arg24 : memref<!tpu.dma_semaphore, #tpu.memory_space<semaphore_mem>>)
    %add3A_329 = arith.constant 32 : i32
    %add3A_330 = arith.addi %mul3A_2, %add3A_329 : i32
    %multiple_of3A_331 = tpu.assume_multiple %add3A_330, 16 : i32
    %dma_start3A_332 = arith.constant 0 : i32
    %dma_start3A_333 = tpu.memref_slice %arg2[%multiple_of3A_331, %dma_start3A_332] : memref<16384x2048xf32, #tpu.memory_space<hbm>> -> memref<16x1024xf32, #tpu.memory_space<hbm>>
    %dma_start3A_334 = arith.constant 0 : i32
    %dma_start3A_335 = tpu.memref_slice %arg2[%multiple_of3A_331, %dma_start3A_334] : memref<16384x2048xf32, #tpu.memory_space<hbm>> -> memref<16x1024xf32, #tpu.memory_space<hbm>>
    tpu.enqueue_dma source(%dma_start3A_335 : memref<16x1024xf32, #tpu.memory_space<hbm>>) target(%arg11 : memref<16x1024xf32, #tpu.memory_space<vmem>>) target_semaphore(%arg17 : memref<!tpu.dma_semaphore, #tpu.memory_space<semaphore_mem>>)
    %add3A_336 = arith.constant 32 : i32
    %add3A_337 = arith.addi %mul3A_2, %add3A_336 : i32
    %multiple_of3A_338 = tpu.assume_multiple %add3A_337, 16 : i32
    %dma_start3A_339 = arith.constant 1024 : i32
    %dma_start3A_340 = tpu.memref_slice %arg2[%multiple_of3A_338, %dma_start3A_339] : memref<16384x2048xf32, #tpu.memory_space<hbm>> -> memref<16x1024xf32, #tpu.memory_space<hbm>>
    %dma_start3A_341 = arith.constant 1024 : i32
    %dma_start3A_342 = tpu.memref_slice %arg2[%multiple_of3A_338, %dma_start3A_341] : memref<16384x2048xf32, #tpu.memory_space<hbm>> -> memref<16x1024xf32, #tpu.memory_space<hbm>>
    tpu.enqueue_dma source(%dma_start3A_342 : memref<16x1024xf32, #tpu.memory_space<hbm>>) target(%arg14 : memref<16x1024xf32, #tpu.memory_space<vmem>>) target_semaphore(%arg20 : memref<!tpu.dma_semaphore, #tpu.memory_space<semaphore_mem>>)
    %add3A_343 = arith.constant 16 : i32
    %add3A_344 = arith.addi %mul3A_2, %add3A_343 : i32
    %multiple_of3A_345 = tpu.assume_multiple %add3A_344, 16 : i32
    %dma_wait3A_346 = arith.constant 0 : i32
    %dma_wait3A_347 = tpu.memref_slice %arg2[%multiple_of3A_345, %dma_wait3A_346] : memref<16384x2048xf32, #tpu.memory_space<hbm>> -> memref<16x1024xf32, #tpu.memory_space<hbm>>
    %dma_wait3A_348 = arith.constant 0 : i32
    %dma_wait3A_349 = tpu.memref_slice %arg2[%multiple_of3A_345, %dma_wait3A_348] : memref<16384x2048xf32, #tpu.memory_space<hbm>> -> memref<16x1024xf32, #tpu.memory_space<hbm>>
    tpu.wait_dma2 semaphore(%arg16 : memref<!tpu.dma_semaphore, #tpu.memory_space<semaphore_mem>>) src(%dma_wait3A_349 : memref<16x1024xf32, #tpu.memory_space<hbm>>) dst(%arg10 : memref<16x1024xf32, #tpu.memory_space<vmem>>)
    %add3A_350 = arith.constant 16 : i32
    %add3A_351 = arith.addi %mul3A_2, %add3A_350 : i32
    %multiple_of3A_352 = tpu.assume_multiple %add3A_351, 16 : i32
    %add3A_353 = vector.broadcast %multiple_of3A_352 : i32 to vector<16xi32>
    %add3A_354 = arith.addi %add3A_353, %iota3A : vector<16xi32>
    %broadcast_in_dim3A_355 = arith.constant 0 : i32
    %broadcast_in_dim3A_356 = vector.broadcast %broadcast_in_dim3A_355 : i32 to vector<16xi32>
    %ge3A_357 = vector.broadcast %squeeze3A_21 : i32 to vector<16xi32>
    %ge3A_358 = arith.cmpi sge, %add3A_354, %ge3A_357 : vector<16xi32>
    %jit3A_359 = arith.constant 1 : i32
    %jit3A_360 = arith.constant 0 : i32
    %broadcast_in_dim3A_361 = vector.broadcast %jit3A_359 : i32 to vector<16xi32>
    %broadcast_in_dim3A_362 = vector.broadcast %jit3A_360 : i32 to vector<16xi32>
    %select_n3A_363 = arith.select %ge3A_358, %broadcast_in_dim3A_361, %broadcast_in_dim3A_362 : vector<16xi1>, vector<16xi32>
    %add3A_364 = arith.addi %broadcast_in_dim3A_356, %select_n3A_363 : vector<16xi32>
    %ge3A_365 = vector.broadcast %squeeze3A_23 : i32 to vector<16xi32>
    %ge3A_366 = arith.cmpi sge, %add3A_354, %ge3A_365 : vector<16xi32>
    %jit3A_367 = arith.constant 1 : i32
    %jit3A_368 = arith.constant 0 : i32
    %broadcast_in_dim3A_369 = vector.broadcast %jit3A_367 : i32 to vector<16xi32>
    %broadcast_in_dim3A_370 = vector.broadcast %jit3A_368 : i32 to vector<16xi32>
    %select_n3A_371 = arith.select %ge3A_366, %broadcast_in_dim3A_369, %broadcast_in_dim3A_370 : vector<16xi1>, vector<16xi32>
    %add3A_372 = arith.addi %add3A_364, %select_n3A_371 : vector<16xi32>
    %ge3A_373 = vector.broadcast %squeeze3A_25 : i32 to vector<16xi32>
    %ge3A_374 = arith.cmpi sge, %add3A_354, %ge3A_373 : vector<16xi32>
    %jit3A_375 = arith.constant 1 : i32
    %jit3A_376 = arith.constant 0 : i32
    %broadcast_in_dim3A_377 = vector.broadcast %jit3A_375 : i32 to vector<16xi32>
    %broadcast_in_dim3A_378 = vector.broadcast %jit3A_376 : i32 to vector<16xi32>
    %select_n3A_379 = arith.select %ge3A_374, %broadcast_in_dim3A_377, %broadcast_in_dim3A_378 : vector<16xi1>, vector<16xi32>
    %add3A_380 = arith.addi %add3A_372, %select_n3A_379 : vector<16xi32>
    %ge3A_381 = vector.broadcast %squeeze3A_27 : i32 to vector<16xi32>
    %ge3A_382 = arith.cmpi sge, %add3A_354, %ge3A_381 : vector<16xi32>
    %jit3A_383 = arith.constant 1 : i32
    %jit3A_384 = arith.constant 0 : i32
    %broadcast_in_dim3A_385 = vector.broadcast %jit3A_383 : i32 to vector<16xi32>
    %broadcast_in_dim3A_386 = vector.broadcast %jit3A_384 : i32 to vector<16xi32>
    %select_n3A_387 = arith.select %ge3A_382, %broadcast_in_dim3A_385, %broadcast_in_dim3A_386 : vector<16xi1>, vector<16xi32>
    %add3A_388 = arith.addi %add3A_380, %select_n3A_387 : vector<16xi32>
    %ge3A_389 = vector.broadcast %squeeze3A_29 : i32 to vector<16xi32>
    %ge3A_390 = arith.cmpi sge, %add3A_354, %ge3A_389 : vector<16xi32>
    %jit3A_391 = arith.constant 1 : i32
    %jit3A_392 = arith.constant 0 : i32
    %broadcast_in_dim3A_393 = vector.broadcast %jit3A_391 : i32 to vector<16xi32>
    %broadcast_in_dim3A_394 = vector.broadcast %jit3A_392 : i32 to vector<16xi32>
    %select_n3A_395 = arith.select %ge3A_390, %broadcast_in_dim3A_393, %broadcast_in_dim3A_394 : vector<16xi1>, vector<16xi32>
    %add3A_396 = arith.addi %add3A_388, %select_n3A_395 : vector<16xi32>
    %ge3A_397 = vector.broadcast %squeeze3A_31 : i32 to vector<16xi32>
    %ge3A_398 = arith.cmpi sge, %add3A_354, %ge3A_397 : vector<16xi32>
    %jit3A_399 = arith.constant 1 : i32
    %jit3A_400 = arith.constant 0 : i32
    %broadcast_in_dim3A_401 = vector.broadcast %jit3A_399 : i32 to vector<16xi32>
    %broadcast_in_dim3A_402 = vector.broadcast %jit3A_400 : i32 to vector<16xi32>
    %select_n3A_403 = arith.select %ge3A_398, %broadcast_in_dim3A_401, %broadcast_in_dim3A_402 : vector<16xi1>, vector<16xi32>
    %add3A_404 = arith.addi %add3A_396, %select_n3A_403 : vector<16xi32>
    %ge3A_405 = vector.broadcast %squeeze3A_33 : i32 to vector<16xi32>
    %ge3A_406 = arith.cmpi sge, %add3A_354, %ge3A_405 : vector<16xi32>
    %jit3A_407 = arith.constant 1 : i32
    %jit3A_408 = arith.constant 0 : i32
    %broadcast_in_dim3A_409 = vector.broadcast %jit3A_407 : i32 to vector<16xi32>
    %broadcast_in_dim3A_410 = vector.broadcast %jit3A_408 : i32 to vector<16xi32>
    %select_n3A_411 = arith.select %ge3A_406, %broadcast_in_dim3A_409, %broadcast_in_dim3A_410 : vector<16xi1>, vector<16xi32>
    %add3A_412 = arith.addi %add3A_404, %select_n3A_411 : vector<16xi32>
    %broadcast_in_dim3A_413 = arith.constant 0 : i32
    %broadcast_in_dim3A_414 = vector.broadcast %broadcast_in_dim3A_413 : i32 to vector<16xi32>
    %eq3A_415 = arith.constant 1 : i32
    %eq3A_416 = vector.broadcast %eq3A_415 : i32 to vector<16xi32>
    %eq3A_417 = arith.cmpi eq, %add3A_412, %eq3A_416 : vector<16xi32>
    %broadcast_in_dim3A_418 = vector.broadcast %sub3A_66 : i32 to vector<16xi32>
    %select_n3A_419 = arith.select %eq3A_417, %broadcast_in_dim3A_418, %broadcast_in_dim3A_414 : vector<16xi1>, vector<16xi32>
    %eq3A_420 = arith.constant 2 : i32
    %eq3A_421 = vector.broadcast %eq3A_420 : i32 to vector<16xi32>
    %eq3A_422 = arith.cmpi eq, %add3A_412, %eq3A_421 : vector<16xi32>
    %broadcast_in_dim3A_423 = vector.broadcast %sub3A_67 : i32 to vector<16xi32>
    %select_n3A_424 = arith.select %eq3A_422, %broadcast_in_dim3A_423, %select_n3A_419 : vector<16xi1>, vector<16xi32>
    %eq3A_425 = arith.constant 3 : i32
    %eq3A_426 = vector.broadcast %eq3A_425 : i32 to vector<16xi32>
    %eq3A_427 = arith.cmpi eq, %add3A_412, %eq3A_426 : vector<16xi32>
    %broadcast_in_dim3A_428 = vector.broadcast %sub3A_68 : i32 to vector<16xi32>
    %select_n3A_429 = arith.select %eq3A_427, %broadcast_in_dim3A_428, %select_n3A_424 : vector<16xi1>, vector<16xi32>
    %eq3A_430 = arith.constant 4 : i32
    %eq3A_431 = vector.broadcast %eq3A_430 : i32 to vector<16xi32>
    %eq3A_432 = arith.cmpi eq, %add3A_412, %eq3A_431 : vector<16xi32>
    %broadcast_in_dim3A_433 = vector.broadcast %sub3A_69 : i32 to vector<16xi32>
    %select_n3A_434 = arith.select %eq3A_432, %broadcast_in_dim3A_433, %select_n3A_429 : vector<16xi1>, vector<16xi32>
    %eq3A_435 = arith.constant 5 : i32
    %eq3A_436 = vector.broadcast %eq3A_435 : i32 to vector<16xi32>
    %eq3A_437 = arith.cmpi eq, %add3A_412, %eq3A_436 : vector<16xi32>
    %broadcast_in_dim3A_438 = vector.broadcast %sub3A_70 : i32 to vector<16xi32>
    %select_n3A_439 = arith.select %eq3A_437, %broadcast_in_dim3A_438, %select_n3A_434 : vector<16xi1>, vector<16xi32>
    %eq3A_440 = arith.constant 6 : i32
    %eq3A_441 = vector.broadcast %eq3A_440 : i32 to vector<16xi32>
    %eq3A_442 = arith.cmpi eq, %add3A_412, %eq3A_441 : vector<16xi32>
    %broadcast_in_dim3A_443 = vector.broadcast %sub3A_71 : i32 to vector<16xi32>
    %select_n3A_444 = arith.select %eq3A_442, %broadcast_in_dim3A_443, %select_n3A_439 : vector<16xi1>, vector<16xi32>
    %eq3A_445 = arith.constant 7 : i32
    %eq3A_446 = vector.broadcast %eq3A_445 : i32 to vector<16xi32>
    %eq3A_447 = arith.cmpi eq, %add3A_412, %eq3A_446 : vector<16xi32>
    %broadcast_in_dim3A_448 = vector.broadcast %sub3A_72 : i32 to vector<16xi32>
    %select_n3A_449 = arith.select %eq3A_447, %broadcast_in_dim3A_448, %select_n3A_444 : vector<16xi1>, vector<16xi32>
    %add3A_450 = arith.addi %add3A_354, %select_n3A_449 : vector<16xi32>
    %dma_start3A_451 = arith.constant 0 : i32
    %dma_start3A_452 = arith.constant 0 : i32
    %dma_start3A_453 = tpu.memref_slice %arg6[%dma_start3A_451, %dma_start3A_452] : memref<16640x2048xf32, #tpu.memory_space<hbm>> -> memref<16640x1024xf32, #tpu.memory_space<hbm>>
    tpu.enqueue_indirect_dma source(%arg10 : memref<16x1024xf32, #tpu.memory_space<vmem>>) target(%dma_start3A_453 : memref<16640x1024xf32, #tpu.memory_space<hbm>>) offsets(%add3A_450 : vector<16xi32>) semaphore(%arg22 : memref<!tpu.dma_semaphore, #tpu.memory_space<semaphore_mem>>)
    %add3A_454 = arith.constant 16 : i32
    %add3A_455 = arith.addi %mul3A_2, %add3A_454 : i32
    %multiple_of3A_456 = tpu.assume_multiple %add3A_455, 16 : i32
    %dma_wait3A_457 = arith.constant 1024 : i32
    %dma_wait3A_458 = tpu.memref_slice %arg2[%multiple_of3A_456, %dma_wait3A_457] : memref<16384x2048xf32, #tpu.memory_space<hbm>> -> memref<16x1024xf32, #tpu.memory_space<hbm>>
    %dma_wait3A_459 = arith.constant 1024 : i32
    %dma_wait3A_460 = tpu.memref_slice %arg2[%multiple_of3A_456, %dma_wait3A_459] : memref<16384x2048xf32, #tpu.memory_space<hbm>> -> memref<16x1024xf32, #tpu.memory_space<hbm>>
    tpu.wait_dma2 semaphore(%arg19 : memref<!tpu.dma_semaphore, #tpu.memory_space<semaphore_mem>>) src(%dma_wait3A_460 : memref<16x1024xf32, #tpu.memory_space<hbm>>) dst(%arg13 : memref<16x1024xf32, #tpu.memory_space<vmem>>)
    %add3A_461 = arith.constant 16 : i32
    %add3A_462 = arith.addi %mul3A_2, %add3A_461 : i32
    %multiple_of3A_463 = tpu.assume_multiple %add3A_462, 16 : i32
    %add3A_464 = vector.broadcast %multiple_of3A_463 : i32 to vector<16xi32>
    %add3A_465 = arith.addi %add3A_464, %iota3A : vector<16xi32>
    %broadcast_in_dim3A_466 = arith.constant 0 : i32
    %broadcast_in_dim3A_467 = vector.broadcast %broadcast_in_dim3A_466 : i32 to vector<16xi32>
    %ge3A_468 = vector.broadcast %squeeze3A_21 : i32 to vector<16xi32>
    %ge3A_469 = arith.cmpi sge, %add3A_465, %ge3A_468 : vector<16xi32>
    %jit3A_470 = arith.constant 1 : i32
    %jit3A_471 = arith.constant 0 : i32
    %broadcast_in_dim3A_472 = vector.broadcast %jit3A_470 : i32 to vector<16xi32>
    %broadcast_in_dim3A_473 = vector.broadcast %jit3A_471 : i32 to vector<16xi32>
    %select_n3A_474 = arith.select %ge3A_469, %broadcast_in_dim3A_472, %broadcast_in_dim3A_473 : vector<16xi1>, vector<16xi32>
    %add3A_475 = arith.addi %broadcast_in_dim3A_467, %select_n3A_474 : vector<16xi32>
    %ge3A_476 = vector.broadcast %squeeze3A_23 : i32 to vector<16xi32>
    %ge3A_477 = arith.cmpi sge, %add3A_465, %ge3A_476 : vector<16xi32>
    %jit3A_478 = arith.constant 1 : i32
    %jit3A_479 = arith.constant 0 : i32
    %broadcast_in_dim3A_480 = vector.broadcast %jit3A_478 : i32 to vector<16xi32>
    %broadcast_in_dim3A_481 = vector.broadcast %jit3A_479 : i32 to vector<16xi32>
    %select_n3A_482 = arith.select %ge3A_477, %broadcast_in_dim3A_480, %broadcast_in_dim3A_481 : vector<16xi1>, vector<16xi32>
    %add3A_483 = arith.addi %add3A_475, %select_n3A_482 : vector<16xi32>
    %ge3A_484 = vector.broadcast %squeeze3A_25 : i32 to vector<16xi32>
    %ge3A_485 = arith.cmpi sge, %add3A_465, %ge3A_484 : vector<16xi32>
    %jit3A_486 = arith.constant 1 : i32
    %jit3A_487 = arith.constant 0 : i32
    %broadcast_in_dim3A_488 = vector.broadcast %jit3A_486 : i32 to vector<16xi32>
    %broadcast_in_dim3A_489 = vector.broadcast %jit3A_487 : i32 to vector<16xi32>
    %select_n3A_490 = arith.select %ge3A_485, %broadcast_in_dim3A_488, %broadcast_in_dim3A_489 : vector<16xi1>, vector<16xi32>
    %add3A_491 = arith.addi %add3A_483, %select_n3A_490 : vector<16xi32>
    %ge3A_492 = vector.broadcast %squeeze3A_27 : i32 to vector<16xi32>
    %ge3A_493 = arith.cmpi sge, %add3A_465, %ge3A_492 : vector<16xi32>
    %jit3A_494 = arith.constant 1 : i32
    %jit3A_495 = arith.constant 0 : i32
    %broadcast_in_dim3A_496 = vector.broadcast %jit3A_494 : i32 to vector<16xi32>
    %broadcast_in_dim3A_497 = vector.broadcast %jit3A_495 : i32 to vector<16xi32>
    %select_n3A_498 = arith.select %ge3A_493, %broadcast_in_dim3A_496, %broadcast_in_dim3A_497 : vector<16xi1>, vector<16xi32>
    %add3A_499 = arith.addi %add3A_491, %select_n3A_498 : vector<16xi32>
    %ge3A_500 = vector.broadcast %squeeze3A_29 : i32 to vector<16xi32>
    %ge3A_501 = arith.cmpi sge, %add3A_465, %ge3A_500 : vector<16xi32>
    %jit3A_502 = arith.constant 1 : i32
    %jit3A_503 = arith.constant 0 : i32
    %broadcast_in_dim3A_504 = vector.broadcast %jit3A_502 : i32 to vector<16xi32>
    %broadcast_in_dim3A_505 = vector.broadcast %jit3A_503 : i32 to vector<16xi32>
    %select_n3A_506 = arith.select %ge3A_501, %broadcast_in_dim3A_504, %broadcast_in_dim3A_505 : vector<16xi1>, vector<16xi32>
    %add3A_507 = arith.addi %add3A_499, %select_n3A_506 : vector<16xi32>
    %ge3A_508 = vector.broadcast %squeeze3A_31 : i32 to vector<16xi32>
    %ge3A_509 = arith.cmpi sge, %add3A_465, %ge3A_508 : vector<16xi32>
    %jit3A_510 = arith.constant 1 : i32
    %jit3A_511 = arith.constant 0 : i32
    %broadcast_in_dim3A_512 = vector.broadcast %jit3A_510 : i32 to vector<16xi32>
    %broadcast_in_dim3A_513 = vector.broadcast %jit3A_511 : i32 to vector<16xi32>
    %select_n3A_514 = arith.select %ge3A_509, %broadcast_in_dim3A_512, %broadcast_in_dim3A_513 : vector<16xi1>, vector<16xi32>
    %add3A_515 = arith.addi %add3A_507, %select_n3A_514 : vector<16xi32>
    %ge3A_516 = vector.broadcast %squeeze3A_33 : i32 to vector<16xi32>
    %ge3A_517 = arith.cmpi sge, %add3A_465, %ge3A_516 : vector<16xi32>
    %jit3A_518 = arith.constant 1 : i32
    %jit3A_519 = arith.constant 0 : i32
    %broadcast_in_dim3A_520 = vector.broadcast %jit3A_518 : i32 to vector<16xi32>
    %broadcast_in_dim3A_521 = vector.broadcast %jit3A_519 : i32 to vector<16xi32>
    %select_n3A_522 = arith.select %ge3A_517, %broadcast_in_dim3A_520, %broadcast_in_dim3A_521 : vector<16xi1>, vector<16xi32>
    %add3A_523 = arith.addi %add3A_515, %select_n3A_522 : vector<16xi32>
    %broadcast_in_dim3A_524 = arith.constant 0 : i32
    %broadcast_in_dim3A_525 = vector.broadcast %broadcast_in_dim3A_524 : i32 to vector<16xi32>
    %eq3A_526 = arith.constant 1 : i32
    %eq3A_527 = vector.broadcast %eq3A_526 : i32 to vector<16xi32>
    %eq3A_528 = arith.cmpi eq, %add3A_523, %eq3A_527 : vector<16xi32>
    %broadcast_in_dim3A_529 = vector.broadcast %sub3A_66 : i32 to vector<16xi32>
    %select_n3A_530 = arith.select %eq3A_528, %broadcast_in_dim3A_529, %broadcast_in_dim3A_525 : vector<16xi1>, vector<16xi32>
    %eq3A_531 = arith.constant 2 : i32
    %eq3A_532 = vector.broadcast %eq3A_531 : i32 to vector<16xi32>
    %eq3A_533 = arith.cmpi eq, %add3A_523, %eq3A_532 : vector<16xi32>
    %broadcast_in_dim3A_534 = vector.broadcast %sub3A_67 : i32 to vector<16xi32>
    %select_n3A_535 = arith.select %eq3A_533, %broadcast_in_dim3A_534, %select_n3A_530 : vector<16xi1>, vector<16xi32>
    %eq3A_536 = arith.constant 3 : i32
    %eq3A_537 = vector.broadcast %eq3A_536 : i32 to vector<16xi32>
    %eq3A_538 = arith.cmpi eq, %add3A_523, %eq3A_537 : vector<16xi32>
    %broadcast_in_dim3A_539 = vector.broadcast %sub3A_68 : i32 to vector<16xi32>
    %select_n3A_540 = arith.select %eq3A_538, %broadcast_in_dim3A_539, %select_n3A_535 : vector<16xi1>, vector<16xi32>
    %eq3A_541 = arith.constant 4 : i32
    %eq3A_542 = vector.broadcast %eq3A_541 : i32 to vector<16xi32>
    %eq3A_543 = arith.cmpi eq, %add3A_523, %eq3A_542 : vector<16xi32>
    %broadcast_in_dim3A_544 = vector.broadcast %sub3A_69 : i32 to vector<16xi32>
    %select_n3A_545 = arith.select %eq3A_543, %broadcast_in_dim3A_544, %select_n3A_540 : vector<16xi1>, vector<16xi32>
    %eq3A_546 = arith.constant 5 : i32
    %eq3A_547 = vector.broadcast %eq3A_546 : i32 to vector<16xi32>
    %eq3A_548 = arith.cmpi eq, %add3A_523, %eq3A_547 : vector<16xi32>
    %broadcast_in_dim3A_549 = vector.broadcast %sub3A_70 : i32 to vector<16xi32>
    %select_n3A_550 = arith.select %eq3A_548, %broadcast_in_dim3A_549, %select_n3A_545 : vector<16xi1>, vector<16xi32>
    %eq3A_551 = arith.constant 6 : i32
    %eq3A_552 = vector.broadcast %eq3A_551 : i32 to vector<16xi32>
    %eq3A_553 = arith.cmpi eq, %add3A_523, %eq3A_552 : vector<16xi32>
    %broadcast_in_dim3A_554 = vector.broadcast %sub3A_71 : i32 to vector<16xi32>
    %select_n3A_555 = arith.select %eq3A_553, %broadcast_in_dim3A_554, %select_n3A_550 : vector<16xi1>, vector<16xi32>
    %eq3A_556 = arith.constant 7 : i32
    %eq3A_557 = vector.broadcast %eq3A_556 : i32 to vector<16xi32>
    %eq3A_558 = arith.cmpi eq, %add3A_523, %eq3A_557 : vector<16xi32>
    %broadcast_in_dim3A_559 = vector.broadcast %sub3A_72 : i32 to vector<16xi32>
    %select_n3A_560 = arith.select %eq3A_558, %broadcast_in_dim3A_559, %select_n3A_555 : vector<16xi1>, vector<16xi32>
    %add3A_561 = arith.addi %add3A_465, %select_n3A_560 : vector<16xi32>
    %dma_start3A_562 = arith.constant 0 : i32
    %dma_start3A_563 = arith.constant 1024 : i32
    %dma_start3A_564 = tpu.memref_slice %arg6[%dma_start3A_562, %dma_start3A_563] : memref<16640x2048xf32, #tpu.memory_space<hbm>> -> memref<16640x1024xf32, #tpu.memory_space<hbm>>
    tpu.enqueue_indirect_dma source(%arg13 : memref<16x1024xf32, #tpu.memory_space<vmem>>) target(%dma_start3A_564 : memref<16640x1024xf32, #tpu.memory_space<hbm>>) offsets(%add3A_561 : vector<16xi32>) semaphore(%arg25 : memref<!tpu.dma_semaphore, #tpu.memory_space<semaphore_mem>>)
    %add3A_565 = arith.constant 0 : i32
    %add3A_566 = arith.addi %mul3A_2, %add3A_565 : i32
    %multiple_of3A_567 = tpu.assume_multiple %add3A_566, 16 : i32
    %add3A_568 = vector.broadcast %multiple_of3A_567 : i32 to vector<16xi32>
    %add3A_569 = arith.addi %add3A_568, %iota3A : vector<16xi32>
    %broadcast_in_dim3A_570 = arith.constant 0 : i32
    %broadcast_in_dim3A_571 = vector.broadcast %broadcast_in_dim3A_570 : i32 to vector<16xi32>
    %ge3A_572 = vector.broadcast %squeeze3A_21 : i32 to vector<16xi32>
    %ge3A_573 = arith.cmpi sge, %add3A_569, %ge3A_572 : vector<16xi32>
    %jit3A_574 = arith.constant 1 : i32
    %jit3A_575 = arith.constant 0 : i32
    %broadcast_in_dim3A_576 = vector.broadcast %jit3A_574 : i32 to vector<16xi32>
    %broadcast_in_dim3A_577 = vector.broadcast %jit3A_575 : i32 to vector<16xi32>
    %select_n3A_578 = arith.select %ge3A_573, %broadcast_in_dim3A_576, %broadcast_in_dim3A_577 : vector<16xi1>, vector<16xi32>
    %add3A_579 = arith.addi %broadcast_in_dim3A_571, %select_n3A_578 : vector<16xi32>
    %ge3A_580 = vector.broadcast %squeeze3A_23 : i32 to vector<16xi32>
    %ge3A_581 = arith.cmpi sge, %add3A_569, %ge3A_580 : vector<16xi32>
    %jit3A_582 = arith.constant 1 : i32
    %jit3A_583 = arith.constant 0 : i32
    %broadcast_in_dim3A_584 = vector.broadcast %jit3A_582 : i32 to vector<16xi32>
    %broadcast_in_dim3A_585 = vector.broadcast %jit3A_583 : i32 to vector<16xi32>
    %select_n3A_586 = arith.select %ge3A_581, %broadcast_in_dim3A_584, %broadcast_in_dim3A_585 : vector<16xi1>, vector<16xi32>
    %add3A_587 = arith.addi %add3A_579, %select_n3A_586 : vector<16xi32>
    %ge3A_588 = vector.broadcast %squeeze3A_25 : i32 to vector<16xi32>
    %ge3A_589 = arith.cmpi sge, %add3A_569, %ge3A_588 : vector<16xi32>
    %jit3A_590 = arith.constant 1 : i32
    %jit3A_591 = arith.constant 0 : i32
    %broadcast_in_dim3A_592 = vector.broadcast %jit3A_590 : i32 to vector<16xi32>
    %broadcast_in_dim3A_593 = vector.broadcast %jit3A_591 : i32 to vector<16xi32>
    %select_n3A_594 = arith.select %ge3A_589, %broadcast_in_dim3A_592, %broadcast_in_dim3A_593 : vector<16xi1>, vector<16xi32>
    %add3A_595 = arith.addi %add3A_587, %select_n3A_594 : vector<16xi32>
    %ge3A_596 = vector.broadcast %squeeze3A_27 : i32 to vector<16xi32>
    %ge3A_597 = arith.cmpi sge, %add3A_569, %ge3A_596 : vector<16xi32>
    %jit3A_598 = arith.constant 1 : i32
    %jit3A_599 = arith.constant 0 : i32
    %broadcast_in_dim3A_600 = vector.broadcast %jit3A_598 : i32 to vector<16xi32>
    %broadcast_in_dim3A_601 = vector.broadcast %jit3A_599 : i32 to vector<16xi32>
    %select_n3A_602 = arith.select %ge3A_597, %broadcast_in_dim3A_600, %broadcast_in_dim3A_601 : vector<16xi1>, vector<16xi32>
    %add3A_603 = arith.addi %add3A_595, %select_n3A_602 : vector<16xi32>
    %ge3A_604 = vector.broadcast %squeeze3A_29 : i32 to vector<16xi32>
    %ge3A_605 = arith.cmpi sge, %add3A_569, %ge3A_604 : vector<16xi32>
    %jit3A_606 = arith.constant 1 : i32
    %jit3A_607 = arith.constant 0 : i32
    %broadcast_in_dim3A_608 = vector.broadcast %jit3A_606 : i32 to vector<16xi32>
    %broadcast_in_dim3A_609 = vector.broadcast %jit3A_607 : i32 to vector<16xi32>
    %select_n3A_610 = arith.select %ge3A_605, %broadcast_in_dim3A_608, %broadcast_in_dim3A_609 : vector<16xi1>, vector<16xi32>
    %add3A_611 = arith.addi %add3A_603, %select_n3A_610 : vector<16xi32>
    %ge3A_612 = vector.broadcast %squeeze3A_31 : i32 to vector<16xi32>
    %ge3A_613 = arith.cmpi sge, %add3A_569, %ge3A_612 : vector<16xi32>
    %jit3A_614 = arith.constant 1 : i32
    %jit3A_615 = arith.constant 0 : i32
    %broadcast_in_dim3A_616 = vector.broadcast %jit3A_614 : i32 to vector<16xi32>
    %broadcast_in_dim3A_617 = vector.broadcast %jit3A_615 : i32 to vector<16xi32>
    %select_n3A_618 = arith.select %ge3A_613, %broadcast_in_dim3A_616, %broadcast_in_dim3A_617 : vector<16xi1>, vector<16xi32>
    %add3A_619 = arith.addi %add3A_611, %select_n3A_618 : vector<16xi32>
    %ge3A_620 = vector.broadcast %squeeze3A_33 : i32 to vector<16xi32>
    %ge3A_621 = arith.cmpi sge, %add3A_569, %ge3A_620 : vector<16xi32>
    %jit3A_622 = arith.constant 1 : i32
    %jit3A_623 = arith.constant 0 : i32
    %broadcast_in_dim3A_624 = vector.broadcast %jit3A_622 : i32 to vector<16xi32>
    %broadcast_in_dim3A_625 = vector.broadcast %jit3A_623 : i32 to vector<16xi32>
    %select_n3A_626 = arith.select %ge3A_621, %broadcast_in_dim3A_624, %broadcast_in_dim3A_625 : vector<16xi1>, vector<16xi32>
    %add3A_627 = arith.addi %add3A_619, %select_n3A_626 : vector<16xi32>
    %broadcast_in_dim3A_628 = arith.constant 0 : i32
    %broadcast_in_dim3A_629 = vector.broadcast %broadcast_in_dim3A_628 : i32 to vector<16xi32>
    %eq3A_630 = arith.constant 1 : i32
    %eq3A_631 = vector.broadcast %eq3A_630 : i32 to vector<16xi32>
    %eq3A_632 = arith.cmpi eq, %add3A_627, %eq3A_631 : vector<16xi32>
    %broadcast_in_dim3A_633 = vector.broadcast %sub3A_66 : i32 to vector<16xi32>
    %select_n3A_634 = arith.select %eq3A_632, %broadcast_in_dim3A_633, %broadcast_in_dim3A_629 : vector<16xi1>, vector<16xi32>
    %eq3A_635 = arith.constant 2 : i32
    %eq3A_636 = vector.broadcast %eq3A_635 : i32 to vector<16xi32>
    %eq3A_637 = arith.cmpi eq, %add3A_627, %eq3A_636 : vector<16xi32>
    %broadcast_in_dim3A_638 = vector.broadcast %sub3A_67 : i32 to vector<16xi32>
    %select_n3A_639 = arith.select %eq3A_637, %broadcast_in_dim3A_638, %select_n3A_634 : vector<16xi1>, vector<16xi32>
    %eq3A_640 = arith.constant 3 : i32
    %eq3A_641 = vector.broadcast %eq3A_640 : i32 to vector<16xi32>
    %eq3A_642 = arith.cmpi eq, %add3A_627, %eq3A_641 : vector<16xi32>
    %broadcast_in_dim3A_643 = vector.broadcast %sub3A_68 : i32 to vector<16xi32>
    %select_n3A_644 = arith.select %eq3A_642, %broadcast_in_dim3A_643, %select_n3A_639 : vector<16xi1>, vector<16xi32>
    %eq3A_645 = arith.constant 4 : i32
    %eq3A_646 = vector.broadcast %eq3A_645 : i32 to vector<16xi32>
    %eq3A_647 = arith.cmpi eq, %add3A_627, %eq3A_646 : vector<16xi32>
    %broadcast_in_dim3A_648 = vector.broadcast %sub3A_69 : i32 to vector<16xi32>
    %select_n3A_649 = arith.select %eq3A_647, %broadcast_in_dim3A_648, %select_n3A_644 : vector<16xi1>, vector<16xi32>
    %eq3A_650 = arith.constant 5 : i32
    %eq3A_651 = vector.broadcast %eq3A_650 : i32 to vector<16xi32>
    %eq3A_652 = arith.cmpi eq, %add3A_627, %eq3A_651 : vector<16xi32>
    %broadcast_in_dim3A_653 = vector.broadcast %sub3A_70 : i32 to vector<16xi32>
    %select_n3A_654 = arith.select %eq3A_652, %broadcast_in_dim3A_653, %select_n3A_649 : vector<16xi1>, vector<16xi32>
    %eq3A_655 = arith.constant 6 : i32
    %eq3A_656 = vector.broadcast %eq3A_655 : i32 to vector<16xi32>
    %eq3A_657 = arith.cmpi eq, %add3A_627, %eq3A_656 : vector<16xi32>
    %broadcast_in_dim3A_658 = vector.broadcast %sub3A_71 : i32 to vector<16xi32>
    %select_n3A_659 = arith.select %eq3A_657, %broadcast_in_dim3A_658, %select_n3A_654 : vector<16xi1>, vector<16xi32>
    %eq3A_660 = arith.constant 7 : i32
    %eq3A_661 = vector.broadcast %eq3A_660 : i32 to vector<16xi32>
    %eq3A_662 = arith.cmpi eq, %add3A_627, %eq3A_661 : vector<16xi32>
    %broadcast_in_dim3A_663 = vector.broadcast %sub3A_72 : i32 to vector<16xi32>
    %select_n3A_664 = arith.select %eq3A_662, %broadcast_in_dim3A_663, %select_n3A_659 : vector<16xi1>, vector<16xi32>
    %add3A_665 = arith.addi %add3A_569, %select_n3A_664 : vector<16xi32>
    %dma_wait3A_666 = arith.constant 0 : i32
    %dma_wait3A_667 = arith.constant 0 : i32
    %dma_wait3A_668 = tpu.memref_slice %arg6[%dma_wait3A_666, %dma_wait3A_667] : memref<16640x2048xf32, #tpu.memory_space<hbm>> -> memref<16640x1024xf32, #tpu.memory_space<hbm>>
    tpu.wait_indirect_dma semaphore(%arg21 : memref<!tpu.dma_semaphore, #tpu.memory_space<semaphore_mem>>) src(%arg9 : memref<16x1024xf32, #tpu.memory_space<vmem>>) dst(%dma_wait3A_668 : memref<16640x1024xf32, #tpu.memory_space<hbm>>)
    %add3A_669 = arith.constant 48 : i32
    %add3A_670 = arith.addi %mul3A_2, %add3A_669 : i32
    %multiple_of3A_671 = tpu.assume_multiple %add3A_670, 16 : i32
    %dma_start3A_672 = arith.constant 0 : i32
    %dma_start3A_673 = tpu.memref_slice %arg2[%multiple_of3A_671, %dma_start3A_672] : memref<16384x2048xf32, #tpu.memory_space<hbm>> -> memref<16x1024xf32, #tpu.memory_space<hbm>>
    %dma_start3A_674 = arith.constant 0 : i32
    %dma_start3A_675 = tpu.memref_slice %arg2[%multiple_of3A_671, %dma_start3A_674] : memref<16384x2048xf32, #tpu.memory_space<hbm>> -> memref<16x1024xf32, #tpu.memory_space<hbm>>
    tpu.enqueue_dma source(%dma_start3A_675 : memref<16x1024xf32, #tpu.memory_space<hbm>>) target(%arg9 : memref<16x1024xf32, #tpu.memory_space<vmem>>) target_semaphore(%arg15 : memref<!tpu.dma_semaphore, #tpu.memory_space<semaphore_mem>>)
    %add3A_676 = arith.constant 0 : i32
    %add3A_677 = arith.addi %mul3A_2, %add3A_676 : i32
    %multiple_of3A_678 = tpu.assume_multiple %add3A_677, 16 : i32
    %add3A_679 = vector.broadcast %multiple_of3A_678 : i32 to vector<16xi32>
    %add3A_680 = arith.addi %add3A_679, %iota3A : vector<16xi32>
    %broadcast_in_dim3A_681 = arith.constant 0 : i32
    %broadcast_in_dim3A_682 = vector.broadcast %broadcast_in_dim3A_681 : i32 to vector<16xi32>
    %ge3A_683 = vector.broadcast %squeeze3A_21 : i32 to vector<16xi32>
    %ge3A_684 = arith.cmpi sge, %add3A_680, %ge3A_683 : vector<16xi32>
    %jit3A_685 = arith.constant 1 : i32
    %jit3A_686 = arith.constant 0 : i32
    %broadcast_in_dim3A_687 = vector.broadcast %jit3A_685 : i32 to vector<16xi32>
    %broadcast_in_dim3A_688 = vector.broadcast %jit3A_686 : i32 to vector<16xi32>
    %select_n3A_689 = arith.select %ge3A_684, %broadcast_in_dim3A_687, %broadcast_in_dim3A_688 : vector<16xi1>, vector<16xi32>
    %add3A_690 = arith.addi %broadcast_in_dim3A_682, %select_n3A_689 : vector<16xi32>
    %ge3A_691 = vector.broadcast %squeeze3A_23 : i32 to vector<16xi32>
    %ge3A_692 = arith.cmpi sge, %add3A_680, %ge3A_691 : vector<16xi32>
    %jit3A_693 = arith.constant 1 : i32
    %jit3A_694 = arith.constant 0 : i32
    %broadcast_in_dim3A_695 = vector.broadcast %jit3A_693 : i32 to vector<16xi32>
    %broadcast_in_dim3A_696 = vector.broadcast %jit3A_694 : i32 to vector<16xi32>
    %select_n3A_697 = arith.select %ge3A_692, %broadcast_in_dim3A_695, %broadcast_in_dim3A_696 : vector<16xi1>, vector<16xi32>
    %add3A_698 = arith.addi %add3A_690, %select_n3A_697 : vector<16xi32>
    %ge3A_699 = vector.broadcast %squeeze3A_25 : i32 to vector<16xi32>
    %ge3A_700 = arith.cmpi sge, %add3A_680, %ge3A_699 : vector<16xi32>
    %jit3A_701 = arith.constant 1 : i32
    %jit3A_702 = arith.constant 0 : i32
    %broadcast_in_dim3A_703 = vector.broadcast %jit3A_701 : i32 to vector<16xi32>
    %broadcast_in_dim3A_704 = vector.broadcast %jit3A_702 : i32 to vector<16xi32>
    %select_n3A_705 = arith.select %ge3A_700, %broadcast_in_dim3A_703, %broadcast_in_dim3A_704 : vector<16xi1>, vector<16xi32>
    %add3A_706 = arith.addi %add3A_698, %select_n3A_705 : vector<16xi32>
    %ge3A_707 = vector.broadcast %squeeze3A_27 : i32 to vector<16xi32>
    %ge3A_708 = arith.cmpi sge, %add3A_680, %ge3A_707 : vector<16xi32>
    %jit3A_709 = arith.constant 1 : i32
    %jit3A_710 = arith.constant 0 : i32
    %broadcast_in_dim3A_711 = vector.broadcast %jit3A_709 : i32 to vector<16xi32>
    %broadcast_in_dim3A_712 = vector.broadcast %jit3A_710 : i32 to vector<16xi32>
    %select_n3A_713 = arith.select %ge3A_708, %broadcast_in_dim3A_711, %broadcast_in_dim3A_712 : vector<16xi1>, vector<16xi32>
    %add3A_714 = arith.addi %add3A_706, %select_n3A_713 : vector<16xi32>
    %ge3A_715 = vector.broadcast %squeeze3A_29 : i32 to vector<16xi32>
    %ge3A_716 = arith.cmpi sge, %add3A_680, %ge3A_715 : vector<16xi32>
    %jit3A_717 = arith.constant 1 : i32
    %jit3A_718 = arith.constant 0 : i32
    %broadcast_in_dim3A_719 = vector.broadcast %jit3A_717 : i32 to vector<16xi32>
    %broadcast_in_dim3A_720 = vector.broadcast %jit3A_718 : i32 to vector<16xi32>
    %select_n3A_721 = arith.select %ge3A_716, %broadcast_in_dim3A_719, %broadcast_in_dim3A_720 : vector<16xi1>, vector<16xi32>
    %add3A_722 = arith.addi %add3A_714, %select_n3A_721 : vector<16xi32>
    %ge3A_723 = vector.broadcast %squeeze3A_31 : i32 to vector<16xi32>
    %ge3A_724 = arith.cmpi sge, %add3A_680, %ge3A_723 : vector<16xi32>
    %jit3A_725 = arith.constant 1 : i32
    %jit3A_726 = arith.constant 0 : i32
    %broadcast_in_dim3A_727 = vector.broadcast %jit3A_725 : i32 to vector<16xi32>
    %broadcast_in_dim3A_728 = vector.broadcast %jit3A_726 : i32 to vector<16xi32>
    %select_n3A_729 = arith.select %ge3A_724, %broadcast_in_dim3A_727, %broadcast_in_dim3A_728 : vector<16xi1>, vector<16xi32>
    %add3A_730 = arith.addi %add3A_722, %select_n3A_729 : vector<16xi32>
    %ge3A_731 = vector.broadcast %squeeze3A_33 : i32 to vector<16xi32>
    %ge3A_732 = arith.cmpi sge, %add3A_680, %ge3A_731 : vector<16xi32>
    %jit3A_733 = arith.constant 1 : i32
    %jit3A_734 = arith.constant 0 : i32
    %broadcast_in_dim3A_735 = vector.broadcast %jit3A_733 : i32 to vector<16xi32>
    %broadcast_in_dim3A_736 = vector.broadcast %jit3A_734 : i32 to vector<16xi32>
    %select_n3A_737 = arith.select %ge3A_732, %broadcast_in_dim3A_735, %broadcast_in_dim3A_736 : vector<16xi1>, vector<16xi32>
    %add3A_738 = arith.addi %add3A_730, %select_n3A_737 : vector<16xi32>
    %broadcast_in_dim3A_739 = arith.constant 0 : i32
    %broadcast_in_dim3A_740 = vector.broadcast %broadcast_in_dim3A_739 : i32 to vector<16xi32>
    %eq3A_741 = arith.constant 1 : i32
    %eq3A_742 = vector.broadcast %eq3A_741 : i32 to vector<16xi32>
    %eq3A_743 = arith.cmpi eq, %add3A_738, %eq3A_742 : vector<16xi32>
    %broadcast_in_dim3A_744 = vector.broadcast %sub3A_66 : i32 to vector<16xi32>
    %select_n3A_745 = arith.select %eq3A_743, %broadcast_in_dim3A_744, %broadcast_in_dim3A_740 : vector<16xi1>, vector<16xi32>
    %eq3A_746 = arith.constant 2 : i32
    %eq3A_747 = vector.broadcast %eq3A_746 : i32 to vector<16xi32>
    %eq3A_748 = arith.cmpi eq, %add3A_738, %eq3A_747 : vector<16xi32>
    %broadcast_in_dim3A_749 = vector.broadcast %sub3A_67 : i32 to vector<16xi32>
    %select_n3A_750 = arith.select %eq3A_748, %broadcast_in_dim3A_749, %select_n3A_745 : vector<16xi1>, vector<16xi32>
    %eq3A_751 = arith.constant 3 : i32
    %eq3A_752 = vector.broadcast %eq3A_751 : i32 to vector<16xi32>
    %eq3A_753 = arith.cmpi eq, %add3A_738, %eq3A_752 : vector<16xi32>
    %broadcast_in_dim3A_754 = vector.broadcast %sub3A_68 : i32 to vector<16xi32>
    %select_n3A_755 = arith.select %eq3A_753, %broadcast_in_dim3A_754, %select_n3A_750 : vector<16xi1>, vector<16xi32>
    %eq3A_756 = arith.constant 4 : i32
    %eq3A_757 = vector.broadcast %eq3A_756 : i32 to vector<16xi32>
    %eq3A_758 = arith.cmpi eq, %add3A_738, %eq3A_757 : vector<16xi32>
    %broadcast_in_dim3A_759 = vector.broadcast %sub3A_69 : i32 to vector<16xi32>
    %select_n3A_760 = arith.select %eq3A_758, %broadcast_in_dim3A_759, %select_n3A_755 : vector<16xi1>, vector<16xi32>
    %eq3A_761 = arith.constant 5 : i32
    %eq3A_762 = vector.broadcast %eq3A_761 : i32 to vector<16xi32>
    %eq3A_763 = arith.cmpi eq, %add3A_738, %eq3A_762 : vector<16xi32>
    %broadcast_in_dim3A_764 = vector.broadcast %sub3A_70 : i32 to vector<16xi32>
    %select_n3A_765 = arith.select %eq3A_763, %broadcast_in_dim3A_764, %select_n3A_760 : vector<16xi1>, vector<16xi32>
    %eq3A_766 = arith.constant 6 : i32
    %eq3A_767 = vector.broadcast %eq3A_766 : i32 to vector<16xi32>
    %eq3A_768 = arith.cmpi eq, %add3A_738, %eq3A_767 : vector<16xi32>
    %broadcast_in_dim3A_769 = vector.broadcast %sub3A_71 : i32 to vector<16xi32>
    %select_n3A_770 = arith.select %eq3A_768, %broadcast_in_dim3A_769, %select_n3A_765 : vector<16xi1>, vector<16xi32>
    %eq3A_771 = arith.constant 7 : i32
    %eq3A_772 = vector.broadcast %eq3A_771 : i32 to vector<16xi32>
    %eq3A_773 = arith.cmpi eq, %add3A_738, %eq3A_772 : vector<16xi32>
    %broadcast_in_dim3A_774 = vector.broadcast %sub3A_72 : i32 to vector<16xi32>
    %select_n3A_775 = arith.select %eq3A_773, %broadcast_in_dim3A_774, %select_n3A_770 : vector<16xi1>, vector<16xi32>
    %add3A_776 = arith.addi %add3A_680, %select_n3A_775 : vector<16xi32>
    %dma_wait3A_777 = arith.constant 0 : i32
    %dma_wait3A_778 = arith.constant 1024 : i32
    %dma_wait3A_779 = tpu.memref_slice %arg6[%dma_wait3A_777, %dma_wait3A_778] : memref<16640x2048xf32, #tpu.memory_space<hbm>> -> memref<16640x1024xf32, #tpu.memory_space<hbm>>
    tpu.wait_indirect_dma semaphore(%arg24 : memref<!tpu.dma_semaphore, #tpu.memory_space<semaphore_mem>>) src(%arg12 : memref<16x1024xf32, #tpu.memory_space<vmem>>) dst(%dma_wait3A_779 : memref<16640x1024xf32, #tpu.memory_space<hbm>>)
    %add3A_780 = arith.constant 48 : i32
    %add3A_781 = arith.addi %mul3A_2, %add3A_780 : i32
    %multiple_of3A_782 = tpu.assume_multiple %add3A_781, 16 : i32
    %dma_start3A_783 = arith.constant 1024 : i32
    %dma_start3A_784 = tpu.memref_slice %arg2[%multiple_of3A_782, %dma_start3A_783] : memref<16384x2048xf32, #tpu.memory_space<hbm>> -> memref<16x1024xf32, #tpu.memory_space<hbm>>
    %dma_start3A_785 = arith.constant 1024 : i32
    %dma_start3A_786 = tpu.memref_slice %arg2[%multiple_of3A_782, %dma_start3A_785] : memref<16384x2048xf32, #tpu.memory_space<hbm>> -> memref<16x1024xf32, #tpu.memory_space<hbm>>
    tpu.enqueue_dma source(%dma_start3A_786 : memref<16x1024xf32, #tpu.memory_space<hbm>>) target(%arg12 : memref<16x1024xf32, #tpu.memory_space<vmem>>) target_semaphore(%arg18 : memref<!tpu.dma_semaphore, #tpu.memory_space<semaphore_mem>>)
    %add3A_787 = arith.constant 32 : i32
    %add3A_788 = arith.addi %mul3A_2, %add3A_787 : i32
    %multiple_of3A_789 = tpu.assume_multiple %add3A_788, 16 : i32
    %dma_wait3A_790 = arith.constant 0 : i32
    %dma_wait3A_791 = tpu.memref_slice %arg2[%multiple_of3A_789, %dma_wait3A_790] : memref<16384x2048xf32, #tpu.memory_space<hbm>> -> memref<16x1024xf32, #tpu.memory_space<hbm>>
    %dma_wait3A_792 = arith.constant 0 : i32
    %dma_wait3A_793 = tpu.memref_slice %arg2[%multiple_of3A_789, %dma_wait3A_792] : memref<16384x2048xf32, #tpu.memory_space<hbm>> -> memref<16x1024xf32, #tpu.memory_space<hbm>>
    tpu.wait_dma2 semaphore(%arg17 : memref<!tpu.dma_semaphore, #tpu.memory_space<semaphore_mem>>) src(%dma_wait3A_793 : memref<16x1024xf32, #tpu.memory_space<hbm>>) dst(%arg11 : memref<16x1024xf32, #tpu.memory_space<vmem>>)
    %add3A_794 = arith.constant 32 : i32
    %add3A_795 = arith.addi %mul3A_2, %add3A_794 : i32
    %multiple_of3A_796 = tpu.assume_multiple %add3A_795, 16 : i32
    %add3A_797 = vector.broadcast %multiple_of3A_796 : i32 to vector<16xi32>
    %add3A_798 = arith.addi %add3A_797, %iota3A : vector<16xi32>
    %broadcast_in_dim3A_799 = arith.constant 0 : i32
    %broadcast_in_dim3A_800 = vector.broadcast %broadcast_in_dim3A_799 : i32 to vector<16xi32>
    %ge3A_801 = vector.broadcast %squeeze3A_21 : i32 to vector<16xi32>
    %ge3A_802 = arith.cmpi sge, %add3A_798, %ge3A_801 : vector<16xi32>
    %jit3A_803 = arith.constant 1 : i32
    %jit3A_804 = arith.constant 0 : i32
    %broadcast_in_dim3A_805 = vector.broadcast %jit3A_803 : i32 to vector<16xi32>
    %broadcast_in_dim3A_806 = vector.broadcast %jit3A_804 : i32 to vector<16xi32>
    %select_n3A_807 = arith.select %ge3A_802, %broadcast_in_dim3A_805, %broadcast_in_dim3A_806 : vector<16xi1>, vector<16xi32>
    %add3A_808 = arith.addi %broadcast_in_dim3A_800, %select_n3A_807 : vector<16xi32>
    %ge3A_809 = vector.broadcast %squeeze3A_23 : i32 to vector<16xi32>
    %ge3A_810 = arith.cmpi sge, %add3A_798, %ge3A_809 : vector<16xi32>
    %jit3A_811 = arith.constant 1 : i32
    %jit3A_812 = arith.constant 0 : i32
    %broadcast_in_dim3A_813 = vector.broadcast %jit3A_811 : i32 to vector<16xi32>
    %broadcast_in_dim3A_814 = vector.broadcast %jit3A_812 : i32 to vector<16xi32>
    %select_n3A_815 = arith.select %ge3A_810, %broadcast_in_dim3A_813, %broadcast_in_dim3A_814 : vector<16xi1>, vector<16xi32>
    %add3A_816 = arith.addi %add3A_808, %select_n3A_815 : vector<16xi32>
    %ge3A_817 = vector.broadcast %squeeze3A_25 : i32 to vector<16xi32>
    %ge3A_818 = arith.cmpi sge, %add3A_798, %ge3A_817 : vector<16xi32>
    %jit3A_819 = arith.constant 1 : i32
    %jit3A_820 = arith.constant 0 : i32
    %broadcast_in_dim3A_821 = vector.broadcast %jit3A_819 : i32 to vector<16xi32>
    %broadcast_in_dim3A_822 = vector.broadcast %jit3A_820 : i32 to vector<16xi32>
    %select_n3A_823 = arith.select %ge3A_818, %broadcast_in_dim3A_821, %broadcast_in_dim3A_822 : vector<16xi1>, vector<16xi32>
    %add3A_824 = arith.addi %add3A_816, %select_n3A_823 : vector<16xi32>
    %ge3A_825 = vector.broadcast %squeeze3A_27 : i32 to vector<16xi32>
    %ge3A_826 = arith.cmpi sge, %add3A_798, %ge3A_825 : vector<16xi32>
    %jit3A_827 = arith.constant 1 : i32
    %jit3A_828 = arith.constant 0 : i32
    %broadcast_in_dim3A_829 = vector.broadcast %jit3A_827 : i32 to vector<16xi32>
    %broadcast_in_dim3A_830 = vector.broadcast %jit3A_828 : i32 to vector<16xi32>
    %select_n3A_831 = arith.select %ge3A_826, %broadcast_in_dim3A_829, %broadcast_in_dim3A_830 : vector<16xi1>, vector<16xi32>
    %add3A_832 = arith.addi %add3A_824, %select_n3A_831 : vector<16xi32>
    %ge3A_833 = vector.broadcast %squeeze3A_29 : i32 to vector<16xi32>
    %ge3A_834 = arith.cmpi sge, %add3A_798, %ge3A_833 : vector<16xi32>
    %jit3A_835 = arith.constant 1 : i32
    %jit3A_836 = arith.constant 0 : i32
    %broadcast_in_dim3A_837 = vector.broadcast %jit3A_835 : i32 to vector<16xi32>
    %broadcast_in_dim3A_838 = vector.broadcast %jit3A_836 : i32 to vector<16xi32>
    %select_n3A_839 = arith.select %ge3A_834, %broadcast_in_dim3A_837, %broadcast_in_dim3A_838 : vector<16xi1>, vector<16xi32>
    %add3A_840 = arith.addi %add3A_832, %select_n3A_839 : vector<16xi32>
    %ge3A_841 = vector.broadcast %squeeze3A_31 : i32 to vector<16xi32>
    %ge3A_842 = arith.cmpi sge, %add3A_798, %ge3A_841 : vector<16xi32>
    %jit3A_843 = arith.constant 1 : i32
    %jit3A_844 = arith.constant 0 : i32
    %broadcast_in_dim3A_845 = vector.broadcast %jit3A_843 : i32 to vector<16xi32>
    %broadcast_in_dim3A_846 = vector.broadcast %jit3A_844 : i32 to vector<16xi32>
    %select_n3A_847 = arith.select %ge3A_842, %broadcast_in_dim3A_845, %broadcast_in_dim3A_846 : vector<16xi1>, vector<16xi32>
    %add3A_848 = arith.addi %add3A_840, %select_n3A_847 : vector<16xi32>
    %ge3A_849 = vector.broadcast %squeeze3A_33 : i32 to vector<16xi32>
    %ge3A_850 = arith.cmpi sge, %add3A_798, %ge3A_849 : vector<16xi32>
    %jit3A_851 = arith.constant 1 : i32
    %jit3A_852 = arith.constant 0 : i32
    %broadcast_in_dim3A_853 = vector.broadcast %jit3A_851 : i32 to vector<16xi32>
    %broadcast_in_dim3A_854 = vector.broadcast %jit3A_852 : i32 to vector<16xi32>
    %select_n3A_855 = arith.select %ge3A_850, %broadcast_in_dim3A_853, %broadcast_in_dim3A_854 : vector<16xi1>, vector<16xi32>
    %add3A_856 = arith.addi %add3A_848, %select_n3A_855 : vector<16xi32>
    %broadcast_in_dim3A_857 = arith.constant 0 : i32
    %broadcast_in_dim3A_858 = vector.broadcast %broadcast_in_dim3A_857 : i32 to vector<16xi32>
    %eq3A_859 = arith.constant 1 : i32
    %eq3A_860 = vector.broadcast %eq3A_859 : i32 to vector<16xi32>
    %eq3A_861 = arith.cmpi eq, %add3A_856, %eq3A_860 : vector<16xi32>
    %broadcast_in_dim3A_862 = vector.broadcast %sub3A_66 : i32 to vector<16xi32>
    %select_n3A_863 = arith.select %eq3A_861, %broadcast_in_dim3A_862, %broadcast_in_dim3A_858 : vector<16xi1>, vector<16xi32>
    %eq3A_864 = arith.constant 2 : i32
    %eq3A_865 = vector.broadcast %eq3A_864 : i32 to vector<16xi32>
    %eq3A_866 = arith.cmpi eq, %add3A_856, %eq3A_865 : vector<16xi32>
    %broadcast_in_dim3A_867 = vector.broadcast %sub3A_67 : i32 to vector<16xi32>
    %select_n3A_868 = arith.select %eq3A_866, %broadcast_in_dim3A_867, %select_n3A_863 : vector<16xi1>, vector<16xi32>
    %eq3A_869 = arith.constant 3 : i32
    %eq3A_870 = vector.broadcast %eq3A_869 : i32 to vector<16xi32>
    %eq3A_871 = arith.cmpi eq, %add3A_856, %eq3A_870 : vector<16xi32>
    %broadcast_in_dim3A_872 = vector.broadcast %sub3A_68 : i32 to vector<16xi32>
    %select_n3A_873 = arith.select %eq3A_871, %broadcast_in_dim3A_872, %select_n3A_868 : vector<16xi1>, vector<16xi32>
    %eq3A_874 = arith.constant 4 : i32
    %eq3A_875 = vector.broadcast %eq3A_874 : i32 to vector<16xi32>
    %eq3A_876 = arith.cmpi eq, %add3A_856, %eq3A_875 : vector<16xi32>
    %broadcast_in_dim3A_877 = vector.broadcast %sub3A_69 : i32 to vector<16xi32>
    %select_n3A_878 = arith.select %eq3A_876, %broadcast_in_dim3A_877, %select_n3A_873 : vector<16xi1>, vector<16xi32>
    %eq3A_879 = arith.constant 5 : i32
    %eq3A_880 = vector.broadcast %eq3A_879 : i32 to vector<16xi32>
    %eq3A_881 = arith.cmpi eq, %add3A_856, %eq3A_880 : vector<16xi32>
    %broadcast_in_dim3A_882 = vector.broadcast %sub3A_70 : i32 to vector<16xi32>
    %select_n3A_883 = arith.select %eq3A_881, %broadcast_in_dim3A_882, %select_n3A_878 : vector<16xi1>, vector<16xi32>
    %eq3A_884 = arith.constant 6 : i32
    %eq3A_885 = vector.broadcast %eq3A_884 : i32 to vector<16xi32>
    %eq3A_886 = arith.cmpi eq, %add3A_856, %eq3A_885 : vector<16xi32>
    %broadcast_in_dim3A_887 = vector.broadcast %sub3A_71 : i32 to vector<16xi32>
    %select_n3A_888 = arith.select %eq3A_886, %broadcast_in_dim3A_887, %select_n3A_883 : vector<16xi1>, vector<16xi32>
    %eq3A_889 = arith.constant 7 : i32
    %eq3A_890 = vector.broadcast %eq3A_889 : i32 to vector<16xi32>
    %eq3A_891 = arith.cmpi eq, %add3A_856, %eq3A_890 : vector<16xi32>
    %broadcast_in_dim3A_892 = vector.broadcast %sub3A_72 : i32 to vector<16xi32>
    %select_n3A_893 = arith.select %eq3A_891, %broadcast_in_dim3A_892, %select_n3A_888 : vector<16xi1>, vector<16xi32>
    %add3A_894 = arith.addi %add3A_798, %select_n3A_893 : vector<16xi32>
    %dma_start3A_895 = arith.constant 0 : i32
    %dma_start3A_896 = arith.constant 0 : i32
    %dma_start3A_897 = tpu.memref_slice %arg6[%dma_start3A_895, %dma_start3A_896] : memref<16640x2048xf32, #tpu.memory_space<hbm>> -> memref<16640x1024xf32, #tpu.memory_space<hbm>>
    tpu.enqueue_indirect_dma source(%arg11 : memref<16x1024xf32, #tpu.memory_space<vmem>>) target(%dma_start3A_897 : memref<16640x1024xf32, #tpu.memory_space<hbm>>) offsets(%add3A_894 : vector<16xi32>) semaphore(%arg23 : memref<!tpu.dma_semaphore, #tpu.memory_space<semaphore_mem>>)
    %add3A_898 = arith.constant 32 : i32
    %add3A_899 = arith.addi %mul3A_2, %add3A_898 : i32
    %multiple_of3A_900 = tpu.assume_multiple %add3A_899, 16 : i32
    %dma_wait3A_901 = arith.constant 1024 : i32
    %dma_wait3A_902 = tpu.memref_slice %arg2[%multiple_of3A_900, %dma_wait3A_901] : memref<16384x2048xf32, #tpu.memory_space<hbm>> -> memref<16x1024xf32, #tpu.memory_space<hbm>>
    %dma_wait3A_903 = arith.constant 1024 : i32
    %dma_wait3A_904 = tpu.memref_slice %arg2[%multiple_of3A_900, %dma_wait3A_903] : memref<16384x2048xf32, #tpu.memory_space<hbm>> -> memref<16x1024xf32, #tpu.memory_space<hbm>>
    tpu.wait_dma2 semaphore(%arg20 : memref<!tpu.dma_semaphore, #tpu.memory_space<semaphore_mem>>) src(%dma_wait3A_904 : memref<16x1024xf32, #tpu.memory_space<hbm>>) dst(%arg14 : memref<16x1024xf32, #tpu.memory_space<vmem>>)
    %add3A_905 = arith.constant 32 : i32
    %add3A_906 = arith.addi %mul3A_2, %add3A_905 : i32
    %multiple_of3A_907 = tpu.assume_multiple %add3A_906, 16 : i32
    %add3A_908 = vector.broadcast %multiple_of3A_907 : i32 to vector<16xi32>
    %add3A_909 = arith.addi %add3A_908, %iota3A : vector<16xi32>
    %broadcast_in_dim3A_910 = arith.constant 0 : i32
    %broadcast_in_dim3A_911 = vector.broadcast %broadcast_in_dim3A_910 : i32 to vector<16xi32>
    %ge3A_912 = vector.broadcast %squeeze3A_21 : i32 to vector<16xi32>
    %ge3A_913 = arith.cmpi sge, %add3A_909, %ge3A_912 : vector<16xi32>
    %jit3A_914 = arith.constant 1 : i32
    %jit3A_915 = arith.constant 0 : i32
    %broadcast_in_dim3A_916 = vector.broadcast %jit3A_914 : i32 to vector<16xi32>
    %broadcast_in_dim3A_917 = vector.broadcast %jit3A_915 : i32 to vector<16xi32>
    %select_n3A_918 = arith.select %ge3A_913, %broadcast_in_dim3A_916, %broadcast_in_dim3A_917 : vector<16xi1>, vector<16xi32>
    %add3A_919 = arith.addi %broadcast_in_dim3A_911, %select_n3A_918 : vector<16xi32>
    %ge3A_920 = vector.broadcast %squeeze3A_23 : i32 to vector<16xi32>
    %ge3A_921 = arith.cmpi sge, %add3A_909, %ge3A_920 : vector<16xi32>
    %jit3A_922 = arith.constant 1 : i32
    %jit3A_923 = arith.constant 0 : i32
    %broadcast_in_dim3A_924 = vector.broadcast %jit3A_922 : i32 to vector<16xi32>
    %broadcast_in_dim3A_925 = vector.broadcast %jit3A_923 : i32 to vector<16xi32>
    %select_n3A_926 = arith.select %ge3A_921, %broadcast_in_dim3A_924, %broadcast_in_dim3A_925 : vector<16xi1>, vector<16xi32>
    %add3A_927 = arith.addi %add3A_919, %select_n3A_926 : vector<16xi32>
    %ge3A_928 = vector.broadcast %squeeze3A_25 : i32 to vector<16xi32>
    %ge3A_929 = arith.cmpi sge, %add3A_909, %ge3A_928 : vector<16xi32>
    %jit3A_930 = arith.constant 1 : i32
    %jit3A_931 = arith.constant 0 : i32
    %broadcast_in_dim3A_932 = vector.broadcast %jit3A_930 : i32 to vector<16xi32>
    %broadcast_in_dim3A_933 = vector.broadcast %jit3A_931 : i32 to vector<16xi32>
    %select_n3A_934 = arith.select %ge3A_929, %broadcast_in_dim3A_932, %broadcast_in_dim3A_933 : vector<16xi1>, vector<16xi32>
    %add3A_935 = arith.addi %add3A_927, %select_n3A_934 : vector<16xi32>
    %ge3A_936 = vector.broadcast %squeeze3A_27 : i32 to vector<16xi32>
    %ge3A_937 = arith.cmpi sge, %add3A_909, %ge3A_936 : vector<16xi32>
    %jit3A_938 = arith.constant 1 : i32
    %jit3A_939 = arith.constant 0 : i32
    %broadcast_in_dim3A_940 = vector.broadcast %jit3A_938 : i32 to vector<16xi32>
    %broadcast_in_dim3A_941 = vector.broadcast %jit3A_939 : i32 to vector<16xi32>
    %select_n3A_942 = arith.select %ge3A_937, %broadcast_in_dim3A_940, %broadcast_in_dim3A_941 : vector<16xi1>, vector<16xi32>
    %add3A_943 = arith.addi %add3A_935, %select_n3A_942 : vector<16xi32>
    %ge3A_944 = vector.broadcast %squeeze3A_29 : i32 to vector<16xi32>
    %ge3A_945 = arith.cmpi sge, %add3A_909, %ge3A_944 : vector<16xi32>
    %jit3A_946 = arith.constant 1 : i32
    %jit3A_947 = arith.constant 0 : i32
    %broadcast_in_dim3A_948 = vector.broadcast %jit3A_946 : i32 to vector<16xi32>
    %broadcast_in_dim3A_949 = vector.broadcast %jit3A_947 : i32 to vector<16xi32>
    %select_n3A_950 = arith.select %ge3A_945, %broadcast_in_dim3A_948, %broadcast_in_dim3A_949 : vector<16xi1>, vector<16xi32>
    %add3A_951 = arith.addi %add3A_943, %select_n3A_950 : vector<16xi32>
    %ge3A_952 = vector.broadcast %squeeze3A_31 : i32 to vector<16xi32>
    %ge3A_953 = arith.cmpi sge, %add3A_909, %ge3A_952 : vector<16xi32>
    %jit3A_954 = arith.constant 1 : i32
    %jit3A_955 = arith.constant 0 : i32
    %broadcast_in_dim3A_956 = vector.broadcast %jit3A_954 : i32 to vector<16xi32>
    %broadcast_in_dim3A_957 = vector.broadcast %jit3A_955 : i32 to vector<16xi32>
    %select_n3A_958 = arith.select %ge3A_953, %broadcast_in_dim3A_956, %broadcast_in_dim3A_957 : vector<16xi1>, vector<16xi32>
    %add3A_959 = arith.addi %add3A_951, %select_n3A_958 : vector<16xi32>
    %ge3A_960 = vector.broadcast %squeeze3A_33 : i32 to vector<16xi32>
    %ge3A_961 = arith.cmpi sge, %add3A_909, %ge3A_960 : vector<16xi32>
    %jit3A_962 = arith.constant 1 : i32
    %jit3A_963 = arith.constant 0 : i32
    %broadcast_in_dim3A_964 = vector.broadcast %jit3A_962 : i32 to vector<16xi32>
    %broadcast_in_dim3A_965 = vector.broadcast %jit3A_963 : i32 to vector<16xi32>
    %select_n3A_966 = arith.select %ge3A_961, %broadcast_in_dim3A_964, %broadcast_in_dim3A_965 : vector<16xi1>, vector<16xi32>
    %add3A_967 = arith.addi %add3A_959, %select_n3A_966 : vector<16xi32>
    %broadcast_in_dim3A_968 = arith.constant 0 : i32
    %broadcast_in_dim3A_969 = vector.broadcast %broadcast_in_dim3A_968 : i32 to vector<16xi32>
    %eq3A_970 = arith.constant 1 : i32
    %eq3A_971 = vector.broadcast %eq3A_970 : i32 to vector<16xi32>
    %eq3A_972 = arith.cmpi eq, %add3A_967, %eq3A_971 : vector<16xi32>
    %broadcast_in_dim3A_973 = vector.broadcast %sub3A_66 : i32 to vector<16xi32>
    %select_n3A_974 = arith.select %eq3A_972, %broadcast_in_dim3A_973, %broadcast_in_dim3A_969 : vector<16xi1>, vector<16xi32>
    %eq3A_975 = arith.constant 2 : i32
    %eq3A_976 = vector.broadcast %eq3A_975 : i32 to vector<16xi32>
    %eq3A_977 = arith.cmpi eq, %add3A_967, %eq3A_976 : vector<16xi32>
    %broadcast_in_dim3A_978 = vector.broadcast %sub3A_67 : i32 to vector<16xi32>
    %select_n3A_979 = arith.select %eq3A_977, %broadcast_in_dim3A_978, %select_n3A_974 : vector<16xi1>, vector<16xi32>
    %eq3A_980 = arith.constant 3 : i32
    %eq3A_981 = vector.broadcast %eq3A_980 : i32 to vector<16xi32>
    %eq3A_982 = arith.cmpi eq, %add3A_967, %eq3A_981 : vector<16xi32>
    %broadcast_in_dim3A_983 = vector.broadcast %sub3A_68 : i32 to vector<16xi32>
    %select_n3A_984 = arith.select %eq3A_982, %broadcast_in_dim3A_983, %select_n3A_979 : vector<16xi1>, vector<16xi32>
    %eq3A_985 = arith.constant 4 : i32
    %eq3A_986 = vector.broadcast %eq3A_985 : i32 to vector<16xi32>
    %eq3A_987 = arith.cmpi eq, %add3A_967, %eq3A_986 : vector<16xi32>
    %broadcast_in_dim3A_988 = vector.broadcast %sub3A_69 : i32 to vector<16xi32>
    %select_n3A_989 = arith.select %eq3A_987, %broadcast_in_dim3A_988, %select_n3A_984 : vector<16xi1>, vector<16xi32>
    %eq3A_990 = arith.constant 5 : i32
    %eq3A_991 = vector.broadcast %eq3A_990 : i32 to vector<16xi32>
    %eq3A_992 = arith.cmpi eq, %add3A_967, %eq3A_991 : vector<16xi32>
    %broadcast_in_dim3A_993 = vector.broadcast %sub3A_70 : i32 to vector<16xi32>
    %select_n3A_994 = arith.select %eq3A_992, %broadcast_in_dim3A_993, %select_n3A_989 : vector<16xi1>, vector<16xi32>
    %eq3A_995 = arith.constant 6 : i32
    %eq3A_996 = vector.broadcast %eq3A_995 : i32 to vector<16xi32>
    %eq3A_997 = arith.cmpi eq, %add3A_967, %eq3A_996 : vector<16xi32>
    %broadcast_in_dim3A_998 = vector.broadcast %sub3A_71 : i32 to vector<16xi32>
    %select_n3A_999 = arith.select %eq3A_997, %broadcast_in_dim3A_998, %select_n3A_994 : vector<16xi1>, vector<16xi32>
    %eq3A_1000 = arith.constant 7 : i32
    %eq3A_1001 = vector.broadcast %eq3A_1000 : i32 to vector<16xi32>
    %eq3A_1002 = arith.cmpi eq, %add3A_967, %eq3A_1001 : vector<16xi32>
    %broadcast_in_dim3A_1003 = vector.broadcast %sub3A_72 : i32 to vector<16xi32>
    %select_n3A_1004 = arith.select %eq3A_1002, %broadcast_in_dim3A_1003, %select_n3A_999 : vector<16xi1>, vector<16xi32>
    %add3A_1005 = arith.addi %add3A_909, %select_n3A_1004 : vector<16xi32>
    %dma_start3A_1006 = arith.constant 0 : i32
    %dma_start3A_1007 = arith.constant 1024 : i32
    %dma_start3A_1008 = tpu.memref_slice %arg6[%dma_start3A_1006, %dma_start3A_1007] : memref<16640x2048xf32, #tpu.memory_space<hbm>> -> memref<16640x1024xf32, #tpu.memory_space<hbm>>
    tpu.enqueue_indirect_dma source(%arg14 : memref<16x1024xf32, #tpu.memory_space<vmem>>) target(%dma_start3A_1008 : memref<16640x1024xf32, #tpu.memory_space<hbm>>) offsets(%add3A_1005 : vector<16xi32>) semaphore(%arg26 : memref<!tpu.dma_semaphore, #tpu.memory_space<semaphore_mem>>)
    %scan3A = arith.constant 0 : i32
    %scan3A_1009 = arith.constant 1 : i32
    %scan3A_1010 = arith.constant 9 : i32
    %scan3A_1011 = arith.addi %scan3A_1009, %scan3A_1010 : i32
    %scan3A_1012 = arith.constant 1 : i32
    scf.for %scan3A_2417 = %scan3A_1009 to %scan3A_1011 step %scan3A_1012  : i32 {
      %mul3A_2418 = arith.constant 3 : i32
      %mul3A_2419 = arith.muli %mul3A_2418, %scan3A_2417 : i32
      %add3A_2420 = arith.constant 0 : i32
      %add3A_2421 = arith.addi %mul3A_2419, %add3A_2420 : i32
      %sub3A_2422 = arith.constant 2 : i32
      %sub3A_2423 = arith.subi %add3A_2421, %sub3A_2422 : i32
      %mul3A_2424 = arith.constant 16 : i32
      %mul3A_2425 = arith.muli %sub3A_2423, %mul3A_2424 : i32
      %add3A_2426 = arith.addi %mul3A_2, %mul3A_2425 : i32
      %multiple_of3A_2427 = tpu.assume_multiple %add3A_2426, 16 : i32
      %add3A_2428 = vector.broadcast %multiple_of3A_2427 : i32 to vector<16xi32>
      %add3A_2429 = arith.addi %add3A_2428, %iota3A : vector<16xi32>
      %broadcast_in_dim3A_2430 = arith.constant 0 : i32
      %broadcast_in_dim3A_2431 = vector.broadcast %broadcast_in_dim3A_2430 : i32 to vector<16xi32>
      %ge3A_2432 = vector.broadcast %squeeze3A_21 : i32 to vector<16xi32>
      %ge3A_2433 = arith.cmpi sge, %add3A_2429, %ge3A_2432 : vector<16xi32>
      %jit3A_2434 = arith.constant 1 : i32
      %jit3A_2435 = arith.constant 0 : i32
      %broadcast_in_dim3A_2436 = vector.broadcast %jit3A_2434 : i32 to vector<16xi32>
      %broadcast_in_dim3A_2437 = vector.broadcast %jit3A_2435 : i32 to vector<16xi32>
      %select_n3A_2438 = arith.select %ge3A_2433, %broadcast_in_dim3A_2436, %broadcast_in_dim3A_2437 : vector<16xi1>, vector<16xi32>
      %add3A_2439 = arith.addi %broadcast_in_dim3A_2431, %select_n3A_2438 : vector<16xi32>
      %ge3A_2440 = vector.broadcast %squeeze3A_23 : i32 to vector<16xi32>
      %ge3A_2441 = arith.cmpi sge, %add3A_2429, %ge3A_2440 : vector<16xi32>
      %jit3A_2442 = arith.constant 1 : i32
      %jit3A_2443 = arith.constant 0 : i32
      %broadcast_in_dim3A_2444 = vector.broadcast %jit3A_2442 : i32 to vector<16xi32>
      %broadcast_in_dim3A_2445 = vector.broadcast %jit3A_2443 : i32 to vector<16xi32>
      %select_n3A_2446 = arith.select %ge3A_2441, %broadcast_in_dim3A_2444, %broadcast_in_dim3A_2445 : vector<16xi1>, vector<16xi32>
      %add3A_2447 = arith.addi %add3A_2439, %select_n3A_2446 : vector<16xi32>
      %ge3A_2448 = vector.broadcast %squeeze3A_25 : i32 to vector<16xi32>
      %ge3A_2449 = arith.cmpi sge, %add3A_2429, %ge3A_2448 : vector<16xi32>
      %jit3A_2450 = arith.constant 1 : i32
      %jit3A_2451 = arith.constant 0 : i32
      %broadcast_in_dim3A_2452 = vector.broadcast %jit3A_2450 : i32 to vector<16xi32>
      %broadcast_in_dim3A_2453 = vector.broadcast %jit3A_2451 : i32 to vector<16xi32>
      %select_n3A_2454 = arith.select %ge3A_2449, %broadcast_in_dim3A_2452, %broadcast_in_dim3A_2453 : vector<16xi1>, vector<16xi32>
      %add3A_2455 = arith.addi %add3A_2447, %select_n3A_2454 : vector<16xi32>
      %ge3A_2456 = vector.broadcast %squeeze3A_27 : i32 to vector<16xi32>
      %ge3A_2457 = arith.cmpi sge, %add3A_2429, %ge3A_2456 : vector<16xi32>
      %jit3A_2458 = arith.constant 1 : i32
      %jit3A_2459 = arith.constant 0 : i32
      %broadcast_in_dim3A_2460 = vector.broadcast %jit3A_2458 : i32 to vector<16xi32>
      %broadcast_in_dim3A_2461 = vector.broadcast %jit3A_2459 : i32 to vector<16xi32>
      %select_n3A_2462 = arith.select %ge3A_2457, %broadcast_in_dim3A_2460, %broadcast_in_dim3A_2461 : vector<16xi1>, vector<16xi32>
      %add3A_2463 = arith.addi %add3A_2455, %select_n3A_2462 : vector<16xi32>
      %ge3A_2464 = vector.broadcast %squeeze3A_29 : i32 to vector<16xi32>
      %ge3A_2465 = arith.cmpi sge, %add3A_2429, %ge3A_2464 : vector<16xi32>
      %jit3A_2466 = arith.constant 1 : i32
      %jit3A_2467 = arith.constant 0 : i32
      %broadcast_in_dim3A_2468 = vector.broadcast %jit3A_2466 : i32 to vector<16xi32>
      %broadcast_in_dim3A_2469 = vector.broadcast %jit3A_2467 : i32 to vector<16xi32>
      %select_n3A_2470 = arith.select %ge3A_2465, %broadcast_in_dim3A_2468, %broadcast_in_dim3A_2469 : vector<16xi1>, vector<16xi32>
      %add3A_2471 = arith.addi %add3A_2463, %select_n3A_2470 : vector<16xi32>
      %ge3A_2472 = vector.broadcast %squeeze3A_31 : i32 to vector<16xi32>
      %ge3A_2473 = arith.cmpi sge, %add3A_2429, %ge3A_2472 : vector<16xi32>
      %jit3A_2474 = arith.constant 1 : i32
      %jit3A_2475 = arith.constant 0 : i32
      %broadcast_in_dim3A_2476 = vector.broadcast %jit3A_2474 : i32 to vector<16xi32>
      %broadcast_in_dim3A_2477 = vector.broadcast %jit3A_2475 : i32 to vector<16xi32>
      %select_n3A_2478 = arith.select %ge3A_2473, %broadcast_in_dim3A_2476, %broadcast_in_dim3A_2477 : vector<16xi1>, vector<16xi32>
      %add3A_2479 = arith.addi %add3A_2471, %select_n3A_2478 : vector<16xi32>
      %ge3A_2480 = vector.broadcast %squeeze3A_33 : i32 to vector<16xi32>
      %ge3A_2481 = arith.cmpi sge, %add3A_2429, %ge3A_2480 : vector<16xi32>
      %jit3A_2482 = arith.constant 1 : i32
      %jit3A_2483 = arith.constant 0 : i32
      %broadcast_in_dim3A_2484 = vector.broadcast %jit3A_2482 : i32 to vector<16xi32>
      %broadcast_in_dim3A_2485 = vector.broadcast %jit3A_2483 : i32 to vector<16xi32>
      %select_n3A_2486 = arith.select %ge3A_2481, %broadcast_in_dim3A_2484, %broadcast_in_dim3A_2485 : vector<16xi1>, vector<16xi32>
      %add3A_2487 = arith.addi %add3A_2479, %select_n3A_2486 : vector<16xi32>
      %broadcast_in_dim3A_2488 = arith.constant 0 : i32
      %broadcast_in_dim3A_2489 = vector.broadcast %broadcast_in_dim3A_2488 : i32 to vector<16xi32>
      %eq3A_2490 = arith.constant 1 : i32
      %eq3A_2491 = vector.broadcast %eq3A_2490 : i32 to vector<16xi32>
      %eq3A_2492 = arith.cmpi eq, %add3A_2487, %eq3A_2491 : vector<16xi32>
      %broadcast_in_dim3A_2493 = vector.broadcast %sub3A_66 : i32 to vector<16xi32>
      %select_n3A_2494 = arith.select %eq3A_2492, %broadcast_in_dim3A_2493, %broadcast_in_dim3A_2489 : vector<16xi1>, vector<16xi32>
      %eq3A_2495 = arith.constant 2 : i32
      %eq3A_2496 = vector.broadcast %eq3A_2495 : i32 to vector<16xi32>
      %eq3A_2497 = arith.cmpi eq, %add3A_2487, %eq3A_2496 : vector<16xi32>
      %broadcast_in_dim3A_2498 = vector.broadcast %sub3A_67 : i32 to vector<16xi32>
      %select_n3A_2499 = arith.select %eq3A_2497, %broadcast_in_dim3A_2498, %select_n3A_2494 : vector<16xi1>, vector<16xi32>
      %eq3A_2500 = arith.constant 3 : i32
      %eq3A_2501 = vector.broadcast %eq3A_2500 : i32 to vector<16xi32>
      %eq3A_2502 = arith.cmpi eq, %add3A_2487, %eq3A_2501 : vector<16xi32>
      %broadcast_in_dim3A_2503 = vector.broadcast %sub3A_68 : i32 to vector<16xi32>
      %select_n3A_2504 = arith.select %eq3A_2502, %broadcast_in_dim3A_2503, %select_n3A_2499 : vector<16xi1>, vector<16xi32>
      %eq3A_2505 = arith.constant 4 : i32
      %eq3A_2506 = vector.broadcast %eq3A_2505 : i32 to vector<16xi32>
      %eq3A_2507 = arith.cmpi eq, %add3A_2487, %eq3A_2506 : vector<16xi32>
      %broadcast_in_dim3A_2508 = vector.broadcast %sub3A_69 : i32 to vector<16xi32>
      %select_n3A_2509 = arith.select %eq3A_2507, %broadcast_in_dim3A_2508, %select_n3A_2504 : vector<16xi1>, vector<16xi32>
      %eq3A_2510 = arith.constant 5 : i32
      %eq3A_2511 = vector.broadcast %eq3A_2510 : i32 to vector<16xi32>
      %eq3A_2512 = arith.cmpi eq, %add3A_2487, %eq3A_2511 : vector<16xi32>
      %broadcast_in_dim3A_2513 = vector.broadcast %sub3A_70 : i32 to vector<16xi32>
      %select_n3A_2514 = arith.select %eq3A_2512, %broadcast_in_dim3A_2513, %select_n3A_2509 : vector<16xi1>, vector<16xi32>
      %eq3A_2515 = arith.constant 6 : i32
      %eq3A_2516 = vector.broadcast %eq3A_2515 : i32 to vector<16xi32>
      %eq3A_2517 = arith.cmpi eq, %add3A_2487, %eq3A_2516 : vector<16xi32>
      %broadcast_in_dim3A_2518 = vector.broadcast %sub3A_71 : i32 to vector<16xi32>
      %select_n3A_2519 = arith.select %eq3A_2517, %broadcast_in_dim3A_2518, %select_n3A_2514 : vector<16xi1>, vector<16xi32>
      %eq3A_2520 = arith.constant 7 : i32
      %eq3A_2521 = vector.broadcast %eq3A_2520 : i32 to vector<16xi32>
      %eq3A_2522 = arith.cmpi eq, %add3A_2487, %eq3A_2521 : vector<16xi32>
      %broadcast_in_dim3A_2523 = vector.broadcast %sub3A_72 : i32 to vector<16xi32>
      %select_n3A_2524 = arith.select %eq3A_2522, %broadcast_in_dim3A_2523, %select_n3A_2519 : vector<16xi1>, vector<16xi32>
      %add3A_2525 = arith.addi %add3A_2429, %select_n3A_2524 : vector<16xi32>
      %dma_wait3A_2526 = arith.constant 0 : i32
      %dma_wait3A_2527 = arith.constant 0 : i32
      %dma_wait3A_2528 = tpu.memref_slice %arg6[%dma_wait3A_2526, %dma_wait3A_2527] : memref<16640x2048xf32, #tpu.memory_space<hbm>> -> memref<16640x1024xf32, #tpu.memory_space<hbm>>
      tpu.wait_indirect_dma semaphore(%arg22 : memref<!tpu.dma_semaphore, #tpu.memory_space<semaphore_mem>>) src(%arg10 : memref<16x1024xf32, #tpu.memory_space<vmem>>) dst(%dma_wait3A_2528 : memref<16640x1024xf32, #tpu.memory_space<hbm>>)
      %add3A_2529 = arith.constant 1 : i32
      %add3A_2530 = arith.addi %add3A_2421, %add3A_2529 : i32
      %mul3A_2531 = arith.constant 16 : i32
      %mul3A_2532 = arith.muli %add3A_2530, %mul3A_2531 : i32
      %add3A_2533 = arith.addi %mul3A_2, %mul3A_2532 : i32
      %multiple_of3A_2534 = tpu.assume_multiple %add3A_2533, 16 : i32
      %dma_start3A_2535 = arith.constant 0 : i32
      %dma_start3A_2536 = tpu.memref_slice %arg2[%multiple_of3A_2534, %dma_start3A_2535] : memref<16384x2048xf32, #tpu.memory_space<hbm>> -> memref<16x1024xf32, #tpu.memory_space<hbm>>
      %dma_start3A_2537 = arith.constant 0 : i32
      %dma_start3A_2538 = tpu.memref_slice %arg2[%multiple_of3A_2534, %dma_start3A_2537] : memref<16384x2048xf32, #tpu.memory_space<hbm>> -> memref<16x1024xf32, #tpu.memory_space<hbm>>
      tpu.enqueue_dma source(%dma_start3A_2538 : memref<16x1024xf32, #tpu.memory_space<hbm>>) target(%arg10 : memref<16x1024xf32, #tpu.memory_space<vmem>>) target_semaphore(%arg16 : memref<!tpu.dma_semaphore, #tpu.memory_space<semaphore_mem>>)
      %sub3A_2539 = arith.constant 2 : i32
      %sub3A_2540 = arith.subi %add3A_2421, %sub3A_2539 : i32
      %mul3A_2541 = arith.constant 16 : i32
      %mul3A_2542 = arith.muli %sub3A_2540, %mul3A_2541 : i32
      %add3A_2543 = arith.addi %mul3A_2, %mul3A_2542 : i32
      %multiple_of3A_2544 = tpu.assume_multiple %add3A_2543, 16 : i32
      %add3A_2545 = vector.broadcast %multiple_of3A_2544 : i32 to vector<16xi32>
      %add3A_2546 = arith.addi %add3A_2545, %iota3A : vector<16xi32>
      %broadcast_in_dim3A_2547 = arith.constant 0 : i32
      %broadcast_in_dim3A_2548 = vector.broadcast %broadcast_in_dim3A_2547 : i32 to vector<16xi32>
      %ge3A_2549 = vector.broadcast %squeeze3A_21 : i32 to vector<16xi32>
      %ge3A_2550 = arith.cmpi sge, %add3A_2546, %ge3A_2549 : vector<16xi32>
      %jit3A_2551 = arith.constant 1 : i32
      %jit3A_2552 = arith.constant 0 : i32
      %broadcast_in_dim3A_2553 = vector.broadcast %jit3A_2551 : i32 to vector<16xi32>
      %broadcast_in_dim3A_2554 = vector.broadcast %jit3A_2552 : i32 to vector<16xi32>
      %select_n3A_2555 = arith.select %ge3A_2550, %broadcast_in_dim3A_2553, %broadcast_in_dim3A_2554 : vector<16xi1>, vector<16xi32>
      %add3A_2556 = arith.addi %broadcast_in_dim3A_2548, %select_n3A_2555 : vector<16xi32>
      %ge3A_2557 = vector.broadcast %squeeze3A_23 : i32 to vector<16xi32>
      %ge3A_2558 = arith.cmpi sge, %add3A_2546, %ge3A_2557 : vector<16xi32>
      %jit3A_2559 = arith.constant 1 : i32
      %jit3A_2560 = arith.constant 0 : i32
      %broadcast_in_dim3A_2561 = vector.broadcast %jit3A_2559 : i32 to vector<16xi32>
      %broadcast_in_dim3A_2562 = vector.broadcast %jit3A_2560 : i32 to vector<16xi32>
      %select_n3A_2563 = arith.select %ge3A_2558, %broadcast_in_dim3A_2561, %broadcast_in_dim3A_2562 : vector<16xi1>, vector<16xi32>
      %add3A_2564 = arith.addi %add3A_2556, %select_n3A_2563 : vector<16xi32>
      %ge3A_2565 = vector.broadcast %squeeze3A_25 : i32 to vector<16xi32>
      %ge3A_2566 = arith.cmpi sge, %add3A_2546, %ge3A_2565 : vector<16xi32>
      %jit3A_2567 = arith.constant 1 : i32
      %jit3A_2568 = arith.constant 0 : i32
      %broadcast_in_dim3A_2569 = vector.broadcast %jit3A_2567 : i32 to vector<16xi32>
      %broadcast_in_dim3A_2570 = vector.broadcast %jit3A_2568 : i32 to vector<16xi32>
      %select_n3A_2571 = arith.select %ge3A_2566, %broadcast_in_dim3A_2569, %broadcast_in_dim3A_2570 : vector<16xi1>, vector<16xi32>
      %add3A_2572 = arith.addi %add3A_2564, %select_n3A_2571 : vector<16xi32>
      %ge3A_2573 = vector.broadcast %squeeze3A_27 : i32 to vector<16xi32>
      %ge3A_2574 = arith.cmpi sge, %add3A_2546, %ge3A_2573 : vector<16xi32>
      %jit3A_2575 = arith.constant 1 : i32
      %jit3A_2576 = arith.constant 0 : i32
      %broadcast_in_dim3A_2577 = vector.broadcast %jit3A_2575 : i32 to vector<16xi32>
      %broadcast_in_dim3A_2578 = vector.broadcast %jit3A_2576 : i32 to vector<16xi32>
      %select_n3A_2579 = arith.select %ge3A_2574, %broadcast_in_dim3A_2577, %broadcast_in_dim3A_2578 : vector<16xi1>, vector<16xi32>
      %add3A_2580 = arith.addi %add3A_2572, %select_n3A_2579 : vector<16xi32>
      %ge3A_2581 = vector.broadcast %squeeze3A_29 : i32 to vector<16xi32>
      %ge3A_2582 = arith.cmpi sge, %add3A_2546, %ge3A_2581 : vector<16xi32>
      %jit3A_2583 = arith.constant 1 : i32
      %jit3A_2584 = arith.constant 0 : i32
      %broadcast_in_dim3A_2585 = vector.broadcast %jit3A_2583 : i32 to vector<16xi32>
      %broadcast_in_dim3A_2586 = vector.broadcast %jit3A_2584 : i32 to vector<16xi32>
      %select_n3A_2587 = arith.select %ge3A_2582, %broadcast_in_dim3A_2585, %broadcast_in_dim3A_2586 : vector<16xi1>, vector<16xi32>
      %add3A_2588 = arith.addi %add3A_2580, %select_n3A_2587 : vector<16xi32>
      %ge3A_2589 = vector.broadcast %squeeze3A_31 : i32 to vector<16xi32>
      %ge3A_2590 = arith.cmpi sge, %add3A_2546, %ge3A_2589 : vector<16xi32>
      %jit3A_2591 = arith.constant 1 : i32
      %jit3A_2592 = arith.constant 0 : i32
      %broadcast_in_dim3A_2593 = vector.broadcast %jit3A_2591 : i32 to vector<16xi32>
      %broadcast_in_dim3A_2594 = vector.broadcast %jit3A_2592 : i32 to vector<16xi32>
      %select_n3A_2595 = arith.select %ge3A_2590, %broadcast_in_dim3A_2593, %broadcast_in_dim3A_2594 : vector<16xi1>, vector<16xi32>
      %add3A_2596 = arith.addi %add3A_2588, %select_n3A_2595 : vector<16xi32>
      %ge3A_2597 = vector.broadcast %squeeze3A_33 : i32 to vector<16xi32>
      %ge3A_2598 = arith.cmpi sge, %add3A_2546, %ge3A_2597 : vector<16xi32>
      %jit3A_2599 = arith.constant 1 : i32
      %jit3A_2600 = arith.constant 0 : i32
      %broadcast_in_dim3A_2601 = vector.broadcast %jit3A_2599 : i32 to vector<16xi32>
      %broadcast_in_dim3A_2602 = vector.broadcast %jit3A_2600 : i32 to vector<16xi32>
      %select_n3A_2603 = arith.select %ge3A_2598, %broadcast_in_dim3A_2601, %broadcast_in_dim3A_2602 : vector<16xi1>, vector<16xi32>
      %add3A_2604 = arith.addi %add3A_2596, %select_n3A_2603 : vector<16xi32>
      %broadcast_in_dim3A_2605 = arith.constant 0 : i32
      %broadcast_in_dim3A_2606 = vector.broadcast %broadcast_in_dim3A_2605 : i32 to vector<16xi32>
      %eq3A_2607 = arith.constant 1 : i32
      %eq3A_2608 = vector.broadcast %eq3A_2607 : i32 to vector<16xi32>
      %eq3A_2609 = arith.cmpi eq, %add3A_2604, %eq3A_2608 : vector<16xi32>
      %broadcast_in_dim3A_2610 = vector.broadcast %sub3A_66 : i32 to vector<16xi32>
      %select_n3A_2611 = arith.select %eq3A_2609, %broadcast_in_dim3A_2610, %broadcast_in_dim3A_2606 : vector<16xi1>, vector<16xi32>
      %eq3A_2612 = arith.constant 2 : i32
      %eq3A_2613 = vector.broadcast %eq3A_2612 : i32 to vector<16xi32>
      %eq3A_2614 = arith.cmpi eq, %add3A_2604, %eq3A_2613 : vector<16xi32>
      %broadcast_in_dim3A_2615 = vector.broadcast %sub3A_67 : i32 to vector<16xi32>
      %select_n3A_2616 = arith.select %eq3A_2614, %broadcast_in_dim3A_2615, %select_n3A_2611 : vector<16xi1>, vector<16xi32>
      %eq3A_2617 = arith.constant 3 : i32
      %eq3A_2618 = vector.broadcast %eq3A_2617 : i32 to vector<16xi32>
      %eq3A_2619 = arith.cmpi eq, %add3A_2604, %eq3A_2618 : vector<16xi32>
      %broadcast_in_dim3A_2620 = vector.broadcast %sub3A_68 : i32 to vector<16xi32>
      %select_n3A_2621 = arith.select %eq3A_2619, %broadcast_in_dim3A_2620, %select_n3A_2616 : vector<16xi1>, vector<16xi32>
      %eq3A_2622 = arith.constant 4 : i32
      %eq3A_2623 = vector.broadcast %eq3A_2622 : i32 to vector<16xi32>
      %eq3A_2624 = arith.cmpi eq, %add3A_2604, %eq3A_2623 : vector<16xi32>
      %broadcast_in_dim3A_2625 = vector.broadcast %sub3A_69 : i32 to vector<16xi32>
      %select_n3A_2626 = arith.select %eq3A_2624, %broadcast_in_dim3A_2625, %select_n3A_2621 : vector<16xi1>, vector<16xi32>
      %eq3A_2627 = arith.constant 5 : i32
      %eq3A_2628 = vector.broadcast %eq3A_2627 : i32 to vector<16xi32>
      %eq3A_2629 = arith.cmpi eq, %add3A_2604, %eq3A_2628 : vector<16xi32>
      %broadcast_in_dim3A_2630 = vector.broadcast %sub3A_70 : i32 to vector<16xi32>
      %select_n3A_2631 = arith.select %eq3A_2629, %broadcast_in_dim3A_2630, %select_n3A_2626 : vector<16xi1>, vector<16xi32>
      %eq3A_2632 = arith.constant 6 : i32
      %eq3A_2633 = vector.broadcast %eq3A_2632 : i32 to vector<16xi32>
      %eq3A_2634 = arith.cmpi eq, %add3A_2604, %eq3A_2633 : vector<16xi32>
      %broadcast_in_dim3A_2635 = vector.broadcast %sub3A_71 : i32 to vector<16xi32>
      %select_n3A_2636 = arith.select %eq3A_2634, %broadcast_in_dim3A_2635, %select_n3A_2631 : vector<16xi1>, vector<16xi32>
      %eq3A_2637 = arith.constant 7 : i32
      %eq3A_2638 = vector.broadcast %eq3A_2637 : i32 to vector<16xi32>
      %eq3A_2639 = arith.cmpi eq, %add3A_2604, %eq3A_2638 : vector<16xi32>
      %broadcast_in_dim3A_2640 = vector.broadcast %sub3A_72 : i32 to vector<16xi32>
      %select_n3A_2641 = arith.select %eq3A_2639, %broadcast_in_dim3A_2640, %select_n3A_2636 : vector<16xi1>, vector<16xi32>
      %add3A_2642 = arith.addi %add3A_2546, %select_n3A_2641 : vector<16xi32>
      %dma_wait3A_2643 = arith.constant 0 : i32
      %dma_wait3A_2644 = arith.constant 1024 : i32
      %dma_wait3A_2645 = tpu.memref_slice %arg6[%dma_wait3A_2643, %dma_wait3A_2644] : memref<16640x2048xf32, #tpu.memory_space<hbm>> -> memref<16640x1024xf32, #tpu.memory_space<hbm>>
      tpu.wait_indirect_dma semaphore(%arg25 : memref<!tpu.dma_semaphore, #tpu.memory_space<semaphore_mem>>) src(%arg13 : memref<16x1024xf32, #tpu.memory_space<vmem>>) dst(%dma_wait3A_2645 : memref<16640x1024xf32, #tpu.memory_space<hbm>>)
      %add3A_2646 = arith.constant 1 : i32
      %add3A_2647 = arith.addi %add3A_2421, %add3A_2646 : i32
      %mul3A_2648 = arith.constant 16 : i32
      %mul3A_2649 = arith.muli %add3A_2647, %mul3A_2648 : i32
      %add3A_2650 = arith.addi %mul3A_2, %mul3A_2649 : i32
      %multiple_of3A_2651 = tpu.assume_multiple %add3A_2650, 16 : i32
      %dma_start3A_2652 = arith.constant 1024 : i32
      %dma_start3A_2653 = tpu.memref_slice %arg2[%multiple_of3A_2651, %dma_start3A_2652] : memref<16384x2048xf32, #tpu.memory_space<hbm>> -> memref<16x1024xf32, #tpu.memory_space<hbm>>
      %dma_start3A_2654 = arith.constant 1024 : i32
      %dma_start3A_2655 = tpu.memref_slice %arg2[%multiple_of3A_2651, %dma_start3A_2654] : memref<16384x2048xf32, #tpu.memory_space<hbm>> -> memref<16x1024xf32, #tpu.memory_space<hbm>>
      tpu.enqueue_dma source(%dma_start3A_2655 : memref<16x1024xf32, #tpu.memory_space<hbm>>) target(%arg13 : memref<16x1024xf32, #tpu.memory_space<vmem>>) target_semaphore(%arg19 : memref<!tpu.dma_semaphore, #tpu.memory_space<semaphore_mem>>)
      %mul3A_2656 = arith.constant 16 : i32
      %mul3A_2657 = arith.muli %add3A_2421, %mul3A_2656 : i32
      %add3A_2658 = arith.addi %mul3A_2, %mul3A_2657 : i32
      %multiple_of3A_2659 = tpu.assume_multiple %add3A_2658, 16 : i32
      %dma_wait3A_2660 = arith.constant 0 : i32
      %dma_wait3A_2661 = tpu.memref_slice %arg2[%multiple_of3A_2659, %dma_wait3A_2660] : memref<16384x2048xf32, #tpu.memory_space<hbm>> -> memref<16x1024xf32, #tpu.memory_space<hbm>>
      %dma_wait3A_2662 = arith.constant 0 : i32
      %dma_wait3A_2663 = tpu.memref_slice %arg2[%multiple_of3A_2659, %dma_wait3A_2662] : memref<16384x2048xf32, #tpu.memory_space<hbm>> -> memref<16x1024xf32, #tpu.memory_space<hbm>>
      tpu.wait_dma2 semaphore(%arg15 : memref<!tpu.dma_semaphore, #tpu.memory_space<semaphore_mem>>) src(%dma_wait3A_2663 : memref<16x1024xf32, #tpu.memory_space<hbm>>) dst(%arg9 : memref<16x1024xf32, #tpu.memory_space<vmem>>)
      %mul3A_2664 = arith.constant 16 : i32
      %mul3A_2665 = arith.muli %add3A_2421, %mul3A_2664 : i32
      %add3A_2666 = arith.addi %mul3A_2, %mul3A_2665 : i32
      %multiple_of3A_2667 = tpu.assume_multiple %add3A_2666, 16 : i32
      %add3A_2668 = vector.broadcast %multiple_of3A_2667 : i32 to vector<16xi32>
      %add3A_2669 = arith.addi %add3A_2668, %iota3A : vector<16xi32>
      %broadcast_in_dim3A_2670 = arith.constant 0 : i32
      %broadcast_in_dim3A_2671 = vector.broadcast %broadcast_in_dim3A_2670 : i32 to vector<16xi32>
      %ge3A_2672 = vector.broadcast %squeeze3A_21 : i32 to vector<16xi32>
      %ge3A_2673 = arith.cmpi sge, %add3A_2669, %ge3A_2672 : vector<16xi32>
      %jit3A_2674 = arith.constant 1 : i32
      %jit3A_2675 = arith.constant 0 : i32
      %broadcast_in_dim3A_2676 = vector.broadcast %jit3A_2674 : i32 to vector<16xi32>
      %broadcast_in_dim3A_2677 = vector.broadcast %jit3A_2675 : i32 to vector<16xi32>
      %select_n3A_2678 = arith.select %ge3A_2673, %broadcast_in_dim3A_2676, %broadcast_in_dim3A_2677 : vector<16xi1>, vector<16xi32>
      %add3A_2679 = arith.addi %broadcast_in_dim3A_2671, %select_n3A_2678 : vector<16xi32>
      %ge3A_2680 = vector.broadcast %squeeze3A_23 : i32 to vector<16xi32>
      %ge3A_2681 = arith.cmpi sge, %add3A_2669, %ge3A_2680 : vector<16xi32>
      %jit3A_2682 = arith.constant 1 : i32
      %jit3A_2683 = arith.constant 0 : i32
      %broadcast_in_dim3A_2684 = vector.broadcast %jit3A_2682 : i32 to vector<16xi32>
      %broadcast_in_dim3A_2685 = vector.broadcast %jit3A_2683 : i32 to vector<16xi32>
      %select_n3A_2686 = arith.select %ge3A_2681, %broadcast_in_dim3A_2684, %broadcast_in_dim3A_2685 : vector<16xi1>, vector<16xi32>
      %add3A_2687 = arith.addi %add3A_2679, %select_n3A_2686 : vector<16xi32>
      %ge3A_2688 = vector.broadcast %squeeze3A_25 : i32 to vector<16xi32>
      %ge3A_2689 = arith.cmpi sge, %add3A_2669, %ge3A_2688 : vector<16xi32>
      %jit3A_2690 = arith.constant 1 : i32
      %jit3A_2691 = arith.constant 0 : i32
      %broadcast_in_dim3A_2692 = vector.broadcast %jit3A_2690 : i32 to vector<16xi32>
      %broadcast_in_dim3A_2693 = vector.broadcast %jit3A_2691 : i32 to vector<16xi32>
      %select_n3A_2694 = arith.select %ge3A_2689, %broadcast_in_dim3A_2692, %broadcast_in_dim3A_2693 : vector<16xi1>, vector<16xi32>
      %add3A_2695 = arith.addi %add3A_2687, %select_n3A_2694 : vector<16xi32>
      %ge3A_2696 = vector.broadcast %squeeze3A_27 : i32 to vector<16xi32>
      %ge3A_2697 = arith.cmpi sge, %add3A_2669, %ge3A_2696 : vector<16xi32>
      %jit3A_2698 = arith.constant 1 : i32
      %jit3A_2699 = arith.constant 0 : i32
      %broadcast_in_dim3A_2700 = vector.broadcast %jit3A_2698 : i32 to vector<16xi32>
      %broadcast_in_dim3A_2701 = vector.broadcast %jit3A_2699 : i32 to vector<16xi32>
      %select_n3A_2702 = arith.select %ge3A_2697, %broadcast_in_dim3A_2700, %broadcast_in_dim3A_2701 : vector<16xi1>, vector<16xi32>
      %add3A_2703 = arith.addi %add3A_2695, %select_n3A_2702 : vector<16xi32>
      %ge3A_2704 = vector.broadcast %squeeze3A_29 : i32 to vector<16xi32>
      %ge3A_2705 = arith.cmpi sge, %add3A_2669, %ge3A_2704 : vector<16xi32>
      %jit3A_2706 = arith.constant 1 : i32
      %jit3A_2707 = arith.constant 0 : i32
      %broadcast_in_dim3A_2708 = vector.broadcast %jit3A_2706 : i32 to vector<16xi32>
      %broadcast_in_dim3A_2709 = vector.broadcast %jit3A_2707 : i32 to vector<16xi32>
      %select_n3A_2710 = arith.select %ge3A_2705, %broadcast_in_dim3A_2708, %broadcast_in_dim3A_2709 : vector<16xi1>, vector<16xi32>
      %add3A_2711 = arith.addi %add3A_2703, %select_n3A_2710 : vector<16xi32>
      %ge3A_2712 = vector.broadcast %squeeze3A_31 : i32 to vector<16xi32>
      %ge3A_2713 = arith.cmpi sge, %add3A_2669, %ge3A_2712 : vector<16xi32>
      %jit3A_2714 = arith.constant 1 : i32
      %jit3A_2715 = arith.constant 0 : i32
      %broadcast_in_dim3A_2716 = vector.broadcast %jit3A_2714 : i32 to vector<16xi32>
      %broadcast_in_dim3A_2717 = vector.broadcast %jit3A_2715 : i32 to vector<16xi32>
      %select_n3A_2718 = arith.select %ge3A_2713, %broadcast_in_dim3A_2716, %broadcast_in_dim3A_2717 : vector<16xi1>, vector<16xi32>
      %add3A_2719 = arith.addi %add3A_2711, %select_n3A_2718 : vector<16xi32>
      %ge3A_2720 = vector.broadcast %squeeze3A_33 : i32 to vector<16xi32>
      %ge3A_2721 = arith.cmpi sge, %add3A_2669, %ge3A_2720 : vector<16xi32>
      %jit3A_2722 = arith.constant 1 : i32
      %jit3A_2723 = arith.constant 0 : i32
      %broadcast_in_dim3A_2724 = vector.broadcast %jit3A_2722 : i32 to vector<16xi32>
      %broadcast_in_dim3A_2725 = vector.broadcast %jit3A_2723 : i32 to vector<16xi32>
      %select_n3A_2726 = arith.select %ge3A_2721, %broadcast_in_dim3A_2724, %broadcast_in_dim3A_2725 : vector<16xi1>, vector<16xi32>
      %add3A_2727 = arith.addi %add3A_2719, %select_n3A_2726 : vector<16xi32>
      %broadcast_in_dim3A_2728 = arith.constant 0 : i32
      %broadcast_in_dim3A_2729 = vector.broadcast %broadcast_in_dim3A_2728 : i32 to vector<16xi32>
      %eq3A_2730 = arith.constant 1 : i32
      %eq3A_2731 = vector.broadcast %eq3A_2730 : i32 to vector<16xi32>
      %eq3A_2732 = arith.cmpi eq, %add3A_2727, %eq3A_2731 : vector<16xi32>
      %broadcast_in_dim3A_2733 = vector.broadcast %sub3A_66 : i32 to vector<16xi32>
      %select_n3A_2734 = arith.select %eq3A_2732, %broadcast_in_dim3A_2733, %broadcast_in_dim3A_2729 : vector<16xi1>, vector<16xi32>
      %eq3A_2735 = arith.constant 2 : i32
      %eq3A_2736 = vector.broadcast %eq3A_2735 : i32 to vector<16xi32>
      %eq3A_2737 = arith.cmpi eq, %add3A_2727, %eq3A_2736 : vector<16xi32>
      %broadcast_in_dim3A_2738 = vector.broadcast %sub3A_67 : i32 to vector<16xi32>
      %select_n3A_2739 = arith.select %eq3A_2737, %broadcast_in_dim3A_2738, %select_n3A_2734 : vector<16xi1>, vector<16xi32>
      %eq3A_2740 = arith.constant 3 : i32
      %eq3A_2741 = vector.broadcast %eq3A_2740 : i32 to vector<16xi32>
      %eq3A_2742 = arith.cmpi eq, %add3A_2727, %eq3A_2741 : vector<16xi32>
      %broadcast_in_dim3A_2743 = vector.broadcast %sub3A_68 : i32 to vector<16xi32>
      %select_n3A_2744 = arith.select %eq3A_2742, %broadcast_in_dim3A_2743, %select_n3A_2739 : vector<16xi1>, vector<16xi32>
      %eq3A_2745 = arith.constant 4 : i32
      %eq3A_2746 = vector.broadcast %eq3A_2745 : i32 to vector<16xi32>
      %eq3A_2747 = arith.cmpi eq, %add3A_2727, %eq3A_2746 : vector<16xi32>
      %broadcast_in_dim3A_2748 = vector.broadcast %sub3A_69 : i32 to vector<16xi32>
      %select_n3A_2749 = arith.select %eq3A_2747, %broadcast_in_dim3A_2748, %select_n3A_2744 : vector<16xi1>, vector<16xi32>
      %eq3A_2750 = arith.constant 5 : i32
      %eq3A_2751 = vector.broadcast %eq3A_2750 : i32 to vector<16xi32>
      %eq3A_2752 = arith.cmpi eq, %add3A_2727, %eq3A_2751 : vector<16xi32>
      %broadcast_in_dim3A_2753 = vector.broadcast %sub3A_70 : i32 to vector<16xi32>
      %select_n3A_2754 = arith.select %eq3A_2752, %broadcast_in_dim3A_2753, %select_n3A_2749 : vector<16xi1>, vector<16xi32>
      %eq3A_2755 = arith.constant 6 : i32
      %eq3A_2756 = vector.broadcast %eq3A_2755 : i32 to vector<16xi32>
      %eq3A_2757 = arith.cmpi eq, %add3A_2727, %eq3A_2756 : vector<16xi32>
      %broadcast_in_dim3A_2758 = vector.broadcast %sub3A_71 : i32 to vector<16xi32>
      %select_n3A_2759 = arith.select %eq3A_2757, %broadcast_in_dim3A_2758, %select_n3A_2754 : vector<16xi1>, vector<16xi32>
      %eq3A_2760 = arith.constant 7 : i32
      %eq3A_2761 = vector.broadcast %eq3A_2760 : i32 to vector<16xi32>
      %eq3A_2762 = arith.cmpi eq, %add3A_2727, %eq3A_2761 : vector<16xi32>
      %broadcast_in_dim3A_2763 = vector.broadcast %sub3A_72 : i32 to vector<16xi32>
      %select_n3A_2764 = arith.select %eq3A_2762, %broadcast_in_dim3A_2763, %select_n3A_2759 : vector<16xi1>, vector<16xi32>
      %add3A_2765 = arith.addi %add3A_2669, %select_n3A_2764 : vector<16xi32>
      %dma_start3A_2766 = arith.constant 0 : i32
      %dma_start3A_2767 = arith.constant 0 : i32
      %dma_start3A_2768 = tpu.memref_slice %arg6[%dma_start3A_2766, %dma_start3A_2767] : memref<16640x2048xf32, #tpu.memory_space<hbm>> -> memref<16640x1024xf32, #tpu.memory_space<hbm>>
      tpu.enqueue_indirect_dma source(%arg9 : memref<16x1024xf32, #tpu.memory_space<vmem>>) target(%dma_start3A_2768 : memref<16640x1024xf32, #tpu.memory_space<hbm>>) offsets(%add3A_2765 : vector<16xi32>) semaphore(%arg21 : memref<!tpu.dma_semaphore, #tpu.memory_space<semaphore_mem>>)
      %mul3A_2769 = arith.constant 16 : i32
      %mul3A_2770 = arith.muli %add3A_2421, %mul3A_2769 : i32
      %add3A_2771 = arith.addi %mul3A_2, %mul3A_2770 : i32
      %multiple_of3A_2772 = tpu.assume_multiple %add3A_2771, 16 : i32
      %dma_wait3A_2773 = arith.constant 1024 : i32
      %dma_wait3A_2774 = tpu.memref_slice %arg2[%multiple_of3A_2772, %dma_wait3A_2773] : memref<16384x2048xf32, #tpu.memory_space<hbm>> -> memref<16x1024xf32, #tpu.memory_space<hbm>>
      %dma_wait3A_2775 = arith.constant 1024 : i32
      %dma_wait3A_2776 = tpu.memref_slice %arg2[%multiple_of3A_2772, %dma_wait3A_2775] : memref<16384x2048xf32, #tpu.memory_space<hbm>> -> memref<16x1024xf32, #tpu.memory_space<hbm>>
      tpu.wait_dma2 semaphore(%arg18 : memref<!tpu.dma_semaphore, #tpu.memory_space<semaphore_mem>>) src(%dma_wait3A_2776 : memref<16x1024xf32, #tpu.memory_space<hbm>>) dst(%arg12 : memref<16x1024xf32, #tpu.memory_space<vmem>>)
      %mul3A_2777 = arith.constant 16 : i32
      %mul3A_2778 = arith.muli %add3A_2421, %mul3A_2777 : i32
      %add3A_2779 = arith.addi %mul3A_2, %mul3A_2778 : i32
      %multiple_of3A_2780 = tpu.assume_multiple %add3A_2779, 16 : i32
      %add3A_2781 = vector.broadcast %multiple_of3A_2780 : i32 to vector<16xi32>
      %add3A_2782 = arith.addi %add3A_2781, %iota3A : vector<16xi32>
      %broadcast_in_dim3A_2783 = arith.constant 0 : i32
      %broadcast_in_dim3A_2784 = vector.broadcast %broadcast_in_dim3A_2783 : i32 to vector<16xi32>
      %ge3A_2785 = vector.broadcast %squeeze3A_21 : i32 to vector<16xi32>
      %ge3A_2786 = arith.cmpi sge, %add3A_2782, %ge3A_2785 : vector<16xi32>
      %jit3A_2787 = arith.constant 1 : i32
      %jit3A_2788 = arith.constant 0 : i32
      %broadcast_in_dim3A_2789 = vector.broadcast %jit3A_2787 : i32 to vector<16xi32>
      %broadcast_in_dim3A_2790 = vector.broadcast %jit3A_2788 : i32 to vector<16xi32>
      %select_n3A_2791 = arith.select %ge3A_2786, %broadcast_in_dim3A_2789, %broadcast_in_dim3A_2790 : vector<16xi1>, vector<16xi32>
      %add3A_2792 = arith.addi %broadcast_in_dim3A_2784, %select_n3A_2791 : vector<16xi32>
      %ge3A_2793 = vector.broadcast %squeeze3A_23 : i32 to vector<16xi32>
      %ge3A_2794 = arith.cmpi sge, %add3A_2782, %ge3A_2793 : vector<16xi32>
      %jit3A_2795 = arith.constant 1 : i32
      %jit3A_2796 = arith.constant 0 : i32
      %broadcast_in_dim3A_2797 = vector.broadcast %jit3A_2795 : i32 to vector<16xi32>
      %broadcast_in_dim3A_2798 = vector.broadcast %jit3A_2796 : i32 to vector<16xi32>
      %select_n3A_2799 = arith.select %ge3A_2794, %broadcast_in_dim3A_2797, %broadcast_in_dim3A_2798 : vector<16xi1>, vector<16xi32>
      %add3A_2800 = arith.addi %add3A_2792, %select_n3A_2799 : vector<16xi32>
      %ge3A_2801 = vector.broadcast %squeeze3A_25 : i32 to vector<16xi32>
      %ge3A_2802 = arith.cmpi sge, %add3A_2782, %ge3A_2801 : vector<16xi32>
      %jit3A_2803 = arith.constant 1 : i32
      %jit3A_2804 = arith.constant 0 : i32
      %broadcast_in_dim3A_2805 = vector.broadcast %jit3A_2803 : i32 to vector<16xi32>
      %broadcast_in_dim3A_2806 = vector.broadcast %jit3A_2804 : i32 to vector<16xi32>
      %select_n3A_2807 = arith.select %ge3A_2802, %broadcast_in_dim3A_2805, %broadcast_in_dim3A_2806 : vector<16xi1>, vector<16xi32>
      %add3A_2808 = arith.addi %add3A_2800, %select_n3A_2807 : vector<16xi32>
      %ge3A_2809 = vector.broadcast %squeeze3A_27 : i32 to vector<16xi32>
      %ge3A_2810 = arith.cmpi sge, %add3A_2782, %ge3A_2809 : vector<16xi32>
      %jit3A_2811 = arith.constant 1 : i32
      %jit3A_2812 = arith.constant 0 : i32
      %broadcast_in_dim3A_2813 = vector.broadcast %jit3A_2811 : i32 to vector<16xi32>
      %broadcast_in_dim3A_2814 = vector.broadcast %jit3A_2812 : i32 to vector<16xi32>
      %select_n3A_2815 = arith.select %ge3A_2810, %broadcast_in_dim3A_2813, %broadcast_in_dim3A_2814 : vector<16xi1>, vector<16xi32>
      %add3A_2816 = arith.addi %add3A_2808, %select_n3A_2815 : vector<16xi32>
      %ge3A_2817 = vector.broadcast %squeeze3A_29 : i32 to vector<16xi32>
      %ge3A_2818 = arith.cmpi sge, %add3A_2782, %ge3A_2817 : vector<16xi32>
      %jit3A_2819 = arith.constant 1 : i32
      %jit3A_2820 = arith.constant 0 : i32
      %broadcast_in_dim3A_2821 = vector.broadcast %jit3A_2819 : i32 to vector<16xi32>
      %broadcast_in_dim3A_2822 = vector.broadcast %jit3A_2820 : i32 to vector<16xi32>
      %select_n3A_2823 = arith.select %ge3A_2818, %broadcast_in_dim3A_2821, %broadcast_in_dim3A_2822 : vector<16xi1>, vector<16xi32>
      %add3A_2824 = arith.addi %add3A_2816, %select_n3A_2823 : vector<16xi32>
      %ge3A_2825 = vector.broadcast %squeeze3A_31 : i32 to vector<16xi32>
      %ge3A_2826 = arith.cmpi sge, %add3A_2782, %ge3A_2825 : vector<16xi32>
      %jit3A_2827 = arith.constant 1 : i32
      %jit3A_2828 = arith.constant 0 : i32
      %broadcast_in_dim3A_2829 = vector.broadcast %jit3A_2827 : i32 to vector<16xi32>
      %broadcast_in_dim3A_2830 = vector.broadcast %jit3A_2828 : i32 to vector<16xi32>
      %select_n3A_2831 = arith.select %ge3A_2826, %broadcast_in_dim3A_2829, %broadcast_in_dim3A_2830 : vector<16xi1>, vector<16xi32>
      %add3A_2832 = arith.addi %add3A_2824, %select_n3A_2831 : vector<16xi32>
      %ge3A_2833 = vector.broadcast %squeeze3A_33 : i32 to vector<16xi32>
      %ge3A_2834 = arith.cmpi sge, %add3A_2782, %ge3A_2833 : vector<16xi32>
      %jit3A_2835 = arith.constant 1 : i32
      %jit3A_2836 = arith.constant 0 : i32
      %broadcast_in_dim3A_2837 = vector.broadcast %jit3A_2835 : i32 to vector<16xi32>
      %broadcast_in_dim3A_2838 = vector.broadcast %jit3A_2836 : i32 to vector<16xi32>
      %select_n3A_2839 = arith.select %ge3A_2834, %broadcast_in_dim3A_2837, %broadcast_in_dim3A_2838 : vector<16xi1>, vector<16xi32>
      %add3A_2840 = arith.addi %add3A_2832, %select_n3A_2839 : vector<16xi32>
      %broadcast_in_dim3A_2841 = arith.constant 0 : i32
      %broadcast_in_dim3A_2842 = vector.broadcast %broadcast_in_dim3A_2841 : i32 to vector<16xi32>
      %eq3A_2843 = arith.constant 1 : i32
      %eq3A_2844 = vector.broadcast %eq3A_2843 : i32 to vector<16xi32>
      %eq3A_2845 = arith.cmpi eq, %add3A_2840, %eq3A_2844 : vector<16xi32>
      %broadcast_in_dim3A_2846 = vector.broadcast %sub3A_66 : i32 to vector<16xi32>
      %select_n3A_2847 = arith.select %eq3A_2845, %broadcast_in_dim3A_2846, %broadcast_in_dim3A_2842 : vector<16xi1>, vector<16xi32>
      %eq3A_2848 = arith.constant 2 : i32
      %eq3A_2849 = vector.broadcast %eq3A_2848 : i32 to vector<16xi32>
      %eq3A_2850 = arith.cmpi eq, %add3A_2840, %eq3A_2849 : vector<16xi32>
      %broadcast_in_dim3A_2851 = vector.broadcast %sub3A_67 : i32 to vector<16xi32>
      %select_n3A_2852 = arith.select %eq3A_2850, %broadcast_in_dim3A_2851, %select_n3A_2847 : vector<16xi1>, vector<16xi32>
      %eq3A_2853 = arith.constant 3 : i32
      %eq3A_2854 = vector.broadcast %eq3A_2853 : i32 to vector<16xi32>
      %eq3A_2855 = arith.cmpi eq, %add3A_2840, %eq3A_2854 : vector<16xi32>
      %broadcast_in_dim3A_2856 = vector.broadcast %sub3A_68 : i32 to vector<16xi32>
      %select_n3A_2857 = arith.select %eq3A_2855, %broadcast_in_dim3A_2856, %select_n3A_2852 : vector<16xi1>, vector<16xi32>
      %eq3A_2858 = arith.constant 4 : i32
      %eq3A_2859 = vector.broadcast %eq3A_2858 : i32 to vector<16xi32>
      %eq3A_2860 = arith.cmpi eq, %add3A_2840, %eq3A_2859 : vector<16xi32>
      %broadcast_in_dim3A_2861 = vector.broadcast %sub3A_69 : i32 to vector<16xi32>
      %select_n3A_2862 = arith.select %eq3A_2860, %broadcast_in_dim3A_2861, %select_n3A_2857 : vector<16xi1>, vector<16xi32>
      %eq3A_2863 = arith.constant 5 : i32
      %eq3A_2864 = vector.broadcast %eq3A_2863 : i32 to vector<16xi32>
      %eq3A_2865 = arith.cmpi eq, %add3A_2840, %eq3A_2864 : vector<16xi32>
      %broadcast_in_dim3A_2866 = vector.broadcast %sub3A_70 : i32 to vector<16xi32>
      %select_n3A_2867 = arith.select %eq3A_2865, %broadcast_in_dim3A_2866, %select_n3A_2862 : vector<16xi1>, vector<16xi32>
      %eq3A_2868 = arith.constant 6 : i32
      %eq3A_2869 = vector.broadcast %eq3A_2868 : i32 to vector<16xi32>
      %eq3A_2870 = arith.cmpi eq, %add3A_2840, %eq3A_2869 : vector<16xi32>
      %broadcast_in_dim3A_2871 = vector.broadcast %sub3A_71 : i32 to vector<16xi32>
      %select_n3A_2872 = arith.select %eq3A_2870, %broadcast_in_dim3A_2871, %select_n3A_2867 : vector<16xi1>, vector<16xi32>
      %eq3A_2873 = arith.constant 7 : i32
      %eq3A_2874 = vector.broadcast %eq3A_2873 : i32 to vector<16xi32>
      %eq3A_2875 = arith.cmpi eq, %add3A_2840, %eq3A_2874 : vector<16xi32>
      %broadcast_in_dim3A_2876 = vector.broadcast %sub3A_72 : i32 to vector<16xi32>
      %select_n3A_2877 = arith.select %eq3A_2875, %broadcast_in_dim3A_2876, %select_n3A_2872 : vector<16xi1>, vector<16xi32>
      %add3A_2878 = arith.addi %add3A_2782, %select_n3A_2877 : vector<16xi32>
      %dma_start3A_2879 = arith.constant 0 : i32
      %dma_start3A_2880 = arith.constant 1024 : i32
      %dma_start3A_2881 = tpu.memref_slice %arg6[%dma_start3A_2879, %dma_start3A_2880] : memref<16640x2048xf32, #tpu.memory_space<hbm>> -> memref<16640x1024xf32, #tpu.memory_space<hbm>>
      tpu.enqueue_indirect_dma source(%arg12 : memref<16x1024xf32, #tpu.memory_space<vmem>>) target(%dma_start3A_2881 : memref<16640x1024xf32, #tpu.memory_space<hbm>>) offsets(%add3A_2878 : vector<16xi32>) semaphore(%arg24 : memref<!tpu.dma_semaphore, #tpu.memory_space<semaphore_mem>>)
      %mul3A_2882 = arith.constant 3 : i32
      %mul3A_2883 = arith.muli %mul3A_2882, %scan3A_2417 : i32
      %add3A_2884 = arith.constant 1 : i32
      %add3A_2885 = arith.addi %mul3A_2883, %add3A_2884 : i32
      %sub3A_2886 = arith.constant 2 : i32
      %sub3A_2887 = arith.subi %add3A_2885, %sub3A_2886 : i32
      %mul3A_2888 = arith.constant 16 : i32
      %mul3A_2889 = arith.muli %sub3A_2887, %mul3A_2888 : i32
      %add3A_2890 = arith.addi %mul3A_2, %mul3A_2889 : i32
      %multiple_of3A_2891 = tpu.assume_multiple %add3A_2890, 16 : i32
      %add3A_2892 = vector.broadcast %multiple_of3A_2891 : i32 to vector<16xi32>
      %add3A_2893 = arith.addi %add3A_2892, %iota3A : vector<16xi32>
      %broadcast_in_dim3A_2894 = arith.constant 0 : i32
      %broadcast_in_dim3A_2895 = vector.broadcast %broadcast_in_dim3A_2894 : i32 to vector<16xi32>
      %ge3A_2896 = vector.broadcast %squeeze3A_21 : i32 to vector<16xi32>
      %ge3A_2897 = arith.cmpi sge, %add3A_2893, %ge3A_2896 : vector<16xi32>
      %jit3A_2898 = arith.constant 1 : i32
      %jit3A_2899 = arith.constant 0 : i32
      %broadcast_in_dim3A_2900 = vector.broadcast %jit3A_2898 : i32 to vector<16xi32>
      %broadcast_in_dim3A_2901 = vector.broadcast %jit3A_2899 : i32 to vector<16xi32>
      %select_n3A_2902 = arith.select %ge3A_2897, %broadcast_in_dim3A_2900, %broadcast_in_dim3A_2901 : vector<16xi1>, vector<16xi32>
      %add3A_2903 = arith.addi %broadcast_in_dim3A_2895, %select_n3A_2902 : vector<16xi32>
      %ge3A_2904 = vector.broadcast %squeeze3A_23 : i32 to vector<16xi32>
      %ge3A_2905 = arith.cmpi sge, %add3A_2893, %ge3A_2904 : vector<16xi32>
      %jit3A_2906 = arith.constant 1 : i32
      %jit3A_2907 = arith.constant 0 : i32
      %broadcast_in_dim3A_2908 = vector.broadcast %jit3A_2906 : i32 to vector<16xi32>
      %broadcast_in_dim3A_2909 = vector.broadcast %jit3A_2907 : i32 to vector<16xi32>
      %select_n3A_2910 = arith.select %ge3A_2905, %broadcast_in_dim3A_2908, %broadcast_in_dim3A_2909 : vector<16xi1>, vector<16xi32>
      %add3A_2911 = arith.addi %add3A_2903, %select_n3A_2910 : vector<16xi32>
      %ge3A_2912 = vector.broadcast %squeeze3A_25 : i32 to vector<16xi32>
      %ge3A_2913 = arith.cmpi sge, %add3A_2893, %ge3A_2912 : vector<16xi32>
      %jit3A_2914 = arith.constant 1 : i32
      %jit3A_2915 = arith.constant 0 : i32
      %broadcast_in_dim3A_2916 = vector.broadcast %jit3A_2914 : i32 to vector<16xi32>
      %broadcast_in_dim3A_2917 = vector.broadcast %jit3A_2915 : i32 to vector<16xi32>
      %select_n3A_2918 = arith.select %ge3A_2913, %broadcast_in_dim3A_2916, %broadcast_in_dim3A_2917 : vector<16xi1>, vector<16xi32>
      %add3A_2919 = arith.addi %add3A_2911, %select_n3A_2918 : vector<16xi32>
      %ge3A_2920 = vector.broadcast %squeeze3A_27 : i32 to vector<16xi32>
      %ge3A_2921 = arith.cmpi sge, %add3A_2893, %ge3A_2920 : vector<16xi32>
      %jit3A_2922 = arith.constant 1 : i32
      %jit3A_2923 = arith.constant 0 : i32
      %broadcast_in_dim3A_2924 = vector.broadcast %jit3A_2922 : i32 to vector<16xi32>
      %broadcast_in_dim3A_2925 = vector.broadcast %jit3A_2923 : i32 to vector<16xi32>
      %select_n3A_2926 = arith.select %ge3A_2921, %broadcast_in_dim3A_2924, %broadcast_in_dim3A_2925 : vector<16xi1>, vector<16xi32>
      %add3A_2927 = arith.addi %add3A_2919, %select_n3A_2926 : vector<16xi32>
      %ge3A_2928 = vector.broadcast %squeeze3A_29 : i32 to vector<16xi32>
      %ge3A_2929 = arith.cmpi sge, %add3A_2893, %ge3A_2928 : vector<16xi32>
      %jit3A_2930 = arith.constant 1 : i32
      %jit3A_2931 = arith.constant 0 : i32
      %broadcast_in_dim3A_2932 = vector.broadcast %jit3A_2930 : i32 to vector<16xi32>
      %broadcast_in_dim3A_2933 = vector.broadcast %jit3A_2931 : i32 to vector<16xi32>
      %select_n3A_2934 = arith.select %ge3A_2929, %broadcast_in_dim3A_2932, %broadcast_in_dim3A_2933 : vector<16xi1>, vector<16xi32>
      %add3A_2935 = arith.addi %add3A_2927, %select_n3A_2934 : vector<16xi32>
      %ge3A_2936 = vector.broadcast %squeeze3A_31 : i32 to vector<16xi32>
      %ge3A_2937 = arith.cmpi sge, %add3A_2893, %ge3A_2936 : vector<16xi32>
      %jit3A_2938 = arith.constant 1 : i32
      %jit3A_2939 = arith.constant 0 : i32
      %broadcast_in_dim3A_2940 = vector.broadcast %jit3A_2938 : i32 to vector<16xi32>
      %broadcast_in_dim3A_2941 = vector.broadcast %jit3A_2939 : i32 to vector<16xi32>
      %select_n3A_2942 = arith.select %ge3A_2937, %broadcast_in_dim3A_2940, %broadcast_in_dim3A_2941 : vector<16xi1>, vector<16xi32>
      %add3A_2943 = arith.addi %add3A_2935, %select_n3A_2942 : vector<16xi32>
      %ge3A_2944 = vector.broadcast %squeeze3A_33 : i32 to vector<16xi32>
      %ge3A_2945 = arith.cmpi sge, %add3A_2893, %ge3A_2944 : vector<16xi32>
      %jit3A_2946 = arith.constant 1 : i32
      %jit3A_2947 = arith.constant 0 : i32
      %broadcast_in_dim3A_2948 = vector.broadcast %jit3A_2946 : i32 to vector<16xi32>
      %broadcast_in_dim3A_2949 = vector.broadcast %jit3A_2947 : i32 to vector<16xi32>
      %select_n3A_2950 = arith.select %ge3A_2945, %broadcast_in_dim3A_2948, %broadcast_in_dim3A_2949 : vector<16xi1>, vector<16xi32>
      %add3A_2951 = arith.addi %add3A_2943, %select_n3A_2950 : vector<16xi32>
      %broadcast_in_dim3A_2952 = arith.constant 0 : i32
      %broadcast_in_dim3A_2953 = vector.broadcast %broadcast_in_dim3A_2952 : i32 to vector<16xi32>
      %eq3A_2954 = arith.constant 1 : i32
      %eq3A_2955 = vector.broadcast %eq3A_2954 : i32 to vector<16xi32>
      %eq3A_2956 = arith.cmpi eq, %add3A_2951, %eq3A_2955 : vector<16xi32>
      %broadcast_in_dim3A_2957 = vector.broadcast %sub3A_66 : i32 to vector<16xi32>
      %select_n3A_2958 = arith.select %eq3A_2956, %broadcast_in_dim3A_2957, %broadcast_in_dim3A_2953 : vector<16xi1>, vector<16xi32>
      %eq3A_2959 = arith.constant 2 : i32
      %eq3A_2960 = vector.broadcast %eq3A_2959 : i32 to vector<16xi32>
      %eq3A_2961 = arith.cmpi eq, %add3A_2951, %eq3A_2960 : vector<16xi32>
      %broadcast_in_dim3A_2962 = vector.broadcast %sub3A_67 : i32 to vector<16xi32>
      %select_n3A_2963 = arith.select %eq3A_2961, %broadcast_in_dim3A_2962, %select_n3A_2958 : vector<16xi1>, vector<16xi32>
      %eq3A_2964 = arith.constant 3 : i32
      %eq3A_2965 = vector.broadcast %eq3A_2964 : i32 to vector<16xi32>
      %eq3A_2966 = arith.cmpi eq, %add3A_2951, %eq3A_2965 : vector<16xi32>
      %broadcast_in_dim3A_2967 = vector.broadcast %sub3A_68 : i32 to vector<16xi32>
      %select_n3A_2968 = arith.select %eq3A_2966, %broadcast_in_dim3A_2967, %select_n3A_2963 : vector<16xi1>, vector<16xi32>
      %eq3A_2969 = arith.constant 4 : i32
      %eq3A_2970 = vector.broadcast %eq3A_2969 : i32 to vector<16xi32>
      %eq3A_2971 = arith.cmpi eq, %add3A_2951, %eq3A_2970 : vector<16xi32>
      %broadcast_in_dim3A_2972 = vector.broadcast %sub3A_69 : i32 to vector<16xi32>
      %select_n3A_2973 = arith.select %eq3A_2971, %broadcast_in_dim3A_2972, %select_n3A_2968 : vector<16xi1>, vector<16xi32>
      %eq3A_2974 = arith.constant 5 : i32
      %eq3A_2975 = vector.broadcast %eq3A_2974 : i32 to vector<16xi32>
      %eq3A_2976 = arith.cmpi eq, %add3A_2951, %eq3A_2975 : vector<16xi32>
      %broadcast_in_dim3A_2977 = vector.broadcast %sub3A_70 : i32 to vector<16xi32>
      %select_n3A_2978 = arith.select %eq3A_2976, %broadcast_in_dim3A_2977, %select_n3A_2973 : vector<16xi1>, vector<16xi32>
      %eq3A_2979 = arith.constant 6 : i32
      %eq3A_2980 = vector.broadcast %eq3A_2979 : i32 to vector<16xi32>
      %eq3A_2981 = arith.cmpi eq, %add3A_2951, %eq3A_2980 : vector<16xi32>
      %broadcast_in_dim3A_2982 = vector.broadcast %sub3A_71 : i32 to vector<16xi32>
      %select_n3A_2983 = arith.select %eq3A_2981, %broadcast_in_dim3A_2982, %select_n3A_2978 : vector<16xi1>, vector<16xi32>
      %eq3A_2984 = arith.constant 7 : i32
      %eq3A_2985 = vector.broadcast %eq3A_2984 : i32 to vector<16xi32>
      %eq3A_2986 = arith.cmpi eq, %add3A_2951, %eq3A_2985 : vector<16xi32>
      %broadcast_in_dim3A_2987 = vector.broadcast %sub3A_72 : i32 to vector<16xi32>
      %select_n3A_2988 = arith.select %eq3A_2986, %broadcast_in_dim3A_2987, %select_n3A_2983 : vector<16xi1>, vector<16xi32>
      %add3A_2989 = arith.addi %add3A_2893, %select_n3A_2988 : vector<16xi32>
      %dma_wait3A_2990 = arith.constant 0 : i32
      %dma_wait3A_2991 = arith.constant 0 : i32
      %dma_wait3A_2992 = tpu.memref_slice %arg6[%dma_wait3A_2990, %dma_wait3A_2991] : memref<16640x2048xf32, #tpu.memory_space<hbm>> -> memref<16640x1024xf32, #tpu.memory_space<hbm>>
      tpu.wait_indirect_dma semaphore(%arg23 : memref<!tpu.dma_semaphore, #tpu.memory_space<semaphore_mem>>) src(%arg11 : memref<16x1024xf32, #tpu.memory_space<vmem>>) dst(%dma_wait3A_2992 : memref<16640x1024xf32, #tpu.memory_space<hbm>>)
      %add3A_2993 = arith.constant 1 : i32
      %add3A_2994 = arith.addi %add3A_2885, %add3A_2993 : i32
      %mul3A_2995 = arith.constant 16 : i32
      %mul3A_2996 = arith.muli %add3A_2994, %mul3A_2995 : i32
      %add3A_2997 = arith.addi %mul3A_2, %mul3A_2996 : i32
      %multiple_of3A_2998 = tpu.assume_multiple %add3A_2997, 16 : i32
      %dma_start3A_2999 = arith.constant 0 : i32
      %dma_start3A_3000 = tpu.memref_slice %arg2[%multiple_of3A_2998, %dma_start3A_2999] : memref<16384x2048xf32, #tpu.memory_space<hbm>> -> memref<16x1024xf32, #tpu.memory_space<hbm>>
      %dma_start3A_3001 = arith.constant 0 : i32
      %dma_start3A_3002 = tpu.memref_slice %arg2[%multiple_of3A_2998, %dma_start3A_3001] : memref<16384x2048xf32, #tpu.memory_space<hbm>> -> memref<16x1024xf32, #tpu.memory_space<hbm>>
      tpu.enqueue_dma source(%dma_start3A_3002 : memref<16x1024xf32, #tpu.memory_space<hbm>>) target(%arg11 : memref<16x1024xf32, #tpu.memory_space<vmem>>) target_semaphore(%arg17 : memref<!tpu.dma_semaphore, #tpu.memory_space<semaphore_mem>>)
      %sub3A_3003 = arith.constant 2 : i32
      %sub3A_3004 = arith.subi %add3A_2885, %sub3A_3003 : i32
      %mul3A_3005 = arith.constant 16 : i32
      %mul3A_3006 = arith.muli %sub3A_3004, %mul3A_3005 : i32
      %add3A_3007 = arith.addi %mul3A_2, %mul3A_3006 : i32
      %multiple_of3A_3008 = tpu.assume_multiple %add3A_3007, 16 : i32
      %add3A_3009 = vector.broadcast %multiple_of3A_3008 : i32 to vector<16xi32>
      %add3A_3010 = arith.addi %add3A_3009, %iota3A : vector<16xi32>
      %broadcast_in_dim3A_3011 = arith.constant 0 : i32
      %broadcast_in_dim3A_3012 = vector.broadcast %broadcast_in_dim3A_3011 : i32 to vector<16xi32>
      %ge3A_3013 = vector.broadcast %squeeze3A_21 : i32 to vector<16xi32>
      %ge3A_3014 = arith.cmpi sge, %add3A_3010, %ge3A_3013 : vector<16xi32>
      %jit3A_3015 = arith.constant 1 : i32
      %jit3A_3016 = arith.constant 0 : i32
      %broadcast_in_dim3A_3017 = vector.broadcast %jit3A_3015 : i32 to vector<16xi32>
      %broadcast_in_dim3A_3018 = vector.broadcast %jit3A_3016 : i32 to vector<16xi32>
      %select_n3A_3019 = arith.select %ge3A_3014, %broadcast_in_dim3A_3017, %broadcast_in_dim3A_3018 : vector<16xi1>, vector<16xi32>
      %add3A_3020 = arith.addi %broadcast_in_dim3A_3012, %select_n3A_3019 : vector<16xi32>
      %ge3A_3021 = vector.broadcast %squeeze3A_23 : i32 to vector<16xi32>
      %ge3A_3022 = arith.cmpi sge, %add3A_3010, %ge3A_3021 : vector<16xi32>
      %jit3A_3023 = arith.constant 1 : i32
      %jit3A_3024 = arith.constant 0 : i32
      %broadcast_in_dim3A_3025 = vector.broadcast %jit3A_3023 : i32 to vector<16xi32>
      %broadcast_in_dim3A_3026 = vector.broadcast %jit3A_3024 : i32 to vector<16xi32>
      %select_n3A_3027 = arith.select %ge3A_3022, %broadcast_in_dim3A_3025, %broadcast_in_dim3A_3026 : vector<16xi1>, vector<16xi32>
      %add3A_3028 = arith.addi %add3A_3020, %select_n3A_3027 : vector<16xi32>
      %ge3A_3029 = vector.broadcast %squeeze3A_25 : i32 to vector<16xi32>
      %ge3A_3030 = arith.cmpi sge, %add3A_3010, %ge3A_3029 : vector<16xi32>
      %jit3A_3031 = arith.constant 1 : i32
      %jit3A_3032 = arith.constant 0 : i32
      %broadcast_in_dim3A_3033 = vector.broadcast %jit3A_3031 : i32 to vector<16xi32>
      %broadcast_in_dim3A_3034 = vector.broadcast %jit3A_3032 : i32 to vector<16xi32>
      %select_n3A_3035 = arith.select %ge3A_3030, %broadcast_in_dim3A_3033, %broadcast_in_dim3A_3034 : vector<16xi1>, vector<16xi32>
      %add3A_3036 = arith.addi %add3A_3028, %select_n3A_3035 : vector<16xi32>
      %ge3A_3037 = vector.broadcast %squeeze3A_27 : i32 to vector<16xi32>
      %ge3A_3038 = arith.cmpi sge, %add3A_3010, %ge3A_3037 : vector<16xi32>
      %jit3A_3039 = arith.constant 1 : i32
      %jit3A_3040 = arith.constant 0 : i32
      %broadcast_in_dim3A_3041 = vector.broadcast %jit3A_3039 : i32 to vector<16xi32>
      %broadcast_in_dim3A_3042 = vector.broadcast %jit3A_3040 : i32 to vector<16xi32>
      %select_n3A_3043 = arith.select %ge3A_3038, %broadcast_in_dim3A_3041, %broadcast_in_dim3A_3042 : vector<16xi1>, vector<16xi32>
      %add3A_3044 = arith.addi %add3A_3036, %select_n3A_3043 : vector<16xi32>
      %ge3A_3045 = vector.broadcast %squeeze3A_29 : i32 to vector<16xi32>
      %ge3A_3046 = arith.cmpi sge, %add3A_3010, %ge3A_3045 : vector<16xi32>
      %jit3A_3047 = arith.constant 1 : i32
      %jit3A_3048 = arith.constant 0 : i32
      %broadcast_in_dim3A_3049 = vector.broadcast %jit3A_3047 : i32 to vector<16xi32>
      %broadcast_in_dim3A_3050 = vector.broadcast %jit3A_3048 : i32 to vector<16xi32>
      %select_n3A_3051 = arith.select %ge3A_3046, %broadcast_in_dim3A_3049, %broadcast_in_dim3A_3050 : vector<16xi1>, vector<16xi32>
      %add3A_3052 = arith.addi %add3A_3044, %select_n3A_3051 : vector<16xi32>
      %ge3A_3053 = vector.broadcast %squeeze3A_31 : i32 to vector<16xi32>
      %ge3A_3054 = arith.cmpi sge, %add3A_3010, %ge3A_3053 : vector<16xi32>
      %jit3A_3055 = arith.constant 1 : i32
      %jit3A_3056 = arith.constant 0 : i32
      %broadcast_in_dim3A_3057 = vector.broadcast %jit3A_3055 : i32 to vector<16xi32>
      %broadcast_in_dim3A_3058 = vector.broadcast %jit3A_3056 : i32 to vector<16xi32>
      %select_n3A_3059 = arith.select %ge3A_3054, %broadcast_in_dim3A_3057, %broadcast_in_dim3A_3058 : vector<16xi1>, vector<16xi32>
      %add3A_3060 = arith.addi %add3A_3052, %select_n3A_3059 : vector<16xi32>
      %ge3A_3061 = vector.broadcast %squeeze3A_33 : i32 to vector<16xi32>
      %ge3A_3062 = arith.cmpi sge, %add3A_3010, %ge3A_3061 : vector<16xi32>
      %jit3A_3063 = arith.constant 1 : i32
      %jit3A_3064 = arith.constant 0 : i32
      %broadcast_in_dim3A_3065 = vector.broadcast %jit3A_3063 : i32 to vector<16xi32>
      %broadcast_in_dim3A_3066 = vector.broadcast %jit3A_3064 : i32 to vector<16xi32>
      %select_n3A_3067 = arith.select %ge3A_3062, %broadcast_in_dim3A_3065, %broadcast_in_dim3A_3066 : vector<16xi1>, vector<16xi32>
      %add3A_3068 = arith.addi %add3A_3060, %select_n3A_3067 : vector<16xi32>
      %broadcast_in_dim3A_3069 = arith.constant 0 : i32
      %broadcast_in_dim3A_3070 = vector.broadcast %broadcast_in_dim3A_3069 : i32 to vector<16xi32>
      %eq3A_3071 = arith.constant 1 : i32
      %eq3A_3072 = vector.broadcast %eq3A_3071 : i32 to vector<16xi32>
      %eq3A_3073 = arith.cmpi eq, %add3A_3068, %eq3A_3072 : vector<16xi32>
      %broadcast_in_dim3A_3074 = vector.broadcast %sub3A_66 : i32 to vector<16xi32>
      %select_n3A_3075 = arith.select %eq3A_3073, %broadcast_in_dim3A_3074, %broadcast_in_dim3A_3070 : vector<16xi1>, vector<16xi32>
      %eq3A_3076 = arith.constant 2 : i32
      %eq3A_3077 = vector.broadcast %eq3A_3076 : i32 to vector<16xi32>
      %eq3A_3078 = arith.cmpi eq, %add3A_3068, %eq3A_3077 : vector<16xi32>
      %broadcast_in_dim3A_3079 = vector.broadcast %sub3A_67 : i32 to vector<16xi32>
      %select_n3A_3080 = arith.select %eq3A_3078, %broadcast_in_dim3A_3079, %select_n3A_3075 : vector<16xi1>, vector<16xi32>
      %eq3A_3081 = arith.constant 3 : i32
      %eq3A_3082 = vector.broadcast %eq3A_3081 : i32 to vector<16xi32>
      %eq3A_3083 = arith.cmpi eq, %add3A_3068, %eq3A_3082 : vector<16xi32>
      %broadcast_in_dim3A_3084 = vector.broadcast %sub3A_68 : i32 to vector<16xi32>
      %select_n3A_3085 = arith.select %eq3A_3083, %broadcast_in_dim3A_3084, %select_n3A_3080 : vector<16xi1>, vector<16xi32>
      %eq3A_3086 = arith.constant 4 : i32
      %eq3A_3087 = vector.broadcast %eq3A_3086 : i32 to vector<16xi32>
      %eq3A_3088 = arith.cmpi eq, %add3A_3068, %eq3A_3087 : vector<16xi32>
      %broadcast_in_dim3A_3089 = vector.broadcast %sub3A_69 : i32 to vector<16xi32>
      %select_n3A_3090 = arith.select %eq3A_3088, %broadcast_in_dim3A_3089, %select_n3A_3085 : vector<16xi1>, vector<16xi32>
      %eq3A_3091 = arith.constant 5 : i32
      %eq3A_3092 = vector.broadcast %eq3A_3091 : i32 to vector<16xi32>
      %eq3A_3093 = arith.cmpi eq, %add3A_3068, %eq3A_3092 : vector<16xi32>
      %broadcast_in_dim3A_3094 = vector.broadcast %sub3A_70 : i32 to vector<16xi32>
      %select_n3A_3095 = arith.select %eq3A_3093, %broadcast_in_dim3A_3094, %select_n3A_3090 : vector<16xi1>, vector<16xi32>
      %eq3A_3096 = arith.constant 6 : i32
      %eq3A_3097 = vector.broadcast %eq3A_3096 : i32 to vector<16xi32>
      %eq3A_3098 = arith.cmpi eq, %add3A_3068, %eq3A_3097 : vector<16xi32>
      %broadcast_in_dim3A_3099 = vector.broadcast %sub3A_71 : i32 to vector<16xi32>
      %select_n3A_3100 = arith.select %eq3A_3098, %broadcast_in_dim3A_3099, %select_n3A_3095 : vector<16xi1>, vector<16xi32>
      %eq3A_3101 = arith.constant 7 : i32
      %eq3A_3102 = vector.broadcast %eq3A_3101 : i32 to vector<16xi32>
      %eq3A_3103 = arith.cmpi eq, %add3A_3068, %eq3A_3102 : vector<16xi32>
      %broadcast_in_dim3A_3104 = vector.broadcast %sub3A_72 : i32 to vector<16xi32>
      %select_n3A_3105 = arith.select %eq3A_3103, %broadcast_in_dim3A_3104, %select_n3A_3100 : vector<16xi1>, vector<16xi32>
      %add3A_3106 = arith.addi %add3A_3010, %select_n3A_3105 : vector<16xi32>
      %dma_wait3A_3107 = arith.constant 0 : i32
      %dma_wait3A_3108 = arith.constant 1024 : i32
      %dma_wait3A_3109 = tpu.memref_slice %arg6[%dma_wait3A_3107, %dma_wait3A_3108] : memref<16640x2048xf32, #tpu.memory_space<hbm>> -> memref<16640x1024xf32, #tpu.memory_space<hbm>>
      tpu.wait_indirect_dma semaphore(%arg26 : memref<!tpu.dma_semaphore, #tpu.memory_space<semaphore_mem>>) src(%arg14 : memref<16x1024xf32, #tpu.memory_space<vmem>>) dst(%dma_wait3A_3109 : memref<16640x1024xf32, #tpu.memory_space<hbm>>)
      %add3A_3110 = arith.constant 1 : i32
      %add3A_3111 = arith.addi %add3A_2885, %add3A_3110 : i32
      %mul3A_3112 = arith.constant 16 : i32
      %mul3A_3113 = arith.muli %add3A_3111, %mul3A_3112 : i32
      %add3A_3114 = arith.addi %mul3A_2, %mul3A_3113 : i32
      %multiple_of3A_3115 = tpu.assume_multiple %add3A_3114, 16 : i32
      %dma_start3A_3116 = arith.constant 1024 : i32
      %dma_start3A_3117 = tpu.memref_slice %arg2[%multiple_of3A_3115, %dma_start3A_3116] : memref<16384x2048xf32, #tpu.memory_space<hbm>> -> memref<16x1024xf32, #tpu.memory_space<hbm>>
      %dma_start3A_3118 = arith.constant 1024 : i32
      %dma_start3A_3119 = tpu.memref_slice %arg2[%multiple_of3A_3115, %dma_start3A_3118] : memref<16384x2048xf32, #tpu.memory_space<hbm>> -> memref<16x1024xf32, #tpu.memory_space<hbm>>
      tpu.enqueue_dma source(%dma_start3A_3119 : memref<16x1024xf32, #tpu.memory_space<hbm>>) target(%arg14 : memref<16x1024xf32, #tpu.memory_space<vmem>>) target_semaphore(%arg20 : memref<!tpu.dma_semaphore, #tpu.memory_space<semaphore_mem>>)
      %mul3A_3120 = arith.constant 16 : i32
      %mul3A_3121 = arith.muli %add3A_2885, %mul3A_3120 : i32
      %add3A_3122 = arith.addi %mul3A_2, %mul3A_3121 : i32
      %multiple_of3A_3123 = tpu.assume_multiple %add3A_3122, 16 : i32
      %dma_wait3A_3124 = arith.constant 0 : i32
      %dma_wait3A_3125 = tpu.memref_slice %arg2[%multiple_of3A_3123, %dma_wait3A_3124] : memref<16384x2048xf32, #tpu.memory_space<hbm>> -> memref<16x1024xf32, #tpu.memory_space<hbm>>
      %dma_wait3A_3126 = arith.constant 0 : i32
      %dma_wait3A_3127 = tpu.memref_slice %arg2[%multiple_of3A_3123, %dma_wait3A_3126] : memref<16384x2048xf32, #tpu.memory_space<hbm>> -> memref<16x1024xf32, #tpu.memory_space<hbm>>
      tpu.wait_dma2 semaphore(%arg16 : memref<!tpu.dma_semaphore, #tpu.memory_space<semaphore_mem>>) src(%dma_wait3A_3127 : memref<16x1024xf32, #tpu.memory_space<hbm>>) dst(%arg10 : memref<16x1024xf32, #tpu.memory_space<vmem>>)
      %mul3A_3128 = arith.constant 16 : i32
      %mul3A_3129 = arith.muli %add3A_2885, %mul3A_3128 : i32
      %add3A_3130 = arith.addi %mul3A_2, %mul3A_3129 : i32
      %multiple_of3A_3131 = tpu.assume_multiple %add3A_3130, 16 : i32
      %add3A_3132 = vector.broadcast %multiple_of3A_3131 : i32 to vector<16xi32>
      %add3A_3133 = arith.addi %add3A_3132, %iota3A : vector<16xi32>
      %broadcast_in_dim3A_3134 = arith.constant 0 : i32
      %broadcast_in_dim3A_3135 = vector.broadcast %broadcast_in_dim3A_3134 : i32 to vector<16xi32>
      %ge3A_3136 = vector.broadcast %squeeze3A_21 : i32 to vector<16xi32>
      %ge3A_3137 = arith.cmpi sge, %add3A_3133, %ge3A_3136 : vector<16xi32>
      %jit3A_3138 = arith.constant 1 : i32
      %jit3A_3139 = arith.constant 0 : i32
      %broadcast_in_dim3A_3140 = vector.broadcast %jit3A_3138 : i32 to vector<16xi32>
      %broadcast_in_dim3A_3141 = vector.broadcast %jit3A_3139 : i32 to vector<16xi32>
      %select_n3A_3142 = arith.select %ge3A_3137, %broadcast_in_dim3A_3140, %broadcast_in_dim3A_3141 : vector<16xi1>, vector<16xi32>
      %add3A_3143 = arith.addi %broadcast_in_dim3A_3135, %select_n3A_3142 : vector<16xi32>
      %ge3A_3144 = vector.broadcast %squeeze3A_23 : i32 to vector<16xi32>
      %ge3A_3145 = arith.cmpi sge, %add3A_3133, %ge3A_3144 : vector<16xi32>
      %jit3A_3146 = arith.constant 1 : i32
      %jit3A_3147 = arith.constant 0 : i32
      %broadcast_in_dim3A_3148 = vector.broadcast %jit3A_3146 : i32 to vector<16xi32>
      %broadcast_in_dim3A_3149 = vector.broadcast %jit3A_3147 : i32 to vector<16xi32>
      %select_n3A_3150 = arith.select %ge3A_3145, %broadcast_in_dim3A_3148, %broadcast_in_dim3A_3149 : vector<16xi1>, vector<16xi32>
      %add3A_3151 = arith.addi %add3A_3143, %select_n3A_3150 : vector<16xi32>
      %ge3A_3152 = vector.broadcast %squeeze3A_25 : i32 to vector<16xi32>
      %ge3A_3153 = arith.cmpi sge, %add3A_3133, %ge3A_3152 : vector<16xi32>
      %jit3A_3154 = arith.constant 1 : i32
      %jit3A_3155 = arith.constant 0 : i32
      %broadcast_in_dim3A_3156 = vector.broadcast %jit3A_3154 : i32 to vector<16xi32>
      %broadcast_in_dim3A_3157 = vector.broadcast %jit3A_3155 : i32 to vector<16xi32>
      %select_n3A_3158 = arith.select %ge3A_3153, %broadcast_in_dim3A_3156, %broadcast_in_dim3A_3157 : vector<16xi1>, vector<16xi32>
      %add3A_3159 = arith.addi %add3A_3151, %select_n3A_3158 : vector<16xi32>
      %ge3A_3160 = vector.broadcast %squeeze3A_27 : i32 to vector<16xi32>
      %ge3A_3161 = arith.cmpi sge, %add3A_3133, %ge3A_3160 : vector<16xi32>
      %jit3A_3162 = arith.constant 1 : i32
      %jit3A_3163 = arith.constant 0 : i32
      %broadcast_in_dim3A_3164 = vector.broadcast %jit3A_3162 : i32 to vector<16xi32>
      %broadcast_in_dim3A_3165 = vector.broadcast %jit3A_3163 : i32 to vector<16xi32>
      %select_n3A_3166 = arith.select %ge3A_3161, %broadcast_in_dim3A_3164, %broadcast_in_dim3A_3165 : vector<16xi1>, vector<16xi32>
      %add3A_3167 = arith.addi %add3A_3159, %select_n3A_3166 : vector<16xi32>
      %ge3A_3168 = vector.broadcast %squeeze3A_29 : i32 to vector<16xi32>
      %ge3A_3169 = arith.cmpi sge, %add3A_3133, %ge3A_3168 : vector<16xi32>
      %jit3A_3170 = arith.constant 1 : i32
      %jit3A_3171 = arith.constant 0 : i32
      %broadcast_in_dim3A_3172 = vector.broadcast %jit3A_3170 : i32 to vector<16xi32>
      %broadcast_in_dim3A_3173 = vector.broadcast %jit3A_3171 : i32 to vector<16xi32>
      %select_n3A_3174 = arith.select %ge3A_3169, %broadcast_in_dim3A_3172, %broadcast_in_dim3A_3173 : vector<16xi1>, vector<16xi32>
      %add3A_3175 = arith.addi %add3A_3167, %select_n3A_3174 : vector<16xi32>
      %ge3A_3176 = vector.broadcast %squeeze3A_31 : i32 to vector<16xi32>
      %ge3A_3177 = arith.cmpi sge, %add3A_3133, %ge3A_3176 : vector<16xi32>
      %jit3A_3178 = arith.constant 1 : i32
      %jit3A_3179 = arith.constant 0 : i32
      %broadcast_in_dim3A_3180 = vector.broadcast %jit3A_3178 : i32 to vector<16xi32>
      %broadcast_in_dim3A_3181 = vector.broadcast %jit3A_3179 : i32 to vector<16xi32>
      %select_n3A_3182 = arith.select %ge3A_3177, %broadcast_in_dim3A_3180, %broadcast_in_dim3A_3181 : vector<16xi1>, vector<16xi32>
      %add3A_3183 = arith.addi %add3A_3175, %select_n3A_3182 : vector<16xi32>
      %ge3A_3184 = vector.broadcast %squeeze3A_33 : i32 to vector<16xi32>
      %ge3A_3185 = arith.cmpi sge, %add3A_3133, %ge3A_3184 : vector<16xi32>
      %jit3A_3186 = arith.constant 1 : i32
      %jit3A_3187 = arith.constant 0 : i32
      %broadcast_in_dim3A_3188 = vector.broadcast %jit3A_3186 : i32 to vector<16xi32>
      %broadcast_in_dim3A_3189 = vector.broadcast %jit3A_3187 : i32 to vector<16xi32>
      %select_n3A_3190 = arith.select %ge3A_3185, %broadcast_in_dim3A_3188, %broadcast_in_dim3A_3189 : vector<16xi1>, vector<16xi32>
      %add3A_3191 = arith.addi %add3A_3183, %select_n3A_3190 : vector<16xi32>
      %broadcast_in_dim3A_3192 = arith.constant 0 : i32
      %broadcast_in_dim3A_3193 = vector.broadcast %broadcast_in_dim3A_3192 : i32 to vector<16xi32>
      %eq3A_3194 = arith.constant 1 : i32
      %eq3A_3195 = vector.broadcast %eq3A_3194 : i32 to vector<16xi32>
      %eq3A_3196 = arith.cmpi eq, %add3A_3191, %eq3A_3195 : vector<16xi32>
      %broadcast_in_dim3A_3197 = vector.broadcast %sub3A_66 : i32 to vector<16xi32>
      %select_n3A_3198 = arith.select %eq3A_3196, %broadcast_in_dim3A_3197, %broadcast_in_dim3A_3193 : vector<16xi1>, vector<16xi32>
      %eq3A_3199 = arith.constant 2 : i32
      %eq3A_3200 = vector.broadcast %eq3A_3199 : i32 to vector<16xi32>
      %eq3A_3201 = arith.cmpi eq, %add3A_3191, %eq3A_3200 : vector<16xi32>
      %broadcast_in_dim3A_3202 = vector.broadcast %sub3A_67 : i32 to vector<16xi32>
      %select_n3A_3203 = arith.select %eq3A_3201, %broadcast_in_dim3A_3202, %select_n3A_3198 : vector<16xi1>, vector<16xi32>
      %eq3A_3204 = arith.constant 3 : i32
      %eq3A_3205 = vector.broadcast %eq3A_3204 : i32 to vector<16xi32>
      %eq3A_3206 = arith.cmpi eq, %add3A_3191, %eq3A_3205 : vector<16xi32>
      %broadcast_in_dim3A_3207 = vector.broadcast %sub3A_68 : i32 to vector<16xi32>
      %select_n3A_3208 = arith.select %eq3A_3206, %broadcast_in_dim3A_3207, %select_n3A_3203 : vector<16xi1>, vector<16xi32>
      %eq3A_3209 = arith.constant 4 : i32
      %eq3A_3210 = vector.broadcast %eq3A_3209 : i32 to vector<16xi32>
      %eq3A_3211 = arith.cmpi eq, %add3A_3191, %eq3A_3210 : vector<16xi32>
      %broadcast_in_dim3A_3212 = vector.broadcast %sub3A_69 : i32 to vector<16xi32>
      %select_n3A_3213 = arith.select %eq3A_3211, %broadcast_in_dim3A_3212, %select_n3A_3208 : vector<16xi1>, vector<16xi32>
      %eq3A_3214 = arith.constant 5 : i32
      %eq3A_3215 = vector.broadcast %eq3A_3214 : i32 to vector<16xi32>
      %eq3A_3216 = arith.cmpi eq, %add3A_3191, %eq3A_3215 : vector<16xi32>
      %broadcast_in_dim3A_3217 = vector.broadcast %sub3A_70 : i32 to vector<16xi32>
      %select_n3A_3218 = arith.select %eq3A_3216, %broadcast_in_dim3A_3217, %select_n3A_3213 : vector<16xi1>, vector<16xi32>
      %eq3A_3219 = arith.constant 6 : i32
      %eq3A_3220 = vector.broadcast %eq3A_3219 : i32 to vector<16xi32>
      %eq3A_3221 = arith.cmpi eq, %add3A_3191, %eq3A_3220 : vector<16xi32>
      %broadcast_in_dim3A_3222 = vector.broadcast %sub3A_71 : i32 to vector<16xi32>
      %select_n3A_3223 = arith.select %eq3A_3221, %broadcast_in_dim3A_3222, %select_n3A_3218 : vector<16xi1>, vector<16xi32>
      %eq3A_3224 = arith.constant 7 : i32
      %eq3A_3225 = vector.broadcast %eq3A_3224 : i32 to vector<16xi32>
      %eq3A_3226 = arith.cmpi eq, %add3A_3191, %eq3A_3225 : vector<16xi32>
      %broadcast_in_dim3A_3227 = vector.broadcast %sub3A_72 : i32 to vector<16xi32>
      %select_n3A_3228 = arith.select %eq3A_3226, %broadcast_in_dim3A_3227, %select_n3A_3223 : vector<16xi1>, vector<16xi32>
      %add3A_3229 = arith.addi %add3A_3133, %select_n3A_3228 : vector<16xi32>
      %dma_start3A_3230 = arith.constant 0 : i32
      %dma_start3A_3231 = arith.constant 0 : i32
      %dma_start3A_3232 = tpu.memref_slice %arg6[%dma_start3A_3230, %dma_start3A_3231] : memref<16640x2048xf32, #tpu.memory_space<hbm>> -> memref<16640x1024xf32, #tpu.memory_space<hbm>>
      tpu.enqueue_indirect_dma source(%arg10 : memref<16x1024xf32, #tpu.memory_space<vmem>>) target(%dma_start3A_3232 : memref<16640x1024xf32, #tpu.memory_space<hbm>>) offsets(%add3A_3229 : vector<16xi32>) semaphore(%arg22 : memref<!tpu.dma_semaphore, #tpu.memory_space<semaphore_mem>>)
      %mul3A_3233 = arith.constant 16 : i32
      %mul3A_3234 = arith.muli %add3A_2885, %mul3A_3233 : i32
      %add3A_3235 = arith.addi %mul3A_2, %mul3A_3234 : i32
      %multiple_of3A_3236 = tpu.assume_multiple %add3A_3235, 16 : i32
      %dma_wait3A_3237 = arith.constant 1024 : i32
      %dma_wait3A_3238 = tpu.memref_slice %arg2[%multiple_of3A_3236, %dma_wait3A_3237] : memref<16384x2048xf32, #tpu.memory_space<hbm>> -> memref<16x1024xf32, #tpu.memory_space<hbm>>
      %dma_wait3A_3239 = arith.constant 1024 : i32
      %dma_wait3A_3240 = tpu.memref_slice %arg2[%multiple_of3A_3236, %dma_wait3A_3239] : memref<16384x2048xf32, #tpu.memory_space<hbm>> -> memref<16x1024xf32, #tpu.memory_space<hbm>>
      tpu.wait_dma2 semaphore(%arg19 : memref<!tpu.dma_semaphore, #tpu.memory_space<semaphore_mem>>) src(%dma_wait3A_3240 : memref<16x1024xf32, #tpu.memory_space<hbm>>) dst(%arg13 : memref<16x1024xf32, #tpu.memory_space<vmem>>)
      %mul3A_3241 = arith.constant 16 : i32
      %mul3A_3242 = arith.muli %add3A_2885, %mul3A_3241 : i32
      %add3A_3243 = arith.addi %mul3A_2, %mul3A_3242 : i32
      %multiple_of3A_3244 = tpu.assume_multiple %add3A_3243, 16 : i32
      %add3A_3245 = vector.broadcast %multiple_of3A_3244 : i32 to vector<16xi32>
      %add3A_3246 = arith.addi %add3A_3245, %iota3A : vector<16xi32>
      %broadcast_in_dim3A_3247 = arith.constant 0 : i32
      %broadcast_in_dim3A_3248 = vector.broadcast %broadcast_in_dim3A_3247 : i32 to vector<16xi32>
      %ge3A_3249 = vector.broadcast %squeeze3A_21 : i32 to vector<16xi32>
      %ge3A_3250 = arith.cmpi sge, %add3A_3246, %ge3A_3249 : vector<16xi32>
      %jit3A_3251 = arith.constant 1 : i32
      %jit3A_3252 = arith.constant 0 : i32
      %broadcast_in_dim3A_3253 = vector.broadcast %jit3A_3251 : i32 to vector<16xi32>
      %broadcast_in_dim3A_3254 = vector.broadcast %jit3A_3252 : i32 to vector<16xi32>
      %select_n3A_3255 = arith.select %ge3A_3250, %broadcast_in_dim3A_3253, %broadcast_in_dim3A_3254 : vector<16xi1>, vector<16xi32>
      %add3A_3256 = arith.addi %broadcast_in_dim3A_3248, %select_n3A_3255 : vector<16xi32>
      %ge3A_3257 = vector.broadcast %squeeze3A_23 : i32 to vector<16xi32>
      %ge3A_3258 = arith.cmpi sge, %add3A_3246, %ge3A_3257 : vector<16xi32>
      %jit3A_3259 = arith.constant 1 : i32
      %jit3A_3260 = arith.constant 0 : i32
      %broadcast_in_dim3A_3261 = vector.broadcast %jit3A_3259 : i32 to vector<16xi32>
      %broadcast_in_dim3A_3262 = vector.broadcast %jit3A_3260 : i32 to vector<16xi32>
      %select_n3A_3263 = arith.select %ge3A_3258, %broadcast_in_dim3A_3261, %broadcast_in_dim3A_3262 : vector<16xi1>, vector<16xi32>
      %add3A_3264 = arith.addi %add3A_3256, %select_n3A_3263 : vector<16xi32>
      %ge3A_3265 = vector.broadcast %squeeze3A_25 : i32 to vector<16xi32>
      %ge3A_3266 = arith.cmpi sge, %add3A_3246, %ge3A_3265 : vector<16xi32>
      %jit3A_3267 = arith.constant 1 : i32
      %jit3A_3268 = arith.constant 0 : i32
      %broadcast_in_dim3A_3269 = vector.broadcast %jit3A_3267 : i32 to vector<16xi32>
      %broadcast_in_dim3A_3270 = vector.broadcast %jit3A_3268 : i32 to vector<16xi32>
      %select_n3A_3271 = arith.select %ge3A_3266, %broadcast_in_dim3A_3269, %broadcast_in_dim3A_3270 : vector<16xi1>, vector<16xi32>
      %add3A_3272 = arith.addi %add3A_3264, %select_n3A_3271 : vector<16xi32>
      %ge3A_3273 = vector.broadcast %squeeze3A_27 : i32 to vector<16xi32>
      %ge3A_3274 = arith.cmpi sge, %add3A_3246, %ge3A_3273 : vector<16xi32>
      %jit3A_3275 = arith.constant 1 : i32
      %jit3A_3276 = arith.constant 0 : i32
      %broadcast_in_dim3A_3277 = vector.broadcast %jit3A_3275 : i32 to vector<16xi32>
      %broadcast_in_dim3A_3278 = vector.broadcast %jit3A_3276 : i32 to vector<16xi32>
      %select_n3A_3279 = arith.select %ge3A_3274, %broadcast_in_dim3A_3277, %broadcast_in_dim3A_3278 : vector<16xi1>, vector<16xi32>
      %add3A_3280 = arith.addi %add3A_3272, %select_n3A_3279 : vector<16xi32>
      %ge3A_3281 = vector.broadcast %squeeze3A_29 : i32 to vector<16xi32>
      %ge3A_3282 = arith.cmpi sge, %add3A_3246, %ge3A_3281 : vector<16xi32>
      %jit3A_3283 = arith.constant 1 : i32
      %jit3A_3284 = arith.constant 0 : i32
      %broadcast_in_dim3A_3285 = vector.broadcast %jit3A_3283 : i32 to vector<16xi32>
      %broadcast_in_dim3A_3286 = vector.broadcast %jit3A_3284 : i32 to vector<16xi32>
      %select_n3A_3287 = arith.select %ge3A_3282, %broadcast_in_dim3A_3285, %broadcast_in_dim3A_3286 : vector<16xi1>, vector<16xi32>
      %add3A_3288 = arith.addi %add3A_3280, %select_n3A_3287 : vector<16xi32>
      %ge3A_3289 = vector.broadcast %squeeze3A_31 : i32 to vector<16xi32>
      %ge3A_3290 = arith.cmpi sge, %add3A_3246, %ge3A_3289 : vector<16xi32>
      %jit3A_3291 = arith.constant 1 : i32
      %jit3A_3292 = arith.constant 0 : i32
      %broadcast_in_dim3A_3293 = vector.broadcast %jit3A_3291 : i32 to vector<16xi32>
      %broadcast_in_dim3A_3294 = vector.broadcast %jit3A_3292 : i32 to vector<16xi32>
      %select_n3A_3295 = arith.select %ge3A_3290, %broadcast_in_dim3A_3293, %broadcast_in_dim3A_3294 : vector<16xi1>, vector<16xi32>
      %add3A_3296 = arith.addi %add3A_3288, %select_n3A_3295 : vector<16xi32>
      %ge3A_3297 = vector.broadcast %squeeze3A_33 : i32 to vector<16xi32>
      %ge3A_3298 = arith.cmpi sge, %add3A_3246, %ge3A_3297 : vector<16xi32>
      %jit3A_3299 = arith.constant 1 : i32
      %jit3A_3300 = arith.constant 0 : i32
      %broadcast_in_dim3A_3301 = vector.broadcast %jit3A_3299 : i32 to vector<16xi32>
      %broadcast_in_dim3A_3302 = vector.broadcast %jit3A_3300 : i32 to vector<16xi32>
      %select_n3A_3303 = arith.select %ge3A_3298, %broadcast_in_dim3A_3301, %broadcast_in_dim3A_3302 : vector<16xi1>, vector<16xi32>
      %add3A_3304 = arith.addi %add3A_3296, %select_n3A_3303 : vector<16xi32>
      %broadcast_in_dim3A_3305 = arith.constant 0 : i32
      %broadcast_in_dim3A_3306 = vector.broadcast %broadcast_in_dim3A_3305 : i32 to vector<16xi32>
      %eq3A_3307 = arith.constant 1 : i32
      %eq3A_3308 = vector.broadcast %eq3A_3307 : i32 to vector<16xi32>
      %eq3A_3309 = arith.cmpi eq, %add3A_3304, %eq3A_3308 : vector<16xi32>
      %broadcast_in_dim3A_3310 = vector.broadcast %sub3A_66 : i32 to vector<16xi32>
      %select_n3A_3311 = arith.select %eq3A_3309, %broadcast_in_dim3A_3310, %broadcast_in_dim3A_3306 : vector<16xi1>, vector<16xi32>
      %eq3A_3312 = arith.constant 2 : i32
      %eq3A_3313 = vector.broadcast %eq3A_3312 : i32 to vector<16xi32>
      %eq3A_3314 = arith.cmpi eq, %add3A_3304, %eq3A_3313 : vector<16xi32>
      %broadcast_in_dim3A_3315 = vector.broadcast %sub3A_67 : i32 to vector<16xi32>
      %select_n3A_3316 = arith.select %eq3A_3314, %broadcast_in_dim3A_3315, %select_n3A_3311 : vector<16xi1>, vector<16xi32>
      %eq3A_3317 = arith.constant 3 : i32
      %eq3A_3318 = vector.broadcast %eq3A_3317 : i32 to vector<16xi32>
      %eq3A_3319 = arith.cmpi eq, %add3A_3304, %eq3A_3318 : vector<16xi32>
      %broadcast_in_dim3A_3320 = vector.broadcast %sub3A_68 : i32 to vector<16xi32>
      %select_n3A_3321 = arith.select %eq3A_3319, %broadcast_in_dim3A_3320, %select_n3A_3316 : vector<16xi1>, vector<16xi32>
      %eq3A_3322 = arith.constant 4 : i32
      %eq3A_3323 = vector.broadcast %eq3A_3322 : i32 to vector<16xi32>
      %eq3A_3324 = arith.cmpi eq, %add3A_3304, %eq3A_3323 : vector<16xi32>
      %broadcast_in_dim3A_3325 = vector.broadcast %sub3A_69 : i32 to vector<16xi32>
      %select_n3A_3326 = arith.select %eq3A_3324, %broadcast_in_dim3A_3325, %select_n3A_3321 : vector<16xi1>, vector<16xi32>
      %eq3A_3327 = arith.constant 5 : i32
      %eq3A_3328 = vector.broadcast %eq3A_3327 : i32 to vector<16xi32>
      %eq3A_3329 = arith.cmpi eq, %add3A_3304, %eq3A_3328 : vector<16xi32>
      %broadcast_in_dim3A_3330 = vector.broadcast %sub3A_70 : i32 to vector<16xi32>
      %select_n3A_3331 = arith.select %eq3A_3329, %broadcast_in_dim3A_3330, %select_n3A_3326 : vector<16xi1>, vector<16xi32>
      %eq3A_3332 = arith.constant 6 : i32
      %eq3A_3333 = vector.broadcast %eq3A_3332 : i32 to vector<16xi32>
      %eq3A_3334 = arith.cmpi eq, %add3A_3304, %eq3A_3333 : vector<16xi32>
      %broadcast_in_dim3A_3335 = vector.broadcast %sub3A_71 : i32 to vector<16xi32>
      %select_n3A_3336 = arith.select %eq3A_3334, %broadcast_in_dim3A_3335, %select_n3A_3331 : vector<16xi1>, vector<16xi32>
      %eq3A_3337 = arith.constant 7 : i32
      %eq3A_3338 = vector.broadcast %eq3A_3337 : i32 to vector<16xi32>
      %eq3A_3339 = arith.cmpi eq, %add3A_3304, %eq3A_3338 : vector<16xi32>
      %broadcast_in_dim3A_3340 = vector.broadcast %sub3A_72 : i32 to vector<16xi32>
      %select_n3A_3341 = arith.select %eq3A_3339, %broadcast_in_dim3A_3340, %select_n3A_3336 : vector<16xi1>, vector<16xi32>
      %add3A_3342 = arith.addi %add3A_3246, %select_n3A_3341 : vector<16xi32>
      %dma_start3A_3343 = arith.constant 0 : i32
      %dma_start3A_3344 = arith.constant 1024 : i32
      %dma_start3A_3345 = tpu.memref_slice %arg6[%dma_start3A_3343, %dma_start3A_3344] : memref<16640x2048xf32, #tpu.memory_space<hbm>> -> memref<16640x1024xf32, #tpu.memory_space<hbm>>
      tpu.enqueue_indirect_dma source(%arg13 : memref<16x1024xf32, #tpu.memory_space<vmem>>) target(%dma_start3A_3345 : memref<16640x1024xf32, #tpu.memory_space<hbm>>) offsets(%add3A_3342 : vector<16xi32>) semaphore(%arg25 : memref<!tpu.dma_semaphore, #tpu.memory_space<semaphore_mem>>)
      %mul3A_3346 = arith.constant 3 : i32
      %mul3A_3347 = arith.muli %mul3A_3346, %scan3A_2417 : i32
      %add3A_3348 = arith.constant 2 : i32
      %add3A_3349 = arith.addi %mul3A_3347, %add3A_3348 : i32
      %sub3A_3350 = arith.constant 2 : i32
      %sub3A_3351 = arith.subi %add3A_3349, %sub3A_3350 : i32
      %mul3A_3352 = arith.constant 16 : i32
      %mul3A_3353 = arith.muli %sub3A_3351, %mul3A_3352 : i32
      %add3A_3354 = arith.addi %mul3A_2, %mul3A_3353 : i32
      %multiple_of3A_3355 = tpu.assume_multiple %add3A_3354, 16 : i32
      %add3A_3356 = vector.broadcast %multiple_of3A_3355 : i32 to vector<16xi32>
      %add3A_3357 = arith.addi %add3A_3356, %iota3A : vector<16xi32>
      %broadcast_in_dim3A_3358 = arith.constant 0 : i32
      %broadcast_in_dim3A_3359 = vector.broadcast %broadcast_in_dim3A_3358 : i32 to vector<16xi32>
      %ge3A_3360 = vector.broadcast %squeeze3A_21 : i32 to vector<16xi32>
      %ge3A_3361 = arith.cmpi sge, %add3A_3357, %ge3A_3360 : vector<16xi32>
      %jit3A_3362 = arith.constant 1 : i32
      %jit3A_3363 = arith.constant 0 : i32
      %broadcast_in_dim3A_3364 = vector.broadcast %jit3A_3362 : i32 to vector<16xi32>
      %broadcast_in_dim3A_3365 = vector.broadcast %jit3A_3363 : i32 to vector<16xi32>
      %select_n3A_3366 = arith.select %ge3A_3361, %broadcast_in_dim3A_3364, %broadcast_in_dim3A_3365 : vector<16xi1>, vector<16xi32>
      %add3A_3367 = arith.addi %broadcast_in_dim3A_3359, %select_n3A_3366 : vector<16xi32>
      %ge3A_3368 = vector.broadcast %squeeze3A_23 : i32 to vector<16xi32>
      %ge3A_3369 = arith.cmpi sge, %add3A_3357, %ge3A_3368 : vector<16xi32>
      %jit3A_3370 = arith.constant 1 : i32
      %jit3A_3371 = arith.constant 0 : i32
      %broadcast_in_dim3A_3372 = vector.broadcast %jit3A_3370 : i32 to vector<16xi32>
      %broadcast_in_dim3A_3373 = vector.broadcast %jit3A_3371 : i32 to vector<16xi32>
      %select_n3A_3374 = arith.select %ge3A_3369, %broadcast_in_dim3A_3372, %broadcast_in_dim3A_3373 : vector<16xi1>, vector<16xi32>
      %add3A_3375 = arith.addi %add3A_3367, %select_n3A_3374 : vector<16xi32>
      %ge3A_3376 = vector.broadcast %squeeze3A_25 : i32 to vector<16xi32>
      %ge3A_3377 = arith.cmpi sge, %add3A_3357, %ge3A_3376 : vector<16xi32>
      %jit3A_3378 = arith.constant 1 : i32
      %jit3A_3379 = arith.constant 0 : i32
      %broadcast_in_dim3A_3380 = vector.broadcast %jit3A_3378 : i32 to vector<16xi32>
      %broadcast_in_dim3A_3381 = vector.broadcast %jit3A_3379 : i32 to vector<16xi32>
      %select_n3A_3382 = arith.select %ge3A_3377, %broadcast_in_dim3A_3380, %broadcast_in_dim3A_3381 : vector<16xi1>, vector<16xi32>
      %add3A_3383 = arith.addi %add3A_3375, %select_n3A_3382 : vector<16xi32>
      %ge3A_3384 = vector.broadcast %squeeze3A_27 : i32 to vector<16xi32>
      %ge3A_3385 = arith.cmpi sge, %add3A_3357, %ge3A_3384 : vector<16xi32>
      %jit3A_3386 = arith.constant 1 : i32
      %jit3A_3387 = arith.constant 0 : i32
      %broadcast_in_dim3A_3388 = vector.broadcast %jit3A_3386 : i32 to vector<16xi32>
      %broadcast_in_dim3A_3389 = vector.broadcast %jit3A_3387 : i32 to vector<16xi32>
      %select_n3A_3390 = arith.select %ge3A_3385, %broadcast_in_dim3A_3388, %broadcast_in_dim3A_3389 : vector<16xi1>, vector<16xi32>
      %add3A_3391 = arith.addi %add3A_3383, %select_n3A_3390 : vector<16xi32>
      %ge3A_3392 = vector.broadcast %squeeze3A_29 : i32 to vector<16xi32>
      %ge3A_3393 = arith.cmpi sge, %add3A_3357, %ge3A_3392 : vector<16xi32>
      %jit3A_3394 = arith.constant 1 : i32
      %jit3A_3395 = arith.constant 0 : i32
      %broadcast_in_dim3A_3396 = vector.broadcast %jit3A_3394 : i32 to vector<16xi32>
      %broadcast_in_dim3A_3397 = vector.broadcast %jit3A_3395 : i32 to vector<16xi32>
      %select_n3A_3398 = arith.select %ge3A_3393, %broadcast_in_dim3A_3396, %broadcast_in_dim3A_3397 : vector<16xi1>, vector<16xi32>
      %add3A_3399 = arith.addi %add3A_3391, %select_n3A_3398 : vector<16xi32>
      %ge3A_3400 = vector.broadcast %squeeze3A_31 : i32 to vector<16xi32>
      %ge3A_3401 = arith.cmpi sge, %add3A_3357, %ge3A_3400 : vector<16xi32>
      %jit3A_3402 = arith.constant 1 : i32
      %jit3A_3403 = arith.constant 0 : i32
      %broadcast_in_dim3A_3404 = vector.broadcast %jit3A_3402 : i32 to vector<16xi32>
      %broadcast_in_dim3A_3405 = vector.broadcast %jit3A_3403 : i32 to vector<16xi32>
      %select_n3A_3406 = arith.select %ge3A_3401, %broadcast_in_dim3A_3404, %broadcast_in_dim3A_3405 : vector<16xi1>, vector<16xi32>
      %add3A_3407 = arith.addi %add3A_3399, %select_n3A_3406 : vector<16xi32>
      %ge3A_3408 = vector.broadcast %squeeze3A_33 : i32 to vector<16xi32>
      %ge3A_3409 = arith.cmpi sge, %add3A_3357, %ge3A_3408 : vector<16xi32>
      %jit3A_3410 = arith.constant 1 : i32
      %jit3A_3411 = arith.constant 0 : i32
      %broadcast_in_dim3A_3412 = vector.broadcast %jit3A_3410 : i32 to vector<16xi32>
      %broadcast_in_dim3A_3413 = vector.broadcast %jit3A_3411 : i32 to vector<16xi32>
      %select_n3A_3414 = arith.select %ge3A_3409, %broadcast_in_dim3A_3412, %broadcast_in_dim3A_3413 : vector<16xi1>, vector<16xi32>
      %add3A_3415 = arith.addi %add3A_3407, %select_n3A_3414 : vector<16xi32>
      %broadcast_in_dim3A_3416 = arith.constant 0 : i32
      %broadcast_in_dim3A_3417 = vector.broadcast %broadcast_in_dim3A_3416 : i32 to vector<16xi32>
      %eq3A_3418 = arith.constant 1 : i32
      %eq3A_3419 = vector.broadcast %eq3A_3418 : i32 to vector<16xi32>
      %eq3A_3420 = arith.cmpi eq, %add3A_3415, %eq3A_3419 : vector<16xi32>
      %broadcast_in_dim3A_3421 = vector.broadcast %sub3A_66 : i32 to vector<16xi32>
      %select_n3A_3422 = arith.select %eq3A_3420, %broadcast_in_dim3A_3421, %broadcast_in_dim3A_3417 : vector<16xi1>, vector<16xi32>
      %eq3A_3423 = arith.constant 2 : i32
      %eq3A_3424 = vector.broadcast %eq3A_3423 : i32 to vector<16xi32>
      %eq3A_3425 = arith.cmpi eq, %add3A_3415, %eq3A_3424 : vector<16xi32>
      %broadcast_in_dim3A_3426 = vector.broadcast %sub3A_67 : i32 to vector<16xi32>
      %select_n3A_3427 = arith.select %eq3A_3425, %broadcast_in_dim3A_3426, %select_n3A_3422 : vector<16xi1>, vector<16xi32>
      %eq3A_3428 = arith.constant 3 : i32
      %eq3A_3429 = vector.broadcast %eq3A_3428 : i32 to vector<16xi32>
      %eq3A_3430 = arith.cmpi eq, %add3A_3415, %eq3A_3429 : vector<16xi32>
      %broadcast_in_dim3A_3431 = vector.broadcast %sub3A_68 : i32 to vector<16xi32>
      %select_n3A_3432 = arith.select %eq3A_3430, %broadcast_in_dim3A_3431, %select_n3A_3427 : vector<16xi1>, vector<16xi32>
      %eq3A_3433 = arith.constant 4 : i32
      %eq3A_3434 = vector.broadcast %eq3A_3433 : i32 to vector<16xi32>
      %eq3A_3435 = arith.cmpi eq, %add3A_3415, %eq3A_3434 : vector<16xi32>
      %broadcast_in_dim3A_3436 = vector.broadcast %sub3A_69 : i32 to vector<16xi32>
      %select_n3A_3437 = arith.select %eq3A_3435, %broadcast_in_dim3A_3436, %select_n3A_3432 : vector<16xi1>, vector<16xi32>
      %eq3A_3438 = arith.constant 5 : i32
      %eq3A_3439 = vector.broadcast %eq3A_3438 : i32 to vector<16xi32>
      %eq3A_3440 = arith.cmpi eq, %add3A_3415, %eq3A_3439 : vector<16xi32>
      %broadcast_in_dim3A_3441 = vector.broadcast %sub3A_70 : i32 to vector<16xi32>
      %select_n3A_3442 = arith.select %eq3A_3440, %broadcast_in_dim3A_3441, %select_n3A_3437 : vector<16xi1>, vector<16xi32>
      %eq3A_3443 = arith.constant 6 : i32
      %eq3A_3444 = vector.broadcast %eq3A_3443 : i32 to vector<16xi32>
      %eq3A_3445 = arith.cmpi eq, %add3A_3415, %eq3A_3444 : vector<16xi32>
      %broadcast_in_dim3A_3446 = vector.broadcast %sub3A_71 : i32 to vector<16xi32>
      %select_n3A_3447 = arith.select %eq3A_3445, %broadcast_in_dim3A_3446, %select_n3A_3442 : vector<16xi1>, vector<16xi32>
      %eq3A_3448 = arith.constant 7 : i32
      %eq3A_3449 = vector.broadcast %eq3A_3448 : i32 to vector<16xi32>
      %eq3A_3450 = arith.cmpi eq, %add3A_3415, %eq3A_3449 : vector<16xi32>
      %broadcast_in_dim3A_3451 = vector.broadcast %sub3A_72 : i32 to vector<16xi32>
      %select_n3A_3452 = arith.select %eq3A_3450, %broadcast_in_dim3A_3451, %select_n3A_3447 : vector<16xi1>, vector<16xi32>
      %add3A_3453 = arith.addi %add3A_3357, %select_n3A_3452 : vector<16xi32>
      %dma_wait3A_3454 = arith.constant 0 : i32
      %dma_wait3A_3455 = arith.constant 0 : i32
      %dma_wait3A_3456 = tpu.memref_slice %arg6[%dma_wait3A_3454, %dma_wait3A_3455] : memref<16640x2048xf32, #tpu.memory_space<hbm>> -> memref<16640x1024xf32, #tpu.memory_space<hbm>>
      tpu.wait_indirect_dma semaphore(%arg21 : memref<!tpu.dma_semaphore, #tpu.memory_space<semaphore_mem>>) src(%arg9 : memref<16x1024xf32, #tpu.memory_space<vmem>>) dst(%dma_wait3A_3456 : memref<16640x1024xf32, #tpu.memory_space<hbm>>)
      %add3A_3457 = arith.constant 1 : i32
      %add3A_3458 = arith.addi %add3A_3349, %add3A_3457 : i32
      %mul3A_3459 = arith.constant 16 : i32
      %mul3A_3460 = arith.muli %add3A_3458, %mul3A_3459 : i32
      %add3A_3461 = arith.addi %mul3A_2, %mul3A_3460 : i32
      %multiple_of3A_3462 = tpu.assume_multiple %add3A_3461, 16 : i32
      %dma_start3A_3463 = arith.constant 0 : i32
      %dma_start3A_3464 = tpu.memref_slice %arg2[%multiple_of3A_3462, %dma_start3A_3463] : memref<16384x2048xf32, #tpu.memory_space<hbm>> -> memref<16x1024xf32, #tpu.memory_space<hbm>>
      %dma_start3A_3465 = arith.constant 0 : i32
      %dma_start3A_3466 = tpu.memref_slice %arg2[%multiple_of3A_3462, %dma_start3A_3465] : memref<16384x2048xf32, #tpu.memory_space<hbm>> -> memref<16x1024xf32, #tpu.memory_space<hbm>>
      tpu.enqueue_dma source(%dma_start3A_3466 : memref<16x1024xf32, #tpu.memory_space<hbm>>) target(%arg9 : memref<16x1024xf32, #tpu.memory_space<vmem>>) target_semaphore(%arg15 : memref<!tpu.dma_semaphore, #tpu.memory_space<semaphore_mem>>)
      %sub3A_3467 = arith.constant 2 : i32
      %sub3A_3468 = arith.subi %add3A_3349, %sub3A_3467 : i32
      %mul3A_3469 = arith.constant 16 : i32
      %mul3A_3470 = arith.muli %sub3A_3468, %mul3A_3469 : i32
      %add3A_3471 = arith.addi %mul3A_2, %mul3A_3470 : i32
      %multiple_of3A_3472 = tpu.assume_multiple %add3A_3471, 16 : i32
      %add3A_3473 = vector.broadcast %multiple_of3A_3472 : i32 to vector<16xi32>
      %add3A_3474 = arith.addi %add3A_3473, %iota3A : vector<16xi32>
      %broadcast_in_dim3A_3475 = arith.constant 0 : i32
      %broadcast_in_dim3A_3476 = vector.broadcast %broadcast_in_dim3A_3475 : i32 to vector<16xi32>
      %ge3A_3477 = vector.broadcast %squeeze3A_21 : i32 to vector<16xi32>
      %ge3A_3478 = arith.cmpi sge, %add3A_3474, %ge3A_3477 : vector<16xi32>
      %jit3A_3479 = arith.constant 1 : i32
      %jit3A_3480 = arith.constant 0 : i32
      %broadcast_in_dim3A_3481 = vector.broadcast %jit3A_3479 : i32 to vector<16xi32>
      %broadcast_in_dim3A_3482 = vector.broadcast %jit3A_3480 : i32 to vector<16xi32>
      %select_n3A_3483 = arith.select %ge3A_3478, %broadcast_in_dim3A_3481, %broadcast_in_dim3A_3482 : vector<16xi1>, vector<16xi32>
      %add3A_3484 = arith.addi %broadcast_in_dim3A_3476, %select_n3A_3483 : vector<16xi32>
      %ge3A_3485 = vector.broadcast %squeeze3A_23 : i32 to vector<16xi32>
      %ge3A_3486 = arith.cmpi sge, %add3A_3474, %ge3A_3485 : vector<16xi32>
      %jit3A_3487 = arith.constant 1 : i32
      %jit3A_3488 = arith.constant 0 : i32
      %broadcast_in_dim3A_3489 = vector.broadcast %jit3A_3487 : i32 to vector<16xi32>
      %broadcast_in_dim3A_3490 = vector.broadcast %jit3A_3488 : i32 to vector<16xi32>
      %select_n3A_3491 = arith.select %ge3A_3486, %broadcast_in_dim3A_3489, %broadcast_in_dim3A_3490 : vector<16xi1>, vector<16xi32>
      %add3A_3492 = arith.addi %add3A_3484, %select_n3A_3491 : vector<16xi32>
      %ge3A_3493 = vector.broadcast %squeeze3A_25 : i32 to vector<16xi32>
      %ge3A_3494 = arith.cmpi sge, %add3A_3474, %ge3A_3493 : vector<16xi32>
      %jit3A_3495 = arith.constant 1 : i32
      %jit3A_3496 = arith.constant 0 : i32
      %broadcast_in_dim3A_3497 = vector.broadcast %jit3A_3495 : i32 to vector<16xi32>
      %broadcast_in_dim3A_3498 = vector.broadcast %jit3A_3496 : i32 to vector<16xi32>
      %select_n3A_3499 = arith.select %ge3A_3494, %broadcast_in_dim3A_3497, %broadcast_in_dim3A_3498 : vector<16xi1>, vector<16xi32>
      %add3A_3500 = arith.addi %add3A_3492, %select_n3A_3499 : vector<16xi32>
      %ge3A_3501 = vector.broadcast %squeeze3A_27 : i32 to vector<16xi32>
      %ge3A_3502 = arith.cmpi sge, %add3A_3474, %ge3A_3501 : vector<16xi32>
      %jit3A_3503 = arith.constant 1 : i32
      %jit3A_3504 = arith.constant 0 : i32
      %broadcast_in_dim3A_3505 = vector.broadcast %jit3A_3503 : i32 to vector<16xi32>
      %broadcast_in_dim3A_3506 = vector.broadcast %jit3A_3504 : i32 to vector<16xi32>
      %select_n3A_3507 = arith.select %ge3A_3502, %broadcast_in_dim3A_3505, %broadcast_in_dim3A_3506 : vector<16xi1>, vector<16xi32>
      %add3A_3508 = arith.addi %add3A_3500, %select_n3A_3507 : vector<16xi32>
      %ge3A_3509 = vector.broadcast %squeeze3A_29 : i32 to vector<16xi32>
      %ge3A_3510 = arith.cmpi sge, %add3A_3474, %ge3A_3509 : vector<16xi32>
      %jit3A_3511 = arith.constant 1 : i32
      %jit3A_3512 = arith.constant 0 : i32
      %broadcast_in_dim3A_3513 = vector.broadcast %jit3A_3511 : i32 to vector<16xi32>
      %broadcast_in_dim3A_3514 = vector.broadcast %jit3A_3512 : i32 to vector<16xi32>
      %select_n3A_3515 = arith.select %ge3A_3510, %broadcast_in_dim3A_3513, %broadcast_in_dim3A_3514 : vector<16xi1>, vector<16xi32>
      %add3A_3516 = arith.addi %add3A_3508, %select_n3A_3515 : vector<16xi32>
      %ge3A_3517 = vector.broadcast %squeeze3A_31 : i32 to vector<16xi32>
      %ge3A_3518 = arith.cmpi sge, %add3A_3474, %ge3A_3517 : vector<16xi32>
      %jit3A_3519 = arith.constant 1 : i32
      %jit3A_3520 = arith.constant 0 : i32
      %broadcast_in_dim3A_3521 = vector.broadcast %jit3A_3519 : i32 to vector<16xi32>
      %broadcast_in_dim3A_3522 = vector.broadcast %jit3A_3520 : i32 to vector<16xi32>
      %select_n3A_3523 = arith.select %ge3A_3518, %broadcast_in_dim3A_3521, %broadcast_in_dim3A_3522 : vector<16xi1>, vector<16xi32>
      %add3A_3524 = arith.addi %add3A_3516, %select_n3A_3523 : vector<16xi32>
      %ge3A_3525 = vector.broadcast %squeeze3A_33 : i32 to vector<16xi32>
      %ge3A_3526 = arith.cmpi sge, %add3A_3474, %ge3A_3525 : vector<16xi32>
      %jit3A_3527 = arith.constant 1 : i32
      %jit3A_3528 = arith.constant 0 : i32
      %broadcast_in_dim3A_3529 = vector.broadcast %jit3A_3527 : i32 to vector<16xi32>
      %broadcast_in_dim3A_3530 = vector.broadcast %jit3A_3528 : i32 to vector<16xi32>
      %select_n3A_3531 = arith.select %ge3A_3526, %broadcast_in_dim3A_3529, %broadcast_in_dim3A_3530 : vector<16xi1>, vector<16xi32>
      %add3A_3532 = arith.addi %add3A_3524, %select_n3A_3531 : vector<16xi32>
      %broadcast_in_dim3A_3533 = arith.constant 0 : i32
      %broadcast_in_dim3A_3534 = vector.broadcast %broadcast_in_dim3A_3533 : i32 to vector<16xi32>
      %eq3A_3535 = arith.constant 1 : i32
      %eq3A_3536 = vector.broadcast %eq3A_3535 : i32 to vector<16xi32>
      %eq3A_3537 = arith.cmpi eq, %add3A_3532, %eq3A_3536 : vector<16xi32>
      %broadcast_in_dim3A_3538 = vector.broadcast %sub3A_66 : i32 to vector<16xi32>
      %select_n3A_3539 = arith.select %eq3A_3537, %broadcast_in_dim3A_3538, %broadcast_in_dim3A_3534 : vector<16xi1>, vector<16xi32>
      %eq3A_3540 = arith.constant 2 : i32
      %eq3A_3541 = vector.broadcast %eq3A_3540 : i32 to vector<16xi32>
      %eq3A_3542 = arith.cmpi eq, %add3A_3532, %eq3A_3541 : vector<16xi32>
      %broadcast_in_dim3A_3543 = vector.broadcast %sub3A_67 : i32 to vector<16xi32>
      %select_n3A_3544 = arith.select %eq3A_3542, %broadcast_in_dim3A_3543, %select_n3A_3539 : vector<16xi1>, vector<16xi32>
      %eq3A_3545 = arith.constant 3 : i32
      %eq3A_3546 = vector.broadcast %eq3A_3545 : i32 to vector<16xi32>
      %eq3A_3547 = arith.cmpi eq, %add3A_3532, %eq3A_3546 : vector<16xi32>
      %broadcast_in_dim3A_3548 = vector.broadcast %sub3A_68 : i32 to vector<16xi32>
      %select_n3A_3549 = arith.select %eq3A_3547, %broadcast_in_dim3A_3548, %select_n3A_3544 : vector<16xi1>, vector<16xi32>
      %eq3A_3550 = arith.constant 4 : i32
      %eq3A_3551 = vector.broadcast %eq3A_3550 : i32 to vector<16xi32>
      %eq3A_3552 = arith.cmpi eq, %add3A_3532, %eq3A_3551 : vector<16xi32>
      %broadcast_in_dim3A_3553 = vector.broadcast %sub3A_69 : i32 to vector<16xi32>
      %select_n3A_3554 = arith.select %eq3A_3552, %broadcast_in_dim3A_3553, %select_n3A_3549 : vector<16xi1>, vector<16xi32>
      %eq3A_3555 = arith.constant 5 : i32
      %eq3A_3556 = vector.broadcast %eq3A_3555 : i32 to vector<16xi32>
      %eq3A_3557 = arith.cmpi eq, %add3A_3532, %eq3A_3556 : vector<16xi32>
      %broadcast_in_dim3A_3558 = vector.broadcast %sub3A_70 : i32 to vector<16xi32>
      %select_n3A_3559 = arith.select %eq3A_3557, %broadcast_in_dim3A_3558, %select_n3A_3554 : vector<16xi1>, vector<16xi32>
      %eq3A_3560 = arith.constant 6 : i32
      %eq3A_3561 = vector.broadcast %eq3A_3560 : i32 to vector<16xi32>
      %eq3A_3562 = arith.cmpi eq, %add3A_3532, %eq3A_3561 : vector<16xi32>
      %broadcast_in_dim3A_3563 = vector.broadcast %sub3A_71 : i32 to vector<16xi32>
      %select_n3A_3564 = arith.select %eq3A_3562, %broadcast_in_dim3A_3563, %select_n3A_3559 : vector<16xi1>, vector<16xi32>
      %eq3A_3565 = arith.constant 7 : i32
      %eq3A_3566 = vector.broadcast %eq3A_3565 : i32 to vector<16xi32>
      %eq3A_3567 = arith.cmpi eq, %add3A_3532, %eq3A_3566 : vector<16xi32>
      %broadcast_in_dim3A_3568 = vector.broadcast %sub3A_72 : i32 to vector<16xi32>
      %select_n3A_3569 = arith.select %eq3A_3567, %broadcast_in_dim3A_3568, %select_n3A_3564 : vector<16xi1>, vector<16xi32>
      %add3A_3570 = arith.addi %add3A_3474, %select_n3A_3569 : vector<16xi32>
      %dma_wait3A_3571 = arith.constant 0 : i32
      %dma_wait3A_3572 = arith.constant 1024 : i32
      %dma_wait3A_3573 = tpu.memref_slice %arg6[%dma_wait3A_3571, %dma_wait3A_3572] : memref<16640x2048xf32, #tpu.memory_space<hbm>> -> memref<16640x1024xf32, #tpu.memory_space<hbm>>
      tpu.wait_indirect_dma semaphore(%arg24 : memref<!tpu.dma_semaphore, #tpu.memory_space<semaphore_mem>>) src(%arg12 : memref<16x1024xf32, #tpu.memory_space<vmem>>) dst(%dma_wait3A_3573 : memref<16640x1024xf32, #tpu.memory_space<hbm>>)
      %add3A_3574 = arith.constant 1 : i32
      %add3A_3575 = arith.addi %add3A_3349, %add3A_3574 : i32
      %mul3A_3576 = arith.constant 16 : i32
      %mul3A_3577 = arith.muli %add3A_3575, %mul3A_3576 : i32
      %add3A_3578 = arith.addi %mul3A_2, %mul3A_3577 : i32
      %multiple_of3A_3579 = tpu.assume_multiple %add3A_3578, 16 : i32
      %dma_start3A_3580 = arith.constant 1024 : i32
      %dma_start3A_3581 = tpu.memref_slice %arg2[%multiple_of3A_3579, %dma_start3A_3580] : memref<16384x2048xf32, #tpu.memory_space<hbm>> -> memref<16x1024xf32, #tpu.memory_space<hbm>>
      %dma_start3A_3582 = arith.constant 1024 : i32
      %dma_start3A_3583 = tpu.memref_slice %arg2[%multiple_of3A_3579, %dma_start3A_3582] : memref<16384x2048xf32, #tpu.memory_space<hbm>> -> memref<16x1024xf32, #tpu.memory_space<hbm>>
      tpu.enqueue_dma source(%dma_start3A_3583 : memref<16x1024xf32, #tpu.memory_space<hbm>>) target(%arg12 : memref<16x1024xf32, #tpu.memory_space<vmem>>) target_semaphore(%arg18 : memref<!tpu.dma_semaphore, #tpu.memory_space<semaphore_mem>>)
      %mul3A_3584 = arith.constant 16 : i32
      %mul3A_3585 = arith.muli %add3A_3349, %mul3A_3584 : i32
      %add3A_3586 = arith.addi %mul3A_2, %mul3A_3585 : i32
      %multiple_of3A_3587 = tpu.assume_multiple %add3A_3586, 16 : i32
      %dma_wait3A_3588 = arith.constant 0 : i32
      %dma_wait3A_3589 = tpu.memref_slice %arg2[%multiple_of3A_3587, %dma_wait3A_3588] : memref<16384x2048xf32, #tpu.memory_space<hbm>> -> memref<16x1024xf32, #tpu.memory_space<hbm>>
      %dma_wait3A_3590 = arith.constant 0 : i32
      %dma_wait3A_3591 = tpu.memref_slice %arg2[%multiple_of3A_3587, %dma_wait3A_3590] : memref<16384x2048xf32, #tpu.memory_space<hbm>> -> memref<16x1024xf32, #tpu.memory_space<hbm>>
      tpu.wait_dma2 semaphore(%arg17 : memref<!tpu.dma_semaphore, #tpu.memory_space<semaphore_mem>>) src(%dma_wait3A_3591 : memref<16x1024xf32, #tpu.memory_space<hbm>>) dst(%arg11 : memref<16x1024xf32, #tpu.memory_space<vmem>>)
      %mul3A_3592 = arith.constant 16 : i32
      %mul3A_3593 = arith.muli %add3A_3349, %mul3A_3592 : i32
      %add3A_3594 = arith.addi %mul3A_2, %mul3A_3593 : i32
      %multiple_of3A_3595 = tpu.assume_multiple %add3A_3594, 16 : i32
      %add3A_3596 = vector.broadcast %multiple_of3A_3595 : i32 to vector<16xi32>
      %add3A_3597 = arith.addi %add3A_3596, %iota3A : vector<16xi32>
      %broadcast_in_dim3A_3598 = arith.constant 0 : i32
      %broadcast_in_dim3A_3599 = vector.broadcast %broadcast_in_dim3A_3598 : i32 to vector<16xi32>
      %ge3A_3600 = vector.broadcast %squeeze3A_21 : i32 to vector<16xi32>
      %ge3A_3601 = arith.cmpi sge, %add3A_3597, %ge3A_3600 : vector<16xi32>
      %jit3A_3602 = arith.constant 1 : i32
      %jit3A_3603 = arith.constant 0 : i32
      %broadcast_in_dim3A_3604 = vector.broadcast %jit3A_3602 : i32 to vector<16xi32>
      %broadcast_in_dim3A_3605 = vector.broadcast %jit3A_3603 : i32 to vector<16xi32>
      %select_n3A_3606 = arith.select %ge3A_3601, %broadcast_in_dim3A_3604, %broadcast_in_dim3A_3605 : vector<16xi1>, vector<16xi32>
      %add3A_3607 = arith.addi %broadcast_in_dim3A_3599, %select_n3A_3606 : vector<16xi32>
      %ge3A_3608 = vector.broadcast %squeeze3A_23 : i32 to vector<16xi32>
      %ge3A_3609 = arith.cmpi sge, %add3A_3597, %ge3A_3608 : vector<16xi32>
      %jit3A_3610 = arith.constant 1 : i32
      %jit3A_3611 = arith.constant 0 : i32
      %broadcast_in_dim3A_3612 = vector.broadcast %jit3A_3610 : i32 to vector<16xi32>
      %broadcast_in_dim3A_3613 = vector.broadcast %jit3A_3611 : i32 to vector<16xi32>
      %select_n3A_3614 = arith.select %ge3A_3609, %broadcast_in_dim3A_3612, %broadcast_in_dim3A_3613 : vector<16xi1>, vector<16xi32>
      %add3A_3615 = arith.addi %add3A_3607, %select_n3A_3614 : vector<16xi32>
      %ge3A_3616 = vector.broadcast %squeeze3A_25 : i32 to vector<16xi32>
      %ge3A_3617 = arith.cmpi sge, %add3A_3597, %ge3A_3616 : vector<16xi32>
      %jit3A_3618 = arith.constant 1 : i32
      %jit3A_3619 = arith.constant 0 : i32
      %broadcast_in_dim3A_3620 = vector.broadcast %jit3A_3618 : i32 to vector<16xi32>
      %broadcast_in_dim3A_3621 = vector.broadcast %jit3A_3619 : i32 to vector<16xi32>
      %select_n3A_3622 = arith.select %ge3A_3617, %broadcast_in_dim3A_3620, %broadcast_in_dim3A_3621 : vector<16xi1>, vector<16xi32>
      %add3A_3623 = arith.addi %add3A_3615, %select_n3A_3622 : vector<16xi32>
      %ge3A_3624 = vector.broadcast %squeeze3A_27 : i32 to vector<16xi32>
      %ge3A_3625 = arith.cmpi sge, %add3A_3597, %ge3A_3624 : vector<16xi32>
      %jit3A_3626 = arith.constant 1 : i32
      %jit3A_3627 = arith.constant 0 : i32
      %broadcast_in_dim3A_3628 = vector.broadcast %jit3A_3626 : i32 to vector<16xi32>
      %broadcast_in_dim3A_3629 = vector.broadcast %jit3A_3627 : i32 to vector<16xi32>
      %select_n3A_3630 = arith.select %ge3A_3625, %broadcast_in_dim3A_3628, %broadcast_in_dim3A_3629 : vector<16xi1>, vector<16xi32>
      %add3A_3631 = arith.addi %add3A_3623, %select_n3A_3630 : vector<16xi32>
      %ge3A_3632 = vector.broadcast %squeeze3A_29 : i32 to vector<16xi32>
      %ge3A_3633 = arith.cmpi sge, %add3A_3597, %ge3A_3632 : vector<16xi32>
      %jit3A_3634 = arith.constant 1 : i32
      %jit3A_3635 = arith.constant 0 : i32
      %broadcast_in_dim3A_3636 = vector.broadcast %jit3A_3634 : i32 to vector<16xi32>
      %broadcast_in_dim3A_3637 = vector.broadcast %jit3A_3635 : i32 to vector<16xi32>
      %select_n3A_3638 = arith.select %ge3A_3633, %broadcast_in_dim3A_3636, %broadcast_in_dim3A_3637 : vector<16xi1>, vector<16xi32>
      %add3A_3639 = arith.addi %add3A_3631, %select_n3A_3638 : vector<16xi32>
      %ge3A_3640 = vector.broadcast %squeeze3A_31 : i32 to vector<16xi32>
      %ge3A_3641 = arith.cmpi sge, %add3A_3597, %ge3A_3640 : vector<16xi32>
      %jit3A_3642 = arith.constant 1 : i32
      %jit3A_3643 = arith.constant 0 : i32
      %broadcast_in_dim3A_3644 = vector.broadcast %jit3A_3642 : i32 to vector<16xi32>
      %broadcast_in_dim3A_3645 = vector.broadcast %jit3A_3643 : i32 to vector<16xi32>
      %select_n3A_3646 = arith.select %ge3A_3641, %broadcast_in_dim3A_3644, %broadcast_in_dim3A_3645 : vector<16xi1>, vector<16xi32>
      %add3A_3647 = arith.addi %add3A_3639, %select_n3A_3646 : vector<16xi32>
      %ge3A_3648 = vector.broadcast %squeeze3A_33 : i32 to vector<16xi32>
      %ge3A_3649 = arith.cmpi sge, %add3A_3597, %ge3A_3648 : vector<16xi32>
      %jit3A_3650 = arith.constant 1 : i32
      %jit3A_3651 = arith.constant 0 : i32
      %broadcast_in_dim3A_3652 = vector.broadcast %jit3A_3650 : i32 to vector<16xi32>
      %broadcast_in_dim3A_3653 = vector.broadcast %jit3A_3651 : i32 to vector<16xi32>
      %select_n3A_3654 = arith.select %ge3A_3649, %broadcast_in_dim3A_3652, %broadcast_in_dim3A_3653 : vector<16xi1>, vector<16xi32>
      %add3A_3655 = arith.addi %add3A_3647, %select_n3A_3654 : vector<16xi32>
      %broadcast_in_dim3A_3656 = arith.constant 0 : i32
      %broadcast_in_dim3A_3657 = vector.broadcast %broadcast_in_dim3A_3656 : i32 to vector<16xi32>
      %eq3A_3658 = arith.constant 1 : i32
      %eq3A_3659 = vector.broadcast %eq3A_3658 : i32 to vector<16xi32>
      %eq3A_3660 = arith.cmpi eq, %add3A_3655, %eq3A_3659 : vector<16xi32>
      %broadcast_in_dim3A_3661 = vector.broadcast %sub3A_66 : i32 to vector<16xi32>
      %select_n3A_3662 = arith.select %eq3A_3660, %broadcast_in_dim3A_3661, %broadcast_in_dim3A_3657 : vector<16xi1>, vector<16xi32>
      %eq3A_3663 = arith.constant 2 : i32
      %eq3A_3664 = vector.broadcast %eq3A_3663 : i32 to vector<16xi32>
      %eq3A_3665 = arith.cmpi eq, %add3A_3655, %eq3A_3664 : vector<16xi32>
      %broadcast_in_dim3A_3666 = vector.broadcast %sub3A_67 : i32 to vector<16xi32>
      %select_n3A_3667 = arith.select %eq3A_3665, %broadcast_in_dim3A_3666, %select_n3A_3662 : vector<16xi1>, vector<16xi32>
      %eq3A_3668 = arith.constant 3 : i32
      %eq3A_3669 = vector.broadcast %eq3A_3668 : i32 to vector<16xi32>
      %eq3A_3670 = arith.cmpi eq, %add3A_3655, %eq3A_3669 : vector<16xi32>
      %broadcast_in_dim3A_3671 = vector.broadcast %sub3A_68 : i32 to vector<16xi32>
      %select_n3A_3672 = arith.select %eq3A_3670, %broadcast_in_dim3A_3671, %select_n3A_3667 : vector<16xi1>, vector<16xi32>
      %eq3A_3673 = arith.constant 4 : i32
      %eq3A_3674 = vector.broadcast %eq3A_3673 : i32 to vector<16xi32>
      %eq3A_3675 = arith.cmpi eq, %add3A_3655, %eq3A_3674 : vector<16xi32>
      %broadcast_in_dim3A_3676 = vector.broadcast %sub3A_69 : i32 to vector<16xi32>
      %select_n3A_3677 = arith.select %eq3A_3675, %broadcast_in_dim3A_3676, %select_n3A_3672 : vector<16xi1>, vector<16xi32>
      %eq3A_3678 = arith.constant 5 : i32
      %eq3A_3679 = vector.broadcast %eq3A_3678 : i32 to vector<16xi32>
      %eq3A_3680 = arith.cmpi eq, %add3A_3655, %eq3A_3679 : vector<16xi32>
      %broadcast_in_dim3A_3681 = vector.broadcast %sub3A_70 : i32 to vector<16xi32>
      %select_n3A_3682 = arith.select %eq3A_3680, %broadcast_in_dim3A_3681, %select_n3A_3677 : vector<16xi1>, vector<16xi32>
      %eq3A_3683 = arith.constant 6 : i32
      %eq3A_3684 = vector.broadcast %eq3A_3683 : i32 to vector<16xi32>
      %eq3A_3685 = arith.cmpi eq, %add3A_3655, %eq3A_3684 : vector<16xi32>
      %broadcast_in_dim3A_3686 = vector.broadcast %sub3A_71 : i32 to vector<16xi32>
      %select_n3A_3687 = arith.select %eq3A_3685, %broadcast_in_dim3A_3686, %select_n3A_3682 : vector<16xi1>, vector<16xi32>
      %eq3A_3688 = arith.constant 7 : i32
      %eq3A_3689 = vector.broadcast %eq3A_3688 : i32 to vector<16xi32>
      %eq3A_3690 = arith.cmpi eq, %add3A_3655, %eq3A_3689 : vector<16xi32>
      %broadcast_in_dim3A_3691 = vector.broadcast %sub3A_72 : i32 to vector<16xi32>
      %select_n3A_3692 = arith.select %eq3A_3690, %broadcast_in_dim3A_3691, %select_n3A_3687 : vector<16xi1>, vector<16xi32>
      %add3A_3693 = arith.addi %add3A_3597, %select_n3A_3692 : vector<16xi32>
      %dma_start3A_3694 = arith.constant 0 : i32
      %dma_start3A_3695 = arith.constant 0 : i32
      %dma_start3A_3696 = tpu.memref_slice %arg6[%dma_start3A_3694, %dma_start3A_3695] : memref<16640x2048xf32, #tpu.memory_space<hbm>> -> memref<16640x1024xf32, #tpu.memory_space<hbm>>
      tpu.enqueue_indirect_dma source(%arg11 : memref<16x1024xf32, #tpu.memory_space<vmem>>) target(%dma_start3A_3696 : memref<16640x1024xf32, #tpu.memory_space<hbm>>) offsets(%add3A_3693 : vector<16xi32>) semaphore(%arg23 : memref<!tpu.dma_semaphore, #tpu.memory_space<semaphore_mem>>)
      %mul3A_3697 = arith.constant 16 : i32
      %mul3A_3698 = arith.muli %add3A_3349, %mul3A_3697 : i32
      %add3A_3699 = arith.addi %mul3A_2, %mul3A_3698 : i32
      %multiple_of3A_3700 = tpu.assume_multiple %add3A_3699, 16 : i32
      %dma_wait3A_3701 = arith.constant 1024 : i32
      %dma_wait3A_3702 = tpu.memref_slice %arg2[%multiple_of3A_3700, %dma_wait3A_3701] : memref<16384x2048xf32, #tpu.memory_space<hbm>> -> memref<16x1024xf32, #tpu.memory_space<hbm>>
      %dma_wait3A_3703 = arith.constant 1024 : i32
      %dma_wait3A_3704 = tpu.memref_slice %arg2[%multiple_of3A_3700, %dma_wait3A_3703] : memref<16384x2048xf32, #tpu.memory_space<hbm>> -> memref<16x1024xf32, #tpu.memory_space<hbm>>
      tpu.wait_dma2 semaphore(%arg20 : memref<!tpu.dma_semaphore, #tpu.memory_space<semaphore_mem>>) src(%dma_wait3A_3704 : memref<16x1024xf32, #tpu.memory_space<hbm>>) dst(%arg14 : memref<16x1024xf32, #tpu.memory_space<vmem>>)
      %mul3A_3705 = arith.constant 16 : i32
      %mul3A_3706 = arith.muli %add3A_3349, %mul3A_3705 : i32
      %add3A_3707 = arith.addi %mul3A_2, %mul3A_3706 : i32
      %multiple_of3A_3708 = tpu.assume_multiple %add3A_3707, 16 : i32
      %add3A_3709 = vector.broadcast %multiple_of3A_3708 : i32 to vector<16xi32>
      %add3A_3710 = arith.addi %add3A_3709, %iota3A : vector<16xi32>
      %broadcast_in_dim3A_3711 = arith.constant 0 : i32
      %broadcast_in_dim3A_3712 = vector.broadcast %broadcast_in_dim3A_3711 : i32 to vector<16xi32>
      %ge3A_3713 = vector.broadcast %squeeze3A_21 : i32 to vector<16xi32>
      %ge3A_3714 = arith.cmpi sge, %add3A_3710, %ge3A_3713 : vector<16xi32>
      %jit3A_3715 = arith.constant 1 : i32
      %jit3A_3716 = arith.constant 0 : i32
      %broadcast_in_dim3A_3717 = vector.broadcast %jit3A_3715 : i32 to vector<16xi32>
      %broadcast_in_dim3A_3718 = vector.broadcast %jit3A_3716 : i32 to vector<16xi32>
      %select_n3A_3719 = arith.select %ge3A_3714, %broadcast_in_dim3A_3717, %broadcast_in_dim3A_3718 : vector<16xi1>, vector<16xi32>
      %add3A_3720 = arith.addi %broadcast_in_dim3A_3712, %select_n3A_3719 : vector<16xi32>
      %ge3A_3721 = vector.broadcast %squeeze3A_23 : i32 to vector<16xi32>
      %ge3A_3722 = arith.cmpi sge, %add3A_3710, %ge3A_3721 : vector<16xi32>
      %jit3A_3723 = arith.constant 1 : i32
      %jit3A_3724 = arith.constant 0 : i32
      %broadcast_in_dim3A_3725 = vector.broadcast %jit3A_3723 : i32 to vector<16xi32>
      %broadcast_in_dim3A_3726 = vector.broadcast %jit3A_3724 : i32 to vector<16xi32>
      %select_n3A_3727 = arith.select %ge3A_3722, %broadcast_in_dim3A_3725, %broadcast_in_dim3A_3726 : vector<16xi1>, vector<16xi32>
      %add3A_3728 = arith.addi %add3A_3720, %select_n3A_3727 : vector<16xi32>
      %ge3A_3729 = vector.broadcast %squeeze3A_25 : i32 to vector<16xi32>
      %ge3A_3730 = arith.cmpi sge, %add3A_3710, %ge3A_3729 : vector<16xi32>
      %jit3A_3731 = arith.constant 1 : i32
      %jit3A_3732 = arith.constant 0 : i32
      %broadcast_in_dim3A_3733 = vector.broadcast %jit3A_3731 : i32 to vector<16xi32>
      %broadcast_in_dim3A_3734 = vector.broadcast %jit3A_3732 : i32 to vector<16xi32>
      %select_n3A_3735 = arith.select %ge3A_3730, %broadcast_in_dim3A_3733, %broadcast_in_dim3A_3734 : vector<16xi1>, vector<16xi32>
      %add3A_3736 = arith.addi %add3A_3728, %select_n3A_3735 : vector<16xi32>
      %ge3A_3737 = vector.broadcast %squeeze3A_27 : i32 to vector<16xi32>
      %ge3A_3738 = arith.cmpi sge, %add3A_3710, %ge3A_3737 : vector<16xi32>
      %jit3A_3739 = arith.constant 1 : i32
      %jit3A_3740 = arith.constant 0 : i32
      %broadcast_in_dim3A_3741 = vector.broadcast %jit3A_3739 : i32 to vector<16xi32>
      %broadcast_in_dim3A_3742 = vector.broadcast %jit3A_3740 : i32 to vector<16xi32>
      %select_n3A_3743 = arith.select %ge3A_3738, %broadcast_in_dim3A_3741, %broadcast_in_dim3A_3742 : vector<16xi1>, vector<16xi32>
      %add3A_3744 = arith.addi %add3A_3736, %select_n3A_3743 : vector<16xi32>
      %ge3A_3745 = vector.broadcast %squeeze3A_29 : i32 to vector<16xi32>
      %ge3A_3746 = arith.cmpi sge, %add3A_3710, %ge3A_3745 : vector<16xi32>
      %jit3A_3747 = arith.constant 1 : i32
      %jit3A_3748 = arith.constant 0 : i32
      %broadcast_in_dim3A_3749 = vector.broadcast %jit3A_3747 : i32 to vector<16xi32>
      %broadcast_in_dim3A_3750 = vector.broadcast %jit3A_3748 : i32 to vector<16xi32>
      %select_n3A_3751 = arith.select %ge3A_3746, %broadcast_in_dim3A_3749, %broadcast_in_dim3A_3750 : vector<16xi1>, vector<16xi32>
      %add3A_3752 = arith.addi %add3A_3744, %select_n3A_3751 : vector<16xi32>
      %ge3A_3753 = vector.broadcast %squeeze3A_31 : i32 to vector<16xi32>
      %ge3A_3754 = arith.cmpi sge, %add3A_3710, %ge3A_3753 : vector<16xi32>
      %jit3A_3755 = arith.constant 1 : i32
      %jit3A_3756 = arith.constant 0 : i32
      %broadcast_in_dim3A_3757 = vector.broadcast %jit3A_3755 : i32 to vector<16xi32>
      %broadcast_in_dim3A_3758 = vector.broadcast %jit3A_3756 : i32 to vector<16xi32>
      %select_n3A_3759 = arith.select %ge3A_3754, %broadcast_in_dim3A_3757, %broadcast_in_dim3A_3758 : vector<16xi1>, vector<16xi32>
      %add3A_3760 = arith.addi %add3A_3752, %select_n3A_3759 : vector<16xi32>
      %ge3A_3761 = vector.broadcast %squeeze3A_33 : i32 to vector<16xi32>
      %ge3A_3762 = arith.cmpi sge, %add3A_3710, %ge3A_3761 : vector<16xi32>
      %jit3A_3763 = arith.constant 1 : i32
      %jit3A_3764 = arith.constant 0 : i32
      %broadcast_in_dim3A_3765 = vector.broadcast %jit3A_3763 : i32 to vector<16xi32>
      %broadcast_in_dim3A_3766 = vector.broadcast %jit3A_3764 : i32 to vector<16xi32>
      %select_n3A_3767 = arith.select %ge3A_3762, %broadcast_in_dim3A_3765, %broadcast_in_dim3A_3766 : vector<16xi1>, vector<16xi32>
      %add3A_3768 = arith.addi %add3A_3760, %select_n3A_3767 : vector<16xi32>
      %broadcast_in_dim3A_3769 = arith.constant 0 : i32
      %broadcast_in_dim3A_3770 = vector.broadcast %broadcast_in_dim3A_3769 : i32 to vector<16xi32>
      %eq3A_3771 = arith.constant 1 : i32
      %eq3A_3772 = vector.broadcast %eq3A_3771 : i32 to vector<16xi32>
      %eq3A_3773 = arith.cmpi eq, %add3A_3768, %eq3A_3772 : vector<16xi32>
      %broadcast_in_dim3A_3774 = vector.broadcast %sub3A_66 : i32 to vector<16xi32>
      %select_n3A_3775 = arith.select %eq3A_3773, %broadcast_in_dim3A_3774, %broadcast_in_dim3A_3770 : vector<16xi1>, vector<16xi32>
      %eq3A_3776 = arith.constant 2 : i32
      %eq3A_3777 = vector.broadcast %eq3A_3776 : i32 to vector<16xi32>
      %eq3A_3778 = arith.cmpi eq, %add3A_3768, %eq3A_3777 : vector<16xi32>
      %broadcast_in_dim3A_3779 = vector.broadcast %sub3A_67 : i32 to vector<16xi32>
      %select_n3A_3780 = arith.select %eq3A_3778, %broadcast_in_dim3A_3779, %select_n3A_3775 : vector<16xi1>, vector<16xi32>
      %eq3A_3781 = arith.constant 3 : i32
      %eq3A_3782 = vector.broadcast %eq3A_3781 : i32 to vector<16xi32>
      %eq3A_3783 = arith.cmpi eq, %add3A_3768, %eq3A_3782 : vector<16xi32>
      %broadcast_in_dim3A_3784 = vector.broadcast %sub3A_68 : i32 to vector<16xi32>
      %select_n3A_3785 = arith.select %eq3A_3783, %broadcast_in_dim3A_3784, %select_n3A_3780 : vector<16xi1>, vector<16xi32>
      %eq3A_3786 = arith.constant 4 : i32
      %eq3A_3787 = vector.broadcast %eq3A_3786 : i32 to vector<16xi32>
      %eq3A_3788 = arith.cmpi eq, %add3A_3768, %eq3A_3787 : vector<16xi32>
      %broadcast_in_dim3A_3789 = vector.broadcast %sub3A_69 : i32 to vector<16xi32>
      %select_n3A_3790 = arith.select %eq3A_3788, %broadcast_in_dim3A_3789, %select_n3A_3785 : vector<16xi1>, vector<16xi32>
      %eq3A_3791 = arith.constant 5 : i32
      %eq3A_3792 = vector.broadcast %eq3A_3791 : i32 to vector<16xi32>
      %eq3A_3793 = arith.cmpi eq, %add3A_3768, %eq3A_3792 : vector<16xi32>
      %broadcast_in_dim3A_3794 = vector.broadcast %sub3A_70 : i32 to vector<16xi32>
      %select_n3A_3795 = arith.select %eq3A_3793, %broadcast_in_dim3A_3794, %select_n3A_3790 : vector<16xi1>, vector<16xi32>
      %eq3A_3796 = arith.constant 6 : i32
      %eq3A_3797 = vector.broadcast %eq3A_3796 : i32 to vector<16xi32>
      %eq3A_3798 = arith.cmpi eq, %add3A_3768, %eq3A_3797 : vector<16xi32>
      %broadcast_in_dim3A_3799 = vector.broadcast %sub3A_71 : i32 to vector<16xi32>
      %select_n3A_3800 = arith.select %eq3A_3798, %broadcast_in_dim3A_3799, %select_n3A_3795 : vector<16xi1>, vector<16xi32>
      %eq3A_3801 = arith.constant 7 : i32
      %eq3A_3802 = vector.broadcast %eq3A_3801 : i32 to vector<16xi32>
      %eq3A_3803 = arith.cmpi eq, %add3A_3768, %eq3A_3802 : vector<16xi32>
      %broadcast_in_dim3A_3804 = vector.broadcast %sub3A_72 : i32 to vector<16xi32>
      %select_n3A_3805 = arith.select %eq3A_3803, %broadcast_in_dim3A_3804, %select_n3A_3800 : vector<16xi1>, vector<16xi32>
      %add3A_3806 = arith.addi %add3A_3710, %select_n3A_3805 : vector<16xi32>
      %dma_start3A_3807 = arith.constant 0 : i32
      %dma_start3A_3808 = arith.constant 1024 : i32
      %dma_start3A_3809 = tpu.memref_slice %arg6[%dma_start3A_3807, %dma_start3A_3808] : memref<16640x2048xf32, #tpu.memory_space<hbm>> -> memref<16640x1024xf32, #tpu.memory_space<hbm>>
      tpu.enqueue_indirect_dma source(%arg14 : memref<16x1024xf32, #tpu.memory_space<vmem>>) target(%dma_start3A_3809 : memref<16640x1024xf32, #tpu.memory_space<hbm>>) offsets(%add3A_3806 : vector<16xi32>) semaphore(%arg26 : memref<!tpu.dma_semaphore, #tpu.memory_space<semaphore_mem>>)
    }
    %scan3A_1013 = arith.constant 9 : i32
    %add3A_1014 = arith.constant 448 : i32
    %add3A_1015 = arith.addi %mul3A_2, %add3A_1014 : i32
    %multiple_of3A_1016 = tpu.assume_multiple %add3A_1015, 16 : i32
    %add3A_1017 = vector.broadcast %multiple_of3A_1016 : i32 to vector<16xi32>
    %add3A_1018 = arith.addi %add3A_1017, %iota3A : vector<16xi32>
    %broadcast_in_dim3A_1019 = arith.constant 0 : i32
    %broadcast_in_dim3A_1020 = vector.broadcast %broadcast_in_dim3A_1019 : i32 to vector<16xi32>
    %ge3A_1021 = vector.broadcast %squeeze3A_21 : i32 to vector<16xi32>
    %ge3A_1022 = arith.cmpi sge, %add3A_1018, %ge3A_1021 : vector<16xi32>
    %jit3A_1023 = arith.constant 1 : i32
    %jit3A_1024 = arith.constant 0 : i32
    %broadcast_in_dim3A_1025 = vector.broadcast %jit3A_1023 : i32 to vector<16xi32>
    %broadcast_in_dim3A_1026 = vector.broadcast %jit3A_1024 : i32 to vector<16xi32>
    %select_n3A_1027 = arith.select %ge3A_1022, %broadcast_in_dim3A_1025, %broadcast_in_dim3A_1026 : vector<16xi1>, vector<16xi32>
    %add3A_1028 = arith.addi %broadcast_in_dim3A_1020, %select_n3A_1027 : vector<16xi32>
    %ge3A_1029 = vector.broadcast %squeeze3A_23 : i32 to vector<16xi32>
    %ge3A_1030 = arith.cmpi sge, %add3A_1018, %ge3A_1029 : vector<16xi32>
    %jit3A_1031 = arith.constant 1 : i32
    %jit3A_1032 = arith.constant 0 : i32
    %broadcast_in_dim3A_1033 = vector.broadcast %jit3A_1031 : i32 to vector<16xi32>
    %broadcast_in_dim3A_1034 = vector.broadcast %jit3A_1032 : i32 to vector<16xi32>
    %select_n3A_1035 = arith.select %ge3A_1030, %broadcast_in_dim3A_1033, %broadcast_in_dim3A_1034 : vector<16xi1>, vector<16xi32>
    %add3A_1036 = arith.addi %add3A_1028, %select_n3A_1035 : vector<16xi32>
    %ge3A_1037 = vector.broadcast %squeeze3A_25 : i32 to vector<16xi32>
    %ge3A_1038 = arith.cmpi sge, %add3A_1018, %ge3A_1037 : vector<16xi32>
    %jit3A_1039 = arith.constant 1 : i32
    %jit3A_1040 = arith.constant 0 : i32
    %broadcast_in_dim3A_1041 = vector.broadcast %jit3A_1039 : i32 to vector<16xi32>
    %broadcast_in_dim3A_1042 = vector.broadcast %jit3A_1040 : i32 to vector<16xi32>
    %select_n3A_1043 = arith.select %ge3A_1038, %broadcast_in_dim3A_1041, %broadcast_in_dim3A_1042 : vector<16xi1>, vector<16xi32>
    %add3A_1044 = arith.addi %add3A_1036, %select_n3A_1043 : vector<16xi32>
    %ge3A_1045 = vector.broadcast %squeeze3A_27 : i32 to vector<16xi32>
    %ge3A_1046 = arith.cmpi sge, %add3A_1018, %ge3A_1045 : vector<16xi32>
    %jit3A_1047 = arith.constant 1 : i32
    %jit3A_1048 = arith.constant 0 : i32
    %broadcast_in_dim3A_1049 = vector.broadcast %jit3A_1047 : i32 to vector<16xi32>
    %broadcast_in_dim3A_1050 = vector.broadcast %jit3A_1048 : i32 to vector<16xi32>
    %select_n3A_1051 = arith.select %ge3A_1046, %broadcast_in_dim3A_1049, %broadcast_in_dim3A_1050 : vector<16xi1>, vector<16xi32>
    %add3A_1052 = arith.addi %add3A_1044, %select_n3A_1051 : vector<16xi32>
    %ge3A_1053 = vector.broadcast %squeeze3A_29 : i32 to vector<16xi32>
    %ge3A_1054 = arith.cmpi sge, %add3A_1018, %ge3A_1053 : vector<16xi32>
    %jit3A_1055 = arith.constant 1 : i32
    %jit3A_1056 = arith.constant 0 : i32
    %broadcast_in_dim3A_1057 = vector.broadcast %jit3A_1055 : i32 to vector<16xi32>
    %broadcast_in_dim3A_1058 = vector.broadcast %jit3A_1056 : i32 to vector<16xi32>
    %select_n3A_1059 = arith.select %ge3A_1054, %broadcast_in_dim3A_1057, %broadcast_in_dim3A_1058 : vector<16xi1>, vector<16xi32>
    %add3A_1060 = arith.addi %add3A_1052, %select_n3A_1059 : vector<16xi32>
    %ge3A_1061 = vector.broadcast %squeeze3A_31 : i32 to vector<16xi32>
    %ge3A_1062 = arith.cmpi sge, %add3A_1018, %ge3A_1061 : vector<16xi32>
    %jit3A_1063 = arith.constant 1 : i32
    %jit3A_1064 = arith.constant 0 : i32
    %broadcast_in_dim3A_1065 = vector.broadcast %jit3A_1063 : i32 to vector<16xi32>
    %broadcast_in_dim3A_1066 = vector.broadcast %jit3A_1064 : i32 to vector<16xi32>
    %select_n3A_1067 = arith.select %ge3A_1062, %broadcast_in_dim3A_1065, %broadcast_in_dim3A_1066 : vector<16xi1>, vector<16xi32>
    %add3A_1068 = arith.addi %add3A_1060, %select_n3A_1067 : vector<16xi32>
    %ge3A_1069 = vector.broadcast %squeeze3A_33 : i32 to vector<16xi32>
    %ge3A_1070 = arith.cmpi sge, %add3A_1018, %ge3A_1069 : vector<16xi32>
    %jit3A_1071 = arith.constant 1 : i32
    %jit3A_1072 = arith.constant 0 : i32
    %broadcast_in_dim3A_1073 = vector.broadcast %jit3A_1071 : i32 to vector<16xi32>
    %broadcast_in_dim3A_1074 = vector.broadcast %jit3A_1072 : i32 to vector<16xi32>
    %select_n3A_1075 = arith.select %ge3A_1070, %broadcast_in_dim3A_1073, %broadcast_in_dim3A_1074 : vector<16xi1>, vector<16xi32>
    %add3A_1076 = arith.addi %add3A_1068, %select_n3A_1075 : vector<16xi32>
    %broadcast_in_dim3A_1077 = arith.constant 0 : i32
    %broadcast_in_dim3A_1078 = vector.broadcast %broadcast_in_dim3A_1077 : i32 to vector<16xi32>
    %eq3A_1079 = arith.constant 1 : i32
    %eq3A_1080 = vector.broadcast %eq3A_1079 : i32 to vector<16xi32>
    %eq3A_1081 = arith.cmpi eq, %add3A_1076, %eq3A_1080 : vector<16xi32>
    %broadcast_in_dim3A_1082 = vector.broadcast %sub3A_66 : i32 to vector<16xi32>
    %select_n3A_1083 = arith.select %eq3A_1081, %broadcast_in_dim3A_1082, %broadcast_in_dim3A_1078 : vector<16xi1>, vector<16xi32>
    %eq3A_1084 = arith.constant 2 : i32
    %eq3A_1085 = vector.broadcast %eq3A_1084 : i32 to vector<16xi32>
    %eq3A_1086 = arith.cmpi eq, %add3A_1076, %eq3A_1085 : vector<16xi32>
    %broadcast_in_dim3A_1087 = vector.broadcast %sub3A_67 : i32 to vector<16xi32>
    %select_n3A_1088 = arith.select %eq3A_1086, %broadcast_in_dim3A_1087, %select_n3A_1083 : vector<16xi1>, vector<16xi32>
    %eq3A_1089 = arith.constant 3 : i32
    %eq3A_1090 = vector.broadcast %eq3A_1089 : i32 to vector<16xi32>
    %eq3A_1091 = arith.cmpi eq, %add3A_1076, %eq3A_1090 : vector<16xi32>
    %broadcast_in_dim3A_1092 = vector.broadcast %sub3A_68 : i32 to vector<16xi32>
    %select_n3A_1093 = arith.select %eq3A_1091, %broadcast_in_dim3A_1092, %select_n3A_1088 : vector<16xi1>, vector<16xi32>
    %eq3A_1094 = arith.constant 4 : i32
    %eq3A_1095 = vector.broadcast %eq3A_1094 : i32 to vector<16xi32>
    %eq3A_1096 = arith.cmpi eq, %add3A_1076, %eq3A_1095 : vector<16xi32>
    %broadcast_in_dim3A_1097 = vector.broadcast %sub3A_69 : i32 to vector<16xi32>
    %select_n3A_1098 = arith.select %eq3A_1096, %broadcast_in_dim3A_1097, %select_n3A_1093 : vector<16xi1>, vector<16xi32>
    %eq3A_1099 = arith.constant 5 : i32
    %eq3A_1100 = vector.broadcast %eq3A_1099 : i32 to vector<16xi32>
    %eq3A_1101 = arith.cmpi eq, %add3A_1076, %eq3A_1100 : vector<16xi32>
    %broadcast_in_dim3A_1102 = vector.broadcast %sub3A_70 : i32 to vector<16xi32>
    %select_n3A_1103 = arith.select %eq3A_1101, %broadcast_in_dim3A_1102, %select_n3A_1098 : vector<16xi1>, vector<16xi32>
    %eq3A_1104 = arith.constant 6 : i32
    %eq3A_1105 = vector.broadcast %eq3A_1104 : i32 to vector<16xi32>
    %eq3A_1106 = arith.cmpi eq, %add3A_1076, %eq3A_1105 : vector<16xi32>
    %broadcast_in_dim3A_1107 = vector.broadcast %sub3A_71 : i32 to vector<16xi32>
    %select_n3A_1108 = arith.select %eq3A_1106, %broadcast_in_dim3A_1107, %select_n3A_1103 : vector<16xi1>, vector<16xi32>
    %eq3A_1109 = arith.constant 7 : i32
    %eq3A_1110 = vector.broadcast %eq3A_1109 : i32 to vector<16xi32>
    %eq3A_1111 = arith.cmpi eq, %add3A_1076, %eq3A_1110 : vector<16xi32>
    %broadcast_in_dim3A_1112 = vector.broadcast %sub3A_72 : i32 to vector<16xi32>
    %select_n3A_1113 = arith.select %eq3A_1111, %broadcast_in_dim3A_1112, %select_n3A_1108 : vector<16xi1>, vector<16xi32>
    %add3A_1114 = arith.addi %add3A_1018, %select_n3A_1113 : vector<16xi32>
    %dma_wait3A_1115 = arith.constant 0 : i32
    %dma_wait3A_1116 = arith.constant 0 : i32
    %dma_wait3A_1117 = tpu.memref_slice %arg6[%dma_wait3A_1115, %dma_wait3A_1116] : memref<16640x2048xf32, #tpu.memory_space<hbm>> -> memref<16640x1024xf32, #tpu.memory_space<hbm>>
    tpu.wait_indirect_dma semaphore(%arg22 : memref<!tpu.dma_semaphore, #tpu.memory_space<semaphore_mem>>) src(%arg10 : memref<16x1024xf32, #tpu.memory_space<vmem>>) dst(%dma_wait3A_1117 : memref<16640x1024xf32, #tpu.memory_space<hbm>>)
    %add3A_1118 = arith.constant 496 : i32
    %add3A_1119 = arith.addi %mul3A_2, %add3A_1118 : i32
    %multiple_of3A_1120 = tpu.assume_multiple %add3A_1119, 16 : i32
    %dma_start3A_1121 = arith.constant 0 : i32
    %dma_start3A_1122 = tpu.memref_slice %arg2[%multiple_of3A_1120, %dma_start3A_1121] : memref<16384x2048xf32, #tpu.memory_space<hbm>> -> memref<16x1024xf32, #tpu.memory_space<hbm>>
    %dma_start3A_1123 = arith.constant 0 : i32
    %dma_start3A_1124 = tpu.memref_slice %arg2[%multiple_of3A_1120, %dma_start3A_1123] : memref<16384x2048xf32, #tpu.memory_space<hbm>> -> memref<16x1024xf32, #tpu.memory_space<hbm>>
    tpu.enqueue_dma source(%dma_start3A_1124 : memref<16x1024xf32, #tpu.memory_space<hbm>>) target(%arg10 : memref<16x1024xf32, #tpu.memory_space<vmem>>) target_semaphore(%arg16 : memref<!tpu.dma_semaphore, #tpu.memory_space<semaphore_mem>>)
    %add3A_1125 = arith.constant 448 : i32
    %add3A_1126 = arith.addi %mul3A_2, %add3A_1125 : i32
    %multiple_of3A_1127 = tpu.assume_multiple %add3A_1126, 16 : i32
    %add3A_1128 = vector.broadcast %multiple_of3A_1127 : i32 to vector<16xi32>
    %add3A_1129 = arith.addi %add3A_1128, %iota3A : vector<16xi32>
    %broadcast_in_dim3A_1130 = arith.constant 0 : i32
    %broadcast_in_dim3A_1131 = vector.broadcast %broadcast_in_dim3A_1130 : i32 to vector<16xi32>
    %ge3A_1132 = vector.broadcast %squeeze3A_21 : i32 to vector<16xi32>
    %ge3A_1133 = arith.cmpi sge, %add3A_1129, %ge3A_1132 : vector<16xi32>
    %jit3A_1134 = arith.constant 1 : i32
    %jit3A_1135 = arith.constant 0 : i32
    %broadcast_in_dim3A_1136 = vector.broadcast %jit3A_1134 : i32 to vector<16xi32>
    %broadcast_in_dim3A_1137 = vector.broadcast %jit3A_1135 : i32 to vector<16xi32>
    %select_n3A_1138 = arith.select %ge3A_1133, %broadcast_in_dim3A_1136, %broadcast_in_dim3A_1137 : vector<16xi1>, vector<16xi32>
    %add3A_1139 = arith.addi %broadcast_in_dim3A_1131, %select_n3A_1138 : vector<16xi32>
    %ge3A_1140 = vector.broadcast %squeeze3A_23 : i32 to vector<16xi32>
    %ge3A_1141 = arith.cmpi sge, %add3A_1129, %ge3A_1140 : vector<16xi32>
    %jit3A_1142 = arith.constant 1 : i32
    %jit3A_1143 = arith.constant 0 : i32
    %broadcast_in_dim3A_1144 = vector.broadcast %jit3A_1142 : i32 to vector<16xi32>
    %broadcast_in_dim3A_1145 = vector.broadcast %jit3A_1143 : i32 to vector<16xi32>
    %select_n3A_1146 = arith.select %ge3A_1141, %broadcast_in_dim3A_1144, %broadcast_in_dim3A_1145 : vector<16xi1>, vector<16xi32>
    %add3A_1147 = arith.addi %add3A_1139, %select_n3A_1146 : vector<16xi32>
    %ge3A_1148 = vector.broadcast %squeeze3A_25 : i32 to vector<16xi32>
    %ge3A_1149 = arith.cmpi sge, %add3A_1129, %ge3A_1148 : vector<16xi32>
    %jit3A_1150 = arith.constant 1 : i32
    %jit3A_1151 = arith.constant 0 : i32
    %broadcast_in_dim3A_1152 = vector.broadcast %jit3A_1150 : i32 to vector<16xi32>
    %broadcast_in_dim3A_1153 = vector.broadcast %jit3A_1151 : i32 to vector<16xi32>
    %select_n3A_1154 = arith.select %ge3A_1149, %broadcast_in_dim3A_1152, %broadcast_in_dim3A_1153 : vector<16xi1>, vector<16xi32>
    %add3A_1155 = arith.addi %add3A_1147, %select_n3A_1154 : vector<16xi32>
    %ge3A_1156 = vector.broadcast %squeeze3A_27 : i32 to vector<16xi32>
    %ge3A_1157 = arith.cmpi sge, %add3A_1129, %ge3A_1156 : vector<16xi32>
    %jit3A_1158 = arith.constant 1 : i32
    %jit3A_1159 = arith.constant 0 : i32
    %broadcast_in_dim3A_1160 = vector.broadcast %jit3A_1158 : i32 to vector<16xi32>
    %broadcast_in_dim3A_1161 = vector.broadcast %jit3A_1159 : i32 to vector<16xi32>
    %select_n3A_1162 = arith.select %ge3A_1157, %broadcast_in_dim3A_1160, %broadcast_in_dim3A_1161 : vector<16xi1>, vector<16xi32>
    %add3A_1163 = arith.addi %add3A_1155, %select_n3A_1162 : vector<16xi32>
    %ge3A_1164 = vector.broadcast %squeeze3A_29 : i32 to vector<16xi32>
    %ge3A_1165 = arith.cmpi sge, %add3A_1129, %ge3A_1164 : vector<16xi32>
    %jit3A_1166 = arith.constant 1 : i32
    %jit3A_1167 = arith.constant 0 : i32
    %broadcast_in_dim3A_1168 = vector.broadcast %jit3A_1166 : i32 to vector<16xi32>
    %broadcast_in_dim3A_1169 = vector.broadcast %jit3A_1167 : i32 to vector<16xi32>
    %select_n3A_1170 = arith.select %ge3A_1165, %broadcast_in_dim3A_1168, %broadcast_in_dim3A_1169 : vector<16xi1>, vector<16xi32>
    %add3A_1171 = arith.addi %add3A_1163, %select_n3A_1170 : vector<16xi32>
    %ge3A_1172 = vector.broadcast %squeeze3A_31 : i32 to vector<16xi32>
    %ge3A_1173 = arith.cmpi sge, %add3A_1129, %ge3A_1172 : vector<16xi32>
    %jit3A_1174 = arith.constant 1 : i32
    %jit3A_1175 = arith.constant 0 : i32
    %broadcast_in_dim3A_1176 = vector.broadcast %jit3A_1174 : i32 to vector<16xi32>
    %broadcast_in_dim3A_1177 = vector.broadcast %jit3A_1175 : i32 to vector<16xi32>
    %select_n3A_1178 = arith.select %ge3A_1173, %broadcast_in_dim3A_1176, %broadcast_in_dim3A_1177 : vector<16xi1>, vector<16xi32>
    %add3A_1179 = arith.addi %add3A_1171, %select_n3A_1178 : vector<16xi32>
    %ge3A_1180 = vector.broadcast %squeeze3A_33 : i32 to vector<16xi32>
    %ge3A_1181 = arith.cmpi sge, %add3A_1129, %ge3A_1180 : vector<16xi32>
    %jit3A_1182 = arith.constant 1 : i32
    %jit3A_1183 = arith.constant 0 : i32
    %broadcast_in_dim3A_1184 = vector.broadcast %jit3A_1182 : i32 to vector<16xi32>
    %broadcast_in_dim3A_1185 = vector.broadcast %jit3A_1183 : i32 to vector<16xi32>
    %select_n3A_1186 = arith.select %ge3A_1181, %broadcast_in_dim3A_1184, %broadcast_in_dim3A_1185 : vector<16xi1>, vector<16xi32>
    %add3A_1187 = arith.addi %add3A_1179, %select_n3A_1186 : vector<16xi32>
    %broadcast_in_dim3A_1188 = arith.constant 0 : i32
    %broadcast_in_dim3A_1189 = vector.broadcast %broadcast_in_dim3A_1188 : i32 to vector<16xi32>
    %eq3A_1190 = arith.constant 1 : i32
    %eq3A_1191 = vector.broadcast %eq3A_1190 : i32 to vector<16xi32>
    %eq3A_1192 = arith.cmpi eq, %add3A_1187, %eq3A_1191 : vector<16xi32>
    %broadcast_in_dim3A_1193 = vector.broadcast %sub3A_66 : i32 to vector<16xi32>
    %select_n3A_1194 = arith.select %eq3A_1192, %broadcast_in_dim3A_1193, %broadcast_in_dim3A_1189 : vector<16xi1>, vector<16xi32>
    %eq3A_1195 = arith.constant 2 : i32
    %eq3A_1196 = vector.broadcast %eq3A_1195 : i32 to vector<16xi32>
    %eq3A_1197 = arith.cmpi eq, %add3A_1187, %eq3A_1196 : vector<16xi32>
    %broadcast_in_dim3A_1198 = vector.broadcast %sub3A_67 : i32 to vector<16xi32>
    %select_n3A_1199 = arith.select %eq3A_1197, %broadcast_in_dim3A_1198, %select_n3A_1194 : vector<16xi1>, vector<16xi32>
    %eq3A_1200 = arith.constant 3 : i32
    %eq3A_1201 = vector.broadcast %eq3A_1200 : i32 to vector<16xi32>
    %eq3A_1202 = arith.cmpi eq, %add3A_1187, %eq3A_1201 : vector<16xi32>
    %broadcast_in_dim3A_1203 = vector.broadcast %sub3A_68 : i32 to vector<16xi32>
    %select_n3A_1204 = arith.select %eq3A_1202, %broadcast_in_dim3A_1203, %select_n3A_1199 : vector<16xi1>, vector<16xi32>
    %eq3A_1205 = arith.constant 4 : i32
    %eq3A_1206 = vector.broadcast %eq3A_1205 : i32 to vector<16xi32>
    %eq3A_1207 = arith.cmpi eq, %add3A_1187, %eq3A_1206 : vector<16xi32>
    %broadcast_in_dim3A_1208 = vector.broadcast %sub3A_69 : i32 to vector<16xi32>
    %select_n3A_1209 = arith.select %eq3A_1207, %broadcast_in_dim3A_1208, %select_n3A_1204 : vector<16xi1>, vector<16xi32>
    %eq3A_1210 = arith.constant 5 : i32
    %eq3A_1211 = vector.broadcast %eq3A_1210 : i32 to vector<16xi32>
    %eq3A_1212 = arith.cmpi eq, %add3A_1187, %eq3A_1211 : vector<16xi32>
    %broadcast_in_dim3A_1213 = vector.broadcast %sub3A_70 : i32 to vector<16xi32>
    %select_n3A_1214 = arith.select %eq3A_1212, %broadcast_in_dim3A_1213, %select_n3A_1209 : vector<16xi1>, vector<16xi32>
    %eq3A_1215 = arith.constant 6 : i32
    %eq3A_1216 = vector.broadcast %eq3A_1215 : i32 to vector<16xi32>
    %eq3A_1217 = arith.cmpi eq, %add3A_1187, %eq3A_1216 : vector<16xi32>
    %broadcast_in_dim3A_1218 = vector.broadcast %sub3A_71 : i32 to vector<16xi32>
    %select_n3A_1219 = arith.select %eq3A_1217, %broadcast_in_dim3A_1218, %select_n3A_1214 : vector<16xi1>, vector<16xi32>
    %eq3A_1220 = arith.constant 7 : i32
    %eq3A_1221 = vector.broadcast %eq3A_1220 : i32 to vector<16xi32>
    %eq3A_1222 = arith.cmpi eq, %add3A_1187, %eq3A_1221 : vector<16xi32>
    %broadcast_in_dim3A_1223 = vector.broadcast %sub3A_72 : i32 to vector<16xi32>
    %select_n3A_1224 = arith.select %eq3A_1222, %broadcast_in_dim3A_1223, %select_n3A_1219 : vector<16xi1>, vector<16xi32>
    %add3A_1225 = arith.addi %add3A_1129, %select_n3A_1224 : vector<16xi32>
    %dma_wait3A_1226 = arith.constant 0 : i32
    %dma_wait3A_1227 = arith.constant 1024 : i32
    %dma_wait3A_1228 = tpu.memref_slice %arg6[%dma_wait3A_1226, %dma_wait3A_1227] : memref<16640x2048xf32, #tpu.memory_space<hbm>> -> memref<16640x1024xf32, #tpu.memory_space<hbm>>
    tpu.wait_indirect_dma semaphore(%arg25 : memref<!tpu.dma_semaphore, #tpu.memory_space<semaphore_mem>>) src(%arg13 : memref<16x1024xf32, #tpu.memory_space<vmem>>) dst(%dma_wait3A_1228 : memref<16640x1024xf32, #tpu.memory_space<hbm>>)
    %add3A_1229 = arith.constant 496 : i32
    %add3A_1230 = arith.addi %mul3A_2, %add3A_1229 : i32
    %multiple_of3A_1231 = tpu.assume_multiple %add3A_1230, 16 : i32
    %dma_start3A_1232 = arith.constant 1024 : i32
    %dma_start3A_1233 = tpu.memref_slice %arg2[%multiple_of3A_1231, %dma_start3A_1232] : memref<16384x2048xf32, #tpu.memory_space<hbm>> -> memref<16x1024xf32, #tpu.memory_space<hbm>>
    %dma_start3A_1234 = arith.constant 1024 : i32
    %dma_start3A_1235 = tpu.memref_slice %arg2[%multiple_of3A_1231, %dma_start3A_1234] : memref<16384x2048xf32, #tpu.memory_space<hbm>> -> memref<16x1024xf32, #tpu.memory_space<hbm>>
    tpu.enqueue_dma source(%dma_start3A_1235 : memref<16x1024xf32, #tpu.memory_space<hbm>>) target(%arg13 : memref<16x1024xf32, #tpu.memory_space<vmem>>) target_semaphore(%arg19 : memref<!tpu.dma_semaphore, #tpu.memory_space<semaphore_mem>>)
    %add3A_1236 = arith.constant 480 : i32
    %add3A_1237 = arith.addi %mul3A_2, %add3A_1236 : i32
    %multiple_of3A_1238 = tpu.assume_multiple %add3A_1237, 16 : i32
    %dma_wait3A_1239 = arith.constant 0 : i32
    %dma_wait3A_1240 = tpu.memref_slice %arg2[%multiple_of3A_1238, %dma_wait3A_1239] : memref<16384x2048xf32, #tpu.memory_space<hbm>> -> memref<16x1024xf32, #tpu.memory_space<hbm>>
    %dma_wait3A_1241 = arith.constant 0 : i32
    %dma_wait3A_1242 = tpu.memref_slice %arg2[%multiple_of3A_1238, %dma_wait3A_1241] : memref<16384x2048xf32, #tpu.memory_space<hbm>> -> memref<16x1024xf32, #tpu.memory_space<hbm>>
    tpu.wait_dma2 semaphore(%arg15 : memref<!tpu.dma_semaphore, #tpu.memory_space<semaphore_mem>>) src(%dma_wait3A_1242 : memref<16x1024xf32, #tpu.memory_space<hbm>>) dst(%arg9 : memref<16x1024xf32, #tpu.memory_space<vmem>>)
    %add3A_1243 = arith.constant 480 : i32
    %add3A_1244 = arith.addi %mul3A_2, %add3A_1243 : i32
    %multiple_of3A_1245 = tpu.assume_multiple %add3A_1244, 16 : i32
    %add3A_1246 = vector.broadcast %multiple_of3A_1245 : i32 to vector<16xi32>
    %add3A_1247 = arith.addi %add3A_1246, %iota3A : vector<16xi32>
    %broadcast_in_dim3A_1248 = arith.constant 0 : i32
    %broadcast_in_dim3A_1249 = vector.broadcast %broadcast_in_dim3A_1248 : i32 to vector<16xi32>
    %ge3A_1250 = vector.broadcast %squeeze3A_21 : i32 to vector<16xi32>
    %ge3A_1251 = arith.cmpi sge, %add3A_1247, %ge3A_1250 : vector<16xi32>
    %jit3A_1252 = arith.constant 1 : i32
    %jit3A_1253 = arith.constant 0 : i32
    %broadcast_in_dim3A_1254 = vector.broadcast %jit3A_1252 : i32 to vector<16xi32>
    %broadcast_in_dim3A_1255 = vector.broadcast %jit3A_1253 : i32 to vector<16xi32>
    %select_n3A_1256 = arith.select %ge3A_1251, %broadcast_in_dim3A_1254, %broadcast_in_dim3A_1255 : vector<16xi1>, vector<16xi32>
    %add3A_1257 = arith.addi %broadcast_in_dim3A_1249, %select_n3A_1256 : vector<16xi32>
    %ge3A_1258 = vector.broadcast %squeeze3A_23 : i32 to vector<16xi32>
    %ge3A_1259 = arith.cmpi sge, %add3A_1247, %ge3A_1258 : vector<16xi32>
    %jit3A_1260 = arith.constant 1 : i32
    %jit3A_1261 = arith.constant 0 : i32
    %broadcast_in_dim3A_1262 = vector.broadcast %jit3A_1260 : i32 to vector<16xi32>
    %broadcast_in_dim3A_1263 = vector.broadcast %jit3A_1261 : i32 to vector<16xi32>
    %select_n3A_1264 = arith.select %ge3A_1259, %broadcast_in_dim3A_1262, %broadcast_in_dim3A_1263 : vector<16xi1>, vector<16xi32>
    %add3A_1265 = arith.addi %add3A_1257, %select_n3A_1264 : vector<16xi32>
    %ge3A_1266 = vector.broadcast %squeeze3A_25 : i32 to vector<16xi32>
    %ge3A_1267 = arith.cmpi sge, %add3A_1247, %ge3A_1266 : vector<16xi32>
    %jit3A_1268 = arith.constant 1 : i32
    %jit3A_1269 = arith.constant 0 : i32
    %broadcast_in_dim3A_1270 = vector.broadcast %jit3A_1268 : i32 to vector<16xi32>
    %broadcast_in_dim3A_1271 = vector.broadcast %jit3A_1269 : i32 to vector<16xi32>
    %select_n3A_1272 = arith.select %ge3A_1267, %broadcast_in_dim3A_1270, %broadcast_in_dim3A_1271 : vector<16xi1>, vector<16xi32>
    %add3A_1273 = arith.addi %add3A_1265, %select_n3A_1272 : vector<16xi32>
    %ge3A_1274 = vector.broadcast %squeeze3A_27 : i32 to vector<16xi32>
    %ge3A_1275 = arith.cmpi sge, %add3A_1247, %ge3A_1274 : vector<16xi32>
    %jit3A_1276 = arith.constant 1 : i32
    %jit3A_1277 = arith.constant 0 : i32
    %broadcast_in_dim3A_1278 = vector.broadcast %jit3A_1276 : i32 to vector<16xi32>
    %broadcast_in_dim3A_1279 = vector.broadcast %jit3A_1277 : i32 to vector<16xi32>
    %select_n3A_1280 = arith.select %ge3A_1275, %broadcast_in_dim3A_1278, %broadcast_in_dim3A_1279 : vector<16xi1>, vector<16xi32>
    %add3A_1281 = arith.addi %add3A_1273, %select_n3A_1280 : vector<16xi32>
    %ge3A_1282 = vector.broadcast %squeeze3A_29 : i32 to vector<16xi32>
    %ge3A_1283 = arith.cmpi sge, %add3A_1247, %ge3A_1282 : vector<16xi32>
    %jit3A_1284 = arith.constant 1 : i32
    %jit3A_1285 = arith.constant 0 : i32
    %broadcast_in_dim3A_1286 = vector.broadcast %jit3A_1284 : i32 to vector<16xi32>
    %broadcast_in_dim3A_1287 = vector.broadcast %jit3A_1285 : i32 to vector<16xi32>
    %select_n3A_1288 = arith.select %ge3A_1283, %broadcast_in_dim3A_1286, %broadcast_in_dim3A_1287 : vector<16xi1>, vector<16xi32>
    %add3A_1289 = arith.addi %add3A_1281, %select_n3A_1288 : vector<16xi32>
    %ge3A_1290 = vector.broadcast %squeeze3A_31 : i32 to vector<16xi32>
    %ge3A_1291 = arith.cmpi sge, %add3A_1247, %ge3A_1290 : vector<16xi32>
    %jit3A_1292 = arith.constant 1 : i32
    %jit3A_1293 = arith.constant 0 : i32
    %broadcast_in_dim3A_1294 = vector.broadcast %jit3A_1292 : i32 to vector<16xi32>
    %broadcast_in_dim3A_1295 = vector.broadcast %jit3A_1293 : i32 to vector<16xi32>
    %select_n3A_1296 = arith.select %ge3A_1291, %broadcast_in_dim3A_1294, %broadcast_in_dim3A_1295 : vector<16xi1>, vector<16xi32>
    %add3A_1297 = arith.addi %add3A_1289, %select_n3A_1296 : vector<16xi32>
    %ge3A_1298 = vector.broadcast %squeeze3A_33 : i32 to vector<16xi32>
    %ge3A_1299 = arith.cmpi sge, %add3A_1247, %ge3A_1298 : vector<16xi32>
    %jit3A_1300 = arith.constant 1 : i32
    %jit3A_1301 = arith.constant 0 : i32
    %broadcast_in_dim3A_1302 = vector.broadcast %jit3A_1300 : i32 to vector<16xi32>
    %broadcast_in_dim3A_1303 = vector.broadcast %jit3A_1301 : i32 to vector<16xi32>
    %select_n3A_1304 = arith.select %ge3A_1299, %broadcast_in_dim3A_1302, %broadcast_in_dim3A_1303 : vector<16xi1>, vector<16xi32>
    %add3A_1305 = arith.addi %add3A_1297, %select_n3A_1304 : vector<16xi32>
    %broadcast_in_dim3A_1306 = arith.constant 0 : i32
    %broadcast_in_dim3A_1307 = vector.broadcast %broadcast_in_dim3A_1306 : i32 to vector<16xi32>
    %eq3A_1308 = arith.constant 1 : i32
    %eq3A_1309 = vector.broadcast %eq3A_1308 : i32 to vector<16xi32>
    %eq3A_1310 = arith.cmpi eq, %add3A_1305, %eq3A_1309 : vector<16xi32>
    %broadcast_in_dim3A_1311 = vector.broadcast %sub3A_66 : i32 to vector<16xi32>
    %select_n3A_1312 = arith.select %eq3A_1310, %broadcast_in_dim3A_1311, %broadcast_in_dim3A_1307 : vector<16xi1>, vector<16xi32>
    %eq3A_1313 = arith.constant 2 : i32
    %eq3A_1314 = vector.broadcast %eq3A_1313 : i32 to vector<16xi32>
    %eq3A_1315 = arith.cmpi eq, %add3A_1305, %eq3A_1314 : vector<16xi32>
    %broadcast_in_dim3A_1316 = vector.broadcast %sub3A_67 : i32 to vector<16xi32>
    %select_n3A_1317 = arith.select %eq3A_1315, %broadcast_in_dim3A_1316, %select_n3A_1312 : vector<16xi1>, vector<16xi32>
    %eq3A_1318 = arith.constant 3 : i32
    %eq3A_1319 = vector.broadcast %eq3A_1318 : i32 to vector<16xi32>
    %eq3A_1320 = arith.cmpi eq, %add3A_1305, %eq3A_1319 : vector<16xi32>
    %broadcast_in_dim3A_1321 = vector.broadcast %sub3A_68 : i32 to vector<16xi32>
    %select_n3A_1322 = arith.select %eq3A_1320, %broadcast_in_dim3A_1321, %select_n3A_1317 : vector<16xi1>, vector<16xi32>
    %eq3A_1323 = arith.constant 4 : i32
    %eq3A_1324 = vector.broadcast %eq3A_1323 : i32 to vector<16xi32>
    %eq3A_1325 = arith.cmpi eq, %add3A_1305, %eq3A_1324 : vector<16xi32>
    %broadcast_in_dim3A_1326 = vector.broadcast %sub3A_69 : i32 to vector<16xi32>
    %select_n3A_1327 = arith.select %eq3A_1325, %broadcast_in_dim3A_1326, %select_n3A_1322 : vector<16xi1>, vector<16xi32>
    %eq3A_1328 = arith.constant 5 : i32
    %eq3A_1329 = vector.broadcast %eq3A_1328 : i32 to vector<16xi32>
    %eq3A_1330 = arith.cmpi eq, %add3A_1305, %eq3A_1329 : vector<16xi32>
    %broadcast_in_dim3A_1331 = vector.broadcast %sub3A_70 : i32 to vector<16xi32>
    %select_n3A_1332 = arith.select %eq3A_1330, %broadcast_in_dim3A_1331, %select_n3A_1327 : vector<16xi1>, vector<16xi32>
    %eq3A_1333 = arith.constant 6 : i32
    %eq3A_1334 = vector.broadcast %eq3A_1333 : i32 to vector<16xi32>
    %eq3A_1335 = arith.cmpi eq, %add3A_1305, %eq3A_1334 : vector<16xi32>
    %broadcast_in_dim3A_1336 = vector.broadcast %sub3A_71 : i32 to vector<16xi32>
    %select_n3A_1337 = arith.select %eq3A_1335, %broadcast_in_dim3A_1336, %select_n3A_1332 : vector<16xi1>, vector<16xi32>
    %eq3A_1338 = arith.constant 7 : i32
    %eq3A_1339 = vector.broadcast %eq3A_1338 : i32 to vector<16xi32>
    %eq3A_1340 = arith.cmpi eq, %add3A_1305, %eq3A_1339 : vector<16xi32>
    %broadcast_in_dim3A_1341 = vector.broadcast %sub3A_72 : i32 to vector<16xi32>
    %select_n3A_1342 = arith.select %eq3A_1340, %broadcast_in_dim3A_1341, %select_n3A_1337 : vector<16xi1>, vector<16xi32>
    %add3A_1343 = arith.addi %add3A_1247, %select_n3A_1342 : vector<16xi32>
    %dma_start3A_1344 = arith.constant 0 : i32
    %dma_start3A_1345 = arith.constant 0 : i32
    %dma_start3A_1346 = tpu.memref_slice %arg6[%dma_start3A_1344, %dma_start3A_1345] : memref<16640x2048xf32, #tpu.memory_space<hbm>> -> memref<16640x1024xf32, #tpu.memory_space<hbm>>
    tpu.enqueue_indirect_dma source(%arg9 : memref<16x1024xf32, #tpu.memory_space<vmem>>) target(%dma_start3A_1346 : memref<16640x1024xf32, #tpu.memory_space<hbm>>) offsets(%add3A_1343 : vector<16xi32>) semaphore(%arg21 : memref<!tpu.dma_semaphore, #tpu.memory_space<semaphore_mem>>)
    %add3A_1347 = arith.constant 480 : i32
    %add3A_1348 = arith.addi %mul3A_2, %add3A_1347 : i32
    %multiple_of3A_1349 = tpu.assume_multiple %add3A_1348, 16 : i32
    %dma_wait3A_1350 = arith.constant 1024 : i32
    %dma_wait3A_1351 = tpu.memref_slice %arg2[%multiple_of3A_1349, %dma_wait3A_1350] : memref<16384x2048xf32, #tpu.memory_space<hbm>> -> memref<16x1024xf32, #tpu.memory_space<hbm>>
    %dma_wait3A_1352 = arith.constant 1024 : i32
    %dma_wait3A_1353 = tpu.memref_slice %arg2[%multiple_of3A_1349, %dma_wait3A_1352] : memref<16384x2048xf32, #tpu.memory_space<hbm>> -> memref<16x1024xf32, #tpu.memory_space<hbm>>
    tpu.wait_dma2 semaphore(%arg18 : memref<!tpu.dma_semaphore, #tpu.memory_space<semaphore_mem>>) src(%dma_wait3A_1353 : memref<16x1024xf32, #tpu.memory_space<hbm>>) dst(%arg12 : memref<16x1024xf32, #tpu.memory_space<vmem>>)
    %add3A_1354 = arith.constant 480 : i32
    %add3A_1355 = arith.addi %mul3A_2, %add3A_1354 : i32
    %multiple_of3A_1356 = tpu.assume_multiple %add3A_1355, 16 : i32
    %add3A_1357 = vector.broadcast %multiple_of3A_1356 : i32 to vector<16xi32>
    %add3A_1358 = arith.addi %add3A_1357, %iota3A : vector<16xi32>
    %broadcast_in_dim3A_1359 = arith.constant 0 : i32
    %broadcast_in_dim3A_1360 = vector.broadcast %broadcast_in_dim3A_1359 : i32 to vector<16xi32>
    %ge3A_1361 = vector.broadcast %squeeze3A_21 : i32 to vector<16xi32>
    %ge3A_1362 = arith.cmpi sge, %add3A_1358, %ge3A_1361 : vector<16xi32>
    %jit3A_1363 = arith.constant 1 : i32
    %jit3A_1364 = arith.constant 0 : i32
    %broadcast_in_dim3A_1365 = vector.broadcast %jit3A_1363 : i32 to vector<16xi32>
    %broadcast_in_dim3A_1366 = vector.broadcast %jit3A_1364 : i32 to vector<16xi32>
    %select_n3A_1367 = arith.select %ge3A_1362, %broadcast_in_dim3A_1365, %broadcast_in_dim3A_1366 : vector<16xi1>, vector<16xi32>
    %add3A_1368 = arith.addi %broadcast_in_dim3A_1360, %select_n3A_1367 : vector<16xi32>
    %ge3A_1369 = vector.broadcast %squeeze3A_23 : i32 to vector<16xi32>
    %ge3A_1370 = arith.cmpi sge, %add3A_1358, %ge3A_1369 : vector<16xi32>
    %jit3A_1371 = arith.constant 1 : i32
    %jit3A_1372 = arith.constant 0 : i32
    %broadcast_in_dim3A_1373 = vector.broadcast %jit3A_1371 : i32 to vector<16xi32>
    %broadcast_in_dim3A_1374 = vector.broadcast %jit3A_1372 : i32 to vector<16xi32>
    %select_n3A_1375 = arith.select %ge3A_1370, %broadcast_in_dim3A_1373, %broadcast_in_dim3A_1374 : vector<16xi1>, vector<16xi32>
    %add3A_1376 = arith.addi %add3A_1368, %select_n3A_1375 : vector<16xi32>
    %ge3A_1377 = vector.broadcast %squeeze3A_25 : i32 to vector<16xi32>
    %ge3A_1378 = arith.cmpi sge, %add3A_1358, %ge3A_1377 : vector<16xi32>
    %jit3A_1379 = arith.constant 1 : i32
    %jit3A_1380 = arith.constant 0 : i32
    %broadcast_in_dim3A_1381 = vector.broadcast %jit3A_1379 : i32 to vector<16xi32>
    %broadcast_in_dim3A_1382 = vector.broadcast %jit3A_1380 : i32 to vector<16xi32>
    %select_n3A_1383 = arith.select %ge3A_1378, %broadcast_in_dim3A_1381, %broadcast_in_dim3A_1382 : vector<16xi1>, vector<16xi32>
    %add3A_1384 = arith.addi %add3A_1376, %select_n3A_1383 : vector<16xi32>
    %ge3A_1385 = vector.broadcast %squeeze3A_27 : i32 to vector<16xi32>
    %ge3A_1386 = arith.cmpi sge, %add3A_1358, %ge3A_1385 : vector<16xi32>
    %jit3A_1387 = arith.constant 1 : i32
    %jit3A_1388 = arith.constant 0 : i32
    %broadcast_in_dim3A_1389 = vector.broadcast %jit3A_1387 : i32 to vector<16xi32>
    %broadcast_in_dim3A_1390 = vector.broadcast %jit3A_1388 : i32 to vector<16xi32>
    %select_n3A_1391 = arith.select %ge3A_1386, %broadcast_in_dim3A_1389, %broadcast_in_dim3A_1390 : vector<16xi1>, vector<16xi32>
    %add3A_1392 = arith.addi %add3A_1384, %select_n3A_1391 : vector<16xi32>
    %ge3A_1393 = vector.broadcast %squeeze3A_29 : i32 to vector<16xi32>
    %ge3A_1394 = arith.cmpi sge, %add3A_1358, %ge3A_1393 : vector<16xi32>
    %jit3A_1395 = arith.constant 1 : i32
    %jit3A_1396 = arith.constant 0 : i32
    %broadcast_in_dim3A_1397 = vector.broadcast %jit3A_1395 : i32 to vector<16xi32>
    %broadcast_in_dim3A_1398 = vector.broadcast %jit3A_1396 : i32 to vector<16xi32>
    %select_n3A_1399 = arith.select %ge3A_1394, %broadcast_in_dim3A_1397, %broadcast_in_dim3A_1398 : vector<16xi1>, vector<16xi32>
    %add3A_1400 = arith.addi %add3A_1392, %select_n3A_1399 : vector<16xi32>
    %ge3A_1401 = vector.broadcast %squeeze3A_31 : i32 to vector<16xi32>
    %ge3A_1402 = arith.cmpi sge, %add3A_1358, %ge3A_1401 : vector<16xi32>
    %jit3A_1403 = arith.constant 1 : i32
    %jit3A_1404 = arith.constant 0 : i32
    %broadcast_in_dim3A_1405 = vector.broadcast %jit3A_1403 : i32 to vector<16xi32>
    %broadcast_in_dim3A_1406 = vector.broadcast %jit3A_1404 : i32 to vector<16xi32>
    %select_n3A_1407 = arith.select %ge3A_1402, %broadcast_in_dim3A_1405, %broadcast_in_dim3A_1406 : vector<16xi1>, vector<16xi32>
    %add3A_1408 = arith.addi %add3A_1400, %select_n3A_1407 : vector<16xi32>
    %ge3A_1409 = vector.broadcast %squeeze3A_33 : i32 to vector<16xi32>
    %ge3A_1410 = arith.cmpi sge, %add3A_1358, %ge3A_1409 : vector<16xi32>
    %jit3A_1411 = arith.constant 1 : i32
    %jit3A_1412 = arith.constant 0 : i32
    %broadcast_in_dim3A_1413 = vector.broadcast %jit3A_1411 : i32 to vector<16xi32>
    %broadcast_in_dim3A_1414 = vector.broadcast %jit3A_1412 : i32 to vector<16xi32>
    %select_n3A_1415 = arith.select %ge3A_1410, %broadcast_in_dim3A_1413, %broadcast_in_dim3A_1414 : vector<16xi1>, vector<16xi32>
    %add3A_1416 = arith.addi %add3A_1408, %select_n3A_1415 : vector<16xi32>
    %broadcast_in_dim3A_1417 = arith.constant 0 : i32
    %broadcast_in_dim3A_1418 = vector.broadcast %broadcast_in_dim3A_1417 : i32 to vector<16xi32>
    %eq3A_1419 = arith.constant 1 : i32
    %eq3A_1420 = vector.broadcast %eq3A_1419 : i32 to vector<16xi32>
    %eq3A_1421 = arith.cmpi eq, %add3A_1416, %eq3A_1420 : vector<16xi32>
    %broadcast_in_dim3A_1422 = vector.broadcast %sub3A_66 : i32 to vector<16xi32>
    %select_n3A_1423 = arith.select %eq3A_1421, %broadcast_in_dim3A_1422, %broadcast_in_dim3A_1418 : vector<16xi1>, vector<16xi32>
    %eq3A_1424 = arith.constant 2 : i32
    %eq3A_1425 = vector.broadcast %eq3A_1424 : i32 to vector<16xi32>
    %eq3A_1426 = arith.cmpi eq, %add3A_1416, %eq3A_1425 : vector<16xi32>
    %broadcast_in_dim3A_1427 = vector.broadcast %sub3A_67 : i32 to vector<16xi32>
    %select_n3A_1428 = arith.select %eq3A_1426, %broadcast_in_dim3A_1427, %select_n3A_1423 : vector<16xi1>, vector<16xi32>
    %eq3A_1429 = arith.constant 3 : i32
    %eq3A_1430 = vector.broadcast %eq3A_1429 : i32 to vector<16xi32>
    %eq3A_1431 = arith.cmpi eq, %add3A_1416, %eq3A_1430 : vector<16xi32>
    %broadcast_in_dim3A_1432 = vector.broadcast %sub3A_68 : i32 to vector<16xi32>
    %select_n3A_1433 = arith.select %eq3A_1431, %broadcast_in_dim3A_1432, %select_n3A_1428 : vector<16xi1>, vector<16xi32>
    %eq3A_1434 = arith.constant 4 : i32
    %eq3A_1435 = vector.broadcast %eq3A_1434 : i32 to vector<16xi32>
    %eq3A_1436 = arith.cmpi eq, %add3A_1416, %eq3A_1435 : vector<16xi32>
    %broadcast_in_dim3A_1437 = vector.broadcast %sub3A_69 : i32 to vector<16xi32>
    %select_n3A_1438 = arith.select %eq3A_1436, %broadcast_in_dim3A_1437, %select_n3A_1433 : vector<16xi1>, vector<16xi32>
    %eq3A_1439 = arith.constant 5 : i32
    %eq3A_1440 = vector.broadcast %eq3A_1439 : i32 to vector<16xi32>
    %eq3A_1441 = arith.cmpi eq, %add3A_1416, %eq3A_1440 : vector<16xi32>
    %broadcast_in_dim3A_1442 = vector.broadcast %sub3A_70 : i32 to vector<16xi32>
    %select_n3A_1443 = arith.select %eq3A_1441, %broadcast_in_dim3A_1442, %select_n3A_1438 : vector<16xi1>, vector<16xi32>
    %eq3A_1444 = arith.constant 6 : i32
    %eq3A_1445 = vector.broadcast %eq3A_1444 : i32 to vector<16xi32>
    %eq3A_1446 = arith.cmpi eq, %add3A_1416, %eq3A_1445 : vector<16xi32>
    %broadcast_in_dim3A_1447 = vector.broadcast %sub3A_71 : i32 to vector<16xi32>
    %select_n3A_1448 = arith.select %eq3A_1446, %broadcast_in_dim3A_1447, %select_n3A_1443 : vector<16xi1>, vector<16xi32>
    %eq3A_1449 = arith.constant 7 : i32
    %eq3A_1450 = vector.broadcast %eq3A_1449 : i32 to vector<16xi32>
    %eq3A_1451 = arith.cmpi eq, %add3A_1416, %eq3A_1450 : vector<16xi32>
    %broadcast_in_dim3A_1452 = vector.broadcast %sub3A_72 : i32 to vector<16xi32>
    %select_n3A_1453 = arith.select %eq3A_1451, %broadcast_in_dim3A_1452, %select_n3A_1448 : vector<16xi1>, vector<16xi32>
    %add3A_1454 = arith.addi %add3A_1358, %select_n3A_1453 : vector<16xi32>
    %dma_start3A_1455 = arith.constant 0 : i32
    %dma_start3A_1456 = arith.constant 1024 : i32
    %dma_start3A_1457 = tpu.memref_slice %arg6[%dma_start3A_1455, %dma_start3A_1456] : memref<16640x2048xf32, #tpu.memory_space<hbm>> -> memref<16640x1024xf32, #tpu.memory_space<hbm>>
    tpu.enqueue_indirect_dma source(%arg12 : memref<16x1024xf32, #tpu.memory_space<vmem>>) target(%dma_start3A_1457 : memref<16640x1024xf32, #tpu.memory_space<hbm>>) offsets(%add3A_1454 : vector<16xi32>) semaphore(%arg24 : memref<!tpu.dma_semaphore, #tpu.memory_space<semaphore_mem>>)
    %add3A_1458 = arith.constant 464 : i32
    %add3A_1459 = arith.addi %mul3A_2, %add3A_1458 : i32
    %multiple_of3A_1460 = tpu.assume_multiple %add3A_1459, 16 : i32
    %add3A_1461 = vector.broadcast %multiple_of3A_1460 : i32 to vector<16xi32>
    %add3A_1462 = arith.addi %add3A_1461, %iota3A : vector<16xi32>
    %broadcast_in_dim3A_1463 = arith.constant 0 : i32
    %broadcast_in_dim3A_1464 = vector.broadcast %broadcast_in_dim3A_1463 : i32 to vector<16xi32>
    %ge3A_1465 = vector.broadcast %squeeze3A_21 : i32 to vector<16xi32>
    %ge3A_1466 = arith.cmpi sge, %add3A_1462, %ge3A_1465 : vector<16xi32>
    %jit3A_1467 = arith.constant 1 : i32
    %jit3A_1468 = arith.constant 0 : i32
    %broadcast_in_dim3A_1469 = vector.broadcast %jit3A_1467 : i32 to vector<16xi32>
    %broadcast_in_dim3A_1470 = vector.broadcast %jit3A_1468 : i32 to vector<16xi32>
    %select_n3A_1471 = arith.select %ge3A_1466, %broadcast_in_dim3A_1469, %broadcast_in_dim3A_1470 : vector<16xi1>, vector<16xi32>
    %add3A_1472 = arith.addi %broadcast_in_dim3A_1464, %select_n3A_1471 : vector<16xi32>
    %ge3A_1473 = vector.broadcast %squeeze3A_23 : i32 to vector<16xi32>
    %ge3A_1474 = arith.cmpi sge, %add3A_1462, %ge3A_1473 : vector<16xi32>
    %jit3A_1475 = arith.constant 1 : i32
    %jit3A_1476 = arith.constant 0 : i32
    %broadcast_in_dim3A_1477 = vector.broadcast %jit3A_1475 : i32 to vector<16xi32>
    %broadcast_in_dim3A_1478 = vector.broadcast %jit3A_1476 : i32 to vector<16xi32>
    %select_n3A_1479 = arith.select %ge3A_1474, %broadcast_in_dim3A_1477, %broadcast_in_dim3A_1478 : vector<16xi1>, vector<16xi32>
    %add3A_1480 = arith.addi %add3A_1472, %select_n3A_1479 : vector<16xi32>
    %ge3A_1481 = vector.broadcast %squeeze3A_25 : i32 to vector<16xi32>
    %ge3A_1482 = arith.cmpi sge, %add3A_1462, %ge3A_1481 : vector<16xi32>
    %jit3A_1483 = arith.constant 1 : i32
    %jit3A_1484 = arith.constant 0 : i32
    %broadcast_in_dim3A_1485 = vector.broadcast %jit3A_1483 : i32 to vector<16xi32>
    %broadcast_in_dim3A_1486 = vector.broadcast %jit3A_1484 : i32 to vector<16xi32>
    %select_n3A_1487 = arith.select %ge3A_1482, %broadcast_in_dim3A_1485, %broadcast_in_dim3A_1486 : vector<16xi1>, vector<16xi32>
    %add3A_1488 = arith.addi %add3A_1480, %select_n3A_1487 : vector<16xi32>
    %ge3A_1489 = vector.broadcast %squeeze3A_27 : i32 to vector<16xi32>
    %ge3A_1490 = arith.cmpi sge, %add3A_1462, %ge3A_1489 : vector<16xi32>
    %jit3A_1491 = arith.constant 1 : i32
    %jit3A_1492 = arith.constant 0 : i32
    %broadcast_in_dim3A_1493 = vector.broadcast %jit3A_1491 : i32 to vector<16xi32>
    %broadcast_in_dim3A_1494 = vector.broadcast %jit3A_1492 : i32 to vector<16xi32>
    %select_n3A_1495 = arith.select %ge3A_1490, %broadcast_in_dim3A_1493, %broadcast_in_dim3A_1494 : vector<16xi1>, vector<16xi32>
    %add3A_1496 = arith.addi %add3A_1488, %select_n3A_1495 : vector<16xi32>
    %ge3A_1497 = vector.broadcast %squeeze3A_29 : i32 to vector<16xi32>
    %ge3A_1498 = arith.cmpi sge, %add3A_1462, %ge3A_1497 : vector<16xi32>
    %jit3A_1499 = arith.constant 1 : i32
    %jit3A_1500 = arith.constant 0 : i32
    %broadcast_in_dim3A_1501 = vector.broadcast %jit3A_1499 : i32 to vector<16xi32>
    %broadcast_in_dim3A_1502 = vector.broadcast %jit3A_1500 : i32 to vector<16xi32>
    %select_n3A_1503 = arith.select %ge3A_1498, %broadcast_in_dim3A_1501, %broadcast_in_dim3A_1502 : vector<16xi1>, vector<16xi32>
    %add3A_1504 = arith.addi %add3A_1496, %select_n3A_1503 : vector<16xi32>
    %ge3A_1505 = vector.broadcast %squeeze3A_31 : i32 to vector<16xi32>
    %ge3A_1506 = arith.cmpi sge, %add3A_1462, %ge3A_1505 : vector<16xi32>
    %jit3A_1507 = arith.constant 1 : i32
    %jit3A_1508 = arith.constant 0 : i32
    %broadcast_in_dim3A_1509 = vector.broadcast %jit3A_1507 : i32 to vector<16xi32>
    %broadcast_in_dim3A_1510 = vector.broadcast %jit3A_1508 : i32 to vector<16xi32>
    %select_n3A_1511 = arith.select %ge3A_1506, %broadcast_in_dim3A_1509, %broadcast_in_dim3A_1510 : vector<16xi1>, vector<16xi32>
    %add3A_1512 = arith.addi %add3A_1504, %select_n3A_1511 : vector<16xi32>
    %ge3A_1513 = vector.broadcast %squeeze3A_33 : i32 to vector<16xi32>
    %ge3A_1514 = arith.cmpi sge, %add3A_1462, %ge3A_1513 : vector<16xi32>
    %jit3A_1515 = arith.constant 1 : i32
    %jit3A_1516 = arith.constant 0 : i32
    %broadcast_in_dim3A_1517 = vector.broadcast %jit3A_1515 : i32 to vector<16xi32>
    %broadcast_in_dim3A_1518 = vector.broadcast %jit3A_1516 : i32 to vector<16xi32>
    %select_n3A_1519 = arith.select %ge3A_1514, %broadcast_in_dim3A_1517, %broadcast_in_dim3A_1518 : vector<16xi1>, vector<16xi32>
    %add3A_1520 = arith.addi %add3A_1512, %select_n3A_1519 : vector<16xi32>
    %broadcast_in_dim3A_1521 = arith.constant 0 : i32
    %broadcast_in_dim3A_1522 = vector.broadcast %broadcast_in_dim3A_1521 : i32 to vector<16xi32>
    %eq3A_1523 = arith.constant 1 : i32
    %eq3A_1524 = vector.broadcast %eq3A_1523 : i32 to vector<16xi32>
    %eq3A_1525 = arith.cmpi eq, %add3A_1520, %eq3A_1524 : vector<16xi32>
    %broadcast_in_dim3A_1526 = vector.broadcast %sub3A_66 : i32 to vector<16xi32>
    %select_n3A_1527 = arith.select %eq3A_1525, %broadcast_in_dim3A_1526, %broadcast_in_dim3A_1522 : vector<16xi1>, vector<16xi32>
    %eq3A_1528 = arith.constant 2 : i32
    %eq3A_1529 = vector.broadcast %eq3A_1528 : i32 to vector<16xi32>
    %eq3A_1530 = arith.cmpi eq, %add3A_1520, %eq3A_1529 : vector<16xi32>
    %broadcast_in_dim3A_1531 = vector.broadcast %sub3A_67 : i32 to vector<16xi32>
    %select_n3A_1532 = arith.select %eq3A_1530, %broadcast_in_dim3A_1531, %select_n3A_1527 : vector<16xi1>, vector<16xi32>
    %eq3A_1533 = arith.constant 3 : i32
    %eq3A_1534 = vector.broadcast %eq3A_1533 : i32 to vector<16xi32>
    %eq3A_1535 = arith.cmpi eq, %add3A_1520, %eq3A_1534 : vector<16xi32>
    %broadcast_in_dim3A_1536 = vector.broadcast %sub3A_68 : i32 to vector<16xi32>
    %select_n3A_1537 = arith.select %eq3A_1535, %broadcast_in_dim3A_1536, %select_n3A_1532 : vector<16xi1>, vector<16xi32>
    %eq3A_1538 = arith.constant 4 : i32
    %eq3A_1539 = vector.broadcast %eq3A_1538 : i32 to vector<16xi32>
    %eq3A_1540 = arith.cmpi eq, %add3A_1520, %eq3A_1539 : vector<16xi32>
    %broadcast_in_dim3A_1541 = vector.broadcast %sub3A_69 : i32 to vector<16xi32>
    %select_n3A_1542 = arith.select %eq3A_1540, %broadcast_in_dim3A_1541, %select_n3A_1537 : vector<16xi1>, vector<16xi32>
    %eq3A_1543 = arith.constant 5 : i32
    %eq3A_1544 = vector.broadcast %eq3A_1543 : i32 to vector<16xi32>
    %eq3A_1545 = arith.cmpi eq, %add3A_1520, %eq3A_1544 : vector<16xi32>
    %broadcast_in_dim3A_1546 = vector.broadcast %sub3A_70 : i32 to vector<16xi32>
    %select_n3A_1547 = arith.select %eq3A_1545, %broadcast_in_dim3A_1546, %select_n3A_1542 : vector<16xi1>, vector<16xi32>
    %eq3A_1548 = arith.constant 6 : i32
    %eq3A_1549 = vector.broadcast %eq3A_1548 : i32 to vector<16xi32>
    %eq3A_1550 = arith.cmpi eq, %add3A_1520, %eq3A_1549 : vector<16xi32>
    %broadcast_in_dim3A_1551 = vector.broadcast %sub3A_71 : i32 to vector<16xi32>
    %select_n3A_1552 = arith.select %eq3A_1550, %broadcast_in_dim3A_1551, %select_n3A_1547 : vector<16xi1>, vector<16xi32>
    %eq3A_1553 = arith.constant 7 : i32
    %eq3A_1554 = vector.broadcast %eq3A_1553 : i32 to vector<16xi32>
    %eq3A_1555 = arith.cmpi eq, %add3A_1520, %eq3A_1554 : vector<16xi32>
    %broadcast_in_dim3A_1556 = vector.broadcast %sub3A_72 : i32 to vector<16xi32>
    %select_n3A_1557 = arith.select %eq3A_1555, %broadcast_in_dim3A_1556, %select_n3A_1552 : vector<16xi1>, vector<16xi32>
    %add3A_1558 = arith.addi %add3A_1462, %select_n3A_1557 : vector<16xi32>
    %dma_wait3A_1559 = arith.constant 0 : i32
    %dma_wait3A_1560 = arith.constant 0 : i32
    %dma_wait3A_1561 = tpu.memref_slice %arg6[%dma_wait3A_1559, %dma_wait3A_1560] : memref<16640x2048xf32, #tpu.memory_space<hbm>> -> memref<16640x1024xf32, #tpu.memory_space<hbm>>
    tpu.wait_indirect_dma semaphore(%arg23 : memref<!tpu.dma_semaphore, #tpu.memory_space<semaphore_mem>>) src(%arg11 : memref<16x1024xf32, #tpu.memory_space<vmem>>) dst(%dma_wait3A_1561 : memref<16640x1024xf32, #tpu.memory_space<hbm>>)
    %add3A_1562 = arith.constant 464 : i32
    %add3A_1563 = arith.addi %mul3A_2, %add3A_1562 : i32
    %multiple_of3A_1564 = tpu.assume_multiple %add3A_1563, 16 : i32
    %add3A_1565 = vector.broadcast %multiple_of3A_1564 : i32 to vector<16xi32>
    %add3A_1566 = arith.addi %add3A_1565, %iota3A : vector<16xi32>
    %broadcast_in_dim3A_1567 = arith.constant 0 : i32
    %broadcast_in_dim3A_1568 = vector.broadcast %broadcast_in_dim3A_1567 : i32 to vector<16xi32>
    %ge3A_1569 = vector.broadcast %squeeze3A_21 : i32 to vector<16xi32>
    %ge3A_1570 = arith.cmpi sge, %add3A_1566, %ge3A_1569 : vector<16xi32>
    %jit3A_1571 = arith.constant 1 : i32
    %jit3A_1572 = arith.constant 0 : i32
    %broadcast_in_dim3A_1573 = vector.broadcast %jit3A_1571 : i32 to vector<16xi32>
    %broadcast_in_dim3A_1574 = vector.broadcast %jit3A_1572 : i32 to vector<16xi32>
    %select_n3A_1575 = arith.select %ge3A_1570, %broadcast_in_dim3A_1573, %broadcast_in_dim3A_1574 : vector<16xi1>, vector<16xi32>
    %add3A_1576 = arith.addi %broadcast_in_dim3A_1568, %select_n3A_1575 : vector<16xi32>
    %ge3A_1577 = vector.broadcast %squeeze3A_23 : i32 to vector<16xi32>
    %ge3A_1578 = arith.cmpi sge, %add3A_1566, %ge3A_1577 : vector<16xi32>
    %jit3A_1579 = arith.constant 1 : i32
    %jit3A_1580 = arith.constant 0 : i32
    %broadcast_in_dim3A_1581 = vector.broadcast %jit3A_1579 : i32 to vector<16xi32>
    %broadcast_in_dim3A_1582 = vector.broadcast %jit3A_1580 : i32 to vector<16xi32>
    %select_n3A_1583 = arith.select %ge3A_1578, %broadcast_in_dim3A_1581, %broadcast_in_dim3A_1582 : vector<16xi1>, vector<16xi32>
    %add3A_1584 = arith.addi %add3A_1576, %select_n3A_1583 : vector<16xi32>
    %ge3A_1585 = vector.broadcast %squeeze3A_25 : i32 to vector<16xi32>
    %ge3A_1586 = arith.cmpi sge, %add3A_1566, %ge3A_1585 : vector<16xi32>
    %jit3A_1587 = arith.constant 1 : i32
    %jit3A_1588 = arith.constant 0 : i32
    %broadcast_in_dim3A_1589 = vector.broadcast %jit3A_1587 : i32 to vector<16xi32>
    %broadcast_in_dim3A_1590 = vector.broadcast %jit3A_1588 : i32 to vector<16xi32>
    %select_n3A_1591 = arith.select %ge3A_1586, %broadcast_in_dim3A_1589, %broadcast_in_dim3A_1590 : vector<16xi1>, vector<16xi32>
    %add3A_1592 = arith.addi %add3A_1584, %select_n3A_1591 : vector<16xi32>
    %ge3A_1593 = vector.broadcast %squeeze3A_27 : i32 to vector<16xi32>
    %ge3A_1594 = arith.cmpi sge, %add3A_1566, %ge3A_1593 : vector<16xi32>
    %jit3A_1595 = arith.constant 1 : i32
    %jit3A_1596 = arith.constant 0 : i32
    %broadcast_in_dim3A_1597 = vector.broadcast %jit3A_1595 : i32 to vector<16xi32>
    %broadcast_in_dim3A_1598 = vector.broadcast %jit3A_1596 : i32 to vector<16xi32>
    %select_n3A_1599 = arith.select %ge3A_1594, %broadcast_in_dim3A_1597, %broadcast_in_dim3A_1598 : vector<16xi1>, vector<16xi32>
    %add3A_1600 = arith.addi %add3A_1592, %select_n3A_1599 : vector<16xi32>
    %ge3A_1601 = vector.broadcast %squeeze3A_29 : i32 to vector<16xi32>
    %ge3A_1602 = arith.cmpi sge, %add3A_1566, %ge3A_1601 : vector<16xi32>
    %jit3A_1603 = arith.constant 1 : i32
    %jit3A_1604 = arith.constant 0 : i32
    %broadcast_in_dim3A_1605 = vector.broadcast %jit3A_1603 : i32 to vector<16xi32>
    %broadcast_in_dim3A_1606 = vector.broadcast %jit3A_1604 : i32 to vector<16xi32>
    %select_n3A_1607 = arith.select %ge3A_1602, %broadcast_in_dim3A_1605, %broadcast_in_dim3A_1606 : vector<16xi1>, vector<16xi32>
    %add3A_1608 = arith.addi %add3A_1600, %select_n3A_1607 : vector<16xi32>
    %ge3A_1609 = vector.broadcast %squeeze3A_31 : i32 to vector<16xi32>
    %ge3A_1610 = arith.cmpi sge, %add3A_1566, %ge3A_1609 : vector<16xi32>
    %jit3A_1611 = arith.constant 1 : i32
    %jit3A_1612 = arith.constant 0 : i32
    %broadcast_in_dim3A_1613 = vector.broadcast %jit3A_1611 : i32 to vector<16xi32>
    %broadcast_in_dim3A_1614 = vector.broadcast %jit3A_1612 : i32 to vector<16xi32>
    %select_n3A_1615 = arith.select %ge3A_1610, %broadcast_in_dim3A_1613, %broadcast_in_dim3A_1614 : vector<16xi1>, vector<16xi32>
    %add3A_1616 = arith.addi %add3A_1608, %select_n3A_1615 : vector<16xi32>
    %ge3A_1617 = vector.broadcast %squeeze3A_33 : i32 to vector<16xi32>
    %ge3A_1618 = arith.cmpi sge, %add3A_1566, %ge3A_1617 : vector<16xi32>
    %jit3A_1619 = arith.constant 1 : i32
    %jit3A_1620 = arith.constant 0 : i32
    %broadcast_in_dim3A_1621 = vector.broadcast %jit3A_1619 : i32 to vector<16xi32>
    %broadcast_in_dim3A_1622 = vector.broadcast %jit3A_1620 : i32 to vector<16xi32>
    %select_n3A_1623 = arith.select %ge3A_1618, %broadcast_in_dim3A_1621, %broadcast_in_dim3A_1622 : vector<16xi1>, vector<16xi32>
    %add3A_1624 = arith.addi %add3A_1616, %select_n3A_1623 : vector<16xi32>
    %broadcast_in_dim3A_1625 = arith.constant 0 : i32
    %broadcast_in_dim3A_1626 = vector.broadcast %broadcast_in_dim3A_1625 : i32 to vector<16xi32>
    %eq3A_1627 = arith.constant 1 : i32
    %eq3A_1628 = vector.broadcast %eq3A_1627 : i32 to vector<16xi32>
    %eq3A_1629 = arith.cmpi eq, %add3A_1624, %eq3A_1628 : vector<16xi32>
    %broadcast_in_dim3A_1630 = vector.broadcast %sub3A_66 : i32 to vector<16xi32>
    %select_n3A_1631 = arith.select %eq3A_1629, %broadcast_in_dim3A_1630, %broadcast_in_dim3A_1626 : vector<16xi1>, vector<16xi32>
    %eq3A_1632 = arith.constant 2 : i32
    %eq3A_1633 = vector.broadcast %eq3A_1632 : i32 to vector<16xi32>
    %eq3A_1634 = arith.cmpi eq, %add3A_1624, %eq3A_1633 : vector<16xi32>
    %broadcast_in_dim3A_1635 = vector.broadcast %sub3A_67 : i32 to vector<16xi32>
    %select_n3A_1636 = arith.select %eq3A_1634, %broadcast_in_dim3A_1635, %select_n3A_1631 : vector<16xi1>, vector<16xi32>
    %eq3A_1637 = arith.constant 3 : i32
    %eq3A_1638 = vector.broadcast %eq3A_1637 : i32 to vector<16xi32>
    %eq3A_1639 = arith.cmpi eq, %add3A_1624, %eq3A_1638 : vector<16xi32>
    %broadcast_in_dim3A_1640 = vector.broadcast %sub3A_68 : i32 to vector<16xi32>
    %select_n3A_1641 = arith.select %eq3A_1639, %broadcast_in_dim3A_1640, %select_n3A_1636 : vector<16xi1>, vector<16xi32>
    %eq3A_1642 = arith.constant 4 : i32
    %eq3A_1643 = vector.broadcast %eq3A_1642 : i32 to vector<16xi32>
    %eq3A_1644 = arith.cmpi eq, %add3A_1624, %eq3A_1643 : vector<16xi32>
    %broadcast_in_dim3A_1645 = vector.broadcast %sub3A_69 : i32 to vector<16xi32>
    %select_n3A_1646 = arith.select %eq3A_1644, %broadcast_in_dim3A_1645, %select_n3A_1641 : vector<16xi1>, vector<16xi32>
    %eq3A_1647 = arith.constant 5 : i32
    %eq3A_1648 = vector.broadcast %eq3A_1647 : i32 to vector<16xi32>
    %eq3A_1649 = arith.cmpi eq, %add3A_1624, %eq3A_1648 : vector<16xi32>
    %broadcast_in_dim3A_1650 = vector.broadcast %sub3A_70 : i32 to vector<16xi32>
    %select_n3A_1651 = arith.select %eq3A_1649, %broadcast_in_dim3A_1650, %select_n3A_1646 : vector<16xi1>, vector<16xi32>
    %eq3A_1652 = arith.constant 6 : i32
    %eq3A_1653 = vector.broadcast %eq3A_1652 : i32 to vector<16xi32>
    %eq3A_1654 = arith.cmpi eq, %add3A_1624, %eq3A_1653 : vector<16xi32>
    %broadcast_in_dim3A_1655 = vector.broadcast %sub3A_71 : i32 to vector<16xi32>
    %select_n3A_1656 = arith.select %eq3A_1654, %broadcast_in_dim3A_1655, %select_n3A_1651 : vector<16xi1>, vector<16xi32>
    %eq3A_1657 = arith.constant 7 : i32
    %eq3A_1658 = vector.broadcast %eq3A_1657 : i32 to vector<16xi32>
    %eq3A_1659 = arith.cmpi eq, %add3A_1624, %eq3A_1658 : vector<16xi32>
    %broadcast_in_dim3A_1660 = vector.broadcast %sub3A_72 : i32 to vector<16xi32>
    %select_n3A_1661 = arith.select %eq3A_1659, %broadcast_in_dim3A_1660, %select_n3A_1656 : vector<16xi1>, vector<16xi32>
    %add3A_1662 = arith.addi %add3A_1566, %select_n3A_1661 : vector<16xi32>
    %dma_wait3A_1663 = arith.constant 0 : i32
    %dma_wait3A_1664 = arith.constant 1024 : i32
    %dma_wait3A_1665 = tpu.memref_slice %arg6[%dma_wait3A_1663, %dma_wait3A_1664] : memref<16640x2048xf32, #tpu.memory_space<hbm>> -> memref<16640x1024xf32, #tpu.memory_space<hbm>>
    tpu.wait_indirect_dma semaphore(%arg26 : memref<!tpu.dma_semaphore, #tpu.memory_space<semaphore_mem>>) src(%arg14 : memref<16x1024xf32, #tpu.memory_space<vmem>>) dst(%dma_wait3A_1665 : memref<16640x1024xf32, #tpu.memory_space<hbm>>)
    %add3A_1666 = arith.constant 496 : i32
    %add3A_1667 = arith.addi %mul3A_2, %add3A_1666 : i32
    %multiple_of3A_1668 = tpu.assume_multiple %add3A_1667, 16 : i32
    %dma_wait3A_1669 = arith.constant 0 : i32
    %dma_wait3A_1670 = tpu.memref_slice %arg2[%multiple_of3A_1668, %dma_wait3A_1669] : memref<16384x2048xf32, #tpu.memory_space<hbm>> -> memref<16x1024xf32, #tpu.memory_space<hbm>>
    %dma_wait3A_1671 = arith.constant 0 : i32
    %dma_wait3A_1672 = tpu.memref_slice %arg2[%multiple_of3A_1668, %dma_wait3A_1671] : memref<16384x2048xf32, #tpu.memory_space<hbm>> -> memref<16x1024xf32, #tpu.memory_space<hbm>>
    tpu.wait_dma2 semaphore(%arg16 : memref<!tpu.dma_semaphore, #tpu.memory_space<semaphore_mem>>) src(%dma_wait3A_1672 : memref<16x1024xf32, #tpu.memory_space<hbm>>) dst(%arg10 : memref<16x1024xf32, #tpu.memory_space<vmem>>)
    %add3A_1673 = arith.constant 496 : i32
    %add3A_1674 = arith.addi %mul3A_2, %add3A_1673 : i32
    %multiple_of3A_1675 = tpu.assume_multiple %add3A_1674, 16 : i32
    %add3A_1676 = vector.broadcast %multiple_of3A_1675 : i32 to vector<16xi32>
    %add3A_1677 = arith.addi %add3A_1676, %iota3A : vector<16xi32>
    %broadcast_in_dim3A_1678 = arith.constant 0 : i32
    %broadcast_in_dim3A_1679 = vector.broadcast %broadcast_in_dim3A_1678 : i32 to vector<16xi32>
    %ge3A_1680 = vector.broadcast %squeeze3A_21 : i32 to vector<16xi32>
    %ge3A_1681 = arith.cmpi sge, %add3A_1677, %ge3A_1680 : vector<16xi32>
    %jit3A_1682 = arith.constant 1 : i32
    %jit3A_1683 = arith.constant 0 : i32
    %broadcast_in_dim3A_1684 = vector.broadcast %jit3A_1682 : i32 to vector<16xi32>
    %broadcast_in_dim3A_1685 = vector.broadcast %jit3A_1683 : i32 to vector<16xi32>
    %select_n3A_1686 = arith.select %ge3A_1681, %broadcast_in_dim3A_1684, %broadcast_in_dim3A_1685 : vector<16xi1>, vector<16xi32>
    %add3A_1687 = arith.addi %broadcast_in_dim3A_1679, %select_n3A_1686 : vector<16xi32>
    %ge3A_1688 = vector.broadcast %squeeze3A_23 : i32 to vector<16xi32>
    %ge3A_1689 = arith.cmpi sge, %add3A_1677, %ge3A_1688 : vector<16xi32>
    %jit3A_1690 = arith.constant 1 : i32
    %jit3A_1691 = arith.constant 0 : i32
    %broadcast_in_dim3A_1692 = vector.broadcast %jit3A_1690 : i32 to vector<16xi32>
    %broadcast_in_dim3A_1693 = vector.broadcast %jit3A_1691 : i32 to vector<16xi32>
    %select_n3A_1694 = arith.select %ge3A_1689, %broadcast_in_dim3A_1692, %broadcast_in_dim3A_1693 : vector<16xi1>, vector<16xi32>
    %add3A_1695 = arith.addi %add3A_1687, %select_n3A_1694 : vector<16xi32>
    %ge3A_1696 = vector.broadcast %squeeze3A_25 : i32 to vector<16xi32>
    %ge3A_1697 = arith.cmpi sge, %add3A_1677, %ge3A_1696 : vector<16xi32>
    %jit3A_1698 = arith.constant 1 : i32
    %jit3A_1699 = arith.constant 0 : i32
    %broadcast_in_dim3A_1700 = vector.broadcast %jit3A_1698 : i32 to vector<16xi32>
    %broadcast_in_dim3A_1701 = vector.broadcast %jit3A_1699 : i32 to vector<16xi32>
    %select_n3A_1702 = arith.select %ge3A_1697, %broadcast_in_dim3A_1700, %broadcast_in_dim3A_1701 : vector<16xi1>, vector<16xi32>
    %add3A_1703 = arith.addi %add3A_1695, %select_n3A_1702 : vector<16xi32>
    %ge3A_1704 = vector.broadcast %squeeze3A_27 : i32 to vector<16xi32>
    %ge3A_1705 = arith.cmpi sge, %add3A_1677, %ge3A_1704 : vector<16xi32>
    %jit3A_1706 = arith.constant 1 : i32
    %jit3A_1707 = arith.constant 0 : i32
    %broadcast_in_dim3A_1708 = vector.broadcast %jit3A_1706 : i32 to vector<16xi32>
    %broadcast_in_dim3A_1709 = vector.broadcast %jit3A_1707 : i32 to vector<16xi32>
    %select_n3A_1710 = arith.select %ge3A_1705, %broadcast_in_dim3A_1708, %broadcast_in_dim3A_1709 : vector<16xi1>, vector<16xi32>
    %add3A_1711 = arith.addi %add3A_1703, %select_n3A_1710 : vector<16xi32>
    %ge3A_1712 = vector.broadcast %squeeze3A_29 : i32 to vector<16xi32>
    %ge3A_1713 = arith.cmpi sge, %add3A_1677, %ge3A_1712 : vector<16xi32>
    %jit3A_1714 = arith.constant 1 : i32
    %jit3A_1715 = arith.constant 0 : i32
    %broadcast_in_dim3A_1716 = vector.broadcast %jit3A_1714 : i32 to vector<16xi32>
    %broadcast_in_dim3A_1717 = vector.broadcast %jit3A_1715 : i32 to vector<16xi32>
    %select_n3A_1718 = arith.select %ge3A_1713, %broadcast_in_dim3A_1716, %broadcast_in_dim3A_1717 : vector<16xi1>, vector<16xi32>
    %add3A_1719 = arith.addi %add3A_1711, %select_n3A_1718 : vector<16xi32>
    %ge3A_1720 = vector.broadcast %squeeze3A_31 : i32 to vector<16xi32>
    %ge3A_1721 = arith.cmpi sge, %add3A_1677, %ge3A_1720 : vector<16xi32>
    %jit3A_1722 = arith.constant 1 : i32
    %jit3A_1723 = arith.constant 0 : i32
    %broadcast_in_dim3A_1724 = vector.broadcast %jit3A_1722 : i32 to vector<16xi32>
    %broadcast_in_dim3A_1725 = vector.broadcast %jit3A_1723 : i32 to vector<16xi32>
    %select_n3A_1726 = arith.select %ge3A_1721, %broadcast_in_dim3A_1724, %broadcast_in_dim3A_1725 : vector<16xi1>, vector<16xi32>
    %add3A_1727 = arith.addi %add3A_1719, %select_n3A_1726 : vector<16xi32>
    %ge3A_1728 = vector.broadcast %squeeze3A_33 : i32 to vector<16xi32>
    %ge3A_1729 = arith.cmpi sge, %add3A_1677, %ge3A_1728 : vector<16xi32>
    %jit3A_1730 = arith.constant 1 : i32
    %jit3A_1731 = arith.constant 0 : i32
    %broadcast_in_dim3A_1732 = vector.broadcast %jit3A_1730 : i32 to vector<16xi32>
    %broadcast_in_dim3A_1733 = vector.broadcast %jit3A_1731 : i32 to vector<16xi32>
    %select_n3A_1734 = arith.select %ge3A_1729, %broadcast_in_dim3A_1732, %broadcast_in_dim3A_1733 : vector<16xi1>, vector<16xi32>
    %add3A_1735 = arith.addi %add3A_1727, %select_n3A_1734 : vector<16xi32>
    %broadcast_in_dim3A_1736 = arith.constant 0 : i32
    %broadcast_in_dim3A_1737 = vector.broadcast %broadcast_in_dim3A_1736 : i32 to vector<16xi32>
    %eq3A_1738 = arith.constant 1 : i32
    %eq3A_1739 = vector.broadcast %eq3A_1738 : i32 to vector<16xi32>
    %eq3A_1740 = arith.cmpi eq, %add3A_1735, %eq3A_1739 : vector<16xi32>
    %broadcast_in_dim3A_1741 = vector.broadcast %sub3A_66 : i32 to vector<16xi32>
    %select_n3A_1742 = arith.select %eq3A_1740, %broadcast_in_dim3A_1741, %broadcast_in_dim3A_1737 : vector<16xi1>, vector<16xi32>
    %eq3A_1743 = arith.constant 2 : i32
    %eq3A_1744 = vector.broadcast %eq3A_1743 : i32 to vector<16xi32>
    %eq3A_1745 = arith.cmpi eq, %add3A_1735, %eq3A_1744 : vector<16xi32>
    %broadcast_in_dim3A_1746 = vector.broadcast %sub3A_67 : i32 to vector<16xi32>
    %select_n3A_1747 = arith.select %eq3A_1745, %broadcast_in_dim3A_1746, %select_n3A_1742 : vector<16xi1>, vector<16xi32>
    %eq3A_1748 = arith.constant 3 : i32
    %eq3A_1749 = vector.broadcast %eq3A_1748 : i32 to vector<16xi32>
    %eq3A_1750 = arith.cmpi eq, %add3A_1735, %eq3A_1749 : vector<16xi32>
    %broadcast_in_dim3A_1751 = vector.broadcast %sub3A_68 : i32 to vector<16xi32>
    %select_n3A_1752 = arith.select %eq3A_1750, %broadcast_in_dim3A_1751, %select_n3A_1747 : vector<16xi1>, vector<16xi32>
    %eq3A_1753 = arith.constant 4 : i32
    %eq3A_1754 = vector.broadcast %eq3A_1753 : i32 to vector<16xi32>
    %eq3A_1755 = arith.cmpi eq, %add3A_1735, %eq3A_1754 : vector<16xi32>
    %broadcast_in_dim3A_1756 = vector.broadcast %sub3A_69 : i32 to vector<16xi32>
    %select_n3A_1757 = arith.select %eq3A_1755, %broadcast_in_dim3A_1756, %select_n3A_1752 : vector<16xi1>, vector<16xi32>
    %eq3A_1758 = arith.constant 5 : i32
    %eq3A_1759 = vector.broadcast %eq3A_1758 : i32 to vector<16xi32>
    %eq3A_1760 = arith.cmpi eq, %add3A_1735, %eq3A_1759 : vector<16xi32>
    %broadcast_in_dim3A_1761 = vector.broadcast %sub3A_70 : i32 to vector<16xi32>
    %select_n3A_1762 = arith.select %eq3A_1760, %broadcast_in_dim3A_1761, %select_n3A_1757 : vector<16xi1>, vector<16xi32>
    %eq3A_1763 = arith.constant 6 : i32
    %eq3A_1764 = vector.broadcast %eq3A_1763 : i32 to vector<16xi32>
    %eq3A_1765 = arith.cmpi eq, %add3A_1735, %eq3A_1764 : vector<16xi32>
    %broadcast_in_dim3A_1766 = vector.broadcast %sub3A_71 : i32 to vector<16xi32>
    %select_n3A_1767 = arith.select %eq3A_1765, %broadcast_in_dim3A_1766, %select_n3A_1762 : vector<16xi1>, vector<16xi32>
    %eq3A_1768 = arith.constant 7 : i32
    %eq3A_1769 = vector.broadcast %eq3A_1768 : i32 to vector<16xi32>
    %eq3A_1770 = arith.cmpi eq, %add3A_1735, %eq3A_1769 : vector<16xi32>
    %broadcast_in_dim3A_1771 = vector.broadcast %sub3A_72 : i32 to vector<16xi32>
    %select_n3A_1772 = arith.select %eq3A_1770, %broadcast_in_dim3A_1771, %select_n3A_1767 : vector<16xi1>, vector<16xi32>
    %add3A_1773 = arith.addi %add3A_1677, %select_n3A_1772 : vector<16xi32>
    %dma_start3A_1774 = arith.constant 0 : i32
    %dma_start3A_1775 = arith.constant 0 : i32
    %dma_start3A_1776 = tpu.memref_slice %arg6[%dma_start3A_1774, %dma_start3A_1775] : memref<16640x2048xf32, #tpu.memory_space<hbm>> -> memref<16640x1024xf32, #tpu.memory_space<hbm>>
    tpu.enqueue_indirect_dma source(%arg10 : memref<16x1024xf32, #tpu.memory_space<vmem>>) target(%dma_start3A_1776 : memref<16640x1024xf32, #tpu.memory_space<hbm>>) offsets(%add3A_1773 : vector<16xi32>) semaphore(%arg22 : memref<!tpu.dma_semaphore, #tpu.memory_space<semaphore_mem>>)
    %add3A_1777 = arith.constant 496 : i32
    %add3A_1778 = arith.addi %mul3A_2, %add3A_1777 : i32
    %multiple_of3A_1779 = tpu.assume_multiple %add3A_1778, 16 : i32
    %dma_wait3A_1780 = arith.constant 1024 : i32
    %dma_wait3A_1781 = tpu.memref_slice %arg2[%multiple_of3A_1779, %dma_wait3A_1780] : memref<16384x2048xf32, #tpu.memory_space<hbm>> -> memref<16x1024xf32, #tpu.memory_space<hbm>>
    %dma_wait3A_1782 = arith.constant 1024 : i32
    %dma_wait3A_1783 = tpu.memref_slice %arg2[%multiple_of3A_1779, %dma_wait3A_1782] : memref<16384x2048xf32, #tpu.memory_space<hbm>> -> memref<16x1024xf32, #tpu.memory_space<hbm>>
    tpu.wait_dma2 semaphore(%arg19 : memref<!tpu.dma_semaphore, #tpu.memory_space<semaphore_mem>>) src(%dma_wait3A_1783 : memref<16x1024xf32, #tpu.memory_space<hbm>>) dst(%arg13 : memref<16x1024xf32, #tpu.memory_space<vmem>>)
    %add3A_1784 = arith.constant 496 : i32
    %add3A_1785 = arith.addi %mul3A_2, %add3A_1784 : i32
    %multiple_of3A_1786 = tpu.assume_multiple %add3A_1785, 16 : i32
    %add3A_1787 = vector.broadcast %multiple_of3A_1786 : i32 to vector<16xi32>
    %add3A_1788 = arith.addi %add3A_1787, %iota3A : vector<16xi32>
    %broadcast_in_dim3A_1789 = arith.constant 0 : i32
    %broadcast_in_dim3A_1790 = vector.broadcast %broadcast_in_dim3A_1789 : i32 to vector<16xi32>
    %ge3A_1791 = vector.broadcast %squeeze3A_21 : i32 to vector<16xi32>
    %ge3A_1792 = arith.cmpi sge, %add3A_1788, %ge3A_1791 : vector<16xi32>
    %jit3A_1793 = arith.constant 1 : i32
    %jit3A_1794 = arith.constant 0 : i32
    %broadcast_in_dim3A_1795 = vector.broadcast %jit3A_1793 : i32 to vector<16xi32>
    %broadcast_in_dim3A_1796 = vector.broadcast %jit3A_1794 : i32 to vector<16xi32>
    %select_n3A_1797 = arith.select %ge3A_1792, %broadcast_in_dim3A_1795, %broadcast_in_dim3A_1796 : vector<16xi1>, vector<16xi32>
    %add3A_1798 = arith.addi %broadcast_in_dim3A_1790, %select_n3A_1797 : vector<16xi32>
    %ge3A_1799 = vector.broadcast %squeeze3A_23 : i32 to vector<16xi32>
    %ge3A_1800 = arith.cmpi sge, %add3A_1788, %ge3A_1799 : vector<16xi32>
    %jit3A_1801 = arith.constant 1 : i32
    %jit3A_1802 = arith.constant 0 : i32
    %broadcast_in_dim3A_1803 = vector.broadcast %jit3A_1801 : i32 to vector<16xi32>
    %broadcast_in_dim3A_1804 = vector.broadcast %jit3A_1802 : i32 to vector<16xi32>
    %select_n3A_1805 = arith.select %ge3A_1800, %broadcast_in_dim3A_1803, %broadcast_in_dim3A_1804 : vector<16xi1>, vector<16xi32>
    %add3A_1806 = arith.addi %add3A_1798, %select_n3A_1805 : vector<16xi32>
    %ge3A_1807 = vector.broadcast %squeeze3A_25 : i32 to vector<16xi32>
    %ge3A_1808 = arith.cmpi sge, %add3A_1788, %ge3A_1807 : vector<16xi32>
    %jit3A_1809 = arith.constant 1 : i32
    %jit3A_1810 = arith.constant 0 : i32
    %broadcast_in_dim3A_1811 = vector.broadcast %jit3A_1809 : i32 to vector<16xi32>
    %broadcast_in_dim3A_1812 = vector.broadcast %jit3A_1810 : i32 to vector<16xi32>
    %select_n3A_1813 = arith.select %ge3A_1808, %broadcast_in_dim3A_1811, %broadcast_in_dim3A_1812 : vector<16xi1>, vector<16xi32>
    %add3A_1814 = arith.addi %add3A_1806, %select_n3A_1813 : vector<16xi32>
    %ge3A_1815 = vector.broadcast %squeeze3A_27 : i32 to vector<16xi32>
    %ge3A_1816 = arith.cmpi sge, %add3A_1788, %ge3A_1815 : vector<16xi32>
    %jit3A_1817 = arith.constant 1 : i32
    %jit3A_1818 = arith.constant 0 : i32
    %broadcast_in_dim3A_1819 = vector.broadcast %jit3A_1817 : i32 to vector<16xi32>
    %broadcast_in_dim3A_1820 = vector.broadcast %jit3A_1818 : i32 to vector<16xi32>
    %select_n3A_1821 = arith.select %ge3A_1816, %broadcast_in_dim3A_1819, %broadcast_in_dim3A_1820 : vector<16xi1>, vector<16xi32>
    %add3A_1822 = arith.addi %add3A_1814, %select_n3A_1821 : vector<16xi32>
    %ge3A_1823 = vector.broadcast %squeeze3A_29 : i32 to vector<16xi32>
    %ge3A_1824 = arith.cmpi sge, %add3A_1788, %ge3A_1823 : vector<16xi32>
    %jit3A_1825 = arith.constant 1 : i32
    %jit3A_1826 = arith.constant 0 : i32
    %broadcast_in_dim3A_1827 = vector.broadcast %jit3A_1825 : i32 to vector<16xi32>
    %broadcast_in_dim3A_1828 = vector.broadcast %jit3A_1826 : i32 to vector<16xi32>
    %select_n3A_1829 = arith.select %ge3A_1824, %broadcast_in_dim3A_1827, %broadcast_in_dim3A_1828 : vector<16xi1>, vector<16xi32>
    %add3A_1830 = arith.addi %add3A_1822, %select_n3A_1829 : vector<16xi32>
    %ge3A_1831 = vector.broadcast %squeeze3A_31 : i32 to vector<16xi32>
    %ge3A_1832 = arith.cmpi sge, %add3A_1788, %ge3A_1831 : vector<16xi32>
    %jit3A_1833 = arith.constant 1 : i32
    %jit3A_1834 = arith.constant 0 : i32
    %broadcast_in_dim3A_1835 = vector.broadcast %jit3A_1833 : i32 to vector<16xi32>
    %broadcast_in_dim3A_1836 = vector.broadcast %jit3A_1834 : i32 to vector<16xi32>
    %select_n3A_1837 = arith.select %ge3A_1832, %broadcast_in_dim3A_1835, %broadcast_in_dim3A_1836 : vector<16xi1>, vector<16xi32>
    %add3A_1838 = arith.addi %add3A_1830, %select_n3A_1837 : vector<16xi32>
    %ge3A_1839 = vector.broadcast %squeeze3A_33 : i32 to vector<16xi32>
    %ge3A_1840 = arith.cmpi sge, %add3A_1788, %ge3A_1839 : vector<16xi32>
    %jit3A_1841 = arith.constant 1 : i32
    %jit3A_1842 = arith.constant 0 : i32
    %broadcast_in_dim3A_1843 = vector.broadcast %jit3A_1841 : i32 to vector<16xi32>
    %broadcast_in_dim3A_1844 = vector.broadcast %jit3A_1842 : i32 to vector<16xi32>
    %select_n3A_1845 = arith.select %ge3A_1840, %broadcast_in_dim3A_1843, %broadcast_in_dim3A_1844 : vector<16xi1>, vector<16xi32>
    %add3A_1846 = arith.addi %add3A_1838, %select_n3A_1845 : vector<16xi32>
    %broadcast_in_dim3A_1847 = arith.constant 0 : i32
    %broadcast_in_dim3A_1848 = vector.broadcast %broadcast_in_dim3A_1847 : i32 to vector<16xi32>
    %eq3A_1849 = arith.constant 1 : i32
    %eq3A_1850 = vector.broadcast %eq3A_1849 : i32 to vector<16xi32>
    %eq3A_1851 = arith.cmpi eq, %add3A_1846, %eq3A_1850 : vector<16xi32>
    %broadcast_in_dim3A_1852 = vector.broadcast %sub3A_66 : i32 to vector<16xi32>
    %select_n3A_1853 = arith.select %eq3A_1851, %broadcast_in_dim3A_1852, %broadcast_in_dim3A_1848 : vector<16xi1>, vector<16xi32>
    %eq3A_1854 = arith.constant 2 : i32
    %eq3A_1855 = vector.broadcast %eq3A_1854 : i32 to vector<16xi32>
    %eq3A_1856 = arith.cmpi eq, %add3A_1846, %eq3A_1855 : vector<16xi32>
    %broadcast_in_dim3A_1857 = vector.broadcast %sub3A_67 : i32 to vector<16xi32>
    %select_n3A_1858 = arith.select %eq3A_1856, %broadcast_in_dim3A_1857, %select_n3A_1853 : vector<16xi1>, vector<16xi32>
    %eq3A_1859 = arith.constant 3 : i32
    %eq3A_1860 = vector.broadcast %eq3A_1859 : i32 to vector<16xi32>
    %eq3A_1861 = arith.cmpi eq, %add3A_1846, %eq3A_1860 : vector<16xi32>
    %broadcast_in_dim3A_1862 = vector.broadcast %sub3A_68 : i32 to vector<16xi32>
    %select_n3A_1863 = arith.select %eq3A_1861, %broadcast_in_dim3A_1862, %select_n3A_1858 : vector<16xi1>, vector<16xi32>
    %eq3A_1864 = arith.constant 4 : i32
    %eq3A_1865 = vector.broadcast %eq3A_1864 : i32 to vector<16xi32>
    %eq3A_1866 = arith.cmpi eq, %add3A_1846, %eq3A_1865 : vector<16xi32>
    %broadcast_in_dim3A_1867 = vector.broadcast %sub3A_69 : i32 to vector<16xi32>
    %select_n3A_1868 = arith.select %eq3A_1866, %broadcast_in_dim3A_1867, %select_n3A_1863 : vector<16xi1>, vector<16xi32>
    %eq3A_1869 = arith.constant 5 : i32
    %eq3A_1870 = vector.broadcast %eq3A_1869 : i32 to vector<16xi32>
    %eq3A_1871 = arith.cmpi eq, %add3A_1846, %eq3A_1870 : vector<16xi32>
    %broadcast_in_dim3A_1872 = vector.broadcast %sub3A_70 : i32 to vector<16xi32>
    %select_n3A_1873 = arith.select %eq3A_1871, %broadcast_in_dim3A_1872, %select_n3A_1868 : vector<16xi1>, vector<16xi32>
    %eq3A_1874 = arith.constant 6 : i32
    %eq3A_1875 = vector.broadcast %eq3A_1874 : i32 to vector<16xi32>
    %eq3A_1876 = arith.cmpi eq, %add3A_1846, %eq3A_1875 : vector<16xi32>
    %broadcast_in_dim3A_1877 = vector.broadcast %sub3A_71 : i32 to vector<16xi32>
    %select_n3A_1878 = arith.select %eq3A_1876, %broadcast_in_dim3A_1877, %select_n3A_1873 : vector<16xi1>, vector<16xi32>
    %eq3A_1879 = arith.constant 7 : i32
    %eq3A_1880 = vector.broadcast %eq3A_1879 : i32 to vector<16xi32>
    %eq3A_1881 = arith.cmpi eq, %add3A_1846, %eq3A_1880 : vector<16xi32>
    %broadcast_in_dim3A_1882 = vector.broadcast %sub3A_72 : i32 to vector<16xi32>
    %select_n3A_1883 = arith.select %eq3A_1881, %broadcast_in_dim3A_1882, %select_n3A_1878 : vector<16xi1>, vector<16xi32>
    %add3A_1884 = arith.addi %add3A_1788, %select_n3A_1883 : vector<16xi32>
    %dma_start3A_1885 = arith.constant 0 : i32
    %dma_start3A_1886 = arith.constant 1024 : i32
    %dma_start3A_1887 = tpu.memref_slice %arg6[%dma_start3A_1885, %dma_start3A_1886] : memref<16640x2048xf32, #tpu.memory_space<hbm>> -> memref<16640x1024xf32, #tpu.memory_space<hbm>>
    tpu.enqueue_indirect_dma source(%arg13 : memref<16x1024xf32, #tpu.memory_space<vmem>>) target(%dma_start3A_1887 : memref<16640x1024xf32, #tpu.memory_space<hbm>>) offsets(%add3A_1884 : vector<16xi32>) semaphore(%arg25 : memref<!tpu.dma_semaphore, #tpu.memory_space<semaphore_mem>>)
    %lt3A = arith.constant 16 : i32
    %lt3A_1888 = arith.cmpi slt, %add3A, %lt3A : i32
    %mul3A_1889 = arith.constant 16 : i32
    %mul3A_1890 = arith.muli %add3A, %mul3A_1889 : i32
    %add3A_1891 = vector.broadcast %mul3A_1890 : i32 to vector<16xi32>
    %add3A_1892 = arith.addi %add3A_1891, %iota3A : vector<16xi32>
    %broadcast_in_dim3A_1893 = arith.constant 0 : i32
    %broadcast_in_dim3A_1894 = vector.broadcast %broadcast_in_dim3A_1893 : i32 to vector<16xi32>
    %ge3A_1895 = vector.broadcast %add3A_83 : i32 to vector<16xi32>
    %ge3A_1896 = arith.cmpi sge, %add3A_1892, %ge3A_1895 : vector<16xi32>
    %jit3A_1897 = arith.constant 1 : i32
    %jit3A_1898 = arith.constant 0 : i32
    %broadcast_in_dim3A_1899 = vector.broadcast %jit3A_1897 : i32 to vector<16xi32>
    %broadcast_in_dim3A_1900 = vector.broadcast %jit3A_1898 : i32 to vector<16xi32>
    %select_n3A_1901 = arith.select %ge3A_1896, %broadcast_in_dim3A_1899, %broadcast_in_dim3A_1900 : vector<16xi1>, vector<16xi32>
    %add3A_1902 = arith.addi %broadcast_in_dim3A_1894, %select_n3A_1901 : vector<16xi32>
    %ge3A_1903 = vector.broadcast %add3A_85 : i32 to vector<16xi32>
    %ge3A_1904 = arith.cmpi sge, %add3A_1892, %ge3A_1903 : vector<16xi32>
    %jit3A_1905 = arith.constant 1 : i32
    %jit3A_1906 = arith.constant 0 : i32
    %broadcast_in_dim3A_1907 = vector.broadcast %jit3A_1905 : i32 to vector<16xi32>
    %broadcast_in_dim3A_1908 = vector.broadcast %jit3A_1906 : i32 to vector<16xi32>
    %select_n3A_1909 = arith.select %ge3A_1904, %broadcast_in_dim3A_1907, %broadcast_in_dim3A_1908 : vector<16xi1>, vector<16xi32>
    %add3A_1910 = arith.addi %add3A_1902, %select_n3A_1909 : vector<16xi32>
    %ge3A_1911 = vector.broadcast %add3A_87 : i32 to vector<16xi32>
    %ge3A_1912 = arith.cmpi sge, %add3A_1892, %ge3A_1911 : vector<16xi32>
    %jit3A_1913 = arith.constant 1 : i32
    %jit3A_1914 = arith.constant 0 : i32
    %broadcast_in_dim3A_1915 = vector.broadcast %jit3A_1913 : i32 to vector<16xi32>
    %broadcast_in_dim3A_1916 = vector.broadcast %jit3A_1914 : i32 to vector<16xi32>
    %select_n3A_1917 = arith.select %ge3A_1912, %broadcast_in_dim3A_1915, %broadcast_in_dim3A_1916 : vector<16xi1>, vector<16xi32>
    %add3A_1918 = arith.addi %add3A_1910, %select_n3A_1917 : vector<16xi32>
    %ge3A_1919 = vector.broadcast %add3A_89 : i32 to vector<16xi32>
    %ge3A_1920 = arith.cmpi sge, %add3A_1892, %ge3A_1919 : vector<16xi32>
    %jit3A_1921 = arith.constant 1 : i32
    %jit3A_1922 = arith.constant 0 : i32
    %broadcast_in_dim3A_1923 = vector.broadcast %jit3A_1921 : i32 to vector<16xi32>
    %broadcast_in_dim3A_1924 = vector.broadcast %jit3A_1922 : i32 to vector<16xi32>
    %select_n3A_1925 = arith.select %ge3A_1920, %broadcast_in_dim3A_1923, %broadcast_in_dim3A_1924 : vector<16xi1>, vector<16xi32>
    %add3A_1926 = arith.addi %add3A_1918, %select_n3A_1925 : vector<16xi32>
    %ge3A_1927 = vector.broadcast %add3A_91 : i32 to vector<16xi32>
    %ge3A_1928 = arith.cmpi sge, %add3A_1892, %ge3A_1927 : vector<16xi32>
    %jit3A_1929 = arith.constant 1 : i32
    %jit3A_1930 = arith.constant 0 : i32
    %broadcast_in_dim3A_1931 = vector.broadcast %jit3A_1929 : i32 to vector<16xi32>
    %broadcast_in_dim3A_1932 = vector.broadcast %jit3A_1930 : i32 to vector<16xi32>
    %select_n3A_1933 = arith.select %ge3A_1928, %broadcast_in_dim3A_1931, %broadcast_in_dim3A_1932 : vector<16xi1>, vector<16xi32>
    %add3A_1934 = arith.addi %add3A_1926, %select_n3A_1933 : vector<16xi32>
    %ge3A_1935 = vector.broadcast %add3A_93 : i32 to vector<16xi32>
    %ge3A_1936 = arith.cmpi sge, %add3A_1892, %ge3A_1935 : vector<16xi32>
    %jit3A_1937 = arith.constant 1 : i32
    %jit3A_1938 = arith.constant 0 : i32
    %broadcast_in_dim3A_1939 = vector.broadcast %jit3A_1937 : i32 to vector<16xi32>
    %broadcast_in_dim3A_1940 = vector.broadcast %jit3A_1938 : i32 to vector<16xi32>
    %select_n3A_1941 = arith.select %ge3A_1936, %broadcast_in_dim3A_1939, %broadcast_in_dim3A_1940 : vector<16xi1>, vector<16xi32>
    %add3A_1942 = arith.addi %add3A_1934, %select_n3A_1941 : vector<16xi32>
    %ge3A_1943 = vector.broadcast %add3A_95 : i32 to vector<16xi32>
    %ge3A_1944 = arith.cmpi sge, %add3A_1892, %ge3A_1943 : vector<16xi32>
    %jit3A_1945 = arith.constant 1 : i32
    %jit3A_1946 = arith.constant 0 : i32
    %broadcast_in_dim3A_1947 = vector.broadcast %jit3A_1945 : i32 to vector<16xi32>
    %broadcast_in_dim3A_1948 = vector.broadcast %jit3A_1946 : i32 to vector<16xi32>
    %select_n3A_1949 = arith.select %ge3A_1944, %broadcast_in_dim3A_1947, %broadcast_in_dim3A_1948 : vector<16xi1>, vector<16xi32>
    %add3A_1950 = arith.addi %add3A_1942, %select_n3A_1949 : vector<16xi32>
    %sub3A_1951 = arith.constant 0 : i32
    %sub3A_1952 = arith.subi %add3A_73, %sub3A_1951 : i32
    %broadcast_in_dim3A_1953 = vector.broadcast %sub3A_1952 : i32 to vector<16xi32>
    %eq3A_1954 = arith.constant 1 : i32
    %eq3A_1955 = vector.broadcast %eq3A_1954 : i32 to vector<16xi32>
    %eq3A_1956 = arith.cmpi eq, %add3A_1950, %eq3A_1955 : vector<16xi32>
    %sub3A_1957 = arith.subi %add3A_74, %add3A_83 : i32
    %broadcast_in_dim3A_1958 = vector.broadcast %sub3A_1957 : i32 to vector<16xi32>
    %select_n3A_1959 = arith.select %eq3A_1956, %broadcast_in_dim3A_1958, %broadcast_in_dim3A_1953 : vector<16xi1>, vector<16xi32>
    %eq3A_1960 = arith.constant 2 : i32
    %eq3A_1961 = vector.broadcast %eq3A_1960 : i32 to vector<16xi32>
    %eq3A_1962 = arith.cmpi eq, %add3A_1950, %eq3A_1961 : vector<16xi32>
    %sub3A_1963 = arith.subi %add3A_75, %add3A_85 : i32
    %broadcast_in_dim3A_1964 = vector.broadcast %sub3A_1963 : i32 to vector<16xi32>
    %select_n3A_1965 = arith.select %eq3A_1962, %broadcast_in_dim3A_1964, %select_n3A_1959 : vector<16xi1>, vector<16xi32>
    %eq3A_1966 = arith.constant 3 : i32
    %eq3A_1967 = vector.broadcast %eq3A_1966 : i32 to vector<16xi32>
    %eq3A_1968 = arith.cmpi eq, %add3A_1950, %eq3A_1967 : vector<16xi32>
    %sub3A_1969 = arith.subi %add3A_76, %add3A_87 : i32
    %broadcast_in_dim3A_1970 = vector.broadcast %sub3A_1969 : i32 to vector<16xi32>
    %select_n3A_1971 = arith.select %eq3A_1968, %broadcast_in_dim3A_1970, %select_n3A_1965 : vector<16xi1>, vector<16xi32>
    %eq3A_1972 = arith.constant 4 : i32
    %eq3A_1973 = vector.broadcast %eq3A_1972 : i32 to vector<16xi32>
    %eq3A_1974 = arith.cmpi eq, %add3A_1950, %eq3A_1973 : vector<16xi32>
    %sub3A_1975 = arith.subi %add3A_77, %add3A_89 : i32
    %broadcast_in_dim3A_1976 = vector.broadcast %sub3A_1975 : i32 to vector<16xi32>
    %select_n3A_1977 = arith.select %eq3A_1974, %broadcast_in_dim3A_1976, %select_n3A_1971 : vector<16xi1>, vector<16xi32>
    %eq3A_1978 = arith.constant 5 : i32
    %eq3A_1979 = vector.broadcast %eq3A_1978 : i32 to vector<16xi32>
    %eq3A_1980 = arith.cmpi eq, %add3A_1950, %eq3A_1979 : vector<16xi32>
    %sub3A_1981 = arith.subi %add3A_78, %add3A_91 : i32
    %broadcast_in_dim3A_1982 = vector.broadcast %sub3A_1981 : i32 to vector<16xi32>
    %select_n3A_1983 = arith.select %eq3A_1980, %broadcast_in_dim3A_1982, %select_n3A_1977 : vector<16xi1>, vector<16xi32>
    %eq3A_1984 = arith.constant 6 : i32
    %eq3A_1985 = vector.broadcast %eq3A_1984 : i32 to vector<16xi32>
    %eq3A_1986 = arith.cmpi eq, %add3A_1950, %eq3A_1985 : vector<16xi32>
    %sub3A_1987 = arith.subi %add3A_79, %add3A_93 : i32
    %broadcast_in_dim3A_1988 = vector.broadcast %sub3A_1987 : i32 to vector<16xi32>
    %select_n3A_1989 = arith.select %eq3A_1986, %broadcast_in_dim3A_1988, %select_n3A_1983 : vector<16xi1>, vector<16xi32>
    %eq3A_1990 = arith.constant 7 : i32
    %eq3A_1991 = vector.broadcast %eq3A_1990 : i32 to vector<16xi32>
    %eq3A_1992 = arith.cmpi eq, %add3A_1950, %eq3A_1991 : vector<16xi32>
    %sub3A_1993 = arith.subi %add3A_80, %add3A_95 : i32
    %broadcast_in_dim3A_1994 = vector.broadcast %sub3A_1993 : i32 to vector<16xi32>
    %select_n3A_1995 = arith.select %eq3A_1992, %broadcast_in_dim3A_1994, %select_n3A_1989 : vector<16xi1>, vector<16xi32>
    %add3A_1996 = arith.addi %select_n3A_1995, %add3A_1892 : vector<16xi32>
    %convert_element_type3A = arith.extui %lt3A_1888 : i1 to i32
    %cond3A = arith.constant 0 : i32
    %cond3A_1997 = arith.cmpi ne, %convert_element_type3A, %cond3A : i32
    scf.if %cond3A_1997 {
      %dma_start3A_2417 = arith.constant 0 : i32
      %dma_start3A_2418 = arith.constant 0 : i32
      %dma_start3A_2419 = tpu.memref_slice %arg3[%dma_start3A_2417, %dma_start3A_2418] : memref<16640x2048xf32, #tpu.memory_space<hbm>> -> memref<16640x1024xf32, #tpu.memory_space<hbm>>
      tpu.enqueue_indirect_dma source(%dma_start3A_2419 : memref<16640x1024xf32, #tpu.memory_space<hbm>>) target(%arg11 : memref<16x1024xf32, #tpu.memory_space<vmem>>) offsets(%add3A_1996 : vector<16xi32>) semaphore(%arg17 : memref<!tpu.dma_semaphore, #tpu.memory_space<semaphore_mem>>)
      %dma_start3A_2420 = arith.constant 0 : i32
      %dma_start3A_2421 = arith.constant 1024 : i32
      %dma_start3A_2422 = tpu.memref_slice %arg3[%dma_start3A_2420, %dma_start3A_2421] : memref<16640x2048xf32, #tpu.memory_space<hbm>> -> memref<16640x1024xf32, #tpu.memory_space<hbm>>
      tpu.enqueue_indirect_dma source(%dma_start3A_2422 : memref<16640x1024xf32, #tpu.memory_space<hbm>>) target(%arg14 : memref<16x1024xf32, #tpu.memory_space<vmem>>) offsets(%add3A_1996 : vector<16xi32>) semaphore(%arg20 : memref<!tpu.dma_semaphore, #tpu.memory_space<semaphore_mem>>)
    } else {
    }
    %add3A_1998 = arith.constant 480 : i32
    %add3A_1999 = arith.addi %mul3A_2, %add3A_1998 : i32
    %multiple_of3A_2000 = tpu.assume_multiple %add3A_1999, 16 : i32
    %add3A_2001 = vector.broadcast %multiple_of3A_2000 : i32 to vector<16xi32>
    %add3A_2002 = arith.addi %add3A_2001, %iota3A : vector<16xi32>
    %broadcast_in_dim3A_2003 = arith.constant 0 : i32
    %broadcast_in_dim3A_2004 = vector.broadcast %broadcast_in_dim3A_2003 : i32 to vector<16xi32>
    %ge3A_2005 = vector.broadcast %squeeze3A_21 : i32 to vector<16xi32>
    %ge3A_2006 = arith.cmpi sge, %add3A_2002, %ge3A_2005 : vector<16xi32>
    %jit3A_2007 = arith.constant 1 : i32
    %jit3A_2008 = arith.constant 0 : i32
    %broadcast_in_dim3A_2009 = vector.broadcast %jit3A_2007 : i32 to vector<16xi32>
    %broadcast_in_dim3A_2010 = vector.broadcast %jit3A_2008 : i32 to vector<16xi32>
    %select_n3A_2011 = arith.select %ge3A_2006, %broadcast_in_dim3A_2009, %broadcast_in_dim3A_2010 : vector<16xi1>, vector<16xi32>
    %add3A_2012 = arith.addi %broadcast_in_dim3A_2004, %select_n3A_2011 : vector<16xi32>
    %ge3A_2013 = vector.broadcast %squeeze3A_23 : i32 to vector<16xi32>
    %ge3A_2014 = arith.cmpi sge, %add3A_2002, %ge3A_2013 : vector<16xi32>
    %jit3A_2015 = arith.constant 1 : i32
    %jit3A_2016 = arith.constant 0 : i32
    %broadcast_in_dim3A_2017 = vector.broadcast %jit3A_2015 : i32 to vector<16xi32>
    %broadcast_in_dim3A_2018 = vector.broadcast %jit3A_2016 : i32 to vector<16xi32>
    %select_n3A_2019 = arith.select %ge3A_2014, %broadcast_in_dim3A_2017, %broadcast_in_dim3A_2018 : vector<16xi1>, vector<16xi32>
    %add3A_2020 = arith.addi %add3A_2012, %select_n3A_2019 : vector<16xi32>
    %ge3A_2021 = vector.broadcast %squeeze3A_25 : i32 to vector<16xi32>
    %ge3A_2022 = arith.cmpi sge, %add3A_2002, %ge3A_2021 : vector<16xi32>
    %jit3A_2023 = arith.constant 1 : i32
    %jit3A_2024 = arith.constant 0 : i32
    %broadcast_in_dim3A_2025 = vector.broadcast %jit3A_2023 : i32 to vector<16xi32>
    %broadcast_in_dim3A_2026 = vector.broadcast %jit3A_2024 : i32 to vector<16xi32>
    %select_n3A_2027 = arith.select %ge3A_2022, %broadcast_in_dim3A_2025, %broadcast_in_dim3A_2026 : vector<16xi1>, vector<16xi32>
    %add3A_2028 = arith.addi %add3A_2020, %select_n3A_2027 : vector<16xi32>
    %ge3A_2029 = vector.broadcast %squeeze3A_27 : i32 to vector<16xi32>
    %ge3A_2030 = arith.cmpi sge, %add3A_2002, %ge3A_2029 : vector<16xi32>
    %jit3A_2031 = arith.constant 1 : i32
    %jit3A_2032 = arith.constant 0 : i32
    %broadcast_in_dim3A_2033 = vector.broadcast %jit3A_2031 : i32 to vector<16xi32>
    %broadcast_in_dim3A_2034 = vector.broadcast %jit3A_2032 : i32 to vector<16xi32>
    %select_n3A_2035 = arith.select %ge3A_2030, %broadcast_in_dim3A_2033, %broadcast_in_dim3A_2034 : vector<16xi1>, vector<16xi32>
    %add3A_2036 = arith.addi %add3A_2028, %select_n3A_2035 : vector<16xi32>
    %ge3A_2037 = vector.broadcast %squeeze3A_29 : i32 to vector<16xi32>
    %ge3A_2038 = arith.cmpi sge, %add3A_2002, %ge3A_2037 : vector<16xi32>
    %jit3A_2039 = arith.constant 1 : i32
    %jit3A_2040 = arith.constant 0 : i32
    %broadcast_in_dim3A_2041 = vector.broadcast %jit3A_2039 : i32 to vector<16xi32>
    %broadcast_in_dim3A_2042 = vector.broadcast %jit3A_2040 : i32 to vector<16xi32>
    %select_n3A_2043 = arith.select %ge3A_2038, %broadcast_in_dim3A_2041, %broadcast_in_dim3A_2042 : vector<16xi1>, vector<16xi32>
    %add3A_2044 = arith.addi %add3A_2036, %select_n3A_2043 : vector<16xi32>
    %ge3A_2045 = vector.broadcast %squeeze3A_31 : i32 to vector<16xi32>
    %ge3A_2046 = arith.cmpi sge, %add3A_2002, %ge3A_2045 : vector<16xi32>
    %jit3A_2047 = arith.constant 1 : i32
    %jit3A_2048 = arith.constant 0 : i32
    %broadcast_in_dim3A_2049 = vector.broadcast %jit3A_2047 : i32 to vector<16xi32>
    %broadcast_in_dim3A_2050 = vector.broadcast %jit3A_2048 : i32 to vector<16xi32>
    %select_n3A_2051 = arith.select %ge3A_2046, %broadcast_in_dim3A_2049, %broadcast_in_dim3A_2050 : vector<16xi1>, vector<16xi32>
    %add3A_2052 = arith.addi %add3A_2044, %select_n3A_2051 : vector<16xi32>
    %ge3A_2053 = vector.broadcast %squeeze3A_33 : i32 to vector<16xi32>
    %ge3A_2054 = arith.cmpi sge, %add3A_2002, %ge3A_2053 : vector<16xi32>
    %jit3A_2055 = arith.constant 1 : i32
    %jit3A_2056 = arith.constant 0 : i32
    %broadcast_in_dim3A_2057 = vector.broadcast %jit3A_2055 : i32 to vector<16xi32>
    %broadcast_in_dim3A_2058 = vector.broadcast %jit3A_2056 : i32 to vector<16xi32>
    %select_n3A_2059 = arith.select %ge3A_2054, %broadcast_in_dim3A_2057, %broadcast_in_dim3A_2058 : vector<16xi1>, vector<16xi32>
    %add3A_2060 = arith.addi %add3A_2052, %select_n3A_2059 : vector<16xi32>
    %broadcast_in_dim3A_2061 = arith.constant 0 : i32
    %broadcast_in_dim3A_2062 = vector.broadcast %broadcast_in_dim3A_2061 : i32 to vector<16xi32>
    %eq3A_2063 = arith.constant 1 : i32
    %eq3A_2064 = vector.broadcast %eq3A_2063 : i32 to vector<16xi32>
    %eq3A_2065 = arith.cmpi eq, %add3A_2060, %eq3A_2064 : vector<16xi32>
    %broadcast_in_dim3A_2066 = vector.broadcast %sub3A_66 : i32 to vector<16xi32>
    %select_n3A_2067 = arith.select %eq3A_2065, %broadcast_in_dim3A_2066, %broadcast_in_dim3A_2062 : vector<16xi1>, vector<16xi32>
    %eq3A_2068 = arith.constant 2 : i32
    %eq3A_2069 = vector.broadcast %eq3A_2068 : i32 to vector<16xi32>
    %eq3A_2070 = arith.cmpi eq, %add3A_2060, %eq3A_2069 : vector<16xi32>
    %broadcast_in_dim3A_2071 = vector.broadcast %sub3A_67 : i32 to vector<16xi32>
    %select_n3A_2072 = arith.select %eq3A_2070, %broadcast_in_dim3A_2071, %select_n3A_2067 : vector<16xi1>, vector<16xi32>
    %eq3A_2073 = arith.constant 3 : i32
    %eq3A_2074 = vector.broadcast %eq3A_2073 : i32 to vector<16xi32>
    %eq3A_2075 = arith.cmpi eq, %add3A_2060, %eq3A_2074 : vector<16xi32>
    %broadcast_in_dim3A_2076 = vector.broadcast %sub3A_68 : i32 to vector<16xi32>
    %select_n3A_2077 = arith.select %eq3A_2075, %broadcast_in_dim3A_2076, %select_n3A_2072 : vector<16xi1>, vector<16xi32>
    %eq3A_2078 = arith.constant 4 : i32
    %eq3A_2079 = vector.broadcast %eq3A_2078 : i32 to vector<16xi32>
    %eq3A_2080 = arith.cmpi eq, %add3A_2060, %eq3A_2079 : vector<16xi32>
    %broadcast_in_dim3A_2081 = vector.broadcast %sub3A_69 : i32 to vector<16xi32>
    %select_n3A_2082 = arith.select %eq3A_2080, %broadcast_in_dim3A_2081, %select_n3A_2077 : vector<16xi1>, vector<16xi32>
    %eq3A_2083 = arith.constant 5 : i32
    %eq3A_2084 = vector.broadcast %eq3A_2083 : i32 to vector<16xi32>
    %eq3A_2085 = arith.cmpi eq, %add3A_2060, %eq3A_2084 : vector<16xi32>
    %broadcast_in_dim3A_2086 = vector.broadcast %sub3A_70 : i32 to vector<16xi32>
    %select_n3A_2087 = arith.select %eq3A_2085, %broadcast_in_dim3A_2086, %select_n3A_2082 : vector<16xi1>, vector<16xi32>
    %eq3A_2088 = arith.constant 6 : i32
    %eq3A_2089 = vector.broadcast %eq3A_2088 : i32 to vector<16xi32>
    %eq3A_2090 = arith.cmpi eq, %add3A_2060, %eq3A_2089 : vector<16xi32>
    %broadcast_in_dim3A_2091 = vector.broadcast %sub3A_71 : i32 to vector<16xi32>
    %select_n3A_2092 = arith.select %eq3A_2090, %broadcast_in_dim3A_2091, %select_n3A_2087 : vector<16xi1>, vector<16xi32>
    %eq3A_2093 = arith.constant 7 : i32
    %eq3A_2094 = vector.broadcast %eq3A_2093 : i32 to vector<16xi32>
    %eq3A_2095 = arith.cmpi eq, %add3A_2060, %eq3A_2094 : vector<16xi32>
    %broadcast_in_dim3A_2096 = vector.broadcast %sub3A_72 : i32 to vector<16xi32>
    %select_n3A_2097 = arith.select %eq3A_2095, %broadcast_in_dim3A_2096, %select_n3A_2092 : vector<16xi1>, vector<16xi32>
    %add3A_2098 = arith.addi %add3A_2002, %select_n3A_2097 : vector<16xi32>
    %dma_wait3A_2099 = arith.constant 0 : i32
    %dma_wait3A_2100 = arith.constant 0 : i32
    %dma_wait3A_2101 = tpu.memref_slice %arg6[%dma_wait3A_2099, %dma_wait3A_2100] : memref<16640x2048xf32, #tpu.memory_space<hbm>> -> memref<16640x1024xf32, #tpu.memory_space<hbm>>
    tpu.wait_indirect_dma semaphore(%arg21 : memref<!tpu.dma_semaphore, #tpu.memory_space<semaphore_mem>>) src(%arg9 : memref<16x1024xf32, #tpu.memory_space<vmem>>) dst(%dma_wait3A_2101 : memref<16640x1024xf32, #tpu.memory_space<hbm>>)
    %add3A_2102 = arith.constant 480 : i32
    %add3A_2103 = arith.addi %mul3A_2, %add3A_2102 : i32
    %multiple_of3A_2104 = tpu.assume_multiple %add3A_2103, 16 : i32
    %add3A_2105 = vector.broadcast %multiple_of3A_2104 : i32 to vector<16xi32>
    %add3A_2106 = arith.addi %add3A_2105, %iota3A : vector<16xi32>
    %broadcast_in_dim3A_2107 = arith.constant 0 : i32
    %broadcast_in_dim3A_2108 = vector.broadcast %broadcast_in_dim3A_2107 : i32 to vector<16xi32>
    %ge3A_2109 = vector.broadcast %squeeze3A_21 : i32 to vector<16xi32>
    %ge3A_2110 = arith.cmpi sge, %add3A_2106, %ge3A_2109 : vector<16xi32>
    %jit3A_2111 = arith.constant 1 : i32
    %jit3A_2112 = arith.constant 0 : i32
    %broadcast_in_dim3A_2113 = vector.broadcast %jit3A_2111 : i32 to vector<16xi32>
    %broadcast_in_dim3A_2114 = vector.broadcast %jit3A_2112 : i32 to vector<16xi32>
    %select_n3A_2115 = arith.select %ge3A_2110, %broadcast_in_dim3A_2113, %broadcast_in_dim3A_2114 : vector<16xi1>, vector<16xi32>
    %add3A_2116 = arith.addi %broadcast_in_dim3A_2108, %select_n3A_2115 : vector<16xi32>
    %ge3A_2117 = vector.broadcast %squeeze3A_23 : i32 to vector<16xi32>
    %ge3A_2118 = arith.cmpi sge, %add3A_2106, %ge3A_2117 : vector<16xi32>
    %jit3A_2119 = arith.constant 1 : i32
    %jit3A_2120 = arith.constant 0 : i32
    %broadcast_in_dim3A_2121 = vector.broadcast %jit3A_2119 : i32 to vector<16xi32>
    %broadcast_in_dim3A_2122 = vector.broadcast %jit3A_2120 : i32 to vector<16xi32>
    %select_n3A_2123 = arith.select %ge3A_2118, %broadcast_in_dim3A_2121, %broadcast_in_dim3A_2122 : vector<16xi1>, vector<16xi32>
    %add3A_2124 = arith.addi %add3A_2116, %select_n3A_2123 : vector<16xi32>
    %ge3A_2125 = vector.broadcast %squeeze3A_25 : i32 to vector<16xi32>
    %ge3A_2126 = arith.cmpi sge, %add3A_2106, %ge3A_2125 : vector<16xi32>
    %jit3A_2127 = arith.constant 1 : i32
    %jit3A_2128 = arith.constant 0 : i32
    %broadcast_in_dim3A_2129 = vector.broadcast %jit3A_2127 : i32 to vector<16xi32>
    %broadcast_in_dim3A_2130 = vector.broadcast %jit3A_2128 : i32 to vector<16xi32>
    %select_n3A_2131 = arith.select %ge3A_2126, %broadcast_in_dim3A_2129, %broadcast_in_dim3A_2130 : vector<16xi1>, vector<16xi32>
    %add3A_2132 = arith.addi %add3A_2124, %select_n3A_2131 : vector<16xi32>
    %ge3A_2133 = vector.broadcast %squeeze3A_27 : i32 to vector<16xi32>
    %ge3A_2134 = arith.cmpi sge, %add3A_2106, %ge3A_2133 : vector<16xi32>
    %jit3A_2135 = arith.constant 1 : i32
    %jit3A_2136 = arith.constant 0 : i32
    %broadcast_in_dim3A_2137 = vector.broadcast %jit3A_2135 : i32 to vector<16xi32>
    %broadcast_in_dim3A_2138 = vector.broadcast %jit3A_2136 : i32 to vector<16xi32>
    %select_n3A_2139 = arith.select %ge3A_2134, %broadcast_in_dim3A_2137, %broadcast_in_dim3A_2138 : vector<16xi1>, vector<16xi32>
    %add3A_2140 = arith.addi %add3A_2132, %select_n3A_2139 : vector<16xi32>
    %ge3A_2141 = vector.broadcast %squeeze3A_29 : i32 to vector<16xi32>
    %ge3A_2142 = arith.cmpi sge, %add3A_2106, %ge3A_2141 : vector<16xi32>
    %jit3A_2143 = arith.constant 1 : i32
    %jit3A_2144 = arith.constant 0 : i32
    %broadcast_in_dim3A_2145 = vector.broadcast %jit3A_2143 : i32 to vector<16xi32>
    %broadcast_in_dim3A_2146 = vector.broadcast %jit3A_2144 : i32 to vector<16xi32>
    %select_n3A_2147 = arith.select %ge3A_2142, %broadcast_in_dim3A_2145, %broadcast_in_dim3A_2146 : vector<16xi1>, vector<16xi32>
    %add3A_2148 = arith.addi %add3A_2140, %select_n3A_2147 : vector<16xi32>
    %ge3A_2149 = vector.broadcast %squeeze3A_31 : i32 to vector<16xi32>
    %ge3A_2150 = arith.cmpi sge, %add3A_2106, %ge3A_2149 : vector<16xi32>
    %jit3A_2151 = arith.constant 1 : i32
    %jit3A_2152 = arith.constant 0 : i32
    %broadcast_in_dim3A_2153 = vector.broadcast %jit3A_2151 : i32 to vector<16xi32>
    %broadcast_in_dim3A_2154 = vector.broadcast %jit3A_2152 : i32 to vector<16xi32>
    %select_n3A_2155 = arith.select %ge3A_2150, %broadcast_in_dim3A_2153, %broadcast_in_dim3A_2154 : vector<16xi1>, vector<16xi32>
    %add3A_2156 = arith.addi %add3A_2148, %select_n3A_2155 : vector<16xi32>
    %ge3A_2157 = vector.broadcast %squeeze3A_33 : i32 to vector<16xi32>
    %ge3A_2158 = arith.cmpi sge, %add3A_2106, %ge3A_2157 : vector<16xi32>
    %jit3A_2159 = arith.constant 1 : i32
    %jit3A_2160 = arith.constant 0 : i32
    %broadcast_in_dim3A_2161 = vector.broadcast %jit3A_2159 : i32 to vector<16xi32>
    %broadcast_in_dim3A_2162 = vector.broadcast %jit3A_2160 : i32 to vector<16xi32>
    %select_n3A_2163 = arith.select %ge3A_2158, %broadcast_in_dim3A_2161, %broadcast_in_dim3A_2162 : vector<16xi1>, vector<16xi32>
    %add3A_2164 = arith.addi %add3A_2156, %select_n3A_2163 : vector<16xi32>
    %broadcast_in_dim3A_2165 = arith.constant 0 : i32
    %broadcast_in_dim3A_2166 = vector.broadcast %broadcast_in_dim3A_2165 : i32 to vector<16xi32>
    %eq3A_2167 = arith.constant 1 : i32
    %eq3A_2168 = vector.broadcast %eq3A_2167 : i32 to vector<16xi32>
    %eq3A_2169 = arith.cmpi eq, %add3A_2164, %eq3A_2168 : vector<16xi32>
    %broadcast_in_dim3A_2170 = vector.broadcast %sub3A_66 : i32 to vector<16xi32>
    %select_n3A_2171 = arith.select %eq3A_2169, %broadcast_in_dim3A_2170, %broadcast_in_dim3A_2166 : vector<16xi1>, vector<16xi32>
    %eq3A_2172 = arith.constant 2 : i32
    %eq3A_2173 = vector.broadcast %eq3A_2172 : i32 to vector<16xi32>
    %eq3A_2174 = arith.cmpi eq, %add3A_2164, %eq3A_2173 : vector<16xi32>
    %broadcast_in_dim3A_2175 = vector.broadcast %sub3A_67 : i32 to vector<16xi32>
    %select_n3A_2176 = arith.select %eq3A_2174, %broadcast_in_dim3A_2175, %select_n3A_2171 : vector<16xi1>, vector<16xi32>
    %eq3A_2177 = arith.constant 3 : i32
    %eq3A_2178 = vector.broadcast %eq3A_2177 : i32 to vector<16xi32>
    %eq3A_2179 = arith.cmpi eq, %add3A_2164, %eq3A_2178 : vector<16xi32>
    %broadcast_in_dim3A_2180 = vector.broadcast %sub3A_68 : i32 to vector<16xi32>
    %select_n3A_2181 = arith.select %eq3A_2179, %broadcast_in_dim3A_2180, %select_n3A_2176 : vector<16xi1>, vector<16xi32>
    %eq3A_2182 = arith.constant 4 : i32
    %eq3A_2183 = vector.broadcast %eq3A_2182 : i32 to vector<16xi32>
    %eq3A_2184 = arith.cmpi eq, %add3A_2164, %eq3A_2183 : vector<16xi32>
    %broadcast_in_dim3A_2185 = vector.broadcast %sub3A_69 : i32 to vector<16xi32>
    %select_n3A_2186 = arith.select %eq3A_2184, %broadcast_in_dim3A_2185, %select_n3A_2181 : vector<16xi1>, vector<16xi32>
    %eq3A_2187 = arith.constant 5 : i32
    %eq3A_2188 = vector.broadcast %eq3A_2187 : i32 to vector<16xi32>
    %eq3A_2189 = arith.cmpi eq, %add3A_2164, %eq3A_2188 : vector<16xi32>
    %broadcast_in_dim3A_2190 = vector.broadcast %sub3A_70 : i32 to vector<16xi32>
    %select_n3A_2191 = arith.select %eq3A_2189, %broadcast_in_dim3A_2190, %select_n3A_2186 : vector<16xi1>, vector<16xi32>
    %eq3A_2192 = arith.constant 6 : i32
    %eq3A_2193 = vector.broadcast %eq3A_2192 : i32 to vector<16xi32>
    %eq3A_2194 = arith.cmpi eq, %add3A_2164, %eq3A_2193 : vector<16xi32>
    %broadcast_in_dim3A_2195 = vector.broadcast %sub3A_71 : i32 to vector<16xi32>
    %select_n3A_2196 = arith.select %eq3A_2194, %broadcast_in_dim3A_2195, %select_n3A_2191 : vector<16xi1>, vector<16xi32>
    %eq3A_2197 = arith.constant 7 : i32
    %eq3A_2198 = vector.broadcast %eq3A_2197 : i32 to vector<16xi32>
    %eq3A_2199 = arith.cmpi eq, %add3A_2164, %eq3A_2198 : vector<16xi32>
    %broadcast_in_dim3A_2200 = vector.broadcast %sub3A_72 : i32 to vector<16xi32>
    %select_n3A_2201 = arith.select %eq3A_2199, %broadcast_in_dim3A_2200, %select_n3A_2196 : vector<16xi1>, vector<16xi32>
    %add3A_2202 = arith.addi %add3A_2106, %select_n3A_2201 : vector<16xi32>
    %dma_wait3A_2203 = arith.constant 0 : i32
    %dma_wait3A_2204 = arith.constant 1024 : i32
    %dma_wait3A_2205 = tpu.memref_slice %arg6[%dma_wait3A_2203, %dma_wait3A_2204] : memref<16640x2048xf32, #tpu.memory_space<hbm>> -> memref<16640x1024xf32, #tpu.memory_space<hbm>>
    tpu.wait_indirect_dma semaphore(%arg24 : memref<!tpu.dma_semaphore, #tpu.memory_space<semaphore_mem>>) src(%arg12 : memref<16x1024xf32, #tpu.memory_space<vmem>>) dst(%dma_wait3A_2205 : memref<16640x1024xf32, #tpu.memory_space<hbm>>)
    %add3A_2206 = arith.constant 496 : i32
    %add3A_2207 = arith.addi %mul3A_2, %add3A_2206 : i32
    %multiple_of3A_2208 = tpu.assume_multiple %add3A_2207, 16 : i32
    %add3A_2209 = vector.broadcast %multiple_of3A_2208 : i32 to vector<16xi32>
    %add3A_2210 = arith.addi %add3A_2209, %iota3A : vector<16xi32>
    %broadcast_in_dim3A_2211 = arith.constant 0 : i32
    %broadcast_in_dim3A_2212 = vector.broadcast %broadcast_in_dim3A_2211 : i32 to vector<16xi32>
    %ge3A_2213 = vector.broadcast %squeeze3A_21 : i32 to vector<16xi32>
    %ge3A_2214 = arith.cmpi sge, %add3A_2210, %ge3A_2213 : vector<16xi32>
    %jit3A_2215 = arith.constant 1 : i32
    %jit3A_2216 = arith.constant 0 : i32
    %broadcast_in_dim3A_2217 = vector.broadcast %jit3A_2215 : i32 to vector<16xi32>
    %broadcast_in_dim3A_2218 = vector.broadcast %jit3A_2216 : i32 to vector<16xi32>
    %select_n3A_2219 = arith.select %ge3A_2214, %broadcast_in_dim3A_2217, %broadcast_in_dim3A_2218 : vector<16xi1>, vector<16xi32>
    %add3A_2220 = arith.addi %broadcast_in_dim3A_2212, %select_n3A_2219 : vector<16xi32>
    %ge3A_2221 = vector.broadcast %squeeze3A_23 : i32 to vector<16xi32>
    %ge3A_2222 = arith.cmpi sge, %add3A_2210, %ge3A_2221 : vector<16xi32>
    %jit3A_2223 = arith.constant 1 : i32
    %jit3A_2224 = arith.constant 0 : i32
    %broadcast_in_dim3A_2225 = vector.broadcast %jit3A_2223 : i32 to vector<16xi32>
    %broadcast_in_dim3A_2226 = vector.broadcast %jit3A_2224 : i32 to vector<16xi32>
    %select_n3A_2227 = arith.select %ge3A_2222, %broadcast_in_dim3A_2225, %broadcast_in_dim3A_2226 : vector<16xi1>, vector<16xi32>
    %add3A_2228 = arith.addi %add3A_2220, %select_n3A_2227 : vector<16xi32>
    %ge3A_2229 = vector.broadcast %squeeze3A_25 : i32 to vector<16xi32>
    %ge3A_2230 = arith.cmpi sge, %add3A_2210, %ge3A_2229 : vector<16xi32>
    %jit3A_2231 = arith.constant 1 : i32
    %jit3A_2232 = arith.constant 0 : i32
    %broadcast_in_dim3A_2233 = vector.broadcast %jit3A_2231 : i32 to vector<16xi32>
    %broadcast_in_dim3A_2234 = vector.broadcast %jit3A_2232 : i32 to vector<16xi32>
    %select_n3A_2235 = arith.select %ge3A_2230, %broadcast_in_dim3A_2233, %broadcast_in_dim3A_2234 : vector<16xi1>, vector<16xi32>
    %add3A_2236 = arith.addi %add3A_2228, %select_n3A_2235 : vector<16xi32>
    %ge3A_2237 = vector.broadcast %squeeze3A_27 : i32 to vector<16xi32>
    %ge3A_2238 = arith.cmpi sge, %add3A_2210, %ge3A_2237 : vector<16xi32>
    %jit3A_2239 = arith.constant 1 : i32
    %jit3A_2240 = arith.constant 0 : i32
    %broadcast_in_dim3A_2241 = vector.broadcast %jit3A_2239 : i32 to vector<16xi32>
    %broadcast_in_dim3A_2242 = vector.broadcast %jit3A_2240 : i32 to vector<16xi32>
    %select_n3A_2243 = arith.select %ge3A_2238, %broadcast_in_dim3A_2241, %broadcast_in_dim3A_2242 : vector<16xi1>, vector<16xi32>
    %add3A_2244 = arith.addi %add3A_2236, %select_n3A_2243 : vector<16xi32>
    %ge3A_2245 = vector.broadcast %squeeze3A_29 : i32 to vector<16xi32>
    %ge3A_2246 = arith.cmpi sge, %add3A_2210, %ge3A_2245 : vector<16xi32>
    %jit3A_2247 = arith.constant 1 : i32
    %jit3A_2248 = arith.constant 0 : i32
    %broadcast_in_dim3A_2249 = vector.broadcast %jit3A_2247 : i32 to vector<16xi32>
    %broadcast_in_dim3A_2250 = vector.broadcast %jit3A_2248 : i32 to vector<16xi32>
    %select_n3A_2251 = arith.select %ge3A_2246, %broadcast_in_dim3A_2249, %broadcast_in_dim3A_2250 : vector<16xi1>, vector<16xi32>
    %add3A_2252 = arith.addi %add3A_2244, %select_n3A_2251 : vector<16xi32>
    %ge3A_2253 = vector.broadcast %squeeze3A_31 : i32 to vector<16xi32>
    %ge3A_2254 = arith.cmpi sge, %add3A_2210, %ge3A_2253 : vector<16xi32>
    %jit3A_2255 = arith.constant 1 : i32
    %jit3A_2256 = arith.constant 0 : i32
    %broadcast_in_dim3A_2257 = vector.broadcast %jit3A_2255 : i32 to vector<16xi32>
    %broadcast_in_dim3A_2258 = vector.broadcast %jit3A_2256 : i32 to vector<16xi32>
    %select_n3A_2259 = arith.select %ge3A_2254, %broadcast_in_dim3A_2257, %broadcast_in_dim3A_2258 : vector<16xi1>, vector<16xi32>
    %add3A_2260 = arith.addi %add3A_2252, %select_n3A_2259 : vector<16xi32>
    %ge3A_2261 = vector.broadcast %squeeze3A_33 : i32 to vector<16xi32>
    %ge3A_2262 = arith.cmpi sge, %add3A_2210, %ge3A_2261 : vector<16xi32>
    %jit3A_2263 = arith.constant 1 : i32
    %jit3A_2264 = arith.constant 0 : i32
    %broadcast_in_dim3A_2265 = vector.broadcast %jit3A_2263 : i32 to vector<16xi32>
    %broadcast_in_dim3A_2266 = vector.broadcast %jit3A_2264 : i32 to vector<16xi32>
    %select_n3A_2267 = arith.select %ge3A_2262, %broadcast_in_dim3A_2265, %broadcast_in_dim3A_2266 : vector<16xi1>, vector<16xi32>
    %add3A_2268 = arith.addi %add3A_2260, %select_n3A_2267 : vector<16xi32>
    %broadcast_in_dim3A_2269 = arith.constant 0 : i32
    %broadcast_in_dim3A_2270 = vector.broadcast %broadcast_in_dim3A_2269 : i32 to vector<16xi32>
    %eq3A_2271 = arith.constant 1 : i32
    %eq3A_2272 = vector.broadcast %eq3A_2271 : i32 to vector<16xi32>
    %eq3A_2273 = arith.cmpi eq, %add3A_2268, %eq3A_2272 : vector<16xi32>
    %broadcast_in_dim3A_2274 = vector.broadcast %sub3A_66 : i32 to vector<16xi32>
    %select_n3A_2275 = arith.select %eq3A_2273, %broadcast_in_dim3A_2274, %broadcast_in_dim3A_2270 : vector<16xi1>, vector<16xi32>
    %eq3A_2276 = arith.constant 2 : i32
    %eq3A_2277 = vector.broadcast %eq3A_2276 : i32 to vector<16xi32>
    %eq3A_2278 = arith.cmpi eq, %add3A_2268, %eq3A_2277 : vector<16xi32>
    %broadcast_in_dim3A_2279 = vector.broadcast %sub3A_67 : i32 to vector<16xi32>
    %select_n3A_2280 = arith.select %eq3A_2278, %broadcast_in_dim3A_2279, %select_n3A_2275 : vector<16xi1>, vector<16xi32>
    %eq3A_2281 = arith.constant 3 : i32
    %eq3A_2282 = vector.broadcast %eq3A_2281 : i32 to vector<16xi32>
    %eq3A_2283 = arith.cmpi eq, %add3A_2268, %eq3A_2282 : vector<16xi32>
    %broadcast_in_dim3A_2284 = vector.broadcast %sub3A_68 : i32 to vector<16xi32>
    %select_n3A_2285 = arith.select %eq3A_2283, %broadcast_in_dim3A_2284, %select_n3A_2280 : vector<16xi1>, vector<16xi32>
    %eq3A_2286 = arith.constant 4 : i32
    %eq3A_2287 = vector.broadcast %eq3A_2286 : i32 to vector<16xi32>
    %eq3A_2288 = arith.cmpi eq, %add3A_2268, %eq3A_2287 : vector<16xi32>
    %broadcast_in_dim3A_2289 = vector.broadcast %sub3A_69 : i32 to vector<16xi32>
    %select_n3A_2290 = arith.select %eq3A_2288, %broadcast_in_dim3A_2289, %select_n3A_2285 : vector<16xi1>, vector<16xi32>
    %eq3A_2291 = arith.constant 5 : i32
    %eq3A_2292 = vector.broadcast %eq3A_2291 : i32 to vector<16xi32>
    %eq3A_2293 = arith.cmpi eq, %add3A_2268, %eq3A_2292 : vector<16xi32>
    %broadcast_in_dim3A_2294 = vector.broadcast %sub3A_70 : i32 to vector<16xi32>
    %select_n3A_2295 = arith.select %eq3A_2293, %broadcast_in_dim3A_2294, %select_n3A_2290 : vector<16xi1>, vector<16xi32>
    %eq3A_2296 = arith.constant 6 : i32
    %eq3A_2297 = vector.broadcast %eq3A_2296 : i32 to vector<16xi32>
    %eq3A_2298 = arith.cmpi eq, %add3A_2268, %eq3A_2297 : vector<16xi32>
    %broadcast_in_dim3A_2299 = vector.broadcast %sub3A_71 : i32 to vector<16xi32>
    %select_n3A_2300 = arith.select %eq3A_2298, %broadcast_in_dim3A_2299, %select_n3A_2295 : vector<16xi1>, vector<16xi32>
    %eq3A_2301 = arith.constant 7 : i32
    %eq3A_2302 = vector.broadcast %eq3A_2301 : i32 to vector<16xi32>
    %eq3A_2303 = arith.cmpi eq, %add3A_2268, %eq3A_2302 : vector<16xi32>
    %broadcast_in_dim3A_2304 = vector.broadcast %sub3A_72 : i32 to vector<16xi32>
    %select_n3A_2305 = arith.select %eq3A_2303, %broadcast_in_dim3A_2304, %select_n3A_2300 : vector<16xi1>, vector<16xi32>
    %add3A_2306 = arith.addi %add3A_2210, %select_n3A_2305 : vector<16xi32>
    %dma_wait3A_2307 = arith.constant 0 : i32
    %dma_wait3A_2308 = arith.constant 0 : i32
    %dma_wait3A_2309 = tpu.memref_slice %arg6[%dma_wait3A_2307, %dma_wait3A_2308] : memref<16640x2048xf32, #tpu.memory_space<hbm>> -> memref<16640x1024xf32, #tpu.memory_space<hbm>>
    tpu.wait_indirect_dma semaphore(%arg22 : memref<!tpu.dma_semaphore, #tpu.memory_space<semaphore_mem>>) src(%arg10 : memref<16x1024xf32, #tpu.memory_space<vmem>>) dst(%dma_wait3A_2309 : memref<16640x1024xf32, #tpu.memory_space<hbm>>)
    %add3A_2310 = arith.constant 496 : i32
    %add3A_2311 = arith.addi %mul3A_2, %add3A_2310 : i32
    %multiple_of3A_2312 = tpu.assume_multiple %add3A_2311, 16 : i32
    %add3A_2313 = vector.broadcast %multiple_of3A_2312 : i32 to vector<16xi32>
    %add3A_2314 = arith.addi %add3A_2313, %iota3A : vector<16xi32>
    %broadcast_in_dim3A_2315 = arith.constant 0 : i32
    %broadcast_in_dim3A_2316 = vector.broadcast %broadcast_in_dim3A_2315 : i32 to vector<16xi32>
    %ge3A_2317 = vector.broadcast %squeeze3A_21 : i32 to vector<16xi32>
    %ge3A_2318 = arith.cmpi sge, %add3A_2314, %ge3A_2317 : vector<16xi32>
    %jit3A_2319 = arith.constant 1 : i32
    %jit3A_2320 = arith.constant 0 : i32
    %broadcast_in_dim3A_2321 = vector.broadcast %jit3A_2319 : i32 to vector<16xi32>
    %broadcast_in_dim3A_2322 = vector.broadcast %jit3A_2320 : i32 to vector<16xi32>
    %select_n3A_2323 = arith.select %ge3A_2318, %broadcast_in_dim3A_2321, %broadcast_in_dim3A_2322 : vector<16xi1>, vector<16xi32>
    %add3A_2324 = arith.addi %broadcast_in_dim3A_2316, %select_n3A_2323 : vector<16xi32>
    %ge3A_2325 = vector.broadcast %squeeze3A_23 : i32 to vector<16xi32>
    %ge3A_2326 = arith.cmpi sge, %add3A_2314, %ge3A_2325 : vector<16xi32>
    %jit3A_2327 = arith.constant 1 : i32
    %jit3A_2328 = arith.constant 0 : i32
    %broadcast_in_dim3A_2329 = vector.broadcast %jit3A_2327 : i32 to vector<16xi32>
    %broadcast_in_dim3A_2330 = vector.broadcast %jit3A_2328 : i32 to vector<16xi32>
    %select_n3A_2331 = arith.select %ge3A_2326, %broadcast_in_dim3A_2329, %broadcast_in_dim3A_2330 : vector<16xi1>, vector<16xi32>
    %add3A_2332 = arith.addi %add3A_2324, %select_n3A_2331 : vector<16xi32>
    %ge3A_2333 = vector.broadcast %squeeze3A_25 : i32 to vector<16xi32>
    %ge3A_2334 = arith.cmpi sge, %add3A_2314, %ge3A_2333 : vector<16xi32>
    %jit3A_2335 = arith.constant 1 : i32
    %jit3A_2336 = arith.constant 0 : i32
    %broadcast_in_dim3A_2337 = vector.broadcast %jit3A_2335 : i32 to vector<16xi32>
    %broadcast_in_dim3A_2338 = vector.broadcast %jit3A_2336 : i32 to vector<16xi32>
    %select_n3A_2339 = arith.select %ge3A_2334, %broadcast_in_dim3A_2337, %broadcast_in_dim3A_2338 : vector<16xi1>, vector<16xi32>
    %add3A_2340 = arith.addi %add3A_2332, %select_n3A_2339 : vector<16xi32>
    %ge3A_2341 = vector.broadcast %squeeze3A_27 : i32 to vector<16xi32>
    %ge3A_2342 = arith.cmpi sge, %add3A_2314, %ge3A_2341 : vector<16xi32>
    %jit3A_2343 = arith.constant 1 : i32
    %jit3A_2344 = arith.constant 0 : i32
    %broadcast_in_dim3A_2345 = vector.broadcast %jit3A_2343 : i32 to vector<16xi32>
    %broadcast_in_dim3A_2346 = vector.broadcast %jit3A_2344 : i32 to vector<16xi32>
    %select_n3A_2347 = arith.select %ge3A_2342, %broadcast_in_dim3A_2345, %broadcast_in_dim3A_2346 : vector<16xi1>, vector<16xi32>
    %add3A_2348 = arith.addi %add3A_2340, %select_n3A_2347 : vector<16xi32>
    %ge3A_2349 = vector.broadcast %squeeze3A_29 : i32 to vector<16xi32>
    %ge3A_2350 = arith.cmpi sge, %add3A_2314, %ge3A_2349 : vector<16xi32>
    %jit3A_2351 = arith.constant 1 : i32
    %jit3A_2352 = arith.constant 0 : i32
    %broadcast_in_dim3A_2353 = vector.broadcast %jit3A_2351 : i32 to vector<16xi32>
    %broadcast_in_dim3A_2354 = vector.broadcast %jit3A_2352 : i32 to vector<16xi32>
    %select_n3A_2355 = arith.select %ge3A_2350, %broadcast_in_dim3A_2353, %broadcast_in_dim3A_2354 : vector<16xi1>, vector<16xi32>
    %add3A_2356 = arith.addi %add3A_2348, %select_n3A_2355 : vector<16xi32>
    %ge3A_2357 = vector.broadcast %squeeze3A_31 : i32 to vector<16xi32>
    %ge3A_2358 = arith.cmpi sge, %add3A_2314, %ge3A_2357 : vector<16xi32>
    %jit3A_2359 = arith.constant 1 : i32
    %jit3A_2360 = arith.constant 0 : i32
    %broadcast_in_dim3A_2361 = vector.broadcast %jit3A_2359 : i32 to vector<16xi32>
    %broadcast_in_dim3A_2362 = vector.broadcast %jit3A_2360 : i32 to vector<16xi32>
    %select_n3A_2363 = arith.select %ge3A_2358, %broadcast_in_dim3A_2361, %broadcast_in_dim3A_2362 : vector<16xi1>, vector<16xi32>
    %add3A_2364 = arith.addi %add3A_2356, %select_n3A_2363 : vector<16xi32>
    %ge3A_2365 = vector.broadcast %squeeze3A_33 : i32 to vector<16xi32>
    %ge3A_2366 = arith.cmpi sge, %add3A_2314, %ge3A_2365 : vector<16xi32>
    %jit3A_2367 = arith.constant 1 : i32
    %jit3A_2368 = arith.constant 0 : i32
    %broadcast_in_dim3A_2369 = vector.broadcast %jit3A_2367 : i32 to vector<16xi32>
    %broadcast_in_dim3A_2370 = vector.broadcast %jit3A_2368 : i32 to vector<16xi32>
    %select_n3A_2371 = arith.select %ge3A_2366, %broadcast_in_dim3A_2369, %broadcast_in_dim3A_2370 : vector<16xi1>, vector<16xi32>
    %add3A_2372 = arith.addi %add3A_2364, %select_n3A_2371 : vector<16xi32>
    %broadcast_in_dim3A_2373 = arith.constant 0 : i32
    %broadcast_in_dim3A_2374 = vector.broadcast %broadcast_in_dim3A_2373 : i32 to vector<16xi32>
    %eq3A_2375 = arith.constant 1 : i32
    %eq3A_2376 = vector.broadcast %eq3A_2375 : i32 to vector<16xi32>
    %eq3A_2377 = arith.cmpi eq, %add3A_2372, %eq3A_2376 : vector<16xi32>
    %broadcast_in_dim3A_2378 = vector.broadcast %sub3A_66 : i32 to vector<16xi32>
    %select_n3A_2379 = arith.select %eq3A_2377, %broadcast_in_dim3A_2378, %broadcast_in_dim3A_2374 : vector<16xi1>, vector<16xi32>
    %eq3A_2380 = arith.constant 2 : i32
    %eq3A_2381 = vector.broadcast %eq3A_2380 : i32 to vector<16xi32>
    %eq3A_2382 = arith.cmpi eq, %add3A_2372, %eq3A_2381 : vector<16xi32>
    %broadcast_in_dim3A_2383 = vector.broadcast %sub3A_67 : i32 to vector<16xi32>
    %select_n3A_2384 = arith.select %eq3A_2382, %broadcast_in_dim3A_2383, %select_n3A_2379 : vector<16xi1>, vector<16xi32>
    %eq3A_2385 = arith.constant 3 : i32
    %eq3A_2386 = vector.broadcast %eq3A_2385 : i32 to vector<16xi32>
    %eq3A_2387 = arith.cmpi eq, %add3A_2372, %eq3A_2386 : vector<16xi32>
    %broadcast_in_dim3A_2388 = vector.broadcast %sub3A_68 : i32 to vector<16xi32>
    %select_n3A_2389 = arith.select %eq3A_2387, %broadcast_in_dim3A_2388, %select_n3A_2384 : vector<16xi1>, vector<16xi32>
    %eq3A_2390 = arith.constant 4 : i32
    %eq3A_2391 = vector.broadcast %eq3A_2390 : i32 to vector<16xi32>
    %eq3A_2392 = arith.cmpi eq, %add3A_2372, %eq3A_2391 : vector<16xi32>
    %broadcast_in_dim3A_2393 = vector.broadcast %sub3A_69 : i32 to vector<16xi32>
    %select_n3A_2394 = arith.select %eq3A_2392, %broadcast_in_dim3A_2393, %select_n3A_2389 : vector<16xi1>, vector<16xi32>
    %eq3A_2395 = arith.constant 5 : i32
    %eq3A_2396 = vector.broadcast %eq3A_2395 : i32 to vector<16xi32>
    %eq3A_2397 = arith.cmpi eq, %add3A_2372, %eq3A_2396 : vector<16xi32>
    %broadcast_in_dim3A_2398 = vector.broadcast %sub3A_70 : i32 to vector<16xi32>
    %select_n3A_2399 = arith.select %eq3A_2397, %broadcast_in_dim3A_2398, %select_n3A_2394 : vector<16xi1>, vector<16xi32>
    %eq3A_2400 = arith.constant 6 : i32
    %eq3A_2401 = vector.broadcast %eq3A_2400 : i32 to vector<16xi32>
    %eq3A_2402 = arith.cmpi eq, %add3A_2372, %eq3A_2401 : vector<16xi32>
    %broadcast_in_dim3A_2403 = vector.broadcast %sub3A_71 : i32 to vector<16xi32>
    %select_n3A_2404 = arith.select %eq3A_2402, %broadcast_in_dim3A_2403, %select_n3A_2399 : vector<16xi1>, vector<16xi32>
    %eq3A_2405 = arith.constant 7 : i32
    %eq3A_2406 = vector.broadcast %eq3A_2405 : i32 to vector<16xi32>
    %eq3A_2407 = arith.cmpi eq, %add3A_2372, %eq3A_2406 : vector<16xi32>
    %broadcast_in_dim3A_2408 = vector.broadcast %sub3A_72 : i32 to vector<16xi32>
    %select_n3A_2409 = arith.select %eq3A_2407, %broadcast_in_dim3A_2408, %select_n3A_2404 : vector<16xi1>, vector<16xi32>
    %add3A_2410 = arith.addi %add3A_2314, %select_n3A_2409 : vector<16xi32>
    %dma_wait3A_2411 = arith.constant 0 : i32
    %dma_wait3A_2412 = arith.constant 1024 : i32
    %dma_wait3A_2413 = tpu.memref_slice %arg6[%dma_wait3A_2411, %dma_wait3A_2412] : memref<16640x2048xf32, #tpu.memory_space<hbm>> -> memref<16640x1024xf32, #tpu.memory_space<hbm>>
    tpu.wait_indirect_dma semaphore(%arg25 : memref<!tpu.dma_semaphore, #tpu.memory_space<semaphore_mem>>) src(%arg13 : memref<16x1024xf32, #tpu.memory_space<vmem>>) dst(%dma_wait3A_2413 : memref<16640x1024xf32, #tpu.memory_space<hbm>>)
    %convert_element_type3A_2414 = arith.extui %lt3A_1888 : i1 to i32
    %cond3A_2415 = arith.constant 0 : i32
    %cond3A_2416 = arith.cmpi ne, %convert_element_type3A_2414, %cond3A_2415 : i32
    scf.if %cond3A_2416 {
      %dma_wait3A_2417 = arith.constant 0 : i32
      %dma_wait3A_2418 = arith.constant 0 : i32
      %dma_wait3A_2419 = tpu.memref_slice %arg3[%dma_wait3A_2417, %dma_wait3A_2418] : memref<16640x2048xf32, #tpu.memory_space<hbm>> -> memref<16640x1024xf32, #tpu.memory_space<hbm>>
      tpu.wait_indirect_dma semaphore(%arg17 : memref<!tpu.dma_semaphore, #tpu.memory_space<semaphore_mem>>) src(%dma_wait3A_2419 : memref<16640x1024xf32, #tpu.memory_space<hbm>>) dst(%arg11 : memref<16x1024xf32, #tpu.memory_space<vmem>>)
      %dma_start3A_2420 = arith.constant 0 : i32
      %dma_start3A_2421 = arith.constant 0 : i32
      %dma_start3A_2422 = tpu.memref_slice %arg6[%dma_start3A_2420, %dma_start3A_2421] : memref<16640x2048xf32, #tpu.memory_space<hbm>> -> memref<16640x1024xf32, #tpu.memory_space<hbm>>
      tpu.enqueue_indirect_dma source(%arg11 : memref<16x1024xf32, #tpu.memory_space<vmem>>) target(%dma_start3A_2422 : memref<16640x1024xf32, #tpu.memory_space<hbm>>) offsets(%add3A_1996 : vector<16xi32>) semaphore(%arg23 : memref<!tpu.dma_semaphore, #tpu.memory_space<semaphore_mem>>)
      %dma_wait3A_2423 = arith.constant 0 : i32
      %dma_wait3A_2424 = arith.constant 1024 : i32
      %dma_wait3A_2425 = tpu.memref_slice %arg3[%dma_wait3A_2423, %dma_wait3A_2424] : memref<16640x2048xf32, #tpu.memory_space<hbm>> -> memref<16640x1024xf32, #tpu.memory_space<hbm>>
      tpu.wait_indirect_dma semaphore(%arg20 : memref<!tpu.dma_semaphore, #tpu.memory_space<semaphore_mem>>) src(%dma_wait3A_2425 : memref<16640x1024xf32, #tpu.memory_space<hbm>>) dst(%arg14 : memref<16x1024xf32, #tpu.memory_space<vmem>>)
      %dma_start3A_2426 = arith.constant 0 : i32
      %dma_start3A_2427 = arith.constant 1024 : i32
      %dma_start3A_2428 = tpu.memref_slice %arg6[%dma_start3A_2426, %dma_start3A_2427] : memref<16640x2048xf32, #tpu.memory_space<hbm>> -> memref<16640x1024xf32, #tpu.memory_space<hbm>>
      tpu.enqueue_indirect_dma source(%arg14 : memref<16x1024xf32, #tpu.memory_space<vmem>>) target(%dma_start3A_2428 : memref<16640x1024xf32, #tpu.memory_space<hbm>>) offsets(%add3A_1996 : vector<16xi32>) semaphore(%arg26 : memref<!tpu.dma_semaphore, #tpu.memory_space<semaphore_mem>>)
      %dma_wait3A_2429 = arith.constant 0 : i32
      %dma_wait3A_2430 = arith.constant 0 : i32
      %dma_wait3A_2431 = tpu.memref_slice %arg6[%dma_wait3A_2429, %dma_wait3A_2430] : memref<16640x2048xf32, #tpu.memory_space<hbm>> -> memref<16640x1024xf32, #tpu.memory_space<hbm>>
      tpu.wait_indirect_dma semaphore(%arg23 : memref<!tpu.dma_semaphore, #tpu.memory_space<semaphore_mem>>) src(%arg11 : memref<16x1024xf32, #tpu.memory_space<vmem>>) dst(%dma_wait3A_2431 : memref<16640x1024xf32, #tpu.memory_space<hbm>>)
      %dma_wait3A_2432 = arith.constant 0 : i32
      %dma_wait3A_2433 = arith.constant 1024 : i32
      %dma_wait3A_2434 = tpu.memref_slice %arg6[%dma_wait3A_2432, %dma_wait3A_2433] : memref<16640x2048xf32, #tpu.memory_space<hbm>> -> memref<16640x1024xf32, #tpu.memory_space<hbm>>
      tpu.wait_indirect_dma semaphore(%arg26 : memref<!tpu.dma_semaphore, #tpu.memory_space<semaphore_mem>>) src(%arg14 : memref<16x1024xf32, #tpu.memory_space<vmem>>) dst(%dma_wait3A_2434 : memref<16640x1024xf32, #tpu.memory_space<hbm>>)
    } else {
    }
    return
  }
}

</mosaic_0001>

<sc_bundles>
// kernel: kernel.3.cloned.1.call-start
scs
__scs_entry_jumppad:
0x0: {  	(pc) =	sbr.rel $0x88, $3  }
0x1: {  	(tag) =	ssettag $0x0;
	lr =	simm.s32 $0x1  }
0x2: {  	[smem:$0x3F9D] =	sst lr;
	_ =	strace $0xD0000000  }
0x3: {  	_ = 	snop  }
0x4: {  	_ = 	snop  }
0x5: {  	_ = 	snop  }
0x6: {  	_ = 	snop  }
0x7: {  	_ = 	snop  }
__scs_overlays_trampoline_lowered:
0x8: {  	[smem:$0x3FAC] =	sst s0  }
0x9: {  	[smem:$0x3FAD] =	sst s1  }
0xa: {  	[smem:$0x3FAE] =	sst s2  }
0xb: {  	[smem:$0x3FAF] =	sst s3  }
0xc: {  	[smem:$0x3FB0] =	sst s4  }
0xd: {  	[smem:$0x3FB1] =	sst s5  }
0xe: {  	[smem:$0x3FB2] =	sst s6  }
0xf: {  	[smem:$0x3FB3] =	sst s7  }
0x10: {  	[smem:$0x3FB4] =	sst s8  }
0x11: {  	[smem:$0x3FB5] =	sst s9;
	s0 =	simm.s32 @!p0 $0x0  }
0x12: {  	s1 =	sld [smem:$0x3F9B];
	s0 =	simm.s32 @p0 $0x1  }
0x13: {  	[smem:$0x3FB6] =	sst s0;
	s0 =	simm.s32 @!p1 $0x0  }
0x14: {  	s2 =	sld [smem:$0x3F9A];
	s0 =	simm.s32 @p1 $0x1  }
0x15: {  	[smem:$0x3FB7] =	sst s0;
	s0 =	simm.s32 @!p2 $0x0  }
0x16: {  	s3 =	sld [smem:$0x3FDB];
	s0 =	simm.s32 @p2 $0x1  }
0x17: {  	s4 =	simm.s32 $0x1BF5;
	[smem:$0x3FB9] =	sst s0  }
0x18: {  	s0 =	sld [smem:$0x3F9C];
	_ =	swait.ge [sflag:s4], $0x0  }
0x19: {  	s7 =	sld [smem:$0x3F9D]  }
0x1a: {  	s8 =	sadd.s32 $0xFFFFE003, lr  }
0x1b: {  	s9 =	sadd.s32 $0xFFFFFEF7, lr;
	s5 =	simm.s32 $0xFFFFFFFF;
	p2 =	slt.u32 s8, $0xFFFFF086  }
0x1c: {  	p1 =	slt.u32 s9, $0xF7A;
	s5 =	simm.s32 @!p2 $0x0  }
0x1d: {  	s5 =	simm.s32 @p1 $0x1;
	p0 =	seq.s32 s7, s2  }
0x1e: {  	s7 =	smul.u32 @!p0 $0xF7A, s2;
	p2 =	seq.s32 @!p0 s5, $0x0  }
0x1f: {  	s9 =	smul.u32 $0xF7A, s1;
	s8 =	simm.s32 @!p0 $0x1BF5;
	p2 =	por !p2, p0  }
0x20: {  	[sflag:s8] =	ssyncset.s32 @!p0 $0xFFFFF086;
	s6 =	sadd.s32 @!p0 s3, s7;
	s7 =	simm.s32 @!p0 $0x108  }
0x21: {  	s3 =	sadd.s32 s3, s9;
	s6 =	sadd.s32 @!p0 $0x88, s6;
	s7 =	simm.s32 @p2 $0x1082  }
0x22: {  	[simem:s7], [sflag:s8] =	dma.local @!p0 [hbm:s6], $0xF7A  }
0x23: {  	s9 =	sor.u32 $0xD0000000, s2;
	s6 =	simm.s32 $0x108;
	_ =	swait.ge @!p0 [sflag:s8], $0x0  }
0x24: {  	s3 =	sadd.s32 $0x88, s3;
	s6 =	simm.s32 @!p1 $0x1082;
	[sflag:s4] =	ssyncset.s32 $0xFFFFF086  }
0x25: {  	[simem:s6], [sflag:s4] =	dma.local [hbm:s3], $0xF7A  }
0x26: {  	[smem:$0x3F9D] =	sst s1;
	(tag) =	ssettag s2;
	_ =	strace s9  }
0x27: {  	s1 =	sld [smem:$0x3FAD]  }
0x28: {  	s2 =	sld [smem:$0x3FAE]  }
0x29: {  	s4 =	sld [smem:$0x3FB0]  }
0x2a: {  	p0 =	seq.s32 s5, $0x0;
	s5 =	sld [smem:$0x3FB1]  }
0x2b: {  	s6 =	sld [smem:$0x3FB2]  }
0x2c: {  	s7 =	sld [smem:$0x3FB3]  }
0x2d: {  	s3 =	simm.s32 $0x108;
	s8 =	sld [smem:$0x3FB4]  }
0x2e: {  	s3 =	simm.s32 @!p0 $0x1082;
	s9 =	sld [smem:$0x3FB5]  }
0x2f: {  	lr =	sadd.s32 s0, s3;
	s0 =	sld [smem:$0x3FAC]  }
0x30: {  	s3 =	sld [smem:$0x3FAF]  }
0x31: {  	[smem:$0x3FB8] =	sst s10  }
0x32: {  	s10 =	sld [smem:$0x3FB6];
	_ =	sdelay $0x3  }
0x33: {  	p0 =	seq.s32 s10, $0x1;
	s10 =	sld [smem:$0x3FB8];
	_ =	sdelay $0x3  }
0x34: {  	[smem:$0x3FB8] =	sst s10  }
0x35: {  	s10 =	sld [smem:$0x3FB7];
	_ =	sdelay $0x3  }
0x36: {  	p1 =	seq.s32 s10, $0x1;
	s10 =	sld [smem:$0x3FB8];
	_ =	sdelay $0x3  }
0x37: {  	[smem:$0x3FB8] =	sst s10  }
0x38: {  	s10 =	sld [smem:$0x3FB9]  }
0x39: {  	_ = 	snop;
	(pc) =	sbr.ind lr, $3  }
0x3a: {  	_ = 	snop  }
0x3b: {  	_ = 	snop  }
0x3c: {  	p2 =	seq.s32 s10, $0x1;
	s10 =	sld [smem:$0x3FB8]  }
0x3d: {  	_ =	shalt  }
0x3e: {  	_ =	shalt  }
0x3f: {  	_ =	shalt  }
0x40: {  	_ =	shalt  }
0x41: {  	_ =	shalt  }
0x42: {  	_ =	shalt  }
0x43: {  	_ =	shalt  }
0x44: {  	_ =	shalt  }
0x45: {  	_ =	shalt  }
0x46: {  	_ =	shalt  }
0x47: {  	_ =	shalt  }
0x48: {  	_ =	shalt  }
0x49: {  	_ =	shalt  }
0x4a: {  	_ =	shalt  }
0x4b: {  	_ =	shalt  }
0x4c: {  	_ =	shalt  }
0x4d: {  	_ =	shalt  }
0x4e: {  	_ =	shalt  }
0x4f: {  	_ =	shalt  }
0x50: {  	_ =	shalt  }
0x51: {  	_ =	shalt  }
0x52: {  	_ =	shalt  }
0x53: {  	_ =	shalt  }
0x54: {  	_ =	shalt  }
0x55: {  	_ =	shalt  }
0x56: {  	_ =	shalt  }
0x57: {  	_ =	shalt  }
0x58: {  	_ =	shalt  }
0x59: {  	_ =	shalt  }
0x5a: {  	_ =	shalt  }
0x5b: {  	_ =	shalt  }
0x5c: {  	_ =	shalt  }
0x5d: {  	_ =	shalt  }
0x5e: {  	_ =	shalt  }
0x5f: {  	_ =	shalt  }
0x60: {  	_ =	shalt  }
0x61: {  	_ =	shalt  }
0x62: {  	_ =	shalt  }
0x63: {  	_ =	shalt  }
0x64: {  	_ =	shalt  }
0x65: {  	_ =	shalt  }
0x66: {  	_ =	shalt  }
0x67: {  	_ =	shalt  }
0x68: {  	_ =	shalt  }
0x69: {  	_ =	shalt  }
0x6a: {  	_ =	shalt  }
0x6b: {  	_ =	shalt  }
0x6c: {  	_ =	shalt  }
0x6d: {  	_ =	shalt  }
0x6e: {  	_ =	shalt  }
0x6f: {  	_ =	shalt  }
0x70: {  	_ =	shalt  }
0x71: {  	_ =	shalt  }
0x72: {  	_ =	shalt  }
0x73: {  	_ =	shalt  }
0x74: {  	_ =	shalt  }
0x75: {  	_ =	shalt  }
0x76: {  	_ =	shalt  }
0x77: {  	_ =	shalt  }
0x78: {  	_ =	shalt  }
0x79: {  	_ =	shalt  }
0x7a: {  	_ =	shalt  }
0x7b: {  	_ =	shalt  }
0x7c: {  	_ =	shalt  }
0x7d: {  	_ =	shalt  }
0x7e: {  	_ =	shalt  }
0x7f: {  	_ =	shalt  }
0x80: {  	_ =	shalt  }
0x81: {  	_ =	shalt  }
0x82: {  	_ =	shalt  }
0x83: {  	_ =	shalt  }
0x84: {  	_ =	shalt  }
0x85: {  	_ =	shalt  }
0x86: {  	_ =	shalt  }
0x87: {  	_ =	shalt  }
.Lfunc_end0:
.L_simem_size_0:
called_computation_lowered:
.L_overlay_start_0:
0x88: {  	s2 =	sld [smem:$0x3FD9]  }
0x89: {  	s3 =	sld [smem:$0x3FFE];
	_ =	sdelay $0x1  }
0x8a: {  	s1 =	srdreg.scid  }
0x8b: {  	s0 =	sand.u32 $0x1, s1  }
0x8c: {  	s17 =	sshll.u32 s0, $0xA;
	s2 =	sadd.s32 s3, s2  }
0x8d: {  	s2 =	sadd.s32 s2, s17  }
0x8e: {  	[smem:$0x3FC4] =	sst s2  }
0x8f: {  	_ = 	snop  }
0x90: {  	s2 =	sld [smem:$0x3FC9]  }
0x91: {  	s18 =	sld [smem:$0x3FC8]  }
0x92: {  	s4 =	sld [smem:$0x3FD0];
	(tm) =	ssettm $0x1  }
0x93: {  	s5 =	sld [smem:$0x3FFB];
	_ =	sdelay $0x3  }
0x94: {  	_ =	strace s5  }
0x95: {  	s5 =	sld [smem:$0x3FFC];
	_ =	sdelay $0x3  }
0x96: {  	_ =	strace s5  }
0x97: {  	s5 =	sld [smem:$0x3FFD];
	_ =	sdelay $0x3  }
0x98: {  	_ =	strace s5  }
0x99: {  	_ =	strace $0x8FFFFFFF  }
0x9a: {  	s19 =	sld [smem:$0x3FDB];
	_ =	sdelay $0x1  }
0x9b: {  	s6 =	simm.s32 $_scs_section_size  }
0x9c: {  	s7 =	simm.s32 $_size__tile_overlayer_lowered;
	s8 =	simm.s32 $_tile_overlayer_lowered  }
0x9d: {  	s22 =	simm.s32 $0x1BFF;
	s21 =	sshll.u32 s8, $0x1;
	s5 =	sadd.s32 s6, s19  }
0x9e: {  	s9 =	simm.s32 $0x0;
	s20 =	sshll.u32 s7, $0x1;
	s7 =	sadd.s32 s21, s5  }
0x9f: {  	[timem:s9], [sflag:s22] =	dma.local [hbm:s7], s20  }
0xa0: {  	_ =	swait.ge [sflag:s22], s20  }
0xa1: {  	s6 =	ssub.s32 $0x0, s20;
	[sflag:s22] =	ssyncset.done $0x0  }
0xa2: {  	[sflag:s22] =	ssyncadd.s32 s6;
	_ =	sdelay $0x1  }
0xa3: {  	s23 =	simm.s32 $0x1B8B  }
0xa4: {  	_ =	swait.ge [sflag:s23], $0x1  }
0xa5: {  	[sflag:s23] =	ssyncset.done $0x0  }
0xa6: {  	s25 =	simm.s32 $0x1B8E;
	s24 =	sld [smem:$0x3FFE];
	[sflag:s23] =	ssyncadd.s32 $0xFFFFFFFF  }
0xa7: {  	s26 =	simm.s32 $execute0_lowered;
	[smem:$0x3FD2] =	sst s25  }
0xa8: {  	s7 =	sshll.u32 s26, $0x1;
	_ =	strace $0x80000046;
	[dreg:$0x1] =	wrdreg $0xFFFFFFFF  }
0xa9: {  	s28 =	simm.s32 $_size_execute0_lowered;
	s5 =	sadd.s32 s5, s7;
	[dreg:$0x0] =	wrdreg $0x0  }
0xaa: {  	s7 =	sshll.u32 s28, $0x1;
	[dreg:$0x2] =	wrdreg s5  }
0xab: {  	[dreg:$0x3] =	wrdreg s7  }
0xac: {  	[dreg:$0x4] =	wrdreg $0xC0  }
0xad: {  	_ =	task [dreg:s9], $0x5FFFF  }
0xae: {  	[dreg:$0x1] =	wrdreg $0xFFFFFFFF  }
0xaf: {  	[dreg:$0x0] =	wrdreg $0x60  }
0xb0: {  	[dreg:$0x2] =	wrdreg s2  }
0xb1: {  	[dreg:$0x3] =	wrdreg s18  }
0xb2: {  	[dreg:$0x4] =	wrdreg s24  }
0xb3: {  	[dreg:$0x5] =	wrdreg s4  }
0xb4: {  	[dreg:$0x6] =	wrdreg $0x9  }
0xb5: {  	_ =	task.clear_ibuf [dreg:s9], $0x7FFFF;
	_ =	strace $0x90000046  }
0xb6: {  	s29 =	simm.s32 $0x9;
	_ =	strace $0x80000048  }
0xb7: {  	_ =	swait.ge [sflag:s29], $0x1  }
0xb8: {  	[sflag:s29] =	ssyncadd.s32 $0xFFFFFFFF  }
0xb9: {  	_ =	strace $0x90000048  }
0xba: {  	_ =	sfence  }
0xbb: {  	s30 =	sld [smem:$0x0];
	_ =	sdelay $0x2  }
0xbc: {  	s31 =	sshll.u32 s1, $0xD;
	s1 =	sshrl.u32 s1, $0x2  }
0xbd: {  	s3 =	sand.u32 $0x4000, s31;
	s1 =	sadd.s32 s1, s30  }
0xbe: {  	s0 =	sor.u32 s3, s0;
	s1 =	sshll.u32 s1, $0x11  }
0xbf: {  	s0 =	sor.u32 s1, s0  }
0xc0: {  	s0 =	sadd.s32 $0x8F2B, s0  }
0xc1: {  	[sflag:s0] =	ssyncadd.remote.s32 $0x1  }
0xc2: {  	_ =	sfence.sel $0xFFFF  }
0xc3: {  	[dreg:$0x0] =	wrdreg $0xFFFFFFFF;
	(pc) =	sbr.abs _section_cstart, $3  }
0xc4: {  	[dreg:$0x1] =	wrdreg $0xFFFFFFFF  }
0xc5: {  	_ =	task.clear_ibuf [dreg:s9], $0x2FFFF;
	_ =	strace $0x9FFFFFFF  }
0xc6: {  	(tm) =	ssettm $0x7FFFFFFF  }
0xc7: {  	_ =	shalt  }
tec
execute0_lowered:
.L_overlay_start_1:
0x0: {  	(tag) =	ssettag $0x1  }
0x1: {  	s0 =	rddreg [dreg:$0x0]  }
0x2: {  	s10 =	rddreg [dreg:$0x1]  }
0x3: {  	s1 =	rddreg [dreg:$0x2]  }
0x4: {  	s2 =	rddreg [dreg:$0x3]  }
0x5: {  	s4 =	simm.s32 $0x0;
	s3 =	srdreg.scid;
	s14 =	stileid.u32  }
0x6: {  	s28 =	simm.s32 $0x2000;
	s29 =	simm.s32 $0x4000;
	[smem:$0x7FF] =	sst s4  }
0x7: {  	s3 =	sand.u32 $0x1, s3;
	s5 =	sadd.s32 $0x800, s1;
	s6 =	sshll.u32 s14, $0x1  }
0x8: {  	s1 =	sadd.s32 $0x600, s1;
	s8 =	sadd.s32 $0x400, s0;
	s11 =	sadd.s32 $0x100, s2  }
0x9: {  	s31 =	sshll.u32 s14, $0x12;
	s18 =	sshll.u32 s14, $0xA;
	p0 =	sgt.u32 s14, $0x7  }
0xa: {  	s14 =	simm.s32 $0x6;
	_ =	strace $0x80000047;
	[dreg:$0x6] =	wrdreg s5  }
0xb: {  	s22 =	ssub.s32 $0x2, s3;
	[dreg:$0x7] =	wrdreg s1;
	s6 =	sor.u32 s3, s6  }
0xc: {  	s17 =	sshll.u32 s3, $0x11;
	s3 =	sshll.u32 s3, $0x9;
	s7 =	sshll.u32 s6, $0x11  }
0xd: {  	s23 =	sshrl.u32 s22, $0x1;
	s15 =	sadd.s32 s0, s7;
	s7 =	sadd.s32 s7, s8  }
0xe: {  	s1 =	sshll.u32 s6, $0x9;
	s5 =	ssub.s32 s22, s23;
	[dreg:$0x9] =	wrdreg s7  }
0xf: {  	s12 =	sor.u32 $0x10, s1;
	s19 =	smax.u32 s5, $0x1;
	[dreg:$0x8] =	wrdreg s15  }
0x10: {  	s13 =	sor.u32 $0x20, s1;
	s21 =	sadd.s32 $0x3000, s15;
	[dreg:$0x10] =	wrdreg s19  }
0x11: {  	s24 =	sshll.u32 s12, $0x8;
	s22 =	sadd.s32 $0x3400, s15;
	[dreg:$0x12] =	wrdreg s21  }
0x12: {  	s20 =	sor.u32 $0x1F0, s1;
	s9 =	sadd.s32 s0, s24;
	[dreg:$0x13] =	wrdreg s22  }
0x13: {  	s25 =	sshll.u32 s13, $0x8;
	s7 =	sadd.s32 s24, s8;
	[dreg:$0xa] =	wrdreg s9  }
0x14: {  	s30 =	sshll.u32 s20, $0x8;
	s26 =	sadd.s32 s0, s25;
	[dreg:$0xb] =	wrdreg s7  }
0x15: {  	s23 =	sshll.u32 s6, $0x4;
	s16 =	sadd.s32 s0, s30;
	[dreg:$0xc] =	wrdreg s26  }
0x16: {  	v0 =	vlaneseq.u32;
	s0 =	sadd.s32 s31, s0;
	s31 =	sadd.s32 $0x400, s10;
	[dreg:$0xe] =	wrdreg s16  }
0x17: {  	v6 =	vor.u32 s23, v0;
	s23 =	simm.s32 $0xB;
	s7 =	sadd.s32 s25, s8;
	[dreg:$0x17] =	wrdreg s31  }
0x18: {  	s24 =	sor.u32 $0x1E0, s1;
	s0 =	sadd.s32 s17, s0;
	[dreg:$0xd] =	wrdreg s7  }
0x19: {  	s19 =	simm.s32 $0xA;
	s25 =	sadd.s32 $0x100, s10;
	[dreg:$0x5] =	wrdreg s0  }
0x1a: {  	v1 =	vor.u32 s1, v0;
	s1 =	simm.s32 $0x8;
	s26 =	sadd.s32 $0x200, s10;
	[dreg:$0x14] =	wrdreg s25  }
0x1b: {  	v7 =	vimm.s32 $0x0;
	vm0 =	vmmov $0xffff;
	s16 =	sadd.s32 $0x200, s2;
	s7 =	sadd.s32 s30, s8;
	[dreg:$0x15] =	wrdreg s26  }
0x1c: {  	v9 =	vshrl.u32 v0, $0x3;
	v8 =	vand.u32 $0x7, v0;
	v10 =	vor.u32 $0x8, v0;
	s0 =	sor.u32 s3, s18;
	s30 =	sadd.s32 $0x300, s10;
	[dreg:$0xf] =	wrdreg s7  }
0x1d: {  	v9 =	vmul.u32 $0x8, v9;
	vm1 =	vmmov @!p0 $0xffff;
	v2 =	vor.u32 s12, v0;
	s17 =	sadd.s32 $0x300, s2;
	s0 =	sor.u32 $0x50, s0;
	[dreg:$0x16] =	wrdreg s30  }
0x1e: {  	v3 =	vor.u32 s13, v0;
	v5 =	vor.u32 s20, v0;
	v4 =	vor.u32 s24, v0;
	s18 =	sadd.s32 $0x400, s2;
	[dreg:$0x11] =	wrdreg s0;
	s0 =	simm.s32 $0x0  }
.LBB2_1:
0x1f: {  	[dreg:$0x18] =	wrdreg s0  }
0x20: {  	s5 =	rddreg [dreg:$0x8];
	s25 =	simm.s32 $0x100  }
0x21: {  	[tilespmem:s25], [sflag:$0x1] =	stream.strided.gather [hbm4b:s5+s28], $0x4000, s29, s28, $0x38;
	[tilespmem:$0x18100] =	vst v63  }
0x22: {  	s26 =	rddreg [dreg:$0x9];
	s31 =	simm.s32 $0xC100  }
0x23: {  	[tilespmem:s31], [sflag:$0x4] =	stream.strided.gather [hbm4b:s26+s28], $0x4000, s29, s28, $0x38;
	[tilespmem:$0x18100] =	vst v63  }
0x24: {  	s0 =	rddreg [dreg:$0x6]  }
0x25: {  	[tilespmem:s4], [sflag:$0x9] =	stream.linear.gather [hbm4b:s0+s4], $0x80, $0x38;
	[tilespmem:$0x18100] =	vst v63  }
0x26: {  	s3 =	rddreg [dreg:$0x7];
	s12 =	simm.s32 $0x80;
	s6 =	simm.s32 $0x9  }
0x27: {  	[tilespmem:s12], [sflag:$0xC] =	stream.linear.gather [hbm4b:s3+s4], $0x80, $0x38;
	[tilespmem:$0x18100] =	vst v63  }
0x28: {  	_ =	swait.ge [sflag:s6], $0x80  }
0x29: {  	[sflag:s6] =	ssyncset.done $0x0  }
0x2a: {  	s8 =	simm.s32 $0xC;
	[sflag:s6] =	ssyncadd.s32 $0xFFFFFF80  }
0x2b: {  	_ =	swait.ge [sflag:s8], $0x80  }
0x2c: {  	[sflag:s8] =	ssyncset.done $0x0  }
0x2d: {  	[sflag:s8] =	ssyncadd.s32 $0xFFFFFF80  }
0x2e: {  	v19 =	vld [tilespmem:$0x0];
	_ =	sdelay $0x4  }
0x2f: {  	(v2sf) =	vpush v19, $0x1  }
0x30: {  	(v2sf) =	vpush v19, $0x2  }
0x31: {  	(v2sf) =	vpush v19, $0x3  }
0x32: {  	(v2sf) =	vpush v19, $0x4  }
0x33: {  	(v2sf) =	vpush v19, $0x5  }
0x34: {  	(v2sf) =	vpush v19, $0x6  }
0x35: {  	(v2sf) =	vpush v19, $0x7  }
0x36: {  	(v2sf) =	vpush v19, $0x9;
	_ =	sdelay $0x1  }
0x37: {  	(v2sf) =	vpush v19, $0xA  }
0x38: {  	(v2sf) =	vpush v19, $0xB  }
0x39: {  	(v2sf) =	vpush v19, $0xC  }
0x3a: {  	v11 =	vbroadcast v19, $0x1;
	(v2sf) =	vpush v19, $0xD  }
0x3b: {  	v13 =	vbroadcast v19, $0x2;
	(v2sf) =	vpush v19, $0xE  }
0x3c: {  	v12 =	vbroadcast v19, $0x3;
	vm2 =	vge.s32 v1, v11;
	(v2sf) =	vpush v19, $0xF  }
0x3d: {  	v15 =	vsel vm2, $0x1, v7;
	vm2 =	vge.s32 v1, v13;
	s9 =	spop (v2sf)  }
0x3e: {  	v14 =	vbroadcast v19, $0x4;
	v16 =	vsel vm2, $0x1, v7;
	vm2 =	vge.s32 v1, v12;
	s30 =	spop (v2sf)  }
0x3f: {  	v16 =	vadd.s32 v16, v15;
	v17 =	vsel vm2, $0x1, v7;
	v15 =	vbroadcast v19, $0x5;
	s20 =	spop (v2sf)  }
0x40: {  	vm2 =	vge.s32 v1, v14;
	v18 =	vadd.s32 v17, v16;
	v16 =	vbroadcast v19, $0x6;
	s24 =	spop (v2sf)  }
0x41: {  	v20 =	vsel vm2, $0x1, v7;
	v17 =	vbroadcast v19, $0x7;
	vm2 =	vge.s32 v1, v15;
	s25 =	spop (v2sf)  }
0x42: {  	v18 =	vadd.s32 v20, v18;
	v20 =	vsel vm2, $0x1, v7;
	vm2 =	vge.s32 v1, v16;
	s31 =	spop (v2sf)  }
0x43: {  	v18 =	vadd.s32 v20, v18;
	v20 =	vsel vm2, $0x1, v7;
	vm2 =	vge.s32 v1, v17;
	s13 =	spop (v2sf)  }
0x44: {  	v18 =	vadd.s32 v20, v18;
	v20 =	vsel vm2, $0x1, v7;
	s10 =	spop (v2sf)  }
0x45: {  	v20 =	vadd.s32 v20, v18;
	s12 =	ssub.s32 s10, s9  }
0x46: {  	vm2 =	veq.s32 v20, $0x1;
	s6 =	spop (v2sf);
	v18 =	vmov s12  }
0x47: {  	s12 =	spop (v2sf);
	s9 =	ssub.s32 s6, s30;
	v21 =	vnsel vm2, $0x0, v18;
	vm2 =	veq.s32 v20, $0x2  }
0x48: {  	s15 =	spop (v2sf);
	s3 =	ssub.s32 s12, s20;
	v21 =	vsel vm2, s9, v21;
	vm2 =	veq.s32 v20, $0x3  }
0x49: {  	s21 =	spop (v2sf);
	s8 =	ssub.s32 s15, s24;
	v21 =	vsel vm2, s3, v21;
	vm2 =	veq.s32 v20, $0x4  }
0x4a: {  	[dreg:$0x1c] =	wrdreg s12;
	s22 =	spop (v2sf);
	s12 =	ssub.s32 s21, s25;
	v21 =	vsel vm2, s8, v21;
	vm2 =	veq.s32 v20, $0x5  }
0x4b: {  	s24 =	spop (v2sf);
	s30 =	ssub.s32 s22, s31;
	v21 =	vsel vm2, s12, v21;
	vm2 =	veq.s32 v20, $0x6  }
0x4c: {  	s0 =	rddreg [dreg:$0xb];
	s31 =	ssub.s32 s24, s13;
	v21 =	vsel vm2, s30, v21;
	vm2 =	veq.s32 v20, $0x7  }
0x4d: {  	[dreg:$0x1b] =	wrdreg s10;
	v20 =	vsel vm2, s31, v21  }
0x4e: {  	[dreg:$0x1f] =	wrdreg s6;
	v20 =	vadd.s32 v1, v20  }
0x4f: {  	[dreg:$0x1d] =	wrdreg s15;
	v21 =	vshll.u32 v20, $0x4  }
0x50: {  	[dreg:$0x1e] =	wrdreg s21;
	v20 =	vand.u32 $0x7, v20;
	v21 =	vand.u32 $0xFFFFFF80, v21  }
0x51: {  	s26 =	simm.s32 $0x4100;
	s25 =	rddreg [dreg:$0xa];
	v21 =	vor.u32 v20, v21  }
0x52: {  	v20 =	vld [tilespmem:$0x80];
	[tilespmem:s26], [sflag:$0x2] =	stream.strided.gather [hbm4b:s25+s28], $0x4000, s29, s28, $0x38;
	v22 =	vperm.xlane v21, v8  }
0x53: {  	s6 =	simm.s32 $0x10100;
	[dreg:$0x1a] =	wrdreg s22  }
0x54: {  	[tilespmem:s6], [sflag:$0x5] =	stream.strided.gather [hbm4b:s0+s28], $0x4000, s29, s28, $0x38;
	v22 =	vadd.s32 v9, v22;
	[tilespmem:$0x18100] =	vst v63  }
0x55: {  	[dreg:$0x19] =	wrdreg s24;
	s6 =	simm.s32 $0x1  }
0x56: {  	_ =	swait.ge [sflag:s6], $0x4000  }
0x57: {  	[sflag:s6] =	ssyncset.done $0x0  }
0x58: {  	s7 =	simm.s32 $0x100;
	[sflag:s6] =	ssyncadd.s32 $0xFFFFC000  }
0x59: {  	[hbm4b:s2+s4] =	stream.indirect_vreg.scatter [tilespmem:s7], [sflag:$0x7], $0x80, v22, vm0, $0xb8;
	[tilespmem:$0x18100] =	vst v63  }
0x5a: {  	v21 =	vperm.xlane v21, v10;
	s7 =	simm.s32 $0x900  }
0x5b: {  	[hbm4b:s11+s4] =	stream.indirect_vreg.scatter [tilespmem:s7], [sflag:$0x7], $0x80, v22, vm0, $0xb8;
	[tilespmem:$0x18100] =	vst v63  }
0x5c: {  	s10 =	simm.s32 $0x1100;
	v21 =	vadd.s32 v9, v21  }
0x5d: {  	[hbm4b:s16+s4] =	stream.indirect_vreg.scatter [tilespmem:s10], [sflag:$0x7], $0x80, v22, vm0, $0xb8;
	[tilespmem:$0x18100] =	vst v63  }
0x5e: {  	s13 =	simm.s32 $0x1900  }
0x5f: {  	[hbm4b:s17+s4] =	stream.indirect_vreg.scatter [tilespmem:s13], [sflag:$0x7], $0x80, v22, vm0, $0xb8;
	[tilespmem:$0x18100] =	vst v63  }
0x60: {  	s20 =	simm.s32 $0x2100  }
0x61: {  	[hbm4b:s2+s4] =	stream.indirect_vreg.scatter [tilespmem:s20], [sflag:$0x7], $0x80, v21, vm0, $0xb8;
	[tilespmem:$0x18100] =	vst v63  }
0x62: {  	s21 =	simm.s32 $0x2900  }
0x63: {  	[hbm4b:s11+s4] =	stream.indirect_vreg.scatter [tilespmem:s21], [sflag:$0x7], $0x80, v21, vm0, $0xb8;
	[tilespmem:$0x18100] =	vst v63  }
0x64: {  	s24 =	simm.s32 $0x3100  }
0x65: {  	[hbm4b:s16+s4] =	stream.indirect_vreg.scatter [tilespmem:s24], [sflag:$0x7], $0x80, v21, vm0, $0xb8;
	[tilespmem:$0x18100] =	vst v63  }
0x66: {  	s25 =	simm.s32 $0x3900;
	s21 =	simm.s32 $0x4  }
0x67: {  	vm3 =	vge.s32 v2, v13;
	vm2 =	vge.s32 v2, v11;
	[hbm4b:s17+s4] =	stream.indirect_vreg.scatter [tilespmem:s25], [sflag:$0x7], $0x80, v21, vm0, $0xb8;
	[tilespmem:$0x18100] =	vst v63  }
0x68: {  	v24 =	vsel vm3, $0x1, v7;
	v23 =	vsel vm2, $0x1, v7;
	vm2 =	vge.s32 v2, v12;
	_ =	swait.ge [sflag:s21], $0x4000  }
0x69: {  	v23 =	vadd.s32 v24, v23;
	v24 =	vsel vm2, $0x1, v7;
	vm2 =	vge.s32 v2, v14;
	[sflag:s21] =	ssyncset.done $0x0  }
0x6a: {  	v23 =	vadd.s32 v24, v23;
	v24 =	vsel vm2, $0x1, v7;
	vm2 =	vge.s32 v2, v15;
	s13 =	simm.s32 $0xC100;
	[sflag:s21] =	ssyncadd.s32 $0xFFFFC000  }
0x6b: {  	v23 =	vadd.s32 v24, v23;
	v24 =	vsel vm2, $0x1, v7;
	vm2 =	vge.s32 v2, v16;
	[hbm4b:s18+s4] =	stream.indirect_vreg.scatter [tilespmem:s13], [sflag:$0xA], $0x80, v22, vm0, $0xb8;
	[tilespmem:$0x18100] =	vst v63  }
0x6c: {  	s5 =	simm.s32 $0xC900;
	v23 =	vadd.s32 v24, v23;
	v24 =	vsel vm2, $0x1, v7;
	vm2 =	vge.s32 v2, v17;
	s24 =	sadd.s32 $0x100, s18  }
0x6d: {  	v23 =	vadd.s32 v24, v23;
	v24 =	vsel vm2, $0x1, v7;
	[hbm4b:s24+s4] =	stream.indirect_vreg.scatter [tilespmem:s5], [sflag:$0xA], $0x80, v22, vm0, $0xb8;
	[tilespmem:$0x18100] =	vst v63  }
0x6e: {  	v23 =	vadd.s32 v24, v23;
	s7 =	simm.s32 $0xD100;
	s25 =	sadd.s32 $0x200, s18  }
0x6f: {  	vm2 =	veq.s32 v23, $0x1;
	[hbm4b:s25+s4] =	stream.indirect_vreg.scatter [tilespmem:s7], [sflag:$0xA], $0x80, v22, vm0, $0xb8;
	[tilespmem:$0x18100] =	vst v63  }
0x70: {  	v24 =	vnsel vm2, $0x0, v18;
	vm2 =	veq.s32 v23, $0x2;
	s10 =	simm.s32 $0xD900;
	s20 =	sadd.s32 $0x300, s18  }
0x71: {  	v24 =	vsel vm2, s9, v24;
	vm2 =	veq.s32 v23, $0x3;
	[hbm4b:s20+s4] =	stream.indirect_vreg.scatter [tilespmem:s10], [sflag:$0xA], $0x80, v22, vm0, $0xb8;
	[tilespmem:$0x18100] =	vst v63  }
0x72: {  	s5 =	simm.s32 $0xE100;
	v22 =	vsel vm2, s3, v24;
	vm2 =	veq.s32 v23, $0x4  }
0x73: {  	v22 =	vsel vm2, s8, v22;
	vm2 =	veq.s32 v23, $0x5;
	[hbm4b:s18+s4] =	stream.indirect_vreg.scatter [tilespmem:s5], [sflag:$0xA], $0x80, v21, vm0, $0xb8;
	[tilespmem:$0x18100] =	vst v63  }
0x74: {  	s7 =	simm.s32 $0xE900;
	v22 =	vsel vm2, s12, v22;
	vm2 =	veq.s32 v23, $0x6  }
0x75: {  	v22 =	vsel vm2, s30, v22;
	vm2 =	veq.s32 v23, $0x7;
	[hbm4b:s24+s4] =	stream.indirect_vreg.scatter [tilespmem:s7], [sflag:$0xA], $0x80, v21, vm0, $0xb8;
	[tilespmem:$0x18100] =	vst v63  }
0x76: {  	s10 =	simm.s32 $0xF100;
	v22 =	vsel vm2, s31, v22  }
0x77: {  	v22 =	vadd.s32 v2, v22;
	[hbm4b:s25+s4] =	stream.indirect_vreg.scatter [tilespmem:s10], [sflag:$0xA], $0x80, v21, vm0, $0xb8;
	[tilespmem:$0x18100] =	vst v63  }
0x78: {  	s5 =	simm.s32 $0xF900;
	v23 =	vshll.u32 v22, $0x4  }
0x79: {  	v22 =	vand.u32 $0x7, v22;
	v23 =	vand.u32 $0xFFFFFF80, v23;
	[hbm4b:s20+s4] =	stream.indirect_vreg.scatter [tilespmem:s5], [sflag:$0xA], $0x80, v21, vm0, $0xb8;
	[tilespmem:$0x18100] =	vst v63  }
0x7a: {  	s7 =	rddreg [dreg:$0xc];
	s10 =	simm.s32 $0x8100;
	v21 =	vor.u32 v22, v23  }
0x7b: {  	v22 =	vperm.xlane v21, v8;
	[tilespmem:s10], [sflag:$0x3] =	stream.strided.gather [hbm4b:s7+s28], $0x4000, s29, s28, $0x38;
	[tilespmem:$0x18100] =	vst v63  }
0x7c: {  	s7 =	rddreg [dreg:$0xd];
	s10 =	simm.s32 $0x14100  }
0x7d: {  	v22 =	vadd.s32 v9, v22;
	[tilespmem:s10], [sflag:$0x6] =	stream.strided.gather [hbm4b:s7+s28], $0x4000, s29, s28, $0x38;
	[tilespmem:$0x18100] =	vst v63  }
0x7e: {  	s10 =	simm.s32 $0x2  }
0x7f: {  	_ =	swait.ge [sflag:s10], $0x4000  }
0x80: {  	[sflag:s10] =	ssyncset.done $0x0  }
0x81: {  	s15 =	simm.s32 $0x4100;
	[sflag:s10] =	ssyncadd.s32 $0xFFFFC000  }
0x82: {  	[hbm4b:s2+s4] =	stream.indirect_vreg.scatter [tilespmem:s15], [sflag:$0x8], $0x80, v22, vm0, $0xb8;
	[tilespmem:$0x18100] =	vst v63  }
0x83: {  	v21 =	vperm.xlane v21, v10;
	s15 =	simm.s32 $0x4900  }
0x84: {  	[hbm4b:s11+s4] =	stream.indirect_vreg.scatter [tilespmem:s15], [sflag:$0x8], $0x80, v22, vm0, $0xb8;
	[tilespmem:$0x18100] =	vst v63  }
0x85: {  	v21 =	vadd.s32 v9, v21;
	s7 =	simm.s32 $0x5100  }
0x86: {  	[hbm4b:s16+s4] =	stream.indirect_vreg.scatter [tilespmem:s7], [sflag:$0x8], $0x80, v22, vm0, $0xb8;
	[tilespmem:$0x18100] =	vst v63  }
0x87: {  	s15 =	simm.s32 $0x5900  }
0x88: {  	[hbm4b:s17+s4] =	stream.indirect_vreg.scatter [tilespmem:s15], [sflag:$0x8], $0x80, v22, vm0, $0xb8;
	[tilespmem:$0x18100] =	vst v63  }
0x89: {  	s7 =	simm.s32 $0x6100  }
0x8a: {  	[hbm4b:s2+s4] =	stream.indirect_vreg.scatter [tilespmem:s7], [sflag:$0x8], $0x80, v21, vm0, $0xb8;
	[tilespmem:$0x18100] =	vst v63  }
0x8b: {  	s15 =	simm.s32 $0x6900  }
0x8c: {  	[hbm4b:s11+s4] =	stream.indirect_vreg.scatter [tilespmem:s15], [sflag:$0x8], $0x80, v21, vm0, $0xb8;
	[tilespmem:$0x18100] =	vst v63  }
0x8d: {  	s7 =	simm.s32 $0x7100  }
0x8e: {  	[hbm4b:s16+s4] =	stream.indirect_vreg.scatter [tilespmem:s7], [sflag:$0x8], $0x80, v21, vm0, $0xb8;
	[tilespmem:$0x18100] =	vst v63  }
0x8f: {  	s15 =	simm.s32 $0x7900;
	s7 =	simm.s32 $0x5  }
0x90: {  	[hbm4b:s17+s4] =	stream.indirect_vreg.scatter [tilespmem:s15], [sflag:$0x8], $0x80, v21, vm0, $0xb8;
	[tilespmem:$0x18100] =	vst v63  }
0x91: {  	_ =	swait.ge [sflag:s7], $0x4000  }
0x92: {  	[sflag:s7] =	ssyncset.done $0x0  }
0x93: {  	s22 =	simm.s32 $0x10100;
	[sflag:s7] =	ssyncadd.s32 $0xFFFFC000  }
0x94: {  	vm3 =	vge.s32 v3, v13;
	vm2 =	vge.s32 v3, v11;
	[hbm4b:s18+s4] =	stream.indirect_vreg.scatter [tilespmem:s22], [sflag:$0xB], $0x80, v22, vm0, $0xb8;
	[tilespmem:$0x18100] =	vst v63  }
0x95: {  	v24 =	vsel vm3, $0x1, v7;
	v23 =	vsel vm2, $0x1, v7;
	vm2 =	vge.s32 v3, v12;
	s22 =	simm.s32 $0x10900  }
0x96: {  	v23 =	vadd.s32 v24, v23;
	v24 =	vsel vm2, $0x1, v7;
	vm2 =	vge.s32 v3, v14;
	[hbm4b:s24+s4] =	stream.indirect_vreg.scatter [tilespmem:s22], [sflag:$0xB], $0x80, v22, vm0, $0xb8;
	[tilespmem:$0x18100] =	vst v63  }
0x97: {  	v23 =	vadd.s32 v24, v23;
	v24 =	vsel vm2, $0x1, v7;
	vm2 =	vge.s32 v3, v15;
	s15 =	simm.s32 $0x11100  }
0x98: {  	v23 =	vadd.s32 v24, v23;
	v24 =	vsel vm2, $0x1, v7;
	vm2 =	vge.s32 v3, v16;
	[hbm4b:s25+s4] =	stream.indirect_vreg.scatter [tilespmem:s15], [sflag:$0xB], $0x80, v22, vm0, $0xb8;
	[tilespmem:$0x18100] =	vst v63  }
0x99: {  	v23 =	vadd.s32 v24, v23;
	v24 =	vsel vm2, $0x1, v7;
	vm2 =	vge.s32 v3, v17;
	s22 =	simm.s32 $0x11900  }
0x9a: {  	v23 =	vadd.s32 v24, v23;
	v24 =	vsel vm2, $0x1, v7;
	[hbm4b:s20+s4] =	stream.indirect_vreg.scatter [tilespmem:s22], [sflag:$0xB], $0x80, v22, vm0, $0xb8;
	[tilespmem:$0x18100] =	vst v63  }
0x9b: {  	s15 =	simm.s32 $0x12100;
	v22 =	vadd.s32 v24, v23  }
0x9c: {  	vm2 =	veq.s32 v22, $0x1;
	[hbm4b:s18+s4] =	stream.indirect_vreg.scatter [tilespmem:s15], [sflag:$0xB], $0x80, v21, vm0, $0xb8;
	[tilespmem:$0x18100] =	vst v63  }
0x9d: {  	s22 =	simm.s32 $0x12900;
	v23 =	vnsel vm2, $0x0, v18;
	vm2 =	veq.s32 v22, $0x2  }
0x9e: {  	v23 =	vsel vm2, s9, v23;
	vm2 =	veq.s32 v22, $0x3;
	[hbm4b:s24+s4] =	stream.indirect_vreg.scatter [tilespmem:s22], [sflag:$0xB], $0x80, v21, vm0, $0xb8;
	[tilespmem:$0x18100] =	vst v63  }
0x9f: {  	s15 =	simm.s32 $0x13100;
	v23 =	vsel vm2, s3, v23;
	vm2 =	veq.s32 v22, $0x4  }
0xa0: {  	v23 =	vsel vm2, s8, v23;
	vm2 =	veq.s32 v22, $0x5;
	[hbm4b:s25+s4] =	stream.indirect_vreg.scatter [tilespmem:s15], [sflag:$0xB], $0x80, v21, vm0, $0xb8;
	[tilespmem:$0x18100] =	vst v63  }
0xa1: {  	s22 =	simm.s32 $0x13900;
	v23 =	vsel vm2, s12, v23;
	vm2 =	veq.s32 v22, $0x6;
	s15 =	simm.s32 $0x7  }
0xa2: {  	v23 =	vsel vm2, s30, v23;
	vm2 =	veq.s32 v22, $0x7;
	[hbm4b:s20+s4] =	stream.indirect_vreg.scatter [tilespmem:s22], [sflag:$0xB], $0x80, v21, vm0, $0xb8;
	[tilespmem:$0x18100] =	vst v63  }
0xa3: {  	v21 =	vsel vm2, s31, v23;
	_ =	swait.ge [sflag:s15], $0x4000  }
0xa4: {  	v21 =	vadd.s32 v3, v21;
	[sflag:s15] =	ssyncset.done $0x0  }
0xa5: {  	s26 =	simm.s32 $0x100;
	v22 =	vshll.u32 v21, $0x4;
	s22 =	rddreg [dreg:$0x12];
	[sflag:s15] =	ssyncadd.s32 $0xFFFFC000  }
0xa6: {  	v21 =	vand.u32 $0x7, v21;
	v22 =	vand.u32 $0xFFFFFF80, v22;
	[tilespmem:s26], [sflag:$0x1] =	stream.strided.gather [hbm4b:s22+s28], $0x4000, s29, s28, $0x38;
	[tilespmem:$0x18100] =	vst v63  }
0xa7: {  	v21 =	vor.u32 v21, v22;
	_ =	swait.ge [sflag:s19], $0x4000  }
0xa8: {  	v22 =	vperm.xlane v21, v8;
	[sflag:s19] =	ssyncset.done $0x0  }
0xa9: {  	s26 =	rddreg [dreg:$0x13];
	[sflag:s19] =	ssyncadd.s32 $0xFFFFC000  }
0xaa: {  	v22 =	vadd.s32 v9, v22;
	[tilespmem:s13], [sflag:$0x4] =	stream.strided.gather [hbm4b:s26+s28], $0x4000, s29, s28, $0x38;
	[tilespmem:$0x18100] =	vst v63  }
0xab: {  	s26 =	simm.s32 $0x3  }
0xac: {  	_ =	swait.ge [sflag:s26], $0x4000  }
0xad: {  	[sflag:s26] =	ssyncset.done $0x0  }
0xae: {  	s0 =	simm.s32 $0x8100;
	[sflag:s26] =	ssyncadd.s32 $0xFFFFC000  }
0xaf: {  	[hbm4b:s2+s4] =	stream.indirect_vreg.scatter [tilespmem:s0], [sflag:$0x9], $0x80, v22, vm0, $0xb8;
	[tilespmem:$0x18100] =	vst v63  }
0xb0: {  	s15 =	simm.s32 $0x8900;
	v21 =	vperm.xlane v21, v10  }
0xb1: {  	[hbm4b:s11+s4] =	stream.indirect_vreg.scatter [tilespmem:s15], [sflag:$0x9], $0x80, v22, vm0, $0xb8;
	[tilespmem:$0x18100] =	vst v63  }
0xb2: {  	s22 =	simm.s32 $0x9100;
	v25 =	vadd.s32 v9, v21  }
0xb3: {  	[hbm4b:s16+s4] =	stream.indirect_vreg.scatter [tilespmem:s22], [sflag:$0x9], $0x80, v22, vm0, $0xb8;
	[tilespmem:$0x18100] =	vst v63  }
0xb4: {  	s0 =	simm.s32 $0x9900  }
0xb5: {  	[hbm4b:s17+s4] =	stream.indirect_vreg.scatter [tilespmem:s0], [sflag:$0x9], $0x80, v22, vm0, $0xb8;
	[tilespmem:$0x18100] =	vst v63  }
0xb6: {  	s13 =	simm.s32 $0xA100  }
0xb7: {  	[hbm4b:s2+s4] =	stream.indirect_vreg.scatter [tilespmem:s13], [sflag:$0x9], $0x80, v25, vm0, $0xb8;
	[tilespmem:$0x18100] =	vst v63  }
0xb8: {  	s15 =	simm.s32 $0xA900  }
0xb9: {  	[hbm4b:s11+s4] =	stream.indirect_vreg.scatter [tilespmem:s15], [sflag:$0x9], $0x80, v25, vm0, $0xb8;
	[tilespmem:$0x18100] =	vst v63  }
0xba: {  	s22 =	simm.s32 $0xB100  }
0xbb: {  	[hbm4b:s16+s4] =	stream.indirect_vreg.scatter [tilespmem:s22], [sflag:$0x9], $0x80, v25, vm0, $0xb8;
	[tilespmem:$0x18100] =	vst v63  }
0xbc: {  	s0 =	simm.s32 $0xB900  }
0xbd: {  	[hbm4b:s17+s4] =	stream.indirect_vreg.scatter [tilespmem:s0], [sflag:$0x9], $0x80, v25, vm0, $0xb8;
	[tilespmem:$0x18100] =	vst v63  }
0xbe: {  	_ =	swait.ge [sflag:s14], $0x4000  }
0xbf: {  	[sflag:s14] =	ssyncset.done $0x0;
	s5 =	rddreg [dreg:$0x11]  }
0xc0: {  	s13 =	simm.s32 $0x14100;
	[sflag:s14] =	ssyncadd.s32 $0xFFFFC000;
	s15 =	sadd.s32 $0xFFFFFFE0, s5  }
0xc1: {  	[hbm4b:s18+s4] =	stream.indirect_vreg.scatter [tilespmem:s13], [sflag:$0xC], $0x80, v22, vm0, $0xb8;
	[tilespmem:$0x18100] =	vst v63  }
0xc2: {  	s22 =	simm.s32 $0x14900;
	v27 =	vor.u32 s15, v0  }
0xc3: {  	vm2 =	vge.s32 v27, v11;
	vm3 =	vge.s32 v27, v13;
	[hbm4b:s24+s4] =	stream.indirect_vreg.scatter [tilespmem:s22], [sflag:$0xC], $0x80, v22, vm0, $0xb8;
	[tilespmem:$0x18100] =	vst v63  }
0xc4: {  	s13 =	simm.s32 $0x15100;
	vm4 =	vge.s32 v27, v12;
	v21 =	vsel vm2, $0x1, v7;
	v23 =	vsel vm3, $0x1, v7  }
0xc5: {  	vm2 =	vge.s32 v27, v14;
	v21 =	vadd.s32 v23, v21;
	v23 =	vsel vm4, $0x1, v7;
	[hbm4b:s25+s4] =	stream.indirect_vreg.scatter [tilespmem:s13], [sflag:$0xC], $0x80, v22, vm0, $0xb8;
	[tilespmem:$0x18100] =	vst v63  }
0xc6: {  	s15 =	simm.s32 $0x15900;
	vm3 =	vge.s32 v27, v15;
	v21 =	vadd.s32 v23, v21;
	v23 =	vsel vm2, $0x1, v7  }
0xc7: {  	vm2 =	vge.s32 v27, v16;
	v21 =	vadd.s32 v23, v21;
	[hbm4b:s20+s4] =	stream.indirect_vreg.scatter [tilespmem:s15], [sflag:$0xC], $0x80, v22, vm0, $0xb8;
	v22 =	vsel vm3, $0x1, v7;
	[tilespmem:$0x18100] =	vst v63  }
0xc8: {  	vm3 =	vge.s32 v27, v17;
	v21 =	vadd.s32 v22, v21;
	v22 =	vsel vm2, $0x1, v7  }
0xc9: {  	s22 =	simm.s32 $0x16100;
	v21 =	vadd.s32 v22, v21;
	v22 =	vsel vm3, $0x1, v7  }
0xca: {  	[hbm4b:s18+s4] =	stream.indirect_vreg.scatter [tilespmem:s22], [sflag:$0xC], $0x80, v25, vm0, $0xb8;
	v28 =	vadd.s32 v22, v21;
	[tilespmem:$0x18100] =	vst v63  }
0xcb: {  	s13 =	simm.s32 $0x16900;
	vm2 =	veq.s32 v28, $0x1  }
0xcc: {  	v21 =	vmov s9;
	[hbm4b:s24+s4] =	stream.indirect_vreg.scatter [tilespmem:s13], [sflag:$0xC], $0x80, v25, vm0, $0xb8;
	v23 =	vnsel vm2, $0x0, v18;
	vm2 =	veq.s32 v28, $0x2;
	[tilespmem:$0x18100] =	vst v63  }
0xcd: {  	s15 =	simm.s32 $0x17100;
	v22 =	vmov s3;
	v24 =	vsel vm2, v21, v23;
	vm2 =	veq.s32 v28, $0x3  }
0xce: {  	[hbm4b:s25+s4] =	stream.indirect_vreg.scatter [tilespmem:s15], [sflag:$0xC], $0x80, v25, vm0, $0xb8;
	v23 =	vmov s8;
	v26 =	vsel vm2, v22, v24;
	vm2 =	veq.s32 v28, $0x4;
	[tilespmem:$0x18100] =	vst v63  }
0xcf: {  	s22 =	simm.s32 $0x17900;
	vm3 =	veq.s32 v28, $0x5;
	v24 =	vmov s12;
	v26 =	vsel vm2, v23, v26  }
0xd0: {  	[hbm4b:s20+s4] =	stream.indirect_vreg.scatter [tilespmem:s22], [sflag:$0xC], $0x80, v25, vm0, $0xb8;
	v25 =	vmov s30;
	vm2 =	veq.s32 v28, $0x6;
	v29 =	vsel vm3, v24, v26;
	[tilespmem:$0x18100] =	vst v63  }
0xd1: {  	v26 =	vmov s31;
	v29 =	vsel vm2, v25, v29;
	vm2 =	veq.s32 v28, $0x7  }
0xd2: {  	_ =	swait.ge [sflag:s1], $0x4000;
	v28 =	vsel vm2, v26, v29  }
0xd3: {  	s31 =	rddreg [dreg:$0x5];
	v27 =	vadd.s32 v27, v28  }
0xd4: {  	[sflag:s1] =	ssyncset.done $0x0;
	s12 =	sadd.s32 $0x0, s31;
	v28 =	vshll.u32 v27, $0x4  }
0xd5: {  	s15 =	simm.s32 $0x4100;
	[sflag:s1] =	ssyncadd.s32 $0xFFFFC000;
	s0 =	sadd.s32 $0x4000, s12;
	v27 =	vand.u32 $0x7, v27;
	v28 =	vand.u32 $0xFFFFFF80, v28  }
0xd6: {  	[tilespmem:s15], [sflag:$0x2] =	stream.strided.gather [hbm4b:s0+s28], $0x4000, s29, s28, $0x38;
	v27 =	vor.u32 v27, v28;
	[tilespmem:$0x18100] =	vst v63  }
0xd7: {  	_ =	swait.ge [sflag:s23], $0x4000;
	v28 =	vperm.xlane v27, v8  }
0xd8: {  	[sflag:s23] =	ssyncset.done $0x0  }
0xd9: {  	s31 =	simm.s32 $0x10100;
	s3 =	sadd.s32 $0x4400, s12;
	[sflag:s23] =	ssyncadd.s32 $0xFFFFC000;
	v28 =	vadd.s32 v9, v28  }
0xda: {  	[tilespmem:s31], [sflag:$0x5] =	stream.strided.gather [hbm4b:s3+s28], $0x4000, s29, s28, $0x38;
	[tilespmem:$0x18100] =	vst v63  }
0xdb: {  	_ =	swait.ge [sflag:s6], $0x4000  }
0xdc: {  	[sflag:s6] =	ssyncset.done $0x0  }
0xdd: {  	[sflag:s6] =	ssyncadd.s32 $0xFFFFC000;
	s6 =	simm.s32 $0x100  }
0xde: {  	[hbm4b:s2+s4] =	stream.indirect_vreg.scatter [tilespmem:s6], [sflag:$0x7], $0x80, v28, vm0, $0xb8;
	[tilespmem:$0x18100] =	vst v63  }
0xdf: {  	s8 =	simm.s32 $0x900;
	v27 =	vperm.xlane v27, v10  }
0xe0: {  	[hbm4b:s11+s4] =	stream.indirect_vreg.scatter [tilespmem:s8], [sflag:$0x7], $0x80, v28, vm0, $0xb8;
	[tilespmem:$0x18100] =	vst v63  }
0xe1: {  	s9 =	simm.s32 $0x1100;
	v27 =	vadd.s32 v9, v27  }
0xe2: {  	[hbm4b:s16+s4] =	stream.indirect_vreg.scatter [tilespmem:s9], [sflag:$0x7], $0x80, v28, vm0, $0xb8;
	[tilespmem:$0x18100] =	vst v63  }
0xe3: {  	s13 =	simm.s32 $0x1900  }
0xe4: {  	[hbm4b:s17+s4] =	stream.indirect_vreg.scatter [tilespmem:s13], [sflag:$0x7], $0x80, v28, vm0, $0xb8;
	[tilespmem:$0x18100] =	vst v63  }
0xe5: {  	s22 =	simm.s32 $0x2100  }
0xe6: {  	[hbm4b:s2+s4] =	stream.indirect_vreg.scatter [tilespmem:s22], [sflag:$0x7], $0x80, v27, vm0, $0xb8;
	[tilespmem:$0x18100] =	vst v63  }
0xe7: {  	s3 =	simm.s32 $0x2900  }
0xe8: {  	[hbm4b:s11+s4] =	stream.indirect_vreg.scatter [tilespmem:s3], [sflag:$0x7], $0x80, v27, vm0, $0xb8;
	[tilespmem:$0x18100] =	vst v63  }
0xe9: {  	s6 =	simm.s32 $0x3100  }
0xea: {  	[hbm4b:s16+s4] =	stream.indirect_vreg.scatter [tilespmem:s6], [sflag:$0x7], $0x80, v27, vm0, $0xb8;
	[tilespmem:$0x18100] =	vst v63  }
0xeb: {  	s8 =	simm.s32 $0x3900  }
0xec: {  	[hbm4b:s17+s4] =	stream.indirect_vreg.scatter [tilespmem:s8], [sflag:$0x7], $0x80, v27, vm0, $0xb8;
	[tilespmem:$0x18100] =	vst v63  }
0xed: {  	s9 =	sadd.s32 $0xFFFFFFF0, s5;
	_ =	swait.ge [sflag:s21], $0x4000  }
0xee: {  	v29 =	vor.u32 s9, v0;
	[sflag:s21] =	ssyncset.done $0x0  }
0xef: {  	vm2 =	vge.s32 v29, v11;
	vm3 =	vge.s32 v29, v13;
	[sflag:s21] =	ssyncadd.s32 $0xFFFFC000;
	s21 =	simm.s32 $0xC100  }
0xf0: {  	vm4 =	vge.s32 v29, v12;
	v30 =	vsel vm2, $0x1, v7;
	v31 =	vsel vm3, $0x1, v7;
	[hbm4b:s18+s4] =	stream.indirect_vreg.scatter [tilespmem:s21], [sflag:$0xA], $0x80, v28, vm0, $0xb8;
	[tilespmem:$0x18100] =	vst v63  }
0xf1: {  	vm2 =	vge.s32 v29, v14;
	v30 =	vadd.s32 v31, v30;
	v31 =	vsel vm4, $0x1, v7;
	s22 =	simm.s32 $0xC900  }
0xf2: {  	vm3 =	vge.s32 v29, v15;
	v30 =	vadd.s32 v31, v30;
	v31 =	vsel vm2, $0x1, v7;
	[hbm4b:s24+s4] =	stream.indirect_vreg.scatter [tilespmem:s22], [sflag:$0xA], $0x80, v28, vm0, $0xb8;
	[tilespmem:$0x18100] =	vst v63  }
0xf3: {  	vm2 =	vge.s32 v29, v16;
	v30 =	vadd.s32 v31, v30;
	v31 =	vsel vm3, $0x1, v7;
	s3 =	simm.s32 $0xD100  }
0xf4: {  	vm3 =	vge.s32 v29, v17;
	v30 =	vadd.s32 v31, v30;
	v31 =	vsel vm2, $0x1, v7;
	[hbm4b:s25+s4] =	stream.indirect_vreg.scatter [tilespmem:s3], [sflag:$0xA], $0x80, v28, vm0, $0xb8;
	[tilespmem:$0x18100] =	vst v63  }
0xf5: {  	v30 =	vadd.s32 v31, v30;
	v31 =	vsel vm3, $0x1, v7;
	s6 =	simm.s32 $0xD900  }
0xf6: {  	[hbm4b:s20+s4] =	stream.indirect_vreg.scatter [tilespmem:s6], [sflag:$0xA], $0x80, v28, vm0, $0xb8;
	v28 =	vadd.s32 v31, v30;
	[tilespmem:$0x18100] =	vst v63  }
0xf7: {  	s9 =	simm.s32 $0xE100;
	vm2 =	veq.s32 v28, $0x1  }
0xf8: {  	[hbm4b:s18+s4] =	stream.indirect_vreg.scatter [tilespmem:s9], [sflag:$0xA], $0x80, v27, vm0, $0xb8;
	v30 =	vnsel vm2, $0x0, v18;
	vm2 =	veq.s32 v28, $0x2;
	[tilespmem:$0x18100] =	vst v63  }
0xf9: {  	s13 =	simm.s32 $0xE900;
	v30 =	vsel vm2, v21, v30;
	vm2 =	veq.s32 v28, $0x3  }
0xfa: {  	[hbm4b:s24+s4] =	stream.indirect_vreg.scatter [tilespmem:s13], [sflag:$0xA], $0x80, v27, vm0, $0xb8;
	v30 =	vsel vm2, v22, v30;
	vm2 =	veq.s32 v28, $0x4;
	[tilespmem:$0x18100] =	vst v63  }
0xfb: {  	s21 =	simm.s32 $0xF100;
	v30 =	vsel vm2, v23, v30;
	vm2 =	veq.s32 v28, $0x5  }
0xfc: {  	[hbm4b:s25+s4] =	stream.indirect_vreg.scatter [tilespmem:s21], [sflag:$0xA], $0x80, v27, vm0, $0xb8;
	v30 =	vsel vm2, v24, v30;
	vm2 =	veq.s32 v28, $0x6;
	[tilespmem:$0x18100] =	vst v63  }
0xfd: {  	s22 =	simm.s32 $0xF900;
	s3 =	simm.s32 $0x9;
	v30 =	vsel vm2, v25, v30;
	vm2 =	veq.s32 v28, $0x7  }
0xfe: {  	[hbm4b:s20+s4] =	stream.indirect_vreg.scatter [tilespmem:s22], [sflag:$0xA], $0x80, v27, vm0, $0xb8;
	v27 =	vsel vm2, v26, v30;
	[tilespmem:$0x18100] =	vst v63  }
0xff: {  	_ =	swait.ge [sflag:s3], $0x4000;
	v27 =	vadd.s32 v29, v27  }
0x100: {  	s6 =	simm.s32 $0x9;
	s9 =	sadd.s32 $0x5000, s12;
	[sflag:s3] =	ssyncset.done $0x0;
	v28 =	vshll.u32 v27, $0x4  }
0x101: {  	s13 =	simm.s32 $0xC;
	v27 =	vand.u32 $0x7, v27;
	s3 =	simm.s32 $0x8100;
	[sflag:s6] =	ssyncadd.s32 $0xFFFFC000;
	v28 =	vand.u32 $0xFFFFFF80, v28  }
0x102: {  	[tilespmem:s3], [sflag:$0x3] =	stream.strided.gather [hbm4b:s9+s28], $0x4000, s29, s28, $0x38;
	v27 =	vor.u32 v27, v28;
	[tilespmem:$0x18100] =	vst v63  }
0x103: {  	_ =	swait.ge [sflag:s13], $0x4000;
	v28 =	vperm.xlane v27, v8  }
0x104: {  	[sflag:s13] =	ssyncset.done $0x0  }
0x105: {  	s0 =	simm.s32 $0x14100;
	s21 =	sadd.s32 $0x5400, s12;
	[sflag:s13] =	ssyncadd.s32 $0xFFFFC000;
	v28 =	vadd.s32 v9, v28  }
0x106: {  	[tilespmem:s0], [sflag:$0x6] =	stream.strided.gather [hbm4b:s21+s28], $0x4000, s29, s28, $0x38;
	[tilespmem:$0x18100] =	vst v63  }
0x107: {  	_ =	swait.ge [sflag:s10], $0x4000  }
0x108: {  	[sflag:s10] =	ssyncset.done $0x0  }
0x109: {  	[sflag:s10] =	ssyncadd.s32 $0xFFFFC000  }
0x10a: {  	[hbm4b:s2+s4] =	stream.indirect_vreg.scatter [tilespmem:s15], [sflag:$0x8], $0x80, v28, vm0, $0xb8;
	[tilespmem:$0x18100] =	vst v63  }
0x10b: {  	s22 =	simm.s32 $0x4900;
	v27 =	vperm.xlane v27, v10  }
0x10c: {  	[hbm4b:s11+s4] =	stream.indirect_vreg.scatter [tilespmem:s22], [sflag:$0x8], $0x80, v28, vm0, $0xb8;
	[tilespmem:$0x18100] =	vst v63  }
0x10d: {  	s9 =	simm.s32 $0x5100;
	v27 =	vadd.s32 v9, v27  }
0x10e: {  	[hbm4b:s16+s4] =	stream.indirect_vreg.scatter [tilespmem:s9], [sflag:$0x8], $0x80, v28, vm0, $0xb8;
	[tilespmem:$0x18100] =	vst v63  }
0x10f: {  	s10 =	simm.s32 $0x5900  }
0x110: {  	[hbm4b:s17+s4] =	stream.indirect_vreg.scatter [tilespmem:s10], [sflag:$0x8], $0x80, v28, vm0, $0xb8;
	[tilespmem:$0x18100] =	vst v63  }
0x111: {  	s13 =	simm.s32 $0x6100  }
0x112: {  	[hbm4b:s2+s4] =	stream.indirect_vreg.scatter [tilespmem:s13], [sflag:$0x8], $0x80, v27, vm0, $0xb8;
	[tilespmem:$0x18100] =	vst v63  }
0x113: {  	s15 =	simm.s32 $0x6900  }
0x114: {  	[hbm4b:s11+s4] =	stream.indirect_vreg.scatter [tilespmem:s15], [sflag:$0x8], $0x80, v27, vm0, $0xb8;
	[tilespmem:$0x18100] =	vst v63  }
0x115: {  	s21 =	simm.s32 $0x7100  }
0x116: {  	[hbm4b:s16+s4] =	stream.indirect_vreg.scatter [tilespmem:s21], [sflag:$0x8], $0x80, v27, vm0, $0xb8;
	[tilespmem:$0x18100] =	vst v63  }
0x117: {  	s22 =	simm.s32 $0x7900  }
0x118: {  	[hbm4b:s17+s4] =	stream.indirect_vreg.scatter [tilespmem:s22], [sflag:$0x8], $0x80, v27, vm0, $0xb8;
	[tilespmem:$0x18100] =	vst v63  }
0x119: {  	_ =	swait.ge [sflag:s7], $0x4000  }
0x11a: {  	v29 =	vor.u32 s5, v0;
	[sflag:s7] =	ssyncset.done $0x0  }
0x11b: {  	vm2 =	vge.s32 v29, v11;
	vm3 =	vge.s32 v29, v13;
	[sflag:s7] =	ssyncadd.s32 $0xFFFFC000  }
0x11c: {  	vm4 =	vge.s32 v29, v12;
	v30 =	vsel vm2, $0x1, v7;
	v31 =	vsel vm3, $0x1, v7;
	[hbm4b:s18+s4] =	stream.indirect_vreg.scatter [tilespmem:s31], [sflag:$0xB], $0x80, v28, vm0, $0xb8;
	[tilespmem:$0x18100] =	vst v63  }
0x11d: {  	vm2 =	vge.s32 v29, v14;
	v30 =	vadd.s32 v31, v30;
	v31 =	vsel vm4, $0x1, v7;
	s31 =	simm.s32 $0x10900  }
0x11e: {  	vm3 =	vge.s32 v29, v15;
	v30 =	vadd.s32 v31, v30;
	v31 =	vsel vm2, $0x1, v7;
	[hbm4b:s24+s4] =	stream.indirect_vreg.scatter [tilespmem:s31], [sflag:$0xB], $0x80, v28, vm0, $0xb8;
	[tilespmem:$0x18100] =	vst v63  }
0x11f: {  	vm2 =	vge.s32 v29, v16;
	v30 =	vadd.s32 v31, v30;
	v31 =	vsel vm3, $0x1, v7;
	s7 =	simm.s32 $0x11100  }
0x120: {  	vm3 =	vge.s32 v29, v17;
	v30 =	vadd.s32 v31, v30;
	v31 =	vsel vm2, $0x1, v7;
	[hbm4b:s25+s4] =	stream.indirect_vreg.scatter [tilespmem:s7], [sflag:$0xB], $0x80, v28, vm0, $0xb8;
	[tilespmem:$0x18100] =	vst v63  }
0x121: {  	v30 =	vadd.s32 v31, v30;
	v31 =	vsel vm3, $0x1, v7;
	s9 =	simm.s32 $0x11900  }
0x122: {  	[hbm4b:s20+s4] =	stream.indirect_vreg.scatter [tilespmem:s9], [sflag:$0xB], $0x80, v28, vm0, $0xb8;
	v28 =	vadd.s32 v31, v30;
	[tilespmem:$0x18100] =	vst v63  }
0x123: {  	s13 =	simm.s32 $0x12100;
	vm2 =	veq.s32 v28, $0x1  }
0x124: {  	[hbm4b:s18+s4] =	stream.indirect_vreg.scatter [tilespmem:s13], [sflag:$0xB], $0x80, v27, vm0, $0xb8;
	v30 =	vnsel vm2, $0x0, v18;
	vm2 =	veq.s32 v28, $0x2;
	[tilespmem:$0x18100] =	vst v63  }
0x125: {  	s15 =	simm.s32 $0x12900;
	v30 =	vsel vm2, v21, v30;
	vm2 =	veq.s32 v28, $0x3  }
0x126: {  	[hbm4b:s24+s4] =	stream.indirect_vreg.scatter [tilespmem:s15], [sflag:$0xB], $0x80, v27, vm0, $0xb8;
	v30 =	vsel vm2, v22, v30;
	vm2 =	veq.s32 v28, $0x4;
	[tilespmem:$0x18100] =	vst v63  }
0x127: {  	s22 =	simm.s32 $0x13100;
	v30 =	vsel vm2, v23, v30;
	vm2 =	veq.s32 v28, $0x5  }
0x128: {  	[hbm4b:s25+s4] =	stream.indirect_vreg.scatter [tilespmem:s22], [sflag:$0xB], $0x80, v27, vm0, $0xb8;
	v30 =	vsel vm2, v24, v30;
	vm2 =	veq.s32 v28, $0x6;
	[tilespmem:$0x18100] =	vst v63  }
0x129: {  	s31 =	simm.s32 $0x13900;
	s9 =	simm.s32 $0x7;
	v30 =	vsel vm2, v25, v30;
	vm2 =	veq.s32 v28, $0x7  }
0x12a: {  	[hbm4b:s20+s4] =	stream.indirect_vreg.scatter [tilespmem:s31], [sflag:$0xB], $0x80, v27, vm0, $0xb8;
	v27 =	vsel vm2, v26, v30;
	[tilespmem:$0x18100] =	vst v63  }
0x12b: {  	_ =	swait.ge [sflag:s9], $0x4000;
	v27 =	vadd.s32 v29, v27  }
0x12c: {  	s13 =	simm.s32 $0x7;
	[sflag:s9] =	ssyncset.done $0x0;
	v28 =	vshll.u32 v27, $0x4  }
0x12d: {  	s30 =	simm.s32 $0x100;
	s31 =	sadd.s32 $0x6000, s12;
	v27 =	vand.u32 $0x7, v27;
	[sflag:s13] =	ssyncadd.s32 $0xFFFFC000;
	v28 =	vand.u32 $0xFFFFFF80, v28  }
0x12e: {  	[tilespmem:s30], [sflag:$0x1] =	stream.strided.gather [hbm4b:s31+s28], $0x4000, s29, s28, $0x38;
	v27 =	vor.u32 v27, v28;
	[tilespmem:$0x18100] =	vst v63  }
0x12f: {  	_ =	swait.ge [sflag:s19], $0x4000;
	v28 =	vperm.xlane v27, v8  }
0x130: {  	[sflag:s19] =	ssyncset.done $0x0  }
0x131: {  	s8 =	simm.s32 $0xC100;
	s12 =	sadd.s32 $0x6400, s12;
	[sflag:s19] =	ssyncadd.s32 $0xFFFFC000;
	v29 =	vadd.s32 v9, v28  }
0x132: {  	[tilespmem:s8], [sflag:$0x4] =	stream.strided.gather [hbm4b:s12+s28], $0x4000, s29, s28, $0x38;
	[tilespmem:$0x18100] =	vst v63  }
0x133: {  	_ =	swait.ge [sflag:s26], $0x4000  }
0x134: {  	[sflag:s26] =	ssyncset.done $0x0  }
0x135: {  	[sflag:s26] =	ssyncadd.s32 $0xFFFFC000  }
0x136: {  	[hbm4b:s2+s4] =	stream.indirect_vreg.scatter [tilespmem:s3], [sflag:$0x9], $0x80, v29, vm0, $0xb8;
	[tilespmem:$0x18100] =	vst v63  }
0x137: {  	s6 =	simm.s32 $0x8900;
	v27 =	vperm.xlane v27, v10  }
0x138: {  	[hbm4b:s11+s4] =	stream.indirect_vreg.scatter [tilespmem:s6], [sflag:$0x9], $0x80, v29, vm0, $0xb8;
	[tilespmem:$0x18100] =	vst v63  }
0x139: {  	v27 =	vadd.s32 v9, v27;
	s8 =	simm.s32 $0x9100  }
0x13a: {  	[hbm4b:s16+s4] =	stream.indirect_vreg.scatter [tilespmem:s8], [sflag:$0x9], $0x80, v29, vm0, $0xb8;
	[tilespmem:$0x18100] =	vst v63  }
0x13b: {  	s9 =	simm.s32 $0x9900  }
0x13c: {  	[hbm4b:s17+s4] =	stream.indirect_vreg.scatter [tilespmem:s9], [sflag:$0x9], $0x80, v29, vm0, $0xb8;
	[tilespmem:$0x18100] =	vst v63  }
0x13d: {  	s12 =	simm.s32 $0xA100  }
0x13e: {  	[hbm4b:s2+s4] =	stream.indirect_vreg.scatter [tilespmem:s12], [sflag:$0x9], $0x80, v27, vm0, $0xb8;
	[tilespmem:$0x18100] =	vst v63  }
0x13f: {  	s13 =	simm.s32 $0xA900  }
0x140: {  	[hbm4b:s11+s4] =	stream.indirect_vreg.scatter [tilespmem:s13], [sflag:$0x9], $0x80, v27, vm0, $0xb8;
	[tilespmem:$0x18100] =	vst v63  }
0x141: {  	s26 =	simm.s32 $0xB100  }
0x142: {  	[hbm4b:s16+s4] =	stream.indirect_vreg.scatter [tilespmem:s26], [sflag:$0x9], $0x80, v27, vm0, $0xb8;
	[tilespmem:$0x18100] =	vst v63  }
0x143: {  	s31 =	simm.s32 $0xB900  }
0x144: {  	[hbm4b:s17+s4] =	stream.indirect_vreg.scatter [tilespmem:s31], [sflag:$0x9], $0x80, v27, vm0, $0xb8;
	[tilespmem:$0x18100] =	vst v63  }
0x145: {  	_ =	swait.ge [sflag:s14], $0x4000  }
0x146: {  	s12 =	sadd.s32 $0x30, s5;
	[sflag:s14] =	ssyncset.done $0x0  }
0x147: {  	s5 =	sadd.s32 $0xFFFFFFE0, s12;
	[sflag:s14] =	ssyncadd.s32 $0xFFFFC000  }
0x148: {  	[hbm4b:s18+s4] =	stream.indirect_vreg.scatter [tilespmem:s0], [sflag:$0xC], $0x80, v29, vm0, $0xb8;
	[tilespmem:$0x18100] =	vst v63  }
0x149: {  	s6 =	simm.s32 $0x14900;
	v28 =	vor.u32 s5, v0  }
0x14a: {  	vm2 =	vge.s32 v28, v11;
	vm3 =	vge.s32 v28, v13;
	[hbm4b:s24+s4] =	stream.indirect_vreg.scatter [tilespmem:s6], [sflag:$0xC], $0x80, v29, vm0, $0xb8;
	[tilespmem:$0x18100] =	vst v63  }
0x14b: {  	s8 =	simm.s32 $0x15100;
	vm4 =	vge.s32 v28, v12;
	v30 =	vsel vm2, $0x1, v7;
	v31 =	vsel vm3, $0x1, v7  }
0x14c: {  	vm2 =	vge.s32 v28, v14;
	v30 =	vadd.s32 v31, v30;
	v31 =	vsel vm4, $0x1, v7;
	[hbm4b:s25+s4] =	stream.indirect_vreg.scatter [tilespmem:s8], [sflag:$0xC], $0x80, v29, vm0, $0xb8;
	[tilespmem:$0x18100] =	vst v63  }
0x14d: {  	s9 =	simm.s32 $0x15900;
	vm3 =	vge.s32 v28, v15;
	v30 =	vadd.s32 v31, v30;
	v31 =	vsel vm2, $0x1, v7  }
0x14e: {  	vm2 =	vge.s32 v28, v16;
	[hbm4b:s20+s4] =	stream.indirect_vreg.scatter [tilespmem:s9], [sflag:$0xC], $0x80, v29, vm0, $0xb8;
	v29 =	vadd.s32 v31, v30;
	v30 =	vsel vm3, $0x1, v7;
	[tilespmem:$0x18100] =	vst v63  }
0x14f: {  	s10 =	simm.s32 $0x11900;
	vm3 =	vge.s32 v28, v17;
	v29 =	vadd.s32 v30, v29;
	v30 =	vsel vm2, $0x1, v7  }
0x150: {  	s21 =	simm.s32 $0x12900;
	s7 =	simm.s32 $0x12100;
	s13 =	simm.s32 $0x16100;
	v29 =	vadd.s32 v30, v29;
	v30 =	vsel vm3, $0x1, v7  }
0x151: {  	[hbm4b:s18+s4] =	stream.indirect_vreg.scatter [tilespmem:s13], [sflag:$0xC], $0x80, v27, vm0, $0xb8;
	v29 =	vadd.s32 v30, v29;
	[tilespmem:$0x18100] =	vst v63  }
0x152: {  	s15 =	simm.s32 $0x13100;
	s22 =	simm.s32 $0x13900;
	s26 =	simm.s32 $0x16900;
	vm2 =	veq.s32 v29, $0x1  }
0x153: {  	[hbm4b:s24+s4] =	stream.indirect_vreg.scatter [tilespmem:s26], [sflag:$0xC], $0x80, v27, vm0, $0xb8;
	v30 =	vnsel vm2, $0x0, v18;
	vm2 =	veq.s32 v29, $0x2;
	[tilespmem:$0x18100] =	vst v63  }
0x154: {  	s30 =	simm.s32 $0x6000;
	s31 =	simm.s32 $0x17100;
	s13 =	simm.s32 $0x3000;
	vm3 =	veq.s32 v29, $0x3;
	v30 =	vsel vm2, v21, v30  }
0x155: {  	[hbm4b:s25+s4] =	stream.indirect_vreg.scatter [tilespmem:s31], [sflag:$0xC], $0x80, v27, vm0, $0xb8;
	vm2 =	veq.s32 v29, $0x5;
	v30 =	vsel vm3, v22, v30;
	vm3 =	veq.s32 v29, $0x4;
	[tilespmem:$0x18100] =	vst v63  }
.LBB2_2:
0x156: {  	v30 =	vsel vm3, v23, v30;
	s0 =	simm.s32 $0x17900  }
0x157: {  	[hbm4b:s20+s4] =	stream.indirect_vreg.scatter [tilespmem:s0], [sflag:$0xC], $0x80, v27, vm0, $0xb8;
	v27 =	vsel vm2, v24, v30;
	vm2 =	veq.s32 v29, $0x6;
	[tilespmem:$0x18100] =	vst v63  }
0x158: {  	v27 =	vsel vm2, v25, v27;
	vm2 =	veq.s32 v29, $0x7  }
0x159: {  	_ =	swait.ge [sflag:s1], $0x4000;
	v27 =	vsel vm2, v26, v27  }
0x15a: {  	s31 =	rddreg [dreg:$0x5];
	v27 =	vadd.s32 v28, v27  }
0x15b: {  	[sflag:s1] =	ssyncset.done $0x0;
	s31 =	sadd.s32 s13, s31;
	v28 =	vshll.u32 v27, $0x4  }
0x15c: {  	s9 =	simm.s32 $0x4100;
	[sflag:s1] =	ssyncadd.s32 $0xFFFFC000;
	s6 =	sadd.s32 $0x4000, s31;
	v27 =	vand.u32 $0x7, v27;
	v28 =	vand.u32 $0xFFFFFF80, v28  }
0x15d: {  	[tilespmem:s9], [sflag:$0x2] =	stream.strided.gather [hbm4b:s6+s28], $0x4000, s29, s28, $0x38;
	v27 =	vor.u32 v27, v28;
	[tilespmem:$0x18100] =	vst v63  }
0x15e: {  	_ =	swait.ge [sflag:s23], $0x4000;
	v28 =	vperm.xlane v27, v8  }
0x15f: {  	s3 =	simm.s32 $0x10100;
	[sflag:s23] =	ssyncset.done $0x0  }
0x160: {  	s26 =	simm.s32 $0x1;
	s8 =	sadd.s32 $0x4400, s31;
	[sflag:s23] =	ssyncadd.s32 $0xFFFFC000;
	v28 =	vadd.s32 v9, v28  }
0x161: {  	[tilespmem:s3], [sflag:$0x5] =	stream.strided.gather [hbm4b:s8+s28], $0x4000, s29, s28, $0x38;
	[tilespmem:$0x18100] =	vst v63  }
0x162: {  	_ =	swait.ge [sflag:s26], $0x4000  }
0x163: {  	[sflag:s26] =	ssyncset.done $0x0  }
0x164: {  	s6 =	simm.s32 $0x100;
	[sflag:s26] =	ssyncadd.s32 $0xFFFFC000  }
0x165: {  	[hbm4b:s2+s4] =	stream.indirect_vreg.scatter [tilespmem:s6], [sflag:$0x7], $0x80, v28, vm0, $0xb8;
	[tilespmem:$0x18100] =	vst v63  }
0x166: {  	s0 =	simm.s32 $0x900;
	v27 =	vperm.xlane v27, v10  }
0x167: {  	[hbm4b:s11+s4] =	stream.indirect_vreg.scatter [tilespmem:s0], [sflag:$0x7], $0x80, v28, vm0, $0xb8;
	[tilespmem:$0x18100] =	vst v63  }
0x168: {  	v27 =	vadd.s32 v9, v27;
	s8 =	simm.s32 $0x1100  }
0x169: {  	[hbm4b:s16+s4] =	stream.indirect_vreg.scatter [tilespmem:s8], [sflag:$0x7], $0x80, v28, vm0, $0xb8;
	[tilespmem:$0x18100] =	vst v63  }
0x16a: {  	s26 =	simm.s32 $0x1900  }
0x16b: {  	[hbm4b:s17+s4] =	stream.indirect_vreg.scatter [tilespmem:s26], [sflag:$0x7], $0x80, v28, vm0, $0xb8;
	[tilespmem:$0x18100] =	vst v63  }
0x16c: {  	s0 =	simm.s32 $0x2100  }
0x16d: {  	[hbm4b:s2+s4] =	stream.indirect_vreg.scatter [tilespmem:s0], [sflag:$0x7], $0x80, v27, vm0, $0xb8;
	[tilespmem:$0x18100] =	vst v63  }
0x16e: {  	s8 =	simm.s32 $0x2900  }
0x16f: {  	[hbm4b:s11+s4] =	stream.indirect_vreg.scatter [tilespmem:s8], [sflag:$0x7], $0x80, v27, vm0, $0xb8;
	[tilespmem:$0x18100] =	vst v63  }
0x170: {  	s26 =	simm.s32 $0x3100  }
0x171: {  	[hbm4b:s16+s4] =	stream.indirect_vreg.scatter [tilespmem:s26], [sflag:$0x7], $0x80, v27, vm0, $0xb8;
	[tilespmem:$0x18100] =	vst v63  }
0x172: {  	s0 =	simm.s32 $0x3900;
	s26 =	simm.s32 $0x4  }
0x173: {  	[hbm4b:s17+s4] =	stream.indirect_vreg.scatter [tilespmem:s0], [sflag:$0x7], $0x80, v27, vm0, $0xb8;
	[tilespmem:$0x18100] =	vst v63  }
0x174: {  	_ =	swait.ge [sflag:s26], $0x4000  }
0x175: {  	[sflag:s26] =	ssyncset.done $0x0  }
0x176: {  	s8 =	sadd.s32 $0xFFFFFFF0, s12;
	[sflag:s26] =	ssyncadd.s32 $0xFFFFC000;
	s26 =	simm.s32 $0xC100  }
0x177: {  	v29 =	vor.u32 s8, v0;
	[hbm4b:s18+s4] =	stream.indirect_vreg.scatter [tilespmem:s26], [sflag:$0xA], $0x80, v28, vm0, $0xb8;
	[tilespmem:$0x18100] =	vst v63  }
0x178: {  	s8 =	simm.s32 $0xC900;
	vm2 =	vge.s32 v29, v11;
	vm3 =	vge.s32 v29, v13  }
0x179: {  	vm4 =	vge.s32 v29, v12;
	v30 =	vsel vm2, $0x1, v7;
	v31 =	vsel vm3, $0x1, v7;
	[hbm4b:s24+s4] =	stream.indirect_vreg.scatter [tilespmem:s8], [sflag:$0xA], $0x80, v28, vm0, $0xb8;
	[tilespmem:$0x18100] =	vst v63  }
0x17a: {  	vm2 =	vge.s32 v29, v14;
	v30 =	vadd.s32 v31, v30;
	v31 =	vsel vm4, $0x1, v7;
	s0 =	simm.s32 $0xD100  }
0x17b: {  	vm3 =	vge.s32 v29, v15;
	v30 =	vadd.s32 v31, v30;
	v31 =	vsel vm2, $0x1, v7;
	[hbm4b:s25+s4] =	stream.indirect_vreg.scatter [tilespmem:s0], [sflag:$0xA], $0x80, v28, vm0, $0xb8;
	[tilespmem:$0x18100] =	vst v63  }
0x17c: {  	vm2 =	vge.s32 v29, v16;
	v30 =	vadd.s32 v31, v30;
	v31 =	vsel vm3, $0x1, v7;
	s8 =	simm.s32 $0xD900  }
0x17d: {  	vm3 =	vge.s32 v29, v17;
	v30 =	vadd.s32 v31, v30;
	v31 =	vsel vm2, $0x1, v7;
	[hbm4b:s20+s4] =	stream.indirect_vreg.scatter [tilespmem:s8], [sflag:$0xA], $0x80, v28, vm0, $0xb8;
	[tilespmem:$0x18100] =	vst v63  }
0x17e: {  	v30 =	vadd.s32 v31, v30;
	v31 =	vsel vm3, $0x1, v7;
	s0 =	simm.s32 $0xE100  }
0x17f: {  	v28 =	vadd.s32 v31, v30;
	[hbm4b:s18+s4] =	stream.indirect_vreg.scatter [tilespmem:s0], [sflag:$0xA], $0x80, v27, vm0, $0xb8;
	[tilespmem:$0x18100] =	vst v63  }
0x180: {  	s8 =	simm.s32 $0xE900;
	vm2 =	veq.s32 v28, $0x1  }
0x181: {  	v30 =	vnsel vm2, $0x0, v18;
	vm2 =	veq.s32 v28, $0x2;
	[hbm4b:s24+s4] =	stream.indirect_vreg.scatter [tilespmem:s8], [sflag:$0xA], $0x80, v27, vm0, $0xb8;
	[tilespmem:$0x18100] =	vst v63  }
0x182: {  	s0 =	simm.s32 $0xF100;
	v30 =	vsel vm2, v21, v30;
	vm2 =	veq.s32 v28, $0x3  }
0x183: {  	v30 =	vsel vm2, v22, v30;
	vm2 =	veq.s32 v28, $0x4;
	[hbm4b:s25+s4] =	stream.indirect_vreg.scatter [tilespmem:s0], [sflag:$0xA], $0x80, v27, vm0, $0xb8;
	[tilespmem:$0x18100] =	vst v63  }
0x184: {  	s8 =	simm.s32 $0xF900;
	v30 =	vsel vm2, v23, v30;
	vm2 =	veq.s32 v28, $0x5;
	s0 =	simm.s32 $0x9  }
0x185: {  	v30 =	vsel vm2, v24, v30;
	vm2 =	veq.s32 v28, $0x6;
	[hbm4b:s20+s4] =	stream.indirect_vreg.scatter [tilespmem:s8], [sflag:$0xA], $0x80, v27, vm0, $0xb8;
	[tilespmem:$0x18100] =	vst v63  }
0x186: {  	v30 =	vsel vm2, v25, v30;
	vm2 =	veq.s32 v28, $0x7;
	_ =	swait.ge [sflag:s0], $0x4000  }
0x187: {  	v27 =	vsel vm2, v26, v30;
	[sflag:s0] =	ssyncset.done $0x0  }
0x188: {  	s8 =	sadd.s32 $0x5000, s31;
	v27 =	vadd.s32 v29, v27;
	[sflag:s0] =	ssyncadd.s32 $0xFFFFC000;
	s0 =	simm.s32 $0x8100  }
0x189: {  	v28 =	vshll.u32 v27, $0x4;
	[tilespmem:s0], [sflag:$0x3] =	stream.strided.gather [hbm4b:s8+s28], $0x4000, s29, s28, $0x38;
	[tilespmem:$0x18100] =	vst v63  }
0x18a: {  	v27 =	vand.u32 $0x7, v27;
	v28 =	vand.u32 $0xFFFFFF80, v28;
	s8 =	simm.s32 $0xC  }
0x18b: {  	s5 =	smov.u32 s30;
	v27 =	vor.u32 v27, v28;
	_ =	swait.ge [sflag:s8], $0x4000  }
0x18c: {  	s13 =	smov.u32 s5;
	v28 =	vperm.xlane v27, v8;
	[sflag:s8] =	ssyncset.done $0x0  }
0x18d: {  	s5 =	sadd.s32 $0x5400, s31;
	[sflag:s8] =	ssyncadd.s32 $0xFFFFC000;
	s8 =	simm.s32 $0x14100  }
0x18e: {  	v28 =	vadd.s32 v9, v28;
	[tilespmem:s8], [sflag:$0x6] =	stream.strided.gather [hbm4b:s5+s28], $0x4000, s29, s28, $0x38;
	[tilespmem:$0x18100] =	vst v63  }
0x18f: {  	s5 =	simm.s32 $0x2  }
0x190: {  	_ =	swait.ge [sflag:s5], $0x4000  }
0x191: {  	[sflag:s5] =	ssyncset.done $0x0  }
0x192: {  	[sflag:s5] =	ssyncadd.s32 $0xFFFFC000  }
0x193: {  	[hbm4b:s2+s4] =	stream.indirect_vreg.scatter [tilespmem:s9], [sflag:$0x8], $0x80, v28, vm0, $0xb8;
	[tilespmem:$0x18100] =	vst v63  }
0x194: {  	v27 =	vperm.xlane v27, v10;
	s9 =	simm.s32 $0x4900  }
0x195: {  	[hbm4b:s11+s4] =	stream.indirect_vreg.scatter [tilespmem:s9], [sflag:$0x8], $0x80, v28, vm0, $0xb8;
	[tilespmem:$0x18100] =	vst v63  }
0x196: {  	v27 =	vadd.s32 v9, v27;
	s9 =	simm.s32 $0x5100  }
0x197: {  	[hbm4b:s16+s4] =	stream.indirect_vreg.scatter [tilespmem:s9], [sflag:$0x8], $0x80, v28, vm0, $0xb8;
	[tilespmem:$0x18100] =	vst v63  }
0x198: {  	s9 =	simm.s32 $0x5900  }
0x199: {  	[hbm4b:s17+s4] =	stream.indirect_vreg.scatter [tilespmem:s9], [sflag:$0x8], $0x80, v28, vm0, $0xb8;
	[tilespmem:$0x18100] =	vst v63  }
0x19a: {  	s9 =	simm.s32 $0x6100  }
0x19b: {  	[hbm4b:s2+s4] =	stream.indirect_vreg.scatter [tilespmem:s9], [sflag:$0x8], $0x80, v27, vm0, $0xb8;
	[tilespmem:$0x18100] =	vst v63  }
0x19c: {  	s9 =	simm.s32 $0x6900  }
0x19d: {  	[hbm4b:s11+s4] =	stream.indirect_vreg.scatter [tilespmem:s9], [sflag:$0x8], $0x80, v27, vm0, $0xb8;
	[tilespmem:$0x18100] =	vst v63  }
0x19e: {  	s9 =	simm.s32 $0x7100  }
0x19f: {  	[hbm4b:s16+s4] =	stream.indirect_vreg.scatter [tilespmem:s9], [sflag:$0x8], $0x80, v27, vm0, $0xb8;
	[tilespmem:$0x18100] =	vst v63  }
0x1a0: {  	s9 =	simm.s32 $0x7900  }
0x1a1: {  	[hbm4b:s17+s4] =	stream.indirect_vreg.scatter [tilespmem:s9], [sflag:$0x8], $0x80, v27, vm0, $0xb8;
	[tilespmem:$0x18100] =	vst v63  }
0x1a2: {  	s9 =	simm.s32 $0x5  }
0x1a3: {  	_ =	swait.ge [sflag:s9], $0x4000  }
0x1a4: {  	[sflag:s9] =	ssyncset.done $0x0  }
0x1a5: {  	v29 =	vor.u32 s12, v0;
	[sflag:s9] =	ssyncadd.s32 $0xFFFFC000  }
0x1a6: {  	vm2 =	vge.s32 v29, v11;
	vm3 =	vge.s32 v29, v13;
	[hbm4b:s18+s4] =	stream.indirect_vreg.scatter [tilespmem:s3], [sflag:$0xB], $0x80, v28, vm0, $0xb8;
	[tilespmem:$0x18100] =	vst v63  }
0x1a7: {  	vm4 =	vge.s32 v29, v12;
	v30 =	vsel vm2, $0x1, v7;
	v31 =	vsel vm3, $0x1, v7;
	s9 =	simm.s32 $0x10900  }
0x1a8: {  	vm2 =	vge.s32 v29, v14;
	v30 =	vadd.s32 v31, v30;
	v31 =	vsel vm4, $0x1, v7;
	[hbm4b:s24+s4] =	stream.indirect_vreg.scatter [tilespmem:s9], [sflag:$0xB], $0x80, v28, vm0, $0xb8;
	[tilespmem:$0x18100] =	vst v63  }
0x1a9: {  	vm3 =	vge.s32 v29, v15;
	v30 =	vadd.s32 v31, v30;
	v31 =	vsel vm2, $0x1, v7;
	s5 =	simm.s32 $0x11100  }
0x1aa: {  	vm2 =	vge.s32 v29, v16;
	v30 =	vadd.s32 v31, v30;
	v31 =	vsel vm3, $0x1, v7;
	[hbm4b:s25+s4] =	stream.indirect_vreg.scatter [tilespmem:s5], [sflag:$0xB], $0x80, v28, vm0, $0xb8;
	[tilespmem:$0x18100] =	vst v63  }
0x1ab: {  	vm3 =	vge.s32 v29, v17;
	v30 =	vadd.s32 v31, v30;
	v31 =	vsel vm2, $0x1, v7  }
0x1ac: {  	v30 =	vadd.s32 v31, v30;
	v31 =	vsel vm3, $0x1, v7;
	[hbm4b:s20+s4] =	stream.indirect_vreg.scatter [tilespmem:s10], [sflag:$0xB], $0x80, v28, vm0, $0xb8;
	[tilespmem:$0x18100] =	vst v63  }
0x1ad: {  	v28 =	vadd.s32 v31, v30  }
0x1ae: {  	vm2 =	veq.s32 v28, $0x1;
	[hbm4b:s18+s4] =	stream.indirect_vreg.scatter [tilespmem:s7], [sflag:$0xB], $0x80, v27, vm0, $0xb8;
	[tilespmem:$0x18100] =	vst v63  }
0x1af: {  	v30 =	vnsel vm2, $0x0, v18;
	vm2 =	veq.s32 v28, $0x2  }
0x1b0: {  	v30 =	vsel vm2, v21, v30;
	vm2 =	veq.s32 v28, $0x3;
	[hbm4b:s24+s4] =	stream.indirect_vreg.scatter [tilespmem:s21], [sflag:$0xB], $0x80, v27, vm0, $0xb8;
	[tilespmem:$0x18100] =	vst v63  }
0x1b1: {  	v30 =	vsel vm2, v22, v30;
	vm2 =	veq.s32 v28, $0x4  }
0x1b2: {  	v30 =	vsel vm2, v23, v30;
	vm2 =	veq.s32 v28, $0x5;
	[hbm4b:s25+s4] =	stream.indirect_vreg.scatter [tilespmem:s15], [sflag:$0xB], $0x80, v27, vm0, $0xb8;
	[tilespmem:$0x18100] =	vst v63  }
0x1b3: {  	s9 =	simm.s32 $0x7;
	v30 =	vsel vm2, v24, v30;
	vm2 =	veq.s32 v28, $0x6  }
0x1b4: {  	v30 =	vsel vm2, v25, v30;
	vm2 =	veq.s32 v28, $0x7;
	[hbm4b:s20+s4] =	stream.indirect_vreg.scatter [tilespmem:s22], [sflag:$0xB], $0x80, v27, vm0, $0xb8;
	[tilespmem:$0x18100] =	vst v63  }
0x1b5: {  	v27 =	vsel vm2, v26, v30;
	_ =	swait.ge [sflag:s9], $0x4000  }
0x1b6: {  	v27 =	vadd.s32 v29, v27;
	[sflag:s9] =	ssyncset.done $0x0  }
0x1b7: {  	s3 =	sadd.s32 $0x6000, s31;
	v28 =	vshll.u32 v27, $0x4;
	[sflag:s9] =	ssyncadd.s32 $0xFFFFC000  }
0x1b8: {  	v27 =	vand.u32 $0x7, v27;
	v28 =	vand.u32 $0xFFFFFF80, v28;
	[tilespmem:s6], [sflag:$0x1] =	stream.strided.gather [hbm4b:s3+s28], $0x4000, s29, s28, $0x38;
	[tilespmem:$0x18100] =	vst v63  }
0x1b9: {  	v27 =	vor.u32 v27, v28;
	_ =	swait.ge [sflag:s19], $0x4000  }
0x1ba: {  	v28 =	vperm.xlane v27, v8;
	[sflag:s19] =	ssyncset.done $0x0  }
0x1bb: {  	s9 =	sadd.s32 $0x6400, s31;
	[sflag:s19] =	ssyncadd.s32 $0xFFFFC000  }
0x1bc: {  	v29 =	vadd.s32 v9, v28;
	[tilespmem:s26], [sflag:$0x4] =	stream.strided.gather [hbm4b:s9+s28], $0x4000, s29, s28, $0x38;
	[tilespmem:$0x18100] =	vst v63  }
0x1bd: {  	s26 =	simm.s32 $0x3  }
0x1be: {  	_ =	swait.ge [sflag:s26], $0x4000  }
0x1bf: {  	[sflag:s26] =	ssyncset.done $0x0  }
0x1c0: {  	[sflag:s26] =	ssyncadd.s32 $0xFFFFC000  }
0x1c1: {  	[hbm4b:s2+s4] =	stream.indirect_vreg.scatter [tilespmem:s0], [sflag:$0x9], $0x80, v29, vm0, $0xb8;
	[tilespmem:$0x18100] =	vst v63  }
0x1c2: {  	s31 =	simm.s32 $0x8900;
	v27 =	vperm.xlane v27, v10  }
0x1c3: {  	[hbm4b:s11+s4] =	stream.indirect_vreg.scatter [tilespmem:s31], [sflag:$0x9], $0x80, v29, vm0, $0xb8;
	[tilespmem:$0x18100] =	vst v63  }
0x1c4: {  	s3 =	simm.s32 $0x9100;
	v27 =	vadd.s32 v9, v27  }
0x1c5: {  	[hbm4b:s16+s4] =	stream.indirect_vreg.scatter [tilespmem:s3], [sflag:$0x9], $0x80, v29, vm0, $0xb8;
	[tilespmem:$0x18100] =	vst v63  }
0x1c6: {  	s5 =	simm.s32 $0x9900  }
0x1c7: {  	[hbm4b:s17+s4] =	stream.indirect_vreg.scatter [tilespmem:s5], [sflag:$0x9], $0x80, v29, vm0, $0xb8;
	[tilespmem:$0x18100] =	vst v63  }
0x1c8: {  	s6 =	simm.s32 $0xA100  }
0x1c9: {  	[hbm4b:s2+s4] =	stream.indirect_vreg.scatter [tilespmem:s6], [sflag:$0x9], $0x80, v27, vm0, $0xb8;
	[tilespmem:$0x18100] =	vst v63  }
0x1ca: {  	s9 =	simm.s32 $0xA900  }
0x1cb: {  	[hbm4b:s11+s4] =	stream.indirect_vreg.scatter [tilespmem:s9], [sflag:$0x9], $0x80, v27, vm0, $0xb8;
	[tilespmem:$0x18100] =	vst v63  }
0x1cc: {  	s26 =	simm.s32 $0xB100  }
0x1cd: {  	[hbm4b:s16+s4] =	stream.indirect_vreg.scatter [tilespmem:s26], [sflag:$0x9], $0x80, v27, vm0, $0xb8;
	[tilespmem:$0x18100] =	vst v63  }
0x1ce: {  	s31 =	simm.s32 $0xB900  }
0x1cf: {  	[hbm4b:s17+s4] =	stream.indirect_vreg.scatter [tilespmem:s31], [sflag:$0x9], $0x80, v27, vm0, $0xb8;
	[tilespmem:$0x18100] =	vst v63  }
0x1d0: {  	_ =	swait.ge [sflag:s14], $0x4000  }
0x1d1: {  	s12 =	sadd.s32 $0x30, s12;
	[sflag:s14] =	ssyncset.done $0x0  }
0x1d2: {  	s3 =	sadd.s32 $0xFFFFFFE0, s12;
	[sflag:s14] =	ssyncadd.s32 $0xFFFFC000  }
0x1d3: {  	[hbm4b:s18+s4] =	stream.indirect_vreg.scatter [tilespmem:s8], [sflag:$0xC], $0x80, v29, vm0, $0xb8;
	[tilespmem:$0x18100] =	vst v63  }
0x1d4: {  	v28 =	vor.u32 s3, v0;
	s5 =	simm.s32 $0x14900  }
0x1d5: {  	vm2 =	vge.s32 v28, v11;
	vm3 =	vge.s32 v28, v13;
	[hbm4b:s24+s4] =	stream.indirect_vreg.scatter [tilespmem:s5], [sflag:$0xC], $0x80, v29, vm0, $0xb8;
	[tilespmem:$0x18100] =	vst v63  }
0x1d6: {  	vm4 =	vge.s32 v28, v12;
	v30 =	vsel vm2, $0x1, v7;
	v31 =	vsel vm3, $0x1, v7;
	s6 =	simm.s32 $0x15100  }
0x1d7: {  	vm2 =	vge.s32 v28, v14;
	v30 =	vadd.s32 v31, v30;
	v31 =	vsel vm4, $0x1, v7;
	[hbm4b:s25+s4] =	stream.indirect_vreg.scatter [tilespmem:s6], [sflag:$0xC], $0x80, v29, vm0, $0xb8;
	[tilespmem:$0x18100] =	vst v63  }
0x1d8: {  	vm3 =	vge.s32 v28, v15;
	v30 =	vadd.s32 v31, v30;
	v31 =	vsel vm2, $0x1, v7;
	s8 =	simm.s32 $0x15900  }
0x1d9: {  	vm2 =	vge.s32 v28, v16;
	v30 =	vadd.s32 v31, v30;
	v31 =	vsel vm3, $0x1, v7;
	[hbm4b:s20+s4] =	stream.indirect_vreg.scatter [tilespmem:s8], [sflag:$0xC], $0x80, v29, vm0, $0xb8;
	[tilespmem:$0x18100] =	vst v63  }
0x1da: {  	p1 =	sne.s32 s30, $0x18000;
	vm3 =	vge.s32 v28, v17;
	s9 =	simm.s32 $0x16100;
	v29 =	vadd.s32 v31, v30;
	v30 =	vsel vm2, $0x1, v7  }
0x1db: {  	v29 =	vadd.s32 v30, v29;
	v30 =	vsel vm3, $0x1, v7;
	[hbm4b:s18+s4] =	stream.indirect_vreg.scatter [tilespmem:s9], [sflag:$0xC], $0x80, v27, vm0, $0xb8;
	[tilespmem:$0x18100] =	vst v63  }
.Ltmp0:
0x1dc: {  	v29 =	vadd.s32 v30, v29;
	(pc) =	sbr.rel @p1 .LBB2_2-.Ltmp0, $4  }
0x1dd: {  	s26 =	simm.s32 $0x16900;
	vm3 =	veq.s32 v29, $0x1  }
0x1de: {  	[hbm4b:s24+s4] =	stream.indirect_vreg.scatter [tilespmem:s26], [sflag:$0xC], $0x80, v27, vm0, $0xb8;
	v30 =	vnsel vm3, $0x0, v18;
	vm3 =	veq.s32 v29, $0x2;
	[tilespmem:$0x18100] =	vst v63  }
0x1df: {  	s30 =	sadd.s32 $0x3000, s30;
	s31 =	simm.s32 $0x17100;
	v30 =	vsel vm3, v21, v30;
	vm3 =	veq.s32 v29, $0x3  }
0x1e0: {  	vm2 =	veq.s32 v29, $0x5;
	[hbm4b:s25+s4] =	stream.indirect_vreg.scatter [tilespmem:s31], [sflag:$0xC], $0x80, v27, vm0, $0xb8;
	v30 =	vsel vm3, v22, v30;
	vm3 =	veq.s32 v29, $0x4;
	[tilespmem:$0x18100] =	vst v63  }
0x1e1: {  	_ =	sdelay $0x1  }
0x1e2: {  	v30 =	vsel vm3, v23, v30  }
0x1e3: {  	s15 =	simm.s32 $0x17900;
	v48 =	vsel vm2, v24, v30;
	vm2 =	veq.s32 v29, $0x6  }
0x1e4: {  	[hbm4b:s20+s4] =	stream.indirect_vreg.scatter [tilespmem:s15], [sflag:$0xC], $0x80, v27, vm0, $0xb8;
	v27 =	vsel vm2, v25, v48;
	vm2 =	veq.s32 v29, $0x7;
	[tilespmem:$0x18100] =	vst v63  }
0x1e5: {  	_ =	swait.ge [sflag:s1], $0x4000;
	v27 =	vsel vm2, v26, v27  }
0x1e6: {  	s5 =	rddreg [dreg:$0x5];
	v27 =	vadd.s32 v28, v27  }
0x1e7: {  	[sflag:s1] =	ssyncset.done $0x0;
	s13 =	sadd.s32 s13, s5;
	v28 =	vshll.u32 v27, $0x4  }
0x1e8: {  	s31 =	simm.s32 $0x4100;
	[sflag:s1] =	ssyncadd.s32 $0xFFFFC000;
	s5 =	sadd.s32 $0x4000, s13;
	v27 =	vand.u32 $0x7, v27;
	v28 =	vand.u32 $0xFFFFFF80, v28  }
0x1e9: {  	[tilespmem:s31], [sflag:$0x2] =	stream.strided.gather [hbm4b:s5+s28], $0x4000, s29, s28, $0x38;
	v27 =	vor.u32 v27, v28;
	[tilespmem:$0x18100] =	vst v63  }
0x1ea: {  	_ =	swait.ge [sflag:s23], $0x4000;
	v28 =	vperm.xlane v27, v8  }
0x1eb: {  	s0 =	simm.s32 $0x10100;
	[sflag:s23] =	ssyncset.done $0x0  }
0x1ec: {  	s8 =	simm.s32 $0x1;
	s9 =	sadd.s32 $0x4400, s13;
	[sflag:s23] =	ssyncadd.s32 $0xFFFFC000;
	v28 =	vadd.s32 v9, v28  }
0x1ed: {  	[tilespmem:s0], [sflag:$0x5] =	stream.strided.gather [hbm4b:s9+s28], $0x4000, s29, s28, $0x38;
	[tilespmem:$0x18100] =	vst v63  }
0x1ee: {  	_ =	swait.ge [sflag:s8], $0x4000  }
0x1ef: {  	[sflag:s8] =	ssyncset.done $0x0  }
0x1f0: {  	s30 =	simm.s32 $0x100;
	[sflag:s8] =	ssyncadd.s32 $0xFFFFC000  }
0x1f1: {  	[hbm4b:s2+s4] =	stream.indirect_vreg.scatter [tilespmem:s30], [sflag:$0x7], $0x80, v28, vm0, $0xb8;
	[tilespmem:$0x18100] =	vst v63  }
0x1f2: {  	s10 =	simm.s32 $0x900;
	v27 =	vperm.xlane v27, v10  }
0x1f3: {  	[hbm4b:s11+s4] =	stream.indirect_vreg.scatter [tilespmem:s10], [sflag:$0x7], $0x80, v28, vm0, $0xb8;
	[tilespmem:$0x18100] =	vst v63  }
0x1f4: {  	s21 =	simm.s32 $0x1100;
	v27 =	vadd.s32 v9, v27  }
0x1f5: {  	[hbm4b:s16+s4] =	stream.indirect_vreg.scatter [tilespmem:s21], [sflag:$0x7], $0x80, v28, vm0, $0xb8;
	[tilespmem:$0x18100] =	vst v63  }
0x1f6: {  	s22 =	simm.s32 $0x1900  }
0x1f7: {  	[hbm4b:s17+s4] =	stream.indirect_vreg.scatter [tilespmem:s22], [sflag:$0x7], $0x80, v28, vm0, $0xb8;
	[tilespmem:$0x18100] =	vst v63  }
0x1f8: {  	s26 =	simm.s32 $0x2100  }
0x1f9: {  	[hbm4b:s2+s4] =	stream.indirect_vreg.scatter [tilespmem:s26], [sflag:$0x7], $0x80, v27, vm0, $0xb8;
	[tilespmem:$0x18100] =	vst v63  }
0x1fa: {  	s3 =	simm.s32 $0x2900  }
0x1fb: {  	[hbm4b:s11+s4] =	stream.indirect_vreg.scatter [tilespmem:s3], [sflag:$0x7], $0x80, v27, vm0, $0xb8;
	[tilespmem:$0x18100] =	vst v63  }
0x1fc: {  	s5 =	simm.s32 $0x3100  }
0x1fd: {  	[hbm4b:s16+s4] =	stream.indirect_vreg.scatter [tilespmem:s5], [sflag:$0x7], $0x80, v27, vm0, $0xb8;
	[tilespmem:$0x18100] =	vst v63  }
0x1fe: {  	s6 =	simm.s32 $0x3900;
	s10 =	simm.s32 $0x4  }
0x1ff: {  	[hbm4b:s17+s4] =	stream.indirect_vreg.scatter [tilespmem:s6], [sflag:$0x7], $0x80, v27, vm0, $0xb8;
	[tilespmem:$0x18100] =	vst v63  }
0x200: {  	_ =	swait.ge [sflag:s10], $0x4000  }
0x201: {  	s9 =	sadd.s32 $0xFFFFFFF0, s12;
	[sflag:s10] =	ssyncset.done $0x0  }
0x202: {  	v49 =	vor.u32 s9, v0;
	s26 =	simm.s32 $0xC100;
	[sflag:s10] =	ssyncadd.s32 $0xFFFFC000  }
0x203: {  	vm2 =	vge.s32 v49, v11;
	vm3 =	vge.s32 v49, v13;
	[hbm4b:s18+s4] =	stream.indirect_vreg.scatter [tilespmem:s26], [sflag:$0xA], $0x80, v28, vm0, $0xb8;
	[tilespmem:$0x18100] =	vst v63  }
0x204: {  	vm4 =	vge.s32 v49, v12;
	v50 =	vsel vm2, $0x1, v7;
	v31 =	vsel vm3, $0x1, v7;
	s21 =	simm.s32 $0xC900  }
0x205: {  	vm2 =	vge.s32 v49, v14;
	v51 =	vsel vm4, $0x1, v7;
	v30 =	vadd.s32 v31, v50;
	[hbm4b:s24+s4] =	stream.indirect_vreg.scatter [tilespmem:s21], [sflag:$0xA], $0x80, v28, vm0, $0xb8;
	[tilespmem:$0x18100] =	vst v63  }
0x206: {  	vm3 =	vge.s32 v49, v15;
	v52 =	vsel vm2, $0x1, v7;
	v30 =	vadd.s32 v51, v30;
	s22 =	simm.s32 $0xD100  }
0x207: {  	vm2 =	vge.s32 v49, v16;
	v53 =	vsel vm3, $0x1, v7;
	v30 =	vadd.s32 v52, v30;
	[hbm4b:s25+s4] =	stream.indirect_vreg.scatter [tilespmem:s22], [sflag:$0xA], $0x80, v28, vm0, $0xb8;
	[tilespmem:$0x18100] =	vst v63  }
0x208: {  	vm3 =	vge.s32 v49, v17;
	v54 =	vsel vm2, $0x1, v7;
	v30 =	vadd.s32 v53, v30;
	s3 =	simm.s32 $0xD900  }
0x209: {  	v55 =	vsel vm3, $0x1, v7;
	v30 =	vadd.s32 v54, v30;
	[hbm4b:s20+s4] =	stream.indirect_vreg.scatter [tilespmem:s3], [sflag:$0xA], $0x80, v28, vm0, $0xb8;
	[tilespmem:$0x18100] =	vst v63  }
0x20a: {  	v56 =	vadd.s32 v55, v30;
	s5 =	simm.s32 $0xE100  }
0x20b: {  	vm2 =	veq.s32 v56, $0x1;
	[hbm4b:s18+s4] =	stream.indirect_vreg.scatter [tilespmem:s5], [sflag:$0xA], $0x80, v27, vm0, $0xb8;
	[tilespmem:$0x18100] =	vst v63  }
0x20c: {  	v57 =	vnsel vm2, $0x0, v18;
	vm2 =	veq.s32 v56, $0x2;
	s6 =	simm.s32 $0xE900  }
0x20d: {  	v30 =	vsel vm2, v21, v57;
	vm2 =	veq.s32 v56, $0x3;
	[hbm4b:s24+s4] =	stream.indirect_vreg.scatter [tilespmem:s6], [sflag:$0xA], $0x80, v27, vm0, $0xb8;
	[tilespmem:$0x18100] =	vst v63  }
0x20e: {  	s9 =	simm.s32 $0xF100;
	v30 =	vsel vm2, v22, v30;
	vm2 =	veq.s32 v56, $0x4  }
0x20f: {  	v30 =	vsel vm2, v23, v30;
	vm2 =	veq.s32 v56, $0x5;
	[hbm4b:s25+s4] =	stream.indirect_vreg.scatter [tilespmem:s9], [sflag:$0xA], $0x80, v27, vm0, $0xb8;
	[tilespmem:$0x18100] =	vst v63  }
0x210: {  	v30 =	vsel vm2, v24, v30;
	vm2 =	veq.s32 v56, $0x6;
	s21 =	simm.s32 $0xF900;
	s9 =	simm.s32 $0x9  }
0x211: {  	v30 =	vsel vm2, v25, v30;
	vm2 =	veq.s32 v56, $0x7;
	[hbm4b:s20+s4] =	stream.indirect_vreg.scatter [tilespmem:s21], [sflag:$0xA], $0x80, v27, vm0, $0xb8;
	[tilespmem:$0x18100] =	vst v63  }
0x212: {  	v58 =	vsel vm2, v26, v30;
	_ =	swait.ge [sflag:s9], $0x4000  }
0x213: {  	s0 =	simm.s32 $0x8100;
	v27 =	vadd.s32 v49, v58;
	[sflag:s9] =	ssyncset.done $0x0  }
0x214: {  	s22 =	sadd.s32 $0x5000, s13;
	s6 =	simm.s32 $0xC;
	v59 =	vshll.u32 v27, $0x4;
	[sflag:s9] =	ssyncadd.s32 $0xFFFFC000  }
0x215: {  	v27 =	vand.u32 $0x7, v27;
	v28 =	vand.u32 $0xFFFFFF80, v59;
	[tilespmem:s0], [sflag:$0x3] =	stream.strided.gather [hbm4b:s22+s28], $0x4000, s29, s28, $0x38;
	[tilespmem:$0x18100] =	vst v63  }
0x216: {  	v27 =	vor.u32 v27, v28;
	_ =	swait.ge [sflag:s6], $0x4000  }
0x217: {  	v28 =	vperm.xlane v27, v8;
	[sflag:s6] =	ssyncset.done $0x0  }
0x218: {  	s3 =	sadd.s32 $0x5400, s13;
	s21 =	simm.s32 $0x14100;
	[sflag:s6] =	ssyncadd.s32 $0xFFFFC000  }
0x219: {  	v28 =	vadd.s32 v9, v28;
	[tilespmem:s21], [sflag:$0x6] =	stream.strided.gather [hbm4b:s3+s28], $0x4000, s29, s28, $0x38;
	[tilespmem:$0x18100] =	vst v63  }
0x21a: {  	s3 =	simm.s32 $0x2  }
0x21b: {  	_ =	swait.ge [sflag:s3], $0x4000  }
0x21c: {  	[sflag:s3] =	ssyncset.done $0x0  }
0x21d: {  	[sflag:s3] =	ssyncadd.s32 $0xFFFFC000  }
0x21e: {  	[hbm4b:s2+s4] =	stream.indirect_vreg.scatter [tilespmem:s31], [sflag:$0x8], $0x80, v28, vm0, $0xb8;
	[tilespmem:$0x18100] =	vst v63  }
0x21f: {  	v27 =	vperm.xlane v27, v10;
	s22 =	simm.s32 $0x4900  }
0x220: {  	[hbm4b:s11+s4] =	stream.indirect_vreg.scatter [tilespmem:s22], [sflag:$0x8], $0x80, v28, vm0, $0xb8;
	[tilespmem:$0x18100] =	vst v63  }
0x221: {  	v27 =	vadd.s32 v9, v27;
	s22 =	simm.s32 $0x5100  }
0x222: {  	[hbm4b:s16+s4] =	stream.indirect_vreg.scatter [tilespmem:s22], [sflag:$0x8], $0x80, v28, vm0, $0xb8;
	[tilespmem:$0x18100] =	vst v63  }
0x223: {  	s22 =	simm.s32 $0x5900  }
0x224: {  	[hbm4b:s17+s4] =	stream.indirect_vreg.scatter [tilespmem:s22], [sflag:$0x8], $0x80, v28, vm0, $0xb8;
	[tilespmem:$0x18100] =	vst v63  }
0x225: {  	s22 =	simm.s32 $0x6100  }
0x226: {  	[hbm4b:s2+s4] =	stream.indirect_vreg.scatter [tilespmem:s22], [sflag:$0x8], $0x80, v27, vm0, $0xb8;
	[tilespmem:$0x18100] =	vst v63  }
0x227: {  	s22 =	simm.s32 $0x6900  }
0x228: {  	[hbm4b:s11+s4] =	stream.indirect_vreg.scatter [tilespmem:s22], [sflag:$0x8], $0x80, v27, vm0, $0xb8;
	[tilespmem:$0x18100] =	vst v63  }
0x229: {  	s22 =	simm.s32 $0x7100  }
0x22a: {  	[hbm4b:s16+s4] =	stream.indirect_vreg.scatter [tilespmem:s22], [sflag:$0x8], $0x80, v27, vm0, $0xb8;
	[tilespmem:$0x18100] =	vst v63  }
0x22b: {  	s22 =	simm.s32 $0x7900  }
0x22c: {  	[hbm4b:s17+s4] =	stream.indirect_vreg.scatter [tilespmem:s22], [sflag:$0x8], $0x80, v27, vm0, $0xb8;
	[tilespmem:$0x18100] =	vst v63  }
0x22d: {  	s22 =	simm.s32 $0x5  }
0x22e: {  	_ =	swait.ge [sflag:s22], $0x4000  }
0x22f: {  	v60 =	vor.u32 s12, v0;
	[sflag:s22] =	ssyncset.done $0x0  }
0x230: {  	s7 =	simm.s32 $0x10100;
	vm3 =	vge.s32 v60, v13;
	vm2 =	vge.s32 v60, v11;
	[sflag:s22] =	ssyncadd.s32 $0xFFFFC000  }
0x231: {  	vm15 =	vge.s32 v60, v12;
	v62 =	vsel vm3, $0x1, v7;
	v61 =	vsel vm2, $0x1, v7;
	[hbm4b:s18+s4] =	stream.indirect_vreg.scatter [tilespmem:s7], [sflag:$0xB], $0x80, v28, vm0, $0xb8;
	[tilespmem:$0x18100] =	vst v63  }
0x232: {  	v63 =	vsel vm15, $0x1, v7;
	vm2 =	vge.s32 v60, v14;
	v30 =	vadd.s32 v62, v61;
	s7 =	simm.s32 $0x10900  }
0x233: {  	vm3 =	vge.s32 v60, v15;
	v33 =	vsel vm2, $0x1, v7;
	v30 =	vadd.s32 v63, v30;
	[hbm4b:s24+s4] =	stream.indirect_vreg.scatter [tilespmem:s7], [sflag:$0xB], $0x80, v28, vm0, $0xb8;
	[tilespmem:$0x18100] =	vst v63  }
0x234: {  	v34 =	vsel vm3, $0x1, v7;
	vm2 =	vge.s32 v60, v16;
	v30 =	vadd.s32 v33, v30;
	s22 =	simm.s32 $0x11100  }
0x235: {  	vm3 =	vge.s32 v60, v17;
	v35 =	vsel vm2, $0x1, v7;
	v30 =	vadd.s32 v34, v30;
	[hbm4b:s25+s4] =	stream.indirect_vreg.scatter [tilespmem:s22], [sflag:$0xB], $0x80, v28, vm0, $0xb8;
	[tilespmem:$0x18100] =	vst v63  }
0x236: {  	v36 =	vsel vm3, $0x1, v7;
	v30 =	vadd.s32 v35, v30;
	s7 =	simm.s32 $0x11900  }
0x237: {  	v37 =	vadd.s32 v36, v30;
	[hbm4b:s20+s4] =	stream.indirect_vreg.scatter [tilespmem:s7], [sflag:$0xB], $0x80, v28, vm0, $0xb8;
	[tilespmem:$0x18100] =	vst v63  }
0x238: {  	vm2 =	veq.s32 v37, $0x1;
	s22 =	simm.s32 $0x12100  }
0x239: {  	v38 =	vnsel vm2, $0x0, v18;
	vm2 =	veq.s32 v37, $0x2;
	[hbm4b:s18+s4] =	stream.indirect_vreg.scatter [tilespmem:s22], [sflag:$0xB], $0x80, v27, vm0, $0xb8;
	[tilespmem:$0x18100] =	vst v63  }
0x23a: {  	v30 =	vsel vm2, v21, v38;
	vm2 =	veq.s32 v37, $0x3;
	s7 =	simm.s32 $0x12900  }
0x23b: {  	v30 =	vsel vm2, v22, v30;
	vm2 =	veq.s32 v37, $0x4;
	[hbm4b:s24+s4] =	stream.indirect_vreg.scatter [tilespmem:s7], [sflag:$0xB], $0x80, v27, vm0, $0xb8;
	[tilespmem:$0x18100] =	vst v63  }
0x23c: {  	v30 =	vsel vm2, v23, v30;
	vm2 =	veq.s32 v37, $0x5;
	s22 =	simm.s32 $0x13100  }
0x23d: {  	v30 =	vsel vm2, v24, v30;
	vm2 =	veq.s32 v37, $0x6;
	[hbm4b:s25+s4] =	stream.indirect_vreg.scatter [tilespmem:s22], [sflag:$0xB], $0x80, v27, vm0, $0xb8;
	[tilespmem:$0x18100] =	vst v63  }
0x23e: {  	v30 =	vsel vm2, v25, v30;
	vm2 =	veq.s32 v37, $0x7;
	s7 =	simm.s32 $0x13900;
	s22 =	simm.s32 $0x7  }
0x23f: {  	v39 =	vsel vm2, v26, v30;
	[hbm4b:s20+s4] =	stream.indirect_vreg.scatter [tilespmem:s7], [sflag:$0xB], $0x80, v27, vm0, $0xb8;
	[tilespmem:$0x18100] =	vst v63  }
0x240: {  	v27 =	vadd.s32 v60, v39;
	_ =	swait.ge [sflag:s22], $0x4000  }
0x241: {  	v40 =	vshll.u32 v27, $0x4;
	[sflag:s22] =	ssyncset.done $0x0  }
0x242: {  	s7 =	sadd.s32 $0x6000, s13;
	v27 =	vand.u32 $0x7, v27;
	v28 =	vand.u32 $0xFFFFFF80, v40;
	[sflag:s22] =	ssyncadd.s32 $0xFFFFC000  }
0x243: {  	v27 =	vor.u32 v27, v28;
	[tilespmem:s30], [sflag:$0x1] =	stream.strided.gather [hbm4b:s7+s28], $0x4000, s29, s28, $0x38;
	[tilespmem:$0x18100] =	vst v63  }
0x244: {  	v28 =	vperm.xlane v27, v8;
	_ =	swait.ge [sflag:s19], $0x4000  }
0x245: {  	[sflag:s19] =	ssyncset.done $0x0  }
0x246: {  	s13 =	sadd.s32 $0x6400, s13;
	s22 =	simm.s32 $0x3;
	v28 =	vadd.s32 v9, v28;
	[sflag:s19] =	ssyncadd.s32 $0xFFFFC000  }
0x247: {  	[tilespmem:s26], [sflag:$0x4] =	stream.strided.gather [hbm4b:s13+s28], $0x4000, s29, s28, $0x38;
	[tilespmem:$0x18100] =	vst v63  }
0x248: {  	_ =	swait.ge [sflag:s22], $0x4000  }
0x249: {  	[sflag:s22] =	ssyncset.done $0x0  }
0x24a: {  	[sflag:s22] =	ssyncadd.s32 $0xFFFFC000  }
0x24b: {  	[hbm4b:s2+s4] =	stream.indirect_vreg.scatter [tilespmem:s0], [sflag:$0x9], $0x80, v28, vm0, $0xb8;
	[tilespmem:$0x18100] =	vst v63  }
0x24c: {  	v27 =	vperm.xlane v27, v10;
	s7 =	simm.s32 $0x8900  }
0x24d: {  	[hbm4b:s11+s4] =	stream.indirect_vreg.scatter [tilespmem:s7], [sflag:$0x9], $0x80, v28, vm0, $0xb8;
	[tilespmem:$0x18100] =	vst v63  }
0x24e: {  	v27 =	vadd.s32 v9, v27;
	s13 =	simm.s32 $0x9100  }
0x24f: {  	[hbm4b:s16+s4] =	stream.indirect_vreg.scatter [tilespmem:s13], [sflag:$0x9], $0x80, v28, vm0, $0xb8;
	[tilespmem:$0x18100] =	vst v63  }
0x250: {  	s22 =	simm.s32 $0x9900  }
0x251: {  	[hbm4b:s17+s4] =	stream.indirect_vreg.scatter [tilespmem:s22], [sflag:$0x9], $0x80, v28, vm0, $0xb8;
	[tilespmem:$0x18100] =	vst v63  }
0x252: {  	s5 =	simm.s32 $0xA100  }
0x253: {  	[hbm4b:s2+s4] =	stream.indirect_vreg.scatter [tilespmem:s5], [sflag:$0x9], $0x80, v27, vm0, $0xb8;
	[tilespmem:$0x18100] =	vst v63  }
0x254: {  	s7 =	simm.s32 $0xA900  }
0x255: {  	[hbm4b:s11+s4] =	stream.indirect_vreg.scatter [tilespmem:s7], [sflag:$0x9], $0x80, v27, vm0, $0xb8;
	[tilespmem:$0x18100] =	vst v63  }
0x256: {  	s13 =	simm.s32 $0xB100  }
0x257: {  	[hbm4b:s16+s4] =	stream.indirect_vreg.scatter [tilespmem:s13], [sflag:$0x9], $0x80, v27, vm0, $0xb8;
	[tilespmem:$0x18100] =	vst v63  }
0x258: {  	s22 =	simm.s32 $0xB900  }
0x259: {  	[hbm4b:s17+s4] =	stream.indirect_vreg.scatter [tilespmem:s22], [sflag:$0x9], $0x80, v27, vm0, $0xb8;
	[tilespmem:$0x18100] =	vst v63  }
0x25a: {  	_ =	swait.ge [sflag:s14], $0x4000  }
0x25b: {  	(v2sf) =	vpush v19, $0x8;
	_ =	sdelay $0x5  }
0x25c: {  	[sflag:s14] =	ssyncset.done $0x0  }
0x25d: {  	(v2sf) =	vpush v20, $0x0;
	[sflag:s14] =	ssyncadd.s32 $0xFFFFC000  }
0x25e: {  	[hbm4b:s18+s4] =	stream.indirect_vreg.scatter [tilespmem:s21], [sflag:$0xC], $0x80, v28, vm0, $0xb8;
	[tilespmem:$0x18100] =	vst v63  }
0x25f: {  	s7 =	simm.s32 $0x14900;
	(v2sf) =	vpush v20, $0x1  }
0x260: {  	(v2sf) =	vpush v20, $0x2;
	[hbm4b:s24+s4] =	stream.indirect_vreg.scatter [tilespmem:s7], [sflag:$0xC], $0x80, v28, vm0, $0xb8;
	[tilespmem:$0x18100] =	vst v63  }
0x261: {  	s22 =	simm.s32 $0x15100;
	(v2sf) =	vpush v20, $0x3  }
0x262: {  	(v2sf) =	vpush v20, $0x4;
	[hbm4b:s25+s4] =	stream.indirect_vreg.scatter [tilespmem:s22], [sflag:$0xC], $0x80, v28, vm0, $0xb8;
	[tilespmem:$0x18100] =	vst v63  }
0x263: {  	s7 =	simm.s32 $0x15900;
	(v2sf) =	vpush v20, $0x5  }
0x264: {  	(v2sf) =	vpush v20, $0x6;
	[hbm4b:s20+s4] =	stream.indirect_vreg.scatter [tilespmem:s7], [sflag:$0xC], $0x80, v28, vm0, $0xb8;
	[tilespmem:$0x18100] =	vst v63  }
0x265: {  	s13 =	spop (v2sf);
	(v2sf) =	vpush v20, $0x7  }
0x266: {  	vm3 =	vge.s32 v4, v13;
	vm2 =	vge.s32 v4, v11;
	s22 =	simm.s32 $0x16100  }
0x267: {  	v42 =	vsel vm3, $0x1, v7;
	v41 =	vsel vm2, $0x1, v7;
	vm2 =	vge.s32 v4, v12;
	[hbm4b:s18+s4] =	stream.indirect_vreg.scatter [tilespmem:s22], [sflag:$0xC], $0x80, v27, vm0, $0xb8;
	[tilespmem:$0x18100] =	vst v63  }
0x268: {  	v43 =	vsel vm2, $0x1, v7;
	vm2 =	vge.s32 v4, v14;
	v19 =	vadd.s32 v42, v41;
	s7 =	simm.s32 $0x16900  }
0x269: {  	v44 =	vsel vm2, $0x1, v7;
	vm2 =	vge.s32 v4, v15;
	v19 =	vadd.s32 v43, v19;
	[hbm4b:s24+s4] =	stream.indirect_vreg.scatter [tilespmem:s7], [sflag:$0xC], $0x80, v27, vm0, $0xb8;
	[tilespmem:$0x18100] =	vst v63  }
0x26a: {  	v45 =	vsel vm2, $0x1, v7;
	vm2 =	vge.s32 v4, v16;
	v19 =	vadd.s32 v44, v19;
	s22 =	simm.s32 $0x17100  }
0x26b: {  	v46 =	vsel vm2, $0x1, v7;
	vm2 =	vge.s32 v4, v17;
	v19 =	vadd.s32 v45, v19;
	[hbm4b:s25+s4] =	stream.indirect_vreg.scatter [tilespmem:s22], [sflag:$0xC], $0x80, v27, vm0, $0xb8;
	[tilespmem:$0x18100] =	vst v63  }
0x26c: {  	v47 =	vsel vm2, $0x1, v7;
	v19 =	vadd.s32 v46, v19;
	s5 =	spop (v2sf)  }
0x26d: {  	v19 =	vadd.s32 v47, v19;
	[hbm4b:s20+s4] =	stream.indirect_vreg.scatter [tilespmem:s15], [sflag:$0xC], $0x80, v27, vm0, $0xb8;
	[tilespmem:$0x18100] =	vst v63  }
0x26e: {  	vm2 =	veq.s32 v19, $0x1;
	[smem:$0x7F5] =	sst s5;
	s21 =	spop (v2sf)  }
0x26f: {  	v48 =	vnsel vm2, $0x0, v18;
	vm2 =	veq.s32 v19, $0x2;
	[smem:$0x7F6] =	sst s21;
	s5 =	spop (v2sf)  }
0x270: {  	v20 =	vsel vm2, v21, v48;
	vm2 =	veq.s32 v19, $0x3;
	[smem:$0x7F7] =	sst s5;
	s21 =	spop (v2sf)  }
0x271: {  	v20 =	vsel vm2, v22, v20;
	vm2 =	veq.s32 v19, $0x4;
	[smem:$0x7F8] =	sst s21;
	s5 =	spop (v2sf)  }
0x272: {  	v20 =	vsel vm2, v23, v20;
	vm2 =	veq.s32 v19, $0x5;
	[smem:$0x7F9] =	sst s5;
	s21 =	spop (v2sf)  }
0x273: {  	v20 =	vsel vm2, v24, v20;
	vm2 =	veq.s32 v19, $0x6;
	[smem:$0x7FA] =	sst s21;
	s5 =	spop (v2sf)  }
0x274: {  	v20 =	vsel vm2, v25, v20;
	vm2 =	veq.s32 v19, $0x7;
	[smem:$0x7FB] =	sst s5;
	s7 =	spop (v2sf)  }
0x275: {  	v19 =	vsel vm2, v26, v20;
	[smem:$0x7FD] =	sst s7  }
0x276: {  	v19 =	vadd.s32 v4, v19;
	_ =	swait.ge [sflag:s1], $0x4000  }
0x277: {  	v49 =	vshll.u32 v19, $0x4;
	[sflag:s1] =	ssyncset.done $0x0  }
0x278: {  	v19 =	vand.u32 $0x7, v19;
	v20 =	vand.u32 $0xFFFFFF80, v49;
	s15 =	rddreg [dreg:$0xe];
	[sflag:s1] =	ssyncadd.s32 $0xFFFFC000  }
0x279: {  	v19 =	vor.u32 v19, v20;
	[tilespmem:s31], [sflag:$0x2] =	stream.strided.gather [hbm4b:s15+s28], $0x4000, s29, s28, $0x38;
	[tilespmem:$0x18100] =	vst v63  }
0x27a: {  	v20 =	vperm.xlane v19, v8;
	_ =	swait.ge [sflag:s23], $0x4000  }
0x27b: {  	[sflag:s23] =	ssyncset.done $0x0  }
0x27c: {  	s12 =	simm.s32 $0x10100;
	v20 =	vadd.s32 v9, v20;
	s21 =	rddreg [dreg:$0xf];
	[sflag:s23] =	ssyncadd.s32 $0xFFFFC000  }
0x27d: {  	[tilespmem:s12], [sflag:$0x5] =	stream.strided.gather [hbm4b:s21+s28], $0x4000, s29, s28, $0x38;
	[tilespmem:$0x18100] =	vst v63  }
0x27e: {  	_ =	swait.ge [sflag:s8], $0x4000  }
0x27f: {  	[sflag:s8] =	ssyncset.done $0x0  }
0x280: {  	[sflag:s8] =	ssyncadd.s32 $0xFFFFC000  }
0x281: {  	[hbm4b:s2+s4] =	stream.indirect_vreg.scatter [tilespmem:s30], [sflag:$0x7], $0x80, v20, vm0, $0xb8;
	[tilespmem:$0x18100] =	vst v63  }
0x282: {  	s22 =	simm.s32 $0x900;
	v19 =	vperm.xlane v19, v10  }
0x283: {  	[hbm4b:s11+s4] =	stream.indirect_vreg.scatter [tilespmem:s22], [sflag:$0x7], $0x80, v20, vm0, $0xb8;
	[tilespmem:$0x18100] =	vst v63  }
0x284: {  	v19 =	vadd.s32 v9, v19;
	s30 =	simm.s32 $0x1100  }
0x285: {  	[hbm4b:s16+s4] =	stream.indirect_vreg.scatter [tilespmem:s30], [sflag:$0x7], $0x80, v20, vm0, $0xb8;
	[tilespmem:$0x18100] =	vst v63  }
0x286: {  	s5 =	simm.s32 $0x1900  }
0x287: {  	[hbm4b:s17+s4] =	stream.indirect_vreg.scatter [tilespmem:s5], [sflag:$0x7], $0x80, v20, vm0, $0xb8;
	[tilespmem:$0x18100] =	vst v63  }
0x288: {  	s7 =	simm.s32 $0x2100  }
0x289: {  	[hbm4b:s2+s4] =	stream.indirect_vreg.scatter [tilespmem:s7], [sflag:$0x7], $0x80, v19, vm0, $0xb8;
	[tilespmem:$0x18100] =	vst v63  }
0x28a: {  	s8 =	simm.s32 $0x2900  }
0x28b: {  	[hbm4b:s11+s4] =	stream.indirect_vreg.scatter [tilespmem:s8], [sflag:$0x7], $0x80, v19, vm0, $0xb8;
	[tilespmem:$0x18100] =	vst v63  }
0x28c: {  	s12 =	simm.s32 $0x3100  }
0x28d: {  	[hbm4b:s16+s4] =	stream.indirect_vreg.scatter [tilespmem:s12], [sflag:$0x7], $0x80, v19, vm0, $0xb8;
	[tilespmem:$0x18100] =	vst v63  }
0x28e: {  	s15 =	simm.s32 $0x3900  }
0x28f: {  	[hbm4b:s17+s4] =	stream.indirect_vreg.scatter [tilespmem:s15], [sflag:$0x7], $0x80, v19, vm0, $0xb8;
	[tilespmem:$0x18100] =	vst v63  }
0x290: {  	_ =	swait.ge [sflag:s10], $0x4000  }
0x291: {  	[sflag:s10] =	ssyncset.done $0x0  }
0x292: {  	[sflag:s10] =	ssyncadd.s32 $0xFFFFC000  }
0x293: {  	[hbm4b:s18+s4] =	stream.indirect_vreg.scatter [tilespmem:s26], [sflag:$0xA], $0x80, v20, vm0, $0xb8;
	[tilespmem:$0x18100] =	vst v63  }
0x294: {  	vm3 =	vge.s32 v5, v13;
	vm2 =	vge.s32 v5, v11;
	s21 =	simm.s32 $0xC900  }
0x295: {  	v13 =	vsel vm3, $0x1, v7;
	v11 =	vsel vm2, $0x1, v7;
	vm2 =	vge.s32 v5, v12;
	[hbm4b:s24+s4] =	stream.indirect_vreg.scatter [tilespmem:s21], [sflag:$0xA], $0x80, v20, vm0, $0xb8;
	[tilespmem:$0x18100] =	vst v63  }
0x296: {  	v11 =	vadd.s32 v13, v11;
	v12 =	vsel vm2, $0x1, v7;
	vm2 =	vge.s32 v5, v14;
	s22 =	simm.s32 $0xD100  }
0x297: {  	v11 =	vadd.s32 v12, v11;
	v50 =	vsel vm2, $0x1, v7;
	vm2 =	vge.s32 v5, v15;
	[hbm4b:s25+s4] =	stream.indirect_vreg.scatter [tilespmem:s22], [sflag:$0xA], $0x80, v20, vm0, $0xb8;
	[tilespmem:$0x18100] =	vst v63  }
0x298: {  	v11 =	vadd.s32 v50, v11;
	v51 =	vsel vm2, $0x1, v7;
	vm2 =	vge.s32 v5, v16;
	s26 =	simm.s32 $0xD900  }
0x299: {  	v11 =	vadd.s32 v51, v11;
	v52 =	vsel vm2, $0x1, v7;
	vm2 =	vge.s32 v5, v17;
	[hbm4b:s20+s4] =	stream.indirect_vreg.scatter [tilespmem:s26], [sflag:$0xA], $0x80, v20, vm0, $0xb8;
	[tilespmem:$0x18100] =	vst v63  }
0x29a: {  	v11 =	vadd.s32 v52, v11;
	v53 =	vsel vm2, $0x1, v7;
	s30 =	simm.s32 $0xE100  }
0x29b: {  	v11 =	vadd.s32 v53, v11;
	[hbm4b:s18+s4] =	stream.indirect_vreg.scatter [tilespmem:s30], [sflag:$0xA], $0x80, v19, vm0, $0xb8;
	[tilespmem:$0x18100] =	vst v63  }
0x29c: {  	vm2 =	veq.s32 v11, $0x1;
	s5 =	simm.s32 $0xE900  }
0x29d: {  	v54 =	vnsel vm2, $0x0, v18;
	vm2 =	veq.s32 v11, $0x2;
	[hbm4b:s24+s4] =	stream.indirect_vreg.scatter [tilespmem:s5], [sflag:$0xA], $0x80, v19, vm0, $0xb8;
	[tilespmem:$0x18100] =	vst v63  }
0x29e: {  	v12 =	vsel vm2, v21, v54;
	vm2 =	veq.s32 v11, $0x3;
	s7 =	simm.s32 $0xF100  }
0x29f: {  	v12 =	vsel vm2, v22, v12;
	vm2 =	veq.s32 v11, $0x4;
	[hbm4b:s25+s4] =	stream.indirect_vreg.scatter [tilespmem:s7], [sflag:$0xA], $0x80, v19, vm0, $0xb8;
	[tilespmem:$0x18100] =	vst v63  }
0x2a0: {  	v12 =	vsel vm2, v23, v12;
	vm2 =	veq.s32 v11, $0x5;
	s8 =	simm.s32 $0xF900  }
0x2a1: {  	v12 =	vsel vm2, v24, v12;
	vm2 =	veq.s32 v11, $0x6;
	[hbm4b:s20+s4] =	stream.indirect_vreg.scatter [tilespmem:s8], [sflag:$0xA], $0x80, v19, vm0, $0xb8;
	[tilespmem:$0x18100] =	vst v63  }
0x2a2: {  	v12 =	vsel vm2, v25, v12;
	vm2 =	veq.s32 v11, $0x7;
	_ =	swait.ge [sflag:s9], $0x4000  }
0x2a3: {  	v11 =	vsel vm2, v26, v12;
	[sflag:s9] =	ssyncset.done $0x0  }
0x2a4: {  	v11 =	vadd.s32 v5, v11;
	[sflag:s9] =	ssyncadd.s32 $0xFFFFC000  }
0x2a5: {  	v55 =	vshll.u32 v11, $0x4;
	_ =	swait.ge [sflag:s6], $0x4000  }
0x2a6: {  	v11 =	vand.u32 $0x7, v11;
	v12 =	vand.u32 $0xFFFFFF80, v55;
	[sflag:s6] =	ssyncset.done $0x0  }
0x2a7: {  	v11 =	vor.u32 v11, v12;
	[sflag:s6] =	ssyncadd.s32 $0xFFFFC000  }
0x2a8: {  	v12 =	vperm.xlane v11, v8;
	_ =	swait.ge [sflag:s3], $0x4000  }
0x2a9: {  	s15 =	sld [smem:$0x7F5]  }
0x2aa: {  	v12 =	vadd.s32 v9, v12;
	s21 =	rddreg [dreg:$0x1b]  }
0x2ab: {  	s26 =	sld [smem:$0x7F6]  }
0x2ac: {  	s7 =	sld [smem:$0x7F7]  }
0x2ad: {  	[sflag:s3] =	ssyncset.done $0x0;
	s0 =	rddreg [dreg:$0x1a]  }
0x2ae: {  	[sflag:s3] =	ssyncadd.s32 $0xFFFFC000;
	s3 =	rddreg [dreg:$0x1e]  }
0x2af: {  	[hbm4b:s2+s4] =	stream.indirect_vreg.scatter [tilespmem:s31], [sflag:$0x8], $0x80, v12, vm0, $0xb8;
	[tilespmem:$0x18100] =	vst v63  }
0x2b0: {  	s10 =	simm.s32 $0x4900;
	s31 =	rddreg [dreg:$0x1f]  }
0x2b1: {  	s22 =	sadd.s32 s13, s15;
	s30 =	sadd.s32 s21, s26;
	s13 =	sld [smem:$0x7F8]  }
0x2b2: {  	[hbm4b:s11+s4] =	stream.indirect_vreg.scatter [tilespmem:s10], [sflag:$0x8], $0x80, v12, vm0, $0xb8;
	[tilespmem:$0x18100] =	vst v63  }
0x2b3: {  	[smem:$0x7FC] =	sst s30  }
0x2b4: {  	v11 =	vperm.xlane v11, v10;
	s9 =	sadd.s32 s31, s7;
	s7 =	ssub.s32 s21, s22;
	s21 =	rddreg [dreg:$0x1d]  }
0x2b5: {  	s12 =	simm.s32 $0x5100;
	s5 =	ssub.s32 s31, s30;
	s30 =	sld [smem:$0x7F9]  }
0x2b6: {  	v11 =	vadd.s32 v9, v11;
	[hbm4b:s16+s4] =	stream.indirect_vreg.scatter [tilespmem:s12], [sflag:$0x8], $0x80, v12, vm0, $0xb8;
	[tilespmem:$0x18100] =	vst v63  }
0x2b7: {  	s8 =	simm.s32 $0x5900;
	s6 =	simm.s32 $0x6900;
	s12 =	rddreg [dreg:$0x1c]  }
0x2b8: {  	s15 =	simm.s32 $0x6100;
	s10 =	sadd.s32 s21, s30;
	s30 =	sld [smem:$0x7FB]  }
0x2b9: {  	[hbm4b:s17+s4] =	stream.indirect_vreg.scatter [tilespmem:s8], [sflag:$0x8], $0x80, v12, vm0, $0xb8;
	[tilespmem:$0x18100] =	vst v63  }
0x2ba: {  	s31 =	ssub.s32 s12, s9;
	s8 =	sadd.s32 s12, s13;
	s12 =	sld [smem:$0x7FA]  }
0x2bb: {  	[hbm4b:s2+s4] =	stream.indirect_vreg.scatter [tilespmem:s15], [sflag:$0x8], $0x80, v11, vm0, $0xb8;
	[tilespmem:$0x18100] =	vst v63  }
0x2bc: {  	s13 =	ssub.s32 s21, s8;
	s21 =	simm.s32 $0x7100;
	s15 =	sadd.s32 s5, s7  }
0x2bd: {  	[hbm4b:s11+s4] =	stream.indirect_vreg.scatter [tilespmem:s6], [sflag:$0x8], $0x80, v11, vm0, $0xb8;
	[tilespmem:$0x18100] =	vst v63  }
0x2be: {  	s26 =	sadd.s32 s3, s12;
	s31 =	sadd.s32 s31, s15;
	s12 =	ssub.s32 s3, s10  }
0x2bf: {  	[hbm4b:s16+s4] =	stream.indirect_vreg.scatter [tilespmem:s21], [sflag:$0x8], $0x80, v11, vm0, $0xb8;
	[tilespmem:$0x18100] =	vst v63  }
0x2c0: {  	s21 =	sadd.s32 s0, s30;
	s30 =	sadd.s32 s13, s31;
	s13 =	simm.s32 $0x7900  }
0x2c1: {  	[hbm4b:s17+s4] =	stream.indirect_vreg.scatter [tilespmem:s13], [sflag:$0x8], $0x80, v11, vm0, $0xb8;
	[tilespmem:$0x18100] =	vst v63  }
0x2c2: {  	s3 =	simm.s32 $0x5;
	s0 =	ssub.s32 s0, s26;
	s13 =	sadd.s32 s12, s30  }
0x2c3: {  	_ =	swait.ge [sflag:s3], $0x4000;
	s12 =	sadd.s32 s0, s13  }
0x2c4: {  	vm2 =	vge.s32 v6, s7;
	vm3 =	vge.s32 v6, s15;
	s0 =	rddreg [dreg:$0x19];
	[sflag:s3] =	ssyncset.done $0x0;
	s3 =	simm.s32 $0x5  }
0x2c5: {  	v56 =	vsel vm2, $0x1, v7;
	s5 =	simm.s32 $0x10100;
	v57 =	vsel vm3, $0x1, v7;
	vm2 =	vge.s32 v6, s31;
	s6 =	ssub.s32 s0, s21;
	[sflag:s3] =	ssyncadd.s32 $0xFFFFC000  }
0x2c6: {  	v13 =	vadd.s32 v56, v57;
	v58 =	vsel vm2, $0x1, v7;
	vm2 =	vge.s32 v6, s30;
	[hbm4b:s18+s4] =	stream.indirect_vreg.scatter [tilespmem:s5], [sflag:$0xB], $0x80, v12, vm0, $0xb8;
	[tilespmem:$0x18100] =	vst v63  }
0x2c7: {  	v13 =	vadd.s32 v58, v13;
	v59 =	vsel vm2, $0x1, v7;
	vm2 =	vge.s32 v6, s13;
	s6 =	sadd.s32 s6, s12;
	s5 =	simm.s32 $0x10900  }
0x2c8: {  	v13 =	vadd.s32 v59, v13;
	v60 =	vsel vm2, $0x1, v7;
	vm2 =	vge.s32 v6, s12;
	[hbm4b:s24+s4] =	stream.indirect_vreg.scatter [tilespmem:s5], [sflag:$0xB], $0x80, v12, vm0, $0xb8;
	[tilespmem:$0x18100] =	vst v63  }
0x2c9: {  	v13 =	vadd.s32 v60, v13;
	v61 =	vsel vm2, $0x1, v7;
	vm2 =	vge.s32 v6, s6;
	s5 =	sld [smem:$0x7FC]  }
0x2ca: {  	v13 =	vadd.s32 v61, v13;
	v62 =	vsel vm2, $0x1, v7  }
0x2cb: {  	v13 =	vadd.s32 v62, v13  }
0x2cc: {  	v63 =	vmov s22;
	vm2 =	veq.s32 v13, $0x1;
	s7 =	ssub.s32 s5, s7  }
0x2cd: {  	s15 =	ssub.s32 s9, s15;
	v14 =	vsel vm2, s7, v63;
	vm2 =	veq.s32 v13, $0x2  }
0x2ce: {  	s22 =	ssub.s32 s8, s31;
	s7 =	sld [smem:$0x7FD];
	v14 =	vsel vm2, s15, v14;
	vm2 =	veq.s32 v13, $0x3  }
0x2cf: {  	s30 =	ssub.s32 s10, s30;
	v14 =	vsel vm2, s22, v14;
	vm2 =	veq.s32 v13, $0x4  }
0x2d0: {  	s31 =	ssub.s32 s26, s13;
	v14 =	vsel vm2, s30, v14;
	vm2 =	veq.s32 v13, $0x5  }
0x2d1: {  	s9 =	ssub.s32 s21, s12;
	s8 =	sadd.s32 s0, s7;
	v14 =	vsel vm2, s31, v14;
	vm2 =	veq.s32 v13, $0x6  }
0x2d2: {  	s12 =	simm.s32 $0x11100;
	s10 =	ssub.s32 s8, s6;
	v14 =	vsel vm2, s9, v14;
	vm2 =	veq.s32 v13, $0x7  }
0x2d3: {  	[hbm4b:s25+s4] =	stream.indirect_vreg.scatter [tilespmem:s12], [sflag:$0xB], $0x80, v12, vm0, $0xb8;
	v13 =	vsel vm2, s10, v14;
	[tilespmem:$0x18100] =	vst v63  }
0x2d4: {  	s13 =	simm.s32 $0x11900;
	v13 =	vadd.s32 v6, v13  }
0x2d5: {  	[hbm4b:s20+s4] =	stream.indirect_vreg.scatter [tilespmem:s13], [sflag:$0xB], $0x80, v12, vm0, $0xb8;
	v12 =	vshll.u32 @!p0 v13, $0x4;
	[tilespmem:$0x18100] =	vst v63  }
0x2d6: {  	s15 =	simm.s32 $0x12100;
	v14 =	vlaneseq.u32 @!p0;
	v13 =	vand.u32 @!p0 $0x7, v13;
	v12 =	vand.u32 @!p0 $0xFFFFFF80, v12  }
0x2d7: {  	[hbm4b:s18+s4] =	stream.indirect_vreg.scatter [tilespmem:s15], [sflag:$0xB], $0x80, v11, vm0, $0xb8;
	v15 =	vshrl.u32 @!p0 v14, $0x3;
	v12 =	vor.u32 @!p0 v13, v12;
	v13 =	vand.u32 @!p0 $0x7, v14;
	[tilespmem:$0x18100] =	vst v63  }
0x2d8: {  	s21 =	simm.s32 $0x12900;
	v15 =	vmul.u32 @!p0 $0x8, v15;
	v13 =	vperm.xlane @!p0 v12, v13  }
0x2d9: {  	[hbm4b:s24+s4] =	stream.indirect_vreg.scatter [tilespmem:s21], [sflag:$0xB], $0x80, v11, vm0, $0xb8;
	[tilespmem:$0x18100] =	vst v63  }
0x2da: {  	s22 =	simm.s32 $0x13100;
	v13 =	vadd.s32 @!p0 v15, v13  }
0x2db: {  	[hbm4b:s25+s4] =	stream.indirect_vreg.scatter [tilespmem:s22], [sflag:$0xB], $0x80, v11, vm0, $0xb8;
	[tilespmem:$0x18100] =	vst v63  }
0x2dc: {  	s26 =	simm.s32 $0x13900  }
0x2dd: {  	[hbm4b:s20+s4] =	stream.indirect_vreg.scatter [tilespmem:s26], [sflag:$0xB], $0x80, v11, vm0, $0xb8;
	[tilespmem:$0x18100] =	vst v63  }
0x2de: {  	s12 =	simm.s32 @!p0 $0x0;
	s5 =	rddreg [dreg:$0x1];
	s0 =	simm.s32 @!p0 $0x8100  }
0x2df: {  	v11 =	vor.u32 @!p0 $0x8, v14;
	[tilespmem:s0], [sflag:$0x3] =	stream.indirect_vreg.gather @!p0 [hbm4b:s5+s12], $0x80, v13, vm1, $0xb8;
	[tilespmem:$0x18100] =	vst v63  }
0x2e0: {  	s3 =	simm.s32 @!p0 $0x8900;
	s13 =	rddreg [dreg:$0x14];
	v11 =	vperm.xlane @!p0 v12, v11  }
0x2e1: {  	[tilespmem:s3], [sflag:$0x3] =	stream.indirect_vreg.gather @!p0 [hbm4b:s13+s12], $0x80, v13, vm1, $0xb8;
	[tilespmem:$0x18100] =	vst v63  }
0x2e2: {  	s30 =	rddreg [dreg:$0x15];
	s6 =	simm.s32 @!p0 $0x9100;
	v11 =	vadd.s32 @!p0 v15, v11  }
0x2e3: {  	[tilespmem:s6], [sflag:$0x3] =	stream.indirect_vreg.gather @!p0 [hbm4b:s30+s12], $0x80, v13, vm1, $0xb8;
	[tilespmem:$0x18100] =	vst v63  }
0x2e4: {  	s7 =	simm.s32 @!p0 $0x9900;
	s31 =	rddreg [dreg:$0x16]  }
0x2e5: {  	[tilespmem:s7], [sflag:$0x3] =	stream.indirect_vreg.gather @!p0 [hbm4b:s31+s12], $0x80, v13, vm1, $0xb8;
	[tilespmem:$0x18100] =	vst v63  }
0x2e6: {  	s8 =	simm.s32 @!p0 $0xA100  }
0x2e7: {  	[tilespmem:s8], [sflag:$0x3] =	stream.indirect_vreg.gather @!p0 [hbm4b:s5+s12], $0x80, v11, vm1, $0xb8;
	[tilespmem:$0x18100] =	vst v63  }
0x2e8: {  	s10 =	simm.s32 @!p0 $0xA900  }
0x2e9: {  	[tilespmem:s10], [sflag:$0x3] =	stream.indirect_vreg.gather @!p0 [hbm4b:s13+s12], $0x80, v11, vm1, $0xb8;
	[tilespmem:$0x18100] =	vst v63  }
0x2ea: {  	s15 =	simm.s32 @!p0 $0xB100  }
0x2eb: {  	[tilespmem:s15], [sflag:$0x3] =	stream.indirect_vreg.gather @!p0 [hbm4b:s30+s12], $0x80, v11, vm1, $0xb8;
	[tilespmem:$0x18100] =	vst v63  }
0x2ec: {  	s22 =	simm.s32 @!p0 $0xB900  }
0x2ed: {  	[tilespmem:s22], [sflag:$0x3] =	stream.indirect_vreg.gather @!p0 [hbm4b:s31+s12], $0x80, v11, vm1, $0xb8;
	[tilespmem:$0x18100] =	vst v63  }
0x2ee: {  	s9 =	simm.s32 @!p0 $0x14100;
	s31 =	rddreg [dreg:$0x17]  }
0x2ef: {  	[tilespmem:s9], [sflag:$0x6] =	stream.indirect_vreg.gather @!p0 [hbm4b:s31+s12], $0x80, v13, vm1, $0xb8;
	[tilespmem:$0x18100] =	vst v63  }
0x2f0: {  	s21 =	simm.s32 @!p0 $0x14900;
	s30 =	sadd.s32 @!p0 $0x100, s31  }
0x2f1: {  	[tilespmem:s21], [sflag:$0x6] =	stream.indirect_vreg.gather @!p0 [hbm4b:s30+s12], $0x80, v13, vm1, $0xb8;
	[tilespmem:$0x18100] =	vst v63  }
0x2f2: {  	s26 =	simm.s32 @!p0 $0x15100;
	s13 =	sadd.s32 @!p0 $0x200, s31  }
0x2f3: {  	[tilespmem:s26], [sflag:$0x6] =	stream.indirect_vreg.gather @!p0 [hbm4b:s13+s12], $0x80, v13, vm1, $0xb8;
	[tilespmem:$0x18100] =	vst v63  }
0x2f4: {  	s0 =	simm.s32 @!p0 $0x15900;
	s5 =	sadd.s32 @!p0 $0x300, s31  }
0x2f5: {  	[tilespmem:s0], [sflag:$0x6] =	stream.indirect_vreg.gather @!p0 [hbm4b:s5+s12], $0x80, v13, vm1, $0xb8;
	[tilespmem:$0x18100] =	vst v63  }
0x2f6: {  	s0 =	simm.s32 @!p0 $0x16100  }
0x2f7: {  	[tilespmem:s0], [sflag:$0x6] =	stream.indirect_vreg.gather @!p0 [hbm4b:s31+s12], $0x80, v11, vm1, $0xb8;
	[tilespmem:$0x18100] =	vst v63  }
0x2f8: {  	s31 =	simm.s32 @!p0 $0x16900  }
0x2f9: {  	[tilespmem:s31], [sflag:$0x6] =	stream.indirect_vreg.gather @!p0 [hbm4b:s30+s12], $0x80, v11, vm1, $0xb8;
	[tilespmem:$0x18100] =	vst v63  }
0x2fa: {  	s30 =	simm.s32 @!p0 $0x17100  }
0x2fb: {  	[tilespmem:s30], [sflag:$0x6] =	stream.indirect_vreg.gather @!p0 [hbm4b:s13+s12], $0x80, v11, vm1, $0xb8;
	[tilespmem:$0x18100] =	vst v63  }
0x2fc: {  	s13 =	simm.s32 @!p0 $0x17900  }
0x2fd: {  	[tilespmem:s13], [sflag:$0x6] =	stream.indirect_vreg.gather @!p0 [hbm4b:s5+s12], $0x80, v11, vm1, $0xb8;
	[tilespmem:$0x18100] =	vst v63  }
0x2fe: {  	s5 =	simm.s32 $0x7  }
0x2ff: {  	_ =	swait.ge [sflag:s5], $0x4000  }
0x300: {  	[sflag:s5] =	ssyncset.done $0x0  }
0x301: {  	[sflag:s5] =	ssyncadd.s32 $0xFFFFC000  }
0x302: {  	_ =	swait.ge [sflag:s19], $0x4000  }
0x303: {  	[sflag:s19] =	ssyncset.done $0x0  }
0x304: {  	[sflag:s19] =	ssyncadd.s32 $0xFFFFC000  }
0x305: {  	_ =	swait.ge [sflag:s1], $0x4000  }
0x306: {  	[sflag:s1] =	ssyncset.done $0x0  }
0x307: {  	[sflag:s1] =	ssyncadd.s32 $0xFFFFC000  }
0x308: {  	_ =	swait.ge [sflag:s23], $0x4000  }
0x309: {  	[sflag:s23] =	ssyncset.done $0x0  }
0x30a: {  	s5 =	simm.s32 @!p0 $0x3;
	[sflag:s23] =	ssyncadd.s32 $0xFFFFC000  }
0x30b: {  	_ =	swait.ge @!p0 [sflag:s5], $0x4000  }
0x30c: {  	[sflag:s5] =	ssyncset.done @!p0 $0x0  }
0x30d: {  	[sflag:s5] =	ssyncadd.s32 @!p0 $0xFFFFC000;
	s5 =	simm.s32 @!p0 $0x8100  }
0x30e: {  	[hbm4b:s2+s12] =	stream.indirect_vreg.scatter @!p0 [tilespmem:s5], [sflag:$0x9], $0x80, v13, vm1, $0xb8;
	[tilespmem:$0x18100] =	vst v63  }
0x30f: {  	_ = 	snop  }
0x310: {  	[hbm4b:s11+s12] =	stream.indirect_vreg.scatter @!p0 [tilespmem:s3], [sflag:$0x9], $0x80, v13, vm1, $0xb8;
	[tilespmem:$0x18100] =	vst v63  }
0x311: {  	_ = 	snop  }
0x312: {  	[hbm4b:s16+s12] =	stream.indirect_vreg.scatter @!p0 [tilespmem:s6], [sflag:$0x9], $0x80, v13, vm1, $0xb8;
	[tilespmem:$0x18100] =	vst v63  }
0x313: {  	_ = 	snop  }
0x314: {  	[hbm4b:s17+s12] =	stream.indirect_vreg.scatter @!p0 [tilespmem:s7], [sflag:$0x9], $0x80, v13, vm1, $0xb8;
	[tilespmem:$0x18100] =	vst v63  }
0x315: {  	_ = 	snop  }
0x316: {  	[hbm4b:s2+s12] =	stream.indirect_vreg.scatter @!p0 [tilespmem:s8], [sflag:$0x9], $0x80, v11, vm1, $0xb8;
	[tilespmem:$0x18100] =	vst v63  }
0x317: {  	_ = 	snop  }
0x318: {  	[hbm4b:s11+s12] =	stream.indirect_vreg.scatter @!p0 [tilespmem:s10], [sflag:$0x9], $0x80, v11, vm1, $0xb8;
	[tilespmem:$0x18100] =	vst v63  }
0x319: {  	_ = 	snop  }
0x31a: {  	[hbm4b:s16+s12] =	stream.indirect_vreg.scatter @!p0 [tilespmem:s15], [sflag:$0x9], $0x80, v11, vm1, $0xb8;
	[tilespmem:$0x18100] =	vst v63  }
0x31b: {  	s5 =	simm.s32 @!p0 $0x6  }
0x31c: {  	[hbm4b:s17+s12] =	stream.indirect_vreg.scatter @!p0 [tilespmem:s22], [sflag:$0x9], $0x80, v11, vm1, $0xb8;
	[tilespmem:$0x18100] =	vst v63  }
0x31d: {  	_ =	swait.ge @!p0 [sflag:s5], $0x4000  }
0x31e: {  	[sflag:s5] =	ssyncset.done @!p0 $0x0  }
0x31f: {  	[sflag:s5] =	ssyncadd.s32 @!p0 $0xFFFFC000  }
0x320: {  	[hbm4b:s18+s12] =	stream.indirect_vreg.scatter @!p0 [tilespmem:s9], [sflag:$0xC], $0x80, v13, vm1, $0xb8;
	[tilespmem:$0x18100] =	vst v63  }
0x321: {  	_ = 	snop  }
0x322: {  	[hbm4b:s24+s12] =	stream.indirect_vreg.scatter @!p0 [tilespmem:s21], [sflag:$0xC], $0x80, v13, vm1, $0xb8;
	[tilespmem:$0x18100] =	vst v63  }
0x323: {  	_ = 	snop  }
0x324: {  	[hbm4b:s25+s12] =	stream.indirect_vreg.scatter @!p0 [tilespmem:s26], [sflag:$0xC], $0x80, v13, vm1, $0xb8;
	[tilespmem:$0x18100] =	vst v63  }
0x325: {  	s3 =	simm.s32 @!p0 $0x15900  }
0x326: {  	[hbm4b:s20+s12] =	stream.indirect_vreg.scatter @!p0 [tilespmem:s3], [sflag:$0xC], $0x80, v13, vm1, $0xb8;
	[tilespmem:$0x18100] =	vst v63  }
0x327: {  	s0 =	simm.s32 @!p0 $0x16100  }
0x328: {  	[hbm4b:s18+s12] =	stream.indirect_vreg.scatter @!p0 [tilespmem:s0], [sflag:$0xC], $0x80, v11, vm1, $0xb8;
	[tilespmem:$0x18100] =	vst v63  }
0x329: {  	_ = 	snop  }
0x32a: {  	[hbm4b:s24+s12] =	stream.indirect_vreg.scatter @!p0 [tilespmem:s31], [sflag:$0xC], $0x80, v11, vm1, $0xb8;
	[tilespmem:$0x18100] =	vst v63  }
0x32b: {  	_ = 	snop  }
0x32c: {  	[hbm4b:s25+s12] =	stream.indirect_vreg.scatter @!p0 [tilespmem:s30], [sflag:$0xC], $0x80, v11, vm1, $0xb8;
	[tilespmem:$0x18100] =	vst v63  }
0x32d: {  	s5 =	simm.s32 @!p0 $0x9  }
0x32e: {  	[hbm4b:s20+s12] =	stream.indirect_vreg.scatter @!p0 [tilespmem:s13], [sflag:$0xC], $0x80, v11, vm1, $0xb8;
	[tilespmem:$0x18100] =	vst v63  }
0x32f: {  	_ =	swait.ge @!p0 [sflag:s5], $0x4000  }
0x330: {  	[sflag:s5] =	ssyncset.done @!p0 $0x0  }
0x331: {  	[sflag:s5] =	ssyncadd.s32 @!p0 $0xFFFFC000;
	s5 =	simm.s32 @!p0 $0xC  }
0x332: {  	_ =	swait.ge @!p0 [sflag:s5], $0x4000  }
0x333: {  	s30 =	rddreg [dreg:$0x18]  }
0x334: {  	s31 =	rddreg [dreg:$0x10];
	s0 =	sadd.s32 $0x1, s30  }
0x335: {  	p1 =	sne.s32 s0, s31  }
.Ltmp1:
0x336: {  	_ = 	snop;
	(pc) =	sbr.rel @p1 .LBB2_1-.Ltmp1, $3  }
0x337: {  	_ =	sdelay $0x1  }
0x338: {  	[sflag:s5] =	ssyncset.done @!p0 $0x0  }
0x339: {  	[sflag:s5] =	ssyncadd.s32 @!p0 $0xFFFFC000  }
0x33a: {  	_ =	sfence.sel $0x180000  }
0x33b: {  	[bflag:$0x0] =	sbarrier.arrive $0xFFFF  }
0x33c: {  	_ =	strace $0x90000047  }
0x33d: {  	s0 =	stileid.u32;
	[bflag:$0x2] =	sbarrier.arrive $0xFFFF  }
0x33e: {  	p0 =	sne.s32 s0, $0x0;
	s0 =	rddreg [dreg:$0x4]  }
0x33f: {  	s0 =	sadd.s32 @!p0 $0x100000, s0  }
0x340: {  	[sflag:s0] =	ssyncadd.tile.s32 @!p0 $0x1;
	_ =	shalt  }
.Lfunc_end2:
_tile_overlayer_lowered:
.L_overlay_start_2:
0x341: {  	(tag) =	ssettag $0x2  }
0x342: {  	s0 =	rddreg [dreg:$0x0];
	s2 =	stileid.u32  }
0x343: {  	s1 =	rddreg [dreg:$0x1];
	p0 =	sne.s32 s2, $0x0  }
0x344: {  	s3 =	rddreg [dreg:$0x2];
	[bflag:$0x3] =	sbarrier.arrive $0xFFFF;
	s2 =	simm.s32 @!p0 $0x1C0D  }
0x345: {  	[timem:s3], [sflag:s2] =	dma.local @!p0 [hbm:s0], s1  }
0x346: {  	s0 =	simm.s32 @!p0 $0xD  }
0x347: {  	_ =	swait.ge @!p0 [sflag:s0], s1  }
0x348: {  	s1 =	ssub.s32 @!p0 $0x0, s1;
	[sflag:s0] =	ssyncset.done @!p0 $0x0  }
0x349: {  	[sflag:s0] =	ssyncadd.s32 @!p0 s1  }
0x34a: {  	[bflag:$0x3] =	sbarrier.arrive $0xFFFF  }
0x34b: {  	_ =	shalt  }

</sc_bundles>
